<compile_context>
chip_gen: v7x
topology: tpu7x:2x2x1
jax: 0.10.2.dev20260603
libtpu: 0.0.44.dev20260713+nightly
codegen_flags: <defaults>
</compile_context>

<pallas_src>
import functools

import jax
import jax.numpy as jnp
from jax import lax
from jax.experimental import pallas as pl
from jax.experimental.pallas import tpu as pltpu
from jax.experimental.pallas import tpu_sc as plsc

N_NODES = 10000
N_EDGES = 320000
D_FEAT = 128

NC = 2
NS = 16
NW = NC * NS

CHUNK = 80
EPT = 10000
NCHUNK = EPT // CHUNK
NPAIR = NCHUNK // 2
E_PAD = EPT * NW
VPF = D_FEAT // 16

RPT = 624
TAIL_OFF = NS * RPT
TAIL = N_NODES - TAIL_OFF


def _sc_spmm(cols_hbm, rows_hbm, vals_hbm, embeds_hbm, zeros_hbm, out_hbm,
             cols_v, rows_v, vals_v, gath_a, gath_b, acc_sh,
             sem_ga, sem_gb, sem_sa, sem_sb):
    cid = lax.axis_index("c")
    sid = lax.axis_index("s")
    wid = cid * NS + sid

    pltpu.sync_copy(cols_hbm.at[wid], cols_v)
    pltpu.sync_copy(rows_hbm.at[wid], rows_v)
    pltpu.sync_copy(vals_hbm.at[wid], vals_v)

    pltpu.sync_copy(zeros_hbm.at[pl.ds(sid * RPT, RPT)],
                    acc_sh.at[pl.ds(sid * RPT, RPT)])

    @pl.when(sid == NS - 1)
    def _():
        pltpu.sync_copy(zeros_hbm.at[pl.ds(TAIL_OFF, TAIL)],
                        acc_sh.at[pl.ds(TAIL_OFF, TAIL)])

    plsc.subcore_barrier()

    def fire_gather(c, buf, sem):
        return pltpu.async_copy(
            embeds_hbm.at[cols_v.at[pl.ds(c * CHUNK, CHUNK)]], buf, sem)

    def wait_gather(c, buf, sem):
        pltpu.make_async_copy(
            embeds_hbm.at[cols_v.at[pl.ds(c * CHUNK, CHUNK)]], buf, sem).wait()

    def fire_scatter(c, buf, sem):
        return pltpu.async_copy(
            buf, acc_sh.at[rows_v.at[pl.ds(c * CHUNK, CHUNK)]], sem, add=True)

    def wait_scatter(c, buf, sem):
        pltpu.make_async_copy(
            buf, acc_sh.at[rows_v.at[pl.ds(c * CHUNK, CHUNK)]], sem).wait()

    def scale(buf, c):
        base = c * CHUNK

        def g_body(g, _):
            vv16 = vals_v[pl.ds(base + g * 16, 16)]
            for i in range(16):
                e = g * 16 + i
                s = jnp.full((16,), vv16[i], jnp.float32)
                for k in range(VPF):
                    buf[e, pl.ds(k * 16, 16)] = buf[e, pl.ds(k * 16, 16)] * s
            return 0

        lax.fori_loop(0, CHUNK // 16, g_body, 0)

    fire_gather(0, gath_a, sem_ga)

    def pair_body(t, _):
        c0 = 2 * t
        c1 = 2 * t + 1
        wait_gather(c0, gath_a, sem_ga)

        @pl.when(t > 0)
        def _():
            wait_scatter(c1 - 2, gath_b, sem_sb)

        fire_gather(c1, gath_b, sem_gb)
        scale(gath_a, c0)
        fire_scatter(c0, gath_a, sem_sa)
        wait_gather(c1, gath_b, sem_gb)
        wait_scatter(c0, gath_a, sem_sa)
        fire_gather(c0 + 2, gath_a, sem_ga)
        scale(gath_b, c1)
        fire_scatter(c1, gath_b, sem_sb)
        return 0

    lax.fori_loop(0, NCHUNK // 2, pair_body, 0)

    wait_gather(NCHUNK - 1, gath_a, sem_ga)
    wait_scatter(NCHUNK - 2, gath_b, sem_sb)
    scale(gath_a, NCHUNK - 1)
    fire_scatter(NCHUNK - 1, gath_a, sem_sa)
    wait_scatter(NCHUNK - 1, gath_a, sem_sa)

    plsc.subcore_barrier()

    pltpu.sync_copy(acc_sh.at[pl.ds(sid * RPT, RPT)],
                    out_hbm.at[cid, pl.ds(sid * RPT, RPT)])

    @pl.when(sid == NS - 1)
    def _():
        pltpu.sync_copy(acc_sh.at[pl.ds(TAIL_OFF, TAIL)],
                        out_hbm.at[cid, pl.ds(TAIL_OFF, TAIL)])


def _combine(a_ref, b_ref, o_ref):
    o_ref[...] = a_ref[...] + b_ref[...]


@jax.jit
def kernel(adj_indices, adj_values, embeds):
    rows = adj_indices[0].reshape(NW, EPT)
    cols = adj_indices[1].reshape(NW, EPT)
    vals = adj_values.reshape(NW, EPT)
    hbm = functools.partial(pltpu.with_memory_space_constraint,
                            memory_space=pltpu.MemorySpace.HBM)
    rows, cols, vals = hbm(rows), hbm(cols), hbm(vals)
    zeros = hbm(jnp.zeros((N_NODES, D_FEAT), jnp.float32))

    mesh = plsc.VectorSubcoreMesh(core_axis_name="c", subcore_axis_name="s")
    partials = pl.kernel(
        _sc_spmm,
        out_type=jax.ShapeDtypeStruct((NC, N_NODES, D_FEAT), jnp.float32),
        mesh=mesh,
        scratch_types=[
            pltpu.VMEM((EPT,), jnp.int32),
            pltpu.VMEM((EPT,), jnp.int32),
            pltpu.VMEM((EPT,), jnp.float32),
            pltpu.VMEM((CHUNK, D_FEAT), jnp.float32),
            pltpu.VMEM((CHUNK, D_FEAT), jnp.float32),
            pltpu.VMEM_SHARED((N_NODES, D_FEAT), jnp.float32),
            pltpu.SemaphoreType.DMA,
            pltpu.SemaphoreType.DMA,
            pltpu.SemaphoreType.DMA,
            pltpu.SemaphoreType.DMA,
        ],
    )(cols, rows, vals, embeds, zeros)

    rows_blk = 1000
    out = pl.pallas_call(
        _combine,
        grid=(N_NODES // rows_blk,),
        in_specs=[pl.BlockSpec((rows_blk, D_FEAT), lambda i: (i, 0))] * 2,
        out_specs=pl.BlockSpec((rows_blk, D_FEAT), lambda i: (i, 0)),
        out_shape=jax.ShapeDtypeStruct((N_NODES, D_FEAT), jnp.float32),
    )(partials[0], partials[1])
    return out

# --- scband reference (transcript-rebuilt; emitter-appended) ---
"""Pipeline reference for scband-gcnlayer-35527969473088 (READ-ONLY COPY).

The authoritative reference and input builder live on the scoring server;
editing this copy changes nothing except your own understanding.
"""

import jax, jax.numpy as jnp
import numpy as np

N_NODES = 10000
N_EDGES = 320000
D_FEAT = 128


def setup_inputs(seed: int = 0) -> dict:
    key = jax.random.key(seed)
    k1, k2, k3 = jax.random.split(key, 3)
    adj_indices = jax.random.randint(k1, (2, N_EDGES), 0, N_NODES, dtype=jnp.int64 if jax.config.jax_enable_x64 else jnp.int32).astype(jnp.int32)
    adj_values = jax.random.uniform(k2, (N_EDGES,), dtype=jnp.float32)
    embeds = jax.random.normal(k3, (N_NODES, D_FEAT), dtype=jnp.float32)
    return {"adj_indices": adj_indices, "adj_values": adj_values, "embeds": embeds}


def reference(adj_indices, adj_values, embeds):
    # torch.spmm(adj, embeds) with adj a sparse COO [N, N] matrix:
    # out[r, :] = sum_{e : row[e]==r} vals[e] * embeds[col[e], :]
    rows = adj_indices[0]
    cols = adj_indices[1]
    gathered = jnp.take(embeds, cols, axis=0)            # gather   [E, d]
    msgs = gathered * adj_values[:, None]                # scale    [E, d]
    out = jax.ops.segment_sum(msgs, rows, num_segments=embeds.shape[0])  # scatter-add [N, d]
    return out

if __name__ == "__main__":
    import jax
    _d = setup_inputs()
    print(jax.jit(kernel)(*tuple(_d.values())))

</pallas_src>

<mosaic_0001>
#map = affine_map<(d0, d1) -> (0, 0)>
#map1 = affine_map<(d0, d1) -> (0, 0, 0)>
module attributes {stable_mosaic.version = 14 : i64} {
  func.func @_sc_spmm(%arg0: i32, %arg1: i32, %arg2: memref<32x10000xi32, #tpu.memory_space<hbm>>, %arg3: memref<32x10000xi32, #tpu.memory_space<hbm>>, %arg4: memref<32x10000xf32, #tpu.memory_space<hbm>>, %arg5: memref<10000x128xf32, #tpu.memory_space<hbm>>, %arg6: memref<10000x128xf32, #tpu.memory_space<hbm>>, %arg7: memref<2x10000x128xf32, #tpu.memory_space<hbm>>, %arg8: memref<10000xi32, #tpu.memory_space<vmem>>, %arg9: memref<10000xi32, #tpu.memory_space<vmem>>, %arg10: memref<10000xf32, #tpu.memory_space<vmem>>, %arg11: memref<80x128xf32, #tpu.memory_space<vmem>>, %arg12: memref<80x128xf32, #tpu.memory_space<vmem>>, %arg13: memref<10000x128xf32, #tpu.memory_space<vmem_shared>>, %arg14: memref<!tpu.dma_semaphore, #tpu.memory_space<semaphore_mem>>, %arg15: memref<!tpu.dma_semaphore, #tpu.memory_space<semaphore_mem>>, %arg16: memref<!tpu.dma_semaphore, #tpu.memory_space<semaphore_mem>>, %arg17: memref<!tpu.dma_semaphore, #tpu.memory_space<semaphore_mem>>) attributes {dimension_semantics = [#tpu.dimension_semantics<core_parallel>, #tpu.dimension_semantics<subcore_parallel>], iteration_bounds = array<i64: 2, 16>, scalar_prefetch = 0 : i64, scratch_operands = 10 : i64, tpu.core_type = #tpu.core_type<sc_vector_subcore>, window_params = [{transform_indices = #map}, {transform_indices = #map}, {transform_indices = #map}, {transform_indices = #map}, {transform_indices = #map}, {transform_indices = #map1}]} {
    %mul3A = arith.constant 16 : i32
    %mul3A_0 = arith.muli %arg0, %mul3A : i32
    %add3A = arith.addi %mul3A_0, %arg1 : i32
    "tpu.region"() ({
      %run_scoped3A = tpu.sem_alloc : memref<!tpu.dma_semaphore, #tpu.memory_space<semaphore_mem>>
      %dma_start3A_53 = arith.constant 0 : i32
      %dma_start3A_54 = tpu.memref_slice %arg2[%add3A, %dma_start3A_53] : memref<32x10000xi32, #tpu.memory_space<hbm>> -> memref<1x10000xi32, #tpu.memory_space<hbm>>
      %dma_start3A_55 = tpu.memref_squeeze %dma_start3A_54 : memref<1x10000xi32, #tpu.memory_space<hbm>> -> memref<10000xi32, #tpu.memory_space<hbm>>
      %dma_start3A_56 = arith.constant 0 : i32
      %dma_start3A_57 = tpu.memref_slice %arg2[%add3A, %dma_start3A_56] : memref<32x10000xi32, #tpu.memory_space<hbm>> -> memref<1x10000xi32, #tpu.memory_space<hbm>>
      %dma_start3A_58 = tpu.memref_squeeze %dma_start3A_57 : memref<1x10000xi32, #tpu.memory_space<hbm>> -> memref<10000xi32, #tpu.memory_space<hbm>>
      tpu.enqueue_dma source(%dma_start3A_58 : memref<10000xi32, #tpu.memory_space<hbm>>) target(%arg8 : memref<10000xi32, #tpu.memory_space<vmem>>) target_semaphore(%run_scoped3A : memref<!tpu.dma_semaphore, #tpu.memory_space<semaphore_mem>>)
      %dma_wait3A_59 = arith.constant 0 : i32
      %dma_wait3A_60 = tpu.memref_slice %arg2[%add3A, %dma_wait3A_59] : memref<32x10000xi32, #tpu.memory_space<hbm>> -> memref<1x10000xi32, #tpu.memory_space<hbm>>
      %dma_wait3A_61 = tpu.memref_squeeze %dma_wait3A_60 : memref<1x10000xi32, #tpu.memory_space<hbm>> -> memref<10000xi32, #tpu.memory_space<hbm>>
      %dma_wait3A_62 = arith.constant 0 : i32
      %dma_wait3A_63 = tpu.memref_slice %arg2[%add3A, %dma_wait3A_62] : memref<32x10000xi32, #tpu.memory_space<hbm>> -> memref<1x10000xi32, #tpu.memory_space<hbm>>
      %dma_wait3A_64 = tpu.memref_squeeze %dma_wait3A_63 : memref<1x10000xi32, #tpu.memory_space<hbm>> -> memref<10000xi32, #tpu.memory_space<hbm>>
      tpu.wait_dma2 semaphore(%run_scoped3A : memref<!tpu.dma_semaphore, #tpu.memory_space<semaphore_mem>>) src(%dma_wait3A_64 : memref<10000xi32, #tpu.memory_space<hbm>>) dst(%arg8 : memref<10000xi32, #tpu.memory_space<vmem>>)
      tpu.yield
    }) : () -> ()
    "tpu.region"() ({
      %run_scoped3A = tpu.sem_alloc : memref<!tpu.dma_semaphore, #tpu.memory_space<semaphore_mem>>
      %dma_start3A_53 = arith.constant 0 : i32
      %dma_start3A_54 = tpu.memref_slice %arg3[%add3A, %dma_start3A_53] : memref<32x10000xi32, #tpu.memory_space<hbm>> -> memref<1x10000xi32, #tpu.memory_space<hbm>>
      %dma_start3A_55 = tpu.memref_squeeze %dma_start3A_54 : memref<1x10000xi32, #tpu.memory_space<hbm>> -> memref<10000xi32, #tpu.memory_space<hbm>>
      %dma_start3A_56 = arith.constant 0 : i32
      %dma_start3A_57 = tpu.memref_slice %arg3[%add3A, %dma_start3A_56] : memref<32x10000xi32, #tpu.memory_space<hbm>> -> memref<1x10000xi32, #tpu.memory_space<hbm>>
      %dma_start3A_58 = tpu.memref_squeeze %dma_start3A_57 : memref<1x10000xi32, #tpu.memory_space<hbm>> -> memref<10000xi32, #tpu.memory_space<hbm>>
      tpu.enqueue_dma source(%dma_start3A_58 : memref<10000xi32, #tpu.memory_space<hbm>>) target(%arg9 : memref<10000xi32, #tpu.memory_space<vmem>>) target_semaphore(%run_scoped3A : memref<!tpu.dma_semaphore, #tpu.memory_space<semaphore_mem>>)
      %dma_wait3A_59 = arith.constant 0 : i32
      %dma_wait3A_60 = tpu.memref_slice %arg3[%add3A, %dma_wait3A_59] : memref<32x10000xi32, #tpu.memory_space<hbm>> -> memref<1x10000xi32, #tpu.memory_space<hbm>>
      %dma_wait3A_61 = tpu.memref_squeeze %dma_wait3A_60 : memref<1x10000xi32, #tpu.memory_space<hbm>> -> memref<10000xi32, #tpu.memory_space<hbm>>
      %dma_wait3A_62 = arith.constant 0 : i32
      %dma_wait3A_63 = tpu.memref_slice %arg3[%add3A, %dma_wait3A_62] : memref<32x10000xi32, #tpu.memory_space<hbm>> -> memref<1x10000xi32, #tpu.memory_space<hbm>>
      %dma_wait3A_64 = tpu.memref_squeeze %dma_wait3A_63 : memref<1x10000xi32, #tpu.memory_space<hbm>> -> memref<10000xi32, #tpu.memory_space<hbm>>
      tpu.wait_dma2 semaphore(%run_scoped3A : memref<!tpu.dma_semaphore, #tpu.memory_space<semaphore_mem>>) src(%dma_wait3A_64 : memref<10000xi32, #tpu.memory_space<hbm>>) dst(%arg9 : memref<10000xi32, #tpu.memory_space<vmem>>)
      tpu.yield
    }) : () -> ()
    "tpu.region"() ({
      %run_scoped3A = tpu.sem_alloc : memref<!tpu.dma_semaphore, #tpu.memory_space<semaphore_mem>>
      %dma_start3A_53 = arith.constant 0 : i32
      %dma_start3A_54 = tpu.memref_slice %arg4[%add3A, %dma_start3A_53] : memref<32x10000xf32, #tpu.memory_space<hbm>> -> memref<1x10000xf32, #tpu.memory_space<hbm>>
      %dma_start3A_55 = tpu.memref_squeeze %dma_start3A_54 : memref<1x10000xf32, #tpu.memory_space<hbm>> -> memref<10000xf32, #tpu.memory_space<hbm>>
      %dma_start3A_56 = arith.constant 0 : i32
      %dma_start3A_57 = tpu.memref_slice %arg4[%add3A, %dma_start3A_56] : memref<32x10000xf32, #tpu.memory_space<hbm>> -> memref<1x10000xf32, #tpu.memory_space<hbm>>
      %dma_start3A_58 = tpu.memref_squeeze %dma_start3A_57 : memref<1x10000xf32, #tpu.memory_space<hbm>> -> memref<10000xf32, #tpu.memory_space<hbm>>
      tpu.enqueue_dma source(%dma_start3A_58 : memref<10000xf32, #tpu.memory_space<hbm>>) target(%arg10 : memref<10000xf32, #tpu.memory_space<vmem>>) target_semaphore(%run_scoped3A : memref<!tpu.dma_semaphore, #tpu.memory_space<semaphore_mem>>)
      %dma_wait3A_59 = arith.constant 0 : i32
      %dma_wait3A_60 = tpu.memref_slice %arg4[%add3A, %dma_wait3A_59] : memref<32x10000xf32, #tpu.memory_space<hbm>> -> memref<1x10000xf32, #tpu.memory_space<hbm>>
      %dma_wait3A_61 = tpu.memref_squeeze %dma_wait3A_60 : memref<1x10000xf32, #tpu.memory_space<hbm>> -> memref<10000xf32, #tpu.memory_space<hbm>>
      %dma_wait3A_62 = arith.constant 0 : i32
      %dma_wait3A_63 = tpu.memref_slice %arg4[%add3A, %dma_wait3A_62] : memref<32x10000xf32, #tpu.memory_space<hbm>> -> memref<1x10000xf32, #tpu.memory_space<hbm>>
      %dma_wait3A_64 = tpu.memref_squeeze %dma_wait3A_63 : memref<1x10000xf32, #tpu.memory_space<hbm>> -> memref<10000xf32, #tpu.memory_space<hbm>>
      tpu.wait_dma2 semaphore(%run_scoped3A : memref<!tpu.dma_semaphore, #tpu.memory_space<semaphore_mem>>) src(%dma_wait3A_64 : memref<10000xf32, #tpu.memory_space<hbm>>) dst(%arg10 : memref<10000xf32, #tpu.memory_space<vmem>>)
      tpu.yield
    }) : () -> ()
    %mul3A_1 = arith.constant 624 : i32
    %mul3A_2 = arith.muli %arg1, %mul3A_1 : i32
    %mul3A_3 = arith.constant 624 : i32
    %mul3A_4 = arith.muli %arg1, %mul3A_3 : i32
    "tpu.region"() ({
      %run_scoped3A = tpu.sem_alloc : memref<!tpu.dma_semaphore, #tpu.memory_space<semaphore_mem>>
      %dma_start3A_53 = arith.constant 0 : i32
      %dma_start3A_54 = tpu.memref_slice %arg13[%mul3A_4, %dma_start3A_53] : memref<10000x128xf32, #tpu.memory_space<vmem_shared>> -> memref<624x128xf32, #tpu.memory_space<vmem_shared>>
      %dma_start3A_55 = arith.constant 0 : i32
      %dma_start3A_56 = tpu.memref_slice %arg6[%mul3A_2, %dma_start3A_55] : memref<10000x128xf32, #tpu.memory_space<hbm>> -> memref<624x128xf32, #tpu.memory_space<hbm>>
      tpu.enqueue_dma source(%dma_start3A_56 : memref<624x128xf32, #tpu.memory_space<hbm>>) target(%dma_start3A_54 : memref<624x128xf32, #tpu.memory_space<vmem_shared>>) target_semaphore(%run_scoped3A : memref<!tpu.dma_semaphore, #tpu.memory_space<semaphore_mem>>)
      %dma_wait3A_57 = arith.constant 0 : i32
      %dma_wait3A_58 = tpu.memref_slice %arg13[%mul3A_4, %dma_wait3A_57] : memref<10000x128xf32, #tpu.memory_space<vmem_shared>> -> memref<624x128xf32, #tpu.memory_space<vmem_shared>>
      %dma_wait3A_59 = arith.constant 0 : i32
      %dma_wait3A_60 = tpu.memref_slice %arg6[%mul3A_2, %dma_wait3A_59] : memref<10000x128xf32, #tpu.memory_space<hbm>> -> memref<624x128xf32, #tpu.memory_space<hbm>>
      tpu.wait_dma2 semaphore(%run_scoped3A : memref<!tpu.dma_semaphore, #tpu.memory_space<semaphore_mem>>) src(%dma_wait3A_60 : memref<624x128xf32, #tpu.memory_space<hbm>>) dst(%dma_wait3A_58 : memref<624x128xf32, #tpu.memory_space<vmem_shared>>)
      tpu.yield
    }) : () -> ()
    %eq3A = arith.constant 15 : i32
    %eq3A_5 = arith.cmpi eq, %arg1, %eq3A : i32
    %convert_element_type3A = arith.extui %eq3A_5 : i1 to i32
    %cond3A = arith.constant 0 : i32
    %cond3A_6 = arith.cmpi ne, %convert_element_type3A, %cond3A : i32
    scf.if %cond3A_6 {
      "tpu.region"() ({
        %run_scoped3A = tpu.sem_alloc : memref<!tpu.dma_semaphore, #tpu.memory_space<semaphore_mem>>
        %dma_start3A_53 = arith.constant 9984 : i32
        %dma_start3A_54 = arith.constant 0 : i32
        %dma_start3A_55 = tpu.memref_slice %arg13[%dma_start3A_53, %dma_start3A_54] : memref<10000x128xf32, #tpu.memory_space<vmem_shared>> -> memref<16x128xf32, #tpu.memory_space<vmem_shared>>
        %dma_start3A_56 = arith.constant 9984 : i32
        %dma_start3A_57 = arith.constant 0 : i32
        %dma_start3A_58 = tpu.memref_slice %arg6[%dma_start3A_56, %dma_start3A_57] : memref<10000x128xf32, #tpu.memory_space<hbm>> -> memref<16x128xf32, #tpu.memory_space<hbm>>
        tpu.enqueue_dma source(%dma_start3A_58 : memref<16x128xf32, #tpu.memory_space<hbm>>) target(%dma_start3A_55 : memref<16x128xf32, #tpu.memory_space<vmem_shared>>) target_semaphore(%run_scoped3A : memref<!tpu.dma_semaphore, #tpu.memory_space<semaphore_mem>>)
        %dma_wait3A_59 = arith.constant 9984 : i32
        %dma_wait3A_60 = arith.constant 0 : i32
        %dma_wait3A_61 = tpu.memref_slice %arg13[%dma_wait3A_59, %dma_wait3A_60] : memref<10000x128xf32, #tpu.memory_space<vmem_shared>> -> memref<16x128xf32, #tpu.memory_space<vmem_shared>>
        %dma_wait3A_62 = arith.constant 9984 : i32
        %dma_wait3A_63 = arith.constant 0 : i32
        %dma_wait3A_64 = tpu.memref_slice %arg6[%dma_wait3A_62, %dma_wait3A_63] : memref<10000x128xf32, #tpu.memory_space<hbm>> -> memref<16x128xf32, #tpu.memory_space<hbm>>
        tpu.wait_dma2 semaphore(%run_scoped3A : memref<!tpu.dma_semaphore, #tpu.memory_space<semaphore_mem>>) src(%dma_wait3A_64 : memref<16x128xf32, #tpu.memory_space<hbm>>) dst(%dma_wait3A_61 : memref<16x128xf32, #tpu.memory_space<vmem_shared>>)
        tpu.yield
      }) : () -> ()
    } else {
    }
    %barrier3A = arith.constant 0 : index
    tpu.barrier barrier_id(%barrier3A)
    %dma_start3A = arith.constant 0 : i32
    %dma_start3A_7 = tpu.memref_slice %arg8[%dma_start3A] : memref<10000xi32, #tpu.memory_space<vmem>> -> memref<80xi32, #tpu.memory_space<vmem>>
    %dma_start3A_8 = arith.constant 0 : i32
    %dma_start3A_9 = arith.constant 0 : i32
    %dma_start3A_10 = tpu.memref_slice %arg5[%dma_start3A_8, %dma_start3A_9] : memref<10000x128xf32, #tpu.memory_space<hbm>> -> memref<10000x128xf32, #tpu.memory_space<hbm>>
    tpu.enqueue_indirect_dma source(%dma_start3A_10 : memref<10000x128xf32, #tpu.memory_space<hbm>>) target(%arg11 : memref<80x128xf32, #tpu.memory_space<vmem>>) offsets(%dma_start3A_7 : memref<80xi32, #tpu.memory_space<vmem>>) semaphore(%arg14 : memref<!tpu.dma_semaphore, #tpu.memory_space<semaphore_mem>>)
    %scan3A = arith.constant 0 : i32
    %scan3A_11 = arith.constant 0 : i32
    %scan3A_12 = arith.constant 62 : i32
    %scan3A_13 = arith.addi %scan3A_11, %scan3A_12 : i32
    %scan3A_14 = arith.constant 1 : i32
    %scan3A_15 = scf.for %scan3A_53 = %scan3A_11 to %scan3A_13 step %scan3A_14 iter_args(%scan3A_54 = %scan3A) -> (i32)  : i32 {
      %mul3A_55 = arith.constant 2 : i32
      %mul3A_56 = arith.muli %mul3A_55, %scan3A_53 : i32
      %mul3A_57 = arith.constant 2 : i32
      %mul3A_58 = arith.muli %mul3A_57, %scan3A_53 : i32
      %add3A_59 = arith.constant 1 : i32
      %add3A_60 = arith.addi %mul3A_58, %add3A_59 : i32
      %mul3A_61 = arith.constant 80 : i32
      %mul3A_62 = arith.muli %mul3A_56, %mul3A_61 : i32
      %dma_wait3A_63 = tpu.memref_slice %arg8[%mul3A_62] : memref<10000xi32, #tpu.memory_space<vmem>> -> memref<80xi32, #tpu.memory_space<vmem>>
      %dma_wait3A_64 = arith.constant 0 : i32
      %dma_wait3A_65 = arith.constant 0 : i32
      %dma_wait3A_66 = tpu.memref_slice %arg5[%dma_wait3A_64, %dma_wait3A_65] : memref<10000x128xf32, #tpu.memory_space<hbm>> -> memref<10000x128xf32, #tpu.memory_space<hbm>>
      tpu.wait_indirect_dma semaphore(%arg14 : memref<!tpu.dma_semaphore, #tpu.memory_space<semaphore_mem>>) src(%dma_wait3A_66 : memref<10000x128xf32, #tpu.memory_space<hbm>>) dst(%arg11 : memref<80x128xf32, #tpu.memory_space<vmem>>)
      %gt3A = arith.constant 0 : i32
      %gt3A_67 = arith.cmpi sgt, %scan3A_53, %gt3A : i32
      %convert_element_type3A_68 = arith.extui %gt3A_67 : i1 to i32
      %cond3A_69 = arith.constant 0 : i32
      %cond3A_70 = arith.cmpi ne, %convert_element_type3A_68, %cond3A_69 : i32
      scf.if %cond3A_70 {
        %sub3A = arith.constant 2 : i32
        %sub3A_128 = arith.subi %add3A_60, %sub3A : i32
        %mul3A_129 = arith.constant 80 : i32
        %mul3A_130 = arith.muli %sub3A_128, %mul3A_129 : i32
        %dma_wait3A_131 = tpu.memref_slice %arg9[%mul3A_130] : memref<10000xi32, #tpu.memory_space<vmem>> -> memref<80xi32, #tpu.memory_space<vmem>>
        %dma_wait3A_132 = arith.constant 0 : i32
        %dma_wait3A_133 = arith.constant 0 : i32
        %dma_wait3A_134 = tpu.memref_slice %arg13[%dma_wait3A_132, %dma_wait3A_133] : memref<10000x128xf32, #tpu.memory_space<vmem_shared>> -> memref<10000x128xf32, #tpu.memory_space<vmem_shared>>
        tpu.wait_indirect_dma semaphore(%arg17 : memref<!tpu.dma_semaphore, #tpu.memory_space<semaphore_mem>>) src(%arg12 : memref<80x128xf32, #tpu.memory_space<vmem>>) dst(%dma_wait3A_134 : memref<10000x128xf32, #tpu.memory_space<vmem_shared>>)
      } else {
      }
      %mul3A_71 = arith.constant 80 : i32
      %mul3A_72 = arith.muli %add3A_60, %mul3A_71 : i32
      %dma_start3A_73 = tpu.memref_slice %arg8[%mul3A_72] : memref<10000xi32, #tpu.memory_space<vmem>> -> memref<80xi32, #tpu.memory_space<vmem>>
      %dma_start3A_74 = arith.constant 0 : i32
      %dma_start3A_75 = arith.constant 0 : i32
      %dma_start3A_76 = tpu.memref_slice %arg5[%dma_start3A_74, %dma_start3A_75] : memref<10000x128xf32, #tpu.memory_space<hbm>> -> memref<10000x128xf32, #tpu.memory_space<hbm>>
      tpu.enqueue_indirect_dma source(%dma_start3A_76 : memref<10000x128xf32, #tpu.memory_space<hbm>>) target(%arg12 : memref<80x128xf32, #tpu.memory_space<vmem>>) offsets(%dma_start3A_73 : memref<80xi32, #tpu.memory_space<vmem>>) semaphore(%arg15 : memref<!tpu.dma_semaphore, #tpu.memory_space<semaphore_mem>>)
      %mul3A_77 = arith.constant 80 : i32
      %mul3A_78 = arith.muli %mul3A_56, %mul3A_77 : i32
      %scan3A_79 = arith.constant 0 : i32
      %scan3A_80 = arith.constant 0 : i32
      %scan3A_81 = arith.constant 5 : i32
      %scan3A_82 = arith.addi %scan3A_80, %scan3A_81 : i32
      %scan3A_83 = arith.constant 1 : i32
      %scan3A_84 = scf.for %scan3A_128 = %scan3A_80 to %scan3A_82 step %scan3A_83 iter_args(%scan3A_129 = %scan3A_79) -> (i32)  : i32 {
        %mul3A_130 = arith.constant 16 : i32
        %mul3A_131 = arith.muli %scan3A_128, %mul3A_130 : i32
        %add3A_132 = arith.addi %mul3A_78, %mul3A_131 : i32
        %get3A = arith.index_cast %add3A_132 : i32 to index
        %get3A_133 = tpu.vector_load %arg10[%get3A] {strides = array<i32>} : memref<10000xf32, #tpu.memory_space<vmem>>, vector<16xf32>,
        %get3A_134 = vector.shape_cast %get3A_133 : vector<16xf32> to vector<16xf32>
        %mul3A_135 = arith.constant 16 : i32
        %mul3A_136 = arith.muli %scan3A_128, %mul3A_135 : i32
        %add3A_137 = arith.constant 0 : i32
        %add3A_138 = arith.addi %mul3A_136, %add3A_137 : i32
        %slice3A = vector.extract_strided_slice %get3A_134 {offsets = [0], sizes = [1], strides = [1]} : vector<16xf32> to vector<1xf32>
        %squeeze3A = vector.extract %slice3A[0] : f32 from vector<1xf32>
        %broadcast_in_dim3A = vector.broadcast %squeeze3A : f32 to vector<16xf32>
        %get3A_139 = arith.index_cast %add3A_138 : i32 to index
        %get3A_140 = arith.constant 0 : index
        %get3A_141 = tpu.vector_load %arg11[%get3A_139, %get3A_140] {strides = array<i32>} : memref<80x128xf32, #tpu.memory_space<vmem>>, vector<1x16xf32>,
        %get3A_142 = vector.shape_cast %get3A_141 : vector<1x16xf32> to vector<16xf32>
        %mul3A_143 = arith.mulf %get3A_142, %broadcast_in_dim3A : vector<16xf32>
        %swap3A = arith.index_cast %add3A_138 : i32 to index
        %swap3A_144 = arith.constant 0 : index
        %swap3A_145 = tpu.vector_load %arg11[%swap3A, %swap3A_144] {strides = array<i32>} : memref<80x128xf32, #tpu.memory_space<vmem>>, vector<1x16xf32>,
        %swap3A_146 = vector.shape_cast %swap3A_145 : vector<1x16xf32> to vector<16xf32>
        %swap3A_147 = vector.shape_cast %mul3A_143 : vector<16xf32> to vector<1x16xf32>
        tpu.vector_store %arg11[%swap3A, %swap3A_144], %swap3A_147 {strides = array<i32>} : memref<80x128xf32, #tpu.memory_space<vmem>>, vector<1x16xf32>,
        %get3A_148 = arith.index_cast %add3A_138 : i32 to index
        %get3A_149 = arith.constant 16 : index
        %get3A_150 = tpu.vector_load %arg11[%get3A_148, %get3A_149] {strides = array<i32>} : memref<80x128xf32, #tpu.memory_space<vmem>>, vector<1x16xf32>,
        %get3A_151 = vector.shape_cast %get3A_150 : vector<1x16xf32> to vector<16xf32>
        %mul3A_152 = arith.mulf %get3A_151, %broadcast_in_dim3A : vector<16xf32>
        %swap3A_153 = arith.index_cast %add3A_138 : i32 to index
        %swap3A_154 = arith.constant 16 : index
        %swap3A_155 = tpu.vector_load %arg11[%swap3A_153, %swap3A_154] {strides = array<i32>} : memref<80x128xf32, #tpu.memory_space<vmem>>, vector<1x16xf32>,
        %swap3A_156 = vector.shape_cast %swap3A_155 : vector<1x16xf32> to vector<16xf32>
        %swap3A_157 = vector.shape_cast %mul3A_152 : vector<16xf32> to vector<1x16xf32>
        tpu.vector_store %arg11[%swap3A_153, %swap3A_154], %swap3A_157 {strides = array<i32>} : memref<80x128xf32, #tpu.memory_space<vmem>>, vector<1x16xf32>,
        %get3A_158 = arith.index_cast %add3A_138 : i32 to index
        %get3A_159 = arith.constant 32 : index
        %get3A_160 = tpu.vector_load %arg11[%get3A_158, %get3A_159] {strides = array<i32>} : memref<80x128xf32, #tpu.memory_space<vmem>>, vector<1x16xf32>,
        %get3A_161 = vector.shape_cast %get3A_160 : vector<1x16xf32> to vector<16xf32>
        %mul3A_162 = arith.mulf %get3A_161, %broadcast_in_dim3A : vector<16xf32>
        %swap3A_163 = arith.index_cast %add3A_138 : i32 to index
        %swap3A_164 = arith.constant 32 : index
        %swap3A_165 = tpu.vector_load %arg11[%swap3A_163, %swap3A_164] {strides = array<i32>} : memref<80x128xf32, #tpu.memory_space<vmem>>, vector<1x16xf32>,
        %swap3A_166 = vector.shape_cast %swap3A_165 : vector<1x16xf32> to vector<16xf32>
        %swap3A_167 = vector.shape_cast %mul3A_162 : vector<16xf32> to vector<1x16xf32>
        tpu.vector_store %arg11[%swap3A_163, %swap3A_164], %swap3A_167 {strides = array<i32>} : memref<80x128xf32, #tpu.memory_space<vmem>>, vector<1x16xf32>,
        %get3A_168 = arith.index_cast %add3A_138 : i32 to index
        %get3A_169 = arith.constant 48 : index
        %get3A_170 = tpu.vector_load %arg11[%get3A_168, %get3A_169] {strides = array<i32>} : memref<80x128xf32, #tpu.memory_space<vmem>>, vector<1x16xf32>,
        %get3A_171 = vector.shape_cast %get3A_170 : vector<1x16xf32> to vector<16xf32>
        %mul3A_172 = arith.mulf %get3A_171, %broadcast_in_dim3A : vector<16xf32>
        %swap3A_173 = arith.index_cast %add3A_138 : i32 to index
        %swap3A_174 = arith.constant 48 : index
        %swap3A_175 = tpu.vector_load %arg11[%swap3A_173, %swap3A_174] {strides = array<i32>} : memref<80x128xf32, #tpu.memory_space<vmem>>, vector<1x16xf32>,
        %swap3A_176 = vector.shape_cast %swap3A_175 : vector<1x16xf32> to vector<16xf32>
        %swap3A_177 = vector.shape_cast %mul3A_172 : vector<16xf32> to vector<1x16xf32>
        tpu.vector_store %arg11[%swap3A_173, %swap3A_174], %swap3A_177 {strides = array<i32>} : memref<80x128xf32, #tpu.memory_space<vmem>>, vector<1x16xf32>,
        %get3A_178 = arith.index_cast %add3A_138 : i32 to index
        %get3A_179 = arith.constant 64 : index
        %get3A_180 = tpu.vector_load %arg11[%get3A_178, %get3A_179] {strides = array<i32>} : memref<80x128xf32, #tpu.memory_space<vmem>>, vector<1x16xf32>,
        %get3A_181 = vector.shape_cast %get3A_180 : vector<1x16xf32> to vector<16xf32>
        %mul3A_182 = arith.mulf %get3A_181, %broadcast_in_dim3A : vector<16xf32>
        %swap3A_183 = arith.index_cast %add3A_138 : i32 to index
        %swap3A_184 = arith.constant 64 : index
        %swap3A_185 = tpu.vector_load %arg11[%swap3A_183, %swap3A_184] {strides = array<i32>} : memref<80x128xf32, #tpu.memory_space<vmem>>, vector<1x16xf32>,
        %swap3A_186 = vector.shape_cast %swap3A_185 : vector<1x16xf32> to vector<16xf32>
        %swap3A_187 = vector.shape_cast %mul3A_182 : vector<16xf32> to vector<1x16xf32>
        tpu.vector_store %arg11[%swap3A_183, %swap3A_184], %swap3A_187 {strides = array<i32>} : memref<80x128xf32, #tpu.memory_space<vmem>>, vector<1x16xf32>,
        %get3A_188 = arith.index_cast %add3A_138 : i32 to index
        %get3A_189 = arith.constant 80 : index
        %get3A_190 = tpu.vector_load %arg11[%get3A_188, %get3A_189] {strides = array<i32>} : memref<80x128xf32, #tpu.memory_space<vmem>>, vector<1x16xf32>,
        %get3A_191 = vector.shape_cast %get3A_190 : vector<1x16xf32> to vector<16xf32>
        %mul3A_192 = arith.mulf %get3A_191, %broadcast_in_dim3A : vector<16xf32>
        %swap3A_193 = arith.index_cast %add3A_138 : i32 to index
        %swap3A_194 = arith.constant 80 : index
        %swap3A_195 = tpu.vector_load %arg11[%swap3A_193, %swap3A_194] {strides = array<i32>} : memref<80x128xf32, #tpu.memory_space<vmem>>, vector<1x16xf32>,
        %swap3A_196 = vector.shape_cast %swap3A_195 : vector<1x16xf32> to vector<16xf32>
        %swap3A_197 = vector.shape_cast %mul3A_192 : vector<16xf32> to vector<1x16xf32>
        tpu.vector_store %arg11[%swap3A_193, %swap3A_194], %swap3A_197 {strides = array<i32>} : memref<80x128xf32, #tpu.memory_space<vmem>>, vector<1x16xf32>,
        %get3A_198 = arith.index_cast %add3A_138 : i32 to index
        %get3A_199 = arith.constant 96 : index
        %get3A_200 = tpu.vector_load %arg11[%get3A_198, %get3A_199] {strides = array<i32>} : memref<80x128xf32, #tpu.memory_space<vmem>>, vector<1x16xf32>,
        %get3A_201 = vector.shape_cast %get3A_200 : vector<1x16xf32> to vector<16xf32>
        %mul3A_202 = arith.mulf %get3A_201, %broadcast_in_dim3A : vector<16xf32>
        %swap3A_203 = arith.index_cast %add3A_138 : i32 to index
        %swap3A_204 = arith.constant 96 : index
        %swap3A_205 = tpu.vector_load %arg11[%swap3A_203, %swap3A_204] {strides = array<i32>} : memref<80x128xf32, #tpu.memory_space<vmem>>, vector<1x16xf32>,
        %swap3A_206 = vector.shape_cast %swap3A_205 : vector<1x16xf32> to vector<16xf32>
        %swap3A_207 = vector.shape_cast %mul3A_202 : vector<16xf32> to vector<1x16xf32>
        tpu.vector_store %arg11[%swap3A_203, %swap3A_204], %swap3A_207 {strides = array<i32>} : memref<80x128xf32, #tpu.memory_space<vmem>>, vector<1x16xf32>,
        %get3A_208 = arith.index_cast %add3A_138 : i32 to index
        %get3A_209 = arith.constant 112 : index
        %get3A_210 = tpu.vector_load %arg11[%get3A_208, %get3A_209] {strides = array<i32>} : memref<80x128xf32, #tpu.memory_space<vmem>>, vector<1x16xf32>,
        %get3A_211 = vector.shape_cast %get3A_210 : vector<1x16xf32> to vector<16xf32>
        %mul3A_212 = arith.mulf %get3A_211, %broadcast_in_dim3A : vector<16xf32>
        %swap3A_213 = arith.index_cast %add3A_138 : i32 to index
        %swap3A_214 = arith.constant 112 : index
        %swap3A_215 = tpu.vector_load %arg11[%swap3A_213, %swap3A_214] {strides = array<i32>} : memref<80x128xf32, #tpu.memory_space<vmem>>, vector<1x16xf32>,
        %swap3A_216 = vector.shape_cast %swap3A_215 : vector<1x16xf32> to vector<16xf32>
        %swap3A_217 = vector.shape_cast %mul3A_212 : vector<16xf32> to vector<1x16xf32>
        tpu.vector_store %arg11[%swap3A_213, %swap3A_214], %swap3A_217 {strides = array<i32>} : memref<80x128xf32, #tpu.memory_space<vmem>>, vector<1x16xf32>,
        %mul3A_218 = arith.constant 16 : i32
        %mul3A_219 = arith.muli %scan3A_128, %mul3A_218 : i32
        %add3A_220 = arith.constant 1 : i32
        %add3A_221 = arith.addi %mul3A_219, %add3A_220 : i32
        %slice3A_222 = vector.extract_strided_slice %get3A_134 {offsets = [1], sizes = [1], strides = [1]} : vector<16xf32> to vector<1xf32>
        %squeeze3A_223 = vector.extract %slice3A_222[0] : f32 from vector<1xf32>
        %broadcast_in_dim3A_224 = vector.broadcast %squeeze3A_223 : f32 to vector<16xf32>
        %get3A_225 = arith.index_cast %add3A_221 : i32 to index
        %get3A_226 = arith.constant 0 : index
        %get3A_227 = tpu.vector_load %arg11[%get3A_225, %get3A_226] {strides = array<i32>} : memref<80x128xf32, #tpu.memory_space<vmem>>, vector<1x16xf32>,
        %get3A_228 = vector.shape_cast %get3A_227 : vector<1x16xf32> to vector<16xf32>
        %mul3A_229 = arith.mulf %get3A_228, %broadcast_in_dim3A_224 : vector<16xf32>
        %swap3A_230 = arith.index_cast %add3A_221 : i32 to index
        %swap3A_231 = arith.constant 0 : index
        %swap3A_232 = tpu.vector_load %arg11[%swap3A_230, %swap3A_231] {strides = array<i32>} : memref<80x128xf32, #tpu.memory_space<vmem>>, vector<1x16xf32>,
        %swap3A_233 = vector.shape_cast %swap3A_232 : vector<1x16xf32> to vector<16xf32>
        %swap3A_234 = vector.shape_cast %mul3A_229 : vector<16xf32> to vector<1x16xf32>
        tpu.vector_store %arg11[%swap3A_230, %swap3A_231], %swap3A_234 {strides = array<i32>} : memref<80x128xf32, #tpu.memory_space<vmem>>, vector<1x16xf32>,
        %get3A_235 = arith.index_cast %add3A_221 : i32 to index
        %get3A_236 = arith.constant 16 : index
        %get3A_237 = tpu.vector_load %arg11[%get3A_235, %get3A_236] {strides = array<i32>} : memref<80x128xf32, #tpu.memory_space<vmem>>, vector<1x16xf32>,
        %get3A_238 = vector.shape_cast %get3A_237 : vector<1x16xf32> to vector<16xf32>
        %mul3A_239 = arith.mulf %get3A_238, %broadcast_in_dim3A_224 : vector<16xf32>
        %swap3A_240 = arith.index_cast %add3A_221 : i32 to index
        %swap3A_241 = arith.constant 16 : index
        %swap3A_242 = tpu.vector_load %arg11[%swap3A_240, %swap3A_241] {strides = array<i32>} : memref<80x128xf32, #tpu.memory_space<vmem>>, vector<1x16xf32>,
        %swap3A_243 = vector.shape_cast %swap3A_242 : vector<1x16xf32> to vector<16xf32>
        %swap3A_244 = vector.shape_cast %mul3A_239 : vector<16xf32> to vector<1x16xf32>
        tpu.vector_store %arg11[%swap3A_240, %swap3A_241], %swap3A_244 {strides = array<i32>} : memref<80x128xf32, #tpu.memory_space<vmem>>, vector<1x16xf32>,
        %get3A_245 = arith.index_cast %add3A_221 : i32 to index
        %get3A_246 = arith.constant 32 : index
        %get3A_247 = tpu.vector_load %arg11[%get3A_245, %get3A_246] {strides = array<i32>} : memref<80x128xf32, #tpu.memory_space<vmem>>, vector<1x16xf32>,
        %get3A_248 = vector.shape_cast %get3A_247 : vector<1x16xf32> to vector<16xf32>
        %mul3A_249 = arith.mulf %get3A_248, %broadcast_in_dim3A_224 : vector<16xf32>
        %swap3A_250 = arith.index_cast %add3A_221 : i32 to index
        %swap3A_251 = arith.constant 32 : index
        %swap3A_252 = tpu.vector_load %arg11[%swap3A_250, %swap3A_251] {strides = array<i32>} : memref<80x128xf32, #tpu.memory_space<vmem>>, vector<1x16xf32>,
        %swap3A_253 = vector.shape_cast %swap3A_252 : vector<1x16xf32> to vector<16xf32>
        %swap3A_254 = vector.shape_cast %mul3A_249 : vector<16xf32> to vector<1x16xf32>
        tpu.vector_store %arg11[%swap3A_250, %swap3A_251], %swap3A_254 {strides = array<i32>} : memref<80x128xf32, #tpu.memory_space<vmem>>, vector<1x16xf32>,
        %get3A_255 = arith.index_cast %add3A_221 : i32 to index
        %get3A_256 = arith.constant 48 : index
        %get3A_257 = tpu.vector_load %arg11[%get3A_255, %get3A_256] {strides = array<i32>} : memref<80x128xf32, #tpu.memory_space<vmem>>, vector<1x16xf32>,
        %get3A_258 = vector.shape_cast %get3A_257 : vector<1x16xf32> to vector<16xf32>
        %mul3A_259 = arith.mulf %get3A_258, %broadcast_in_dim3A_224 : vector<16xf32>
        %swap3A_260 = arith.index_cast %add3A_221 : i32 to index
        %swap3A_261 = arith.constant 48 : index
        %swap3A_262 = tpu.vector_load %arg11[%swap3A_260, %swap3A_261] {strides = array<i32>} : memref<80x128xf32, #tpu.memory_space<vmem>>, vector<1x16xf32>,
        %swap3A_263 = vector.shape_cast %swap3A_262 : vector<1x16xf32> to vector<16xf32>
        %swap3A_264 = vector.shape_cast %mul3A_259 : vector<16xf32> to vector<1x16xf32>
        tpu.vector_store %arg11[%swap3A_260, %swap3A_261], %swap3A_264 {strides = array<i32>} : memref<80x128xf32, #tpu.memory_space<vmem>>, vector<1x16xf32>,
        %get3A_265 = arith.index_cast %add3A_221 : i32 to index
        %get3A_266 = arith.constant 64 : index
        %get3A_267 = tpu.vector_load %arg11[%get3A_265, %get3A_266] {strides = array<i32>} : memref<80x128xf32, #tpu.memory_space<vmem>>, vector<1x16xf32>,
        %get3A_268 = vector.shape_cast %get3A_267 : vector<1x16xf32> to vector<16xf32>
        %mul3A_269 = arith.mulf %get3A_268, %broadcast_in_dim3A_224 : vector<16xf32>
        %swap3A_270 = arith.index_cast %add3A_221 : i32 to index
        %swap3A_271 = arith.constant 64 : index
        %swap3A_272 = tpu.vector_load %arg11[%swap3A_270, %swap3A_271] {strides = array<i32>} : memref<80x128xf32, #tpu.memory_space<vmem>>, vector<1x16xf32>,
        %swap3A_273 = vector.shape_cast %swap3A_272 : vector<1x16xf32> to vector<16xf32>
        %swap3A_274 = vector.shape_cast %mul3A_269 : vector<16xf32> to vector<1x16xf32>
        tpu.vector_store %arg11[%swap3A_270, %swap3A_271], %swap3A_274 {strides = array<i32>} : memref<80x128xf32, #tpu.memory_space<vmem>>, vector<1x16xf32>,
        %get3A_275 = arith.index_cast %add3A_221 : i32 to index
        %get3A_276 = arith.constant 80 : index
        %get3A_277 = tpu.vector_load %arg11[%get3A_275, %get3A_276] {strides = array<i32>} : memref<80x128xf32, #tpu.memory_space<vmem>>, vector<1x16xf32>,
        %get3A_278 = vector.shape_cast %get3A_277 : vector<1x16xf32> to vector<16xf32>
        %mul3A_279 = arith.mulf %get3A_278, %broadcast_in_dim3A_224 : vector<16xf32>
        %swap3A_280 = arith.index_cast %add3A_221 : i32 to index
        %swap3A_281 = arith.constant 80 : index
        %swap3A_282 = tpu.vector_load %arg11[%swap3A_280, %swap3A_281] {strides = array<i32>} : memref<80x128xf32, #tpu.memory_space<vmem>>, vector<1x16xf32>,
        %swap3A_283 = vector.shape_cast %swap3A_282 : vector<1x16xf32> to vector<16xf32>
        %swap3A_284 = vector.shape_cast %mul3A_279 : vector<16xf32> to vector<1x16xf32>
        tpu.vector_store %arg11[%swap3A_280, %swap3A_281], %swap3A_284 {strides = array<i32>} : memref<80x128xf32, #tpu.memory_space<vmem>>, vector<1x16xf32>,
        %get3A_285 = arith.index_cast %add3A_221 : i32 to index
        %get3A_286 = arith.constant 96 : index
        %get3A_287 = tpu.vector_load %arg11[%get3A_285, %get3A_286] {strides = array<i32>} : memref<80x128xf32, #tpu.memory_space<vmem>>, vector<1x16xf32>,
        %get3A_288 = vector.shape_cast %get3A_287 : vector<1x16xf32> to vector<16xf32>
        %mul3A_289 = arith.mulf %get3A_288, %broadcast_in_dim3A_224 : vector<16xf32>
        %swap3A_290 = arith.index_cast %add3A_221 : i32 to index
        %swap3A_291 = arith.constant 96 : index
        %swap3A_292 = tpu.vector_load %arg11[%swap3A_290, %swap3A_291] {strides = array<i32>} : memref<80x128xf32, #tpu.memory_space<vmem>>, vector<1x16xf32>,
        %swap3A_293 = vector.shape_cast %swap3A_292 : vector<1x16xf32> to vector<16xf32>
        %swap3A_294 = vector.shape_cast %mul3A_289 : vector<16xf32> to vector<1x16xf32>
        tpu.vector_store %arg11[%swap3A_290, %swap3A_291], %swap3A_294 {strides = array<i32>} : memref<80x128xf32, #tpu.memory_space<vmem>>, vector<1x16xf32>,
        %get3A_295 = arith.index_cast %add3A_221 : i32 to index
        %get3A_296 = arith.constant 112 : index
        %get3A_297 = tpu.vector_load %arg11[%get3A_295, %get3A_296] {strides = array<i32>} : memref<80x128xf32, #tpu.memory_space<vmem>>, vector<1x16xf32>,
        %get3A_298 = vector.shape_cast %get3A_297 : vector<1x16xf32> to vector<16xf32>
        %mul3A_299 = arith.mulf %get3A_298, %broadcast_in_dim3A_224 : vector<16xf32>
        %swap3A_300 = arith.index_cast %add3A_221 : i32 to index
        %swap3A_301 = arith.constant 112 : index
        %swap3A_302 = tpu.vector_load %arg11[%swap3A_300, %swap3A_301] {strides = array<i32>} : memref<80x128xf32, #tpu.memory_space<vmem>>, vector<1x16xf32>,
        %swap3A_303 = vector.shape_cast %swap3A_302 : vector<1x16xf32> to vector<16xf32>
        %swap3A_304 = vector.shape_cast %mul3A_299 : vector<16xf32> to vector<1x16xf32>
        tpu.vector_store %arg11[%swap3A_300, %swap3A_301], %swap3A_304 {strides = array<i32>} : memref<80x128xf32, #tpu.memory_space<vmem>>, vector<1x16xf32>,
        %mul3A_305 = arith.constant 16 : i32
        %mul3A_306 = arith.muli %scan3A_128, %mul3A_305 : i32
        %add3A_307 = arith.constant 2 : i32
        %add3A_308 = arith.addi %mul3A_306, %add3A_307 : i32
        %slice3A_309 = vector.extract_strided_slice %get3A_134 {offsets = [2], sizes = [1], strides = [1]} : vector<16xf32> to vector<1xf32>
        %squeeze3A_310 = vector.extract %slice3A_309[0] : f32 from vector<1xf32>
        %broadcast_in_dim3A_311 = vector.broadcast %squeeze3A_310 : f32 to vector<16xf32>
        %get3A_312 = arith.index_cast %add3A_308 : i32 to index
        %get3A_313 = arith.constant 0 : index
        %get3A_314 = tpu.vector_load %arg11[%get3A_312, %get3A_313] {strides = array<i32>} : memref<80x128xf32, #tpu.memory_space<vmem>>, vector<1x16xf32>,
        %get3A_315 = vector.shape_cast %get3A_314 : vector<1x16xf32> to vector<16xf32>
        %mul3A_316 = arith.mulf %get3A_315, %broadcast_in_dim3A_311 : vector<16xf32>
        %swap3A_317 = arith.index_cast %add3A_308 : i32 to index
        %swap3A_318 = arith.constant 0 : index
        %swap3A_319 = tpu.vector_load %arg11[%swap3A_317, %swap3A_318] {strides = array<i32>} : memref<80x128xf32, #tpu.memory_space<vmem>>, vector<1x16xf32>,
        %swap3A_320 = vector.shape_cast %swap3A_319 : vector<1x16xf32> to vector<16xf32>
        %swap3A_321 = vector.shape_cast %mul3A_316 : vector<16xf32> to vector<1x16xf32>
        tpu.vector_store %arg11[%swap3A_317, %swap3A_318], %swap3A_321 {strides = array<i32>} : memref<80x128xf32, #tpu.memory_space<vmem>>, vector<1x16xf32>,
        %get3A_322 = arith.index_cast %add3A_308 : i32 to index
        %get3A_323 = arith.constant 16 : index
        %get3A_324 = tpu.vector_load %arg11[%get3A_322, %get3A_323] {strides = array<i32>} : memref<80x128xf32, #tpu.memory_space<vmem>>, vector<1x16xf32>,
        %get3A_325 = vector.shape_cast %get3A_324 : vector<1x16xf32> to vector<16xf32>
        %mul3A_326 = arith.mulf %get3A_325, %broadcast_in_dim3A_311 : vector<16xf32>
        %swap3A_327 = arith.index_cast %add3A_308 : i32 to index
        %swap3A_328 = arith.constant 16 : index
        %swap3A_329 = tpu.vector_load %arg11[%swap3A_327, %swap3A_328] {strides = array<i32>} : memref<80x128xf32, #tpu.memory_space<vmem>>, vector<1x16xf32>,
        %swap3A_330 = vector.shape_cast %swap3A_329 : vector<1x16xf32> to vector<16xf32>
        %swap3A_331 = vector.shape_cast %mul3A_326 : vector<16xf32> to vector<1x16xf32>
        tpu.vector_store %arg11[%swap3A_327, %swap3A_328], %swap3A_331 {strides = array<i32>} : memref<80x128xf32, #tpu.memory_space<vmem>>, vector<1x16xf32>,
        %get3A_332 = arith.index_cast %add3A_308 : i32 to index
        %get3A_333 = arith.constant 32 : index
        %get3A_334 = tpu.vector_load %arg11[%get3A_332, %get3A_333] {strides = array<i32>} : memref<80x128xf32, #tpu.memory_space<vmem>>, vector<1x16xf32>,
        %get3A_335 = vector.shape_cast %get3A_334 : vector<1x16xf32> to vector<16xf32>
        %mul3A_336 = arith.mulf %get3A_335, %broadcast_in_dim3A_311 : vector<16xf32>
        %swap3A_337 = arith.index_cast %add3A_308 : i32 to index
        %swap3A_338 = arith.constant 32 : index
        %swap3A_339 = tpu.vector_load %arg11[%swap3A_337, %swap3A_338] {strides = array<i32>} : memref<80x128xf32, #tpu.memory_space<vmem>>, vector<1x16xf32>,
        %swap3A_340 = vector.shape_cast %swap3A_339 : vector<1x16xf32> to vector<16xf32>
        %swap3A_341 = vector.shape_cast %mul3A_336 : vector<16xf32> to vector<1x16xf32>
        tpu.vector_store %arg11[%swap3A_337, %swap3A_338], %swap3A_341 {strides = array<i32>} : memref<80x128xf32, #tpu.memory_space<vmem>>, vector<1x16xf32>,
        %get3A_342 = arith.index_cast %add3A_308 : i32 to index
        %get3A_343 = arith.constant 48 : index
        %get3A_344 = tpu.vector_load %arg11[%get3A_342, %get3A_343] {strides = array<i32>} : memref<80x128xf32, #tpu.memory_space<vmem>>, vector<1x16xf32>,
        %get3A_345 = vector.shape_cast %get3A_344 : vector<1x16xf32> to vector<16xf32>
        %mul3A_346 = arith.mulf %get3A_345, %broadcast_in_dim3A_311 : vector<16xf32>
        %swap3A_347 = arith.index_cast %add3A_308 : i32 to index
        %swap3A_348 = arith.constant 48 : index
        %swap3A_349 = tpu.vector_load %arg11[%swap3A_347, %swap3A_348] {strides = array<i32>} : memref<80x128xf32, #tpu.memory_space<vmem>>, vector<1x16xf32>,
        %swap3A_350 = vector.shape_cast %swap3A_349 : vector<1x16xf32> to vector<16xf32>
        %swap3A_351 = vector.shape_cast %mul3A_346 : vector<16xf32> to vector<1x16xf32>
        tpu.vector_store %arg11[%swap3A_347, %swap3A_348], %swap3A_351 {strides = array<i32>} : memref<80x128xf32, #tpu.memory_space<vmem>>, vector<1x16xf32>,
        %get3A_352 = arith.index_cast %add3A_308 : i32 to index
        %get3A_353 = arith.constant 64 : index
        %get3A_354 = tpu.vector_load %arg11[%get3A_352, %get3A_353] {strides = array<i32>} : memref<80x128xf32, #tpu.memory_space<vmem>>, vector<1x16xf32>,
        %get3A_355 = vector.shape_cast %get3A_354 : vector<1x16xf32> to vector<16xf32>
        %mul3A_356 = arith.mulf %get3A_355, %broadcast_in_dim3A_311 : vector<16xf32>
        %swap3A_357 = arith.index_cast %add3A_308 : i32 to index
        %swap3A_358 = arith.constant 64 : index
        %swap3A_359 = tpu.vector_load %arg11[%swap3A_357, %swap3A_358] {strides = array<i32>} : memref<80x128xf32, #tpu.memory_space<vmem>>, vector<1x16xf32>,
        %swap3A_360 = vector.shape_cast %swap3A_359 : vector<1x16xf32> to vector<16xf32>
        %swap3A_361 = vector.shape_cast %mul3A_356 : vector<16xf32> to vector<1x16xf32>
        tpu.vector_store %arg11[%swap3A_357, %swap3A_358], %swap3A_361 {strides = array<i32>} : memref<80x128xf32, #tpu.memory_space<vmem>>, vector<1x16xf32>,
        %get3A_362 = arith.index_cast %add3A_308 : i32 to index
        %get3A_363 = arith.constant 80 : index
        %get3A_364 = tpu.vector_load %arg11[%get3A_362, %get3A_363] {strides = array<i32>} : memref<80x128xf32, #tpu.memory_space<vmem>>, vector<1x16xf32>,
        %get3A_365 = vector.shape_cast %get3A_364 : vector<1x16xf32> to vector<16xf32>
        %mul3A_366 = arith.mulf %get3A_365, %broadcast_in_dim3A_311 : vector<16xf32>
        %swap3A_367 = arith.index_cast %add3A_308 : i32 to index
        %swap3A_368 = arith.constant 80 : index
        %swap3A_369 = tpu.vector_load %arg11[%swap3A_367, %swap3A_368] {strides = array<i32>} : memref<80x128xf32, #tpu.memory_space<vmem>>, vector<1x16xf32>,
        %swap3A_370 = vector.shape_cast %swap3A_369 : vector<1x16xf32> to vector<16xf32>
        %swap3A_371 = vector.shape_cast %mul3A_366 : vector<16xf32> to vector<1x16xf32>
        tpu.vector_store %arg11[%swap3A_367, %swap3A_368], %swap3A_371 {strides = array<i32>} : memref<80x128xf32, #tpu.memory_space<vmem>>, vector<1x16xf32>,
        %get3A_372 = arith.index_cast %add3A_308 : i32 to index
        %get3A_373 = arith.constant 96 : index
        %get3A_374 = tpu.vector_load %arg11[%get3A_372, %get3A_373] {strides = array<i32>} : memref<80x128xf32, #tpu.memory_space<vmem>>, vector<1x16xf32>,
        %get3A_375 = vector.shape_cast %get3A_374 : vector<1x16xf32> to vector<16xf32>
        %mul3A_376 = arith.mulf %get3A_375, %broadcast_in_dim3A_311 : vector<16xf32>
        %swap3A_377 = arith.index_cast %add3A_308 : i32 to index
        %swap3A_378 = arith.constant 96 : index
        %swap3A_379 = tpu.vector_load %arg11[%swap3A_377, %swap3A_378] {strides = array<i32>} : memref<80x128xf32, #tpu.memory_space<vmem>>, vector<1x16xf32>,
        %swap3A_380 = vector.shape_cast %swap3A_379 : vector<1x16xf32> to vector<16xf32>
        %swap3A_381 = vector.shape_cast %mul3A_376 : vector<16xf32> to vector<1x16xf32>
        tpu.vector_store %arg11[%swap3A_377, %swap3A_378], %swap3A_381 {strides = array<i32>} : memref<80x128xf32, #tpu.memory_space<vmem>>, vector<1x16xf32>,
        %get3A_382 = arith.index_cast %add3A_308 : i32 to index
        %get3A_383 = arith.constant 112 : index
        %get3A_384 = tpu.vector_load %arg11[%get3A_382, %get3A_383] {strides = array<i32>} : memref<80x128xf32, #tpu.memory_space<vmem>>, vector<1x16xf32>,
        %get3A_385 = vector.shape_cast %get3A_384 : vector<1x16xf32> to vector<16xf32>
        %mul3A_386 = arith.mulf %get3A_385, %broadcast_in_dim3A_311 : vector<16xf32>
        %swap3A_387 = arith.index_cast %add3A_308 : i32 to index
        %swap3A_388 = arith.constant 112 : index
        %swap3A_389 = tpu.vector_load %arg11[%swap3A_387, %swap3A_388] {strides = array<i32>} : memref<80x128xf32, #tpu.memory_space<vmem>>, vector<1x16xf32>,
        %swap3A_390 = vector.shape_cast %swap3A_389 : vector<1x16xf32> to vector<16xf32>
        %swap3A_391 = vector.shape_cast %mul3A_386 : vector<16xf32> to vector<1x16xf32>
        tpu.vector_store %arg11[%swap3A_387, %swap3A_388], %swap3A_391 {strides = array<i32>} : memref<80x128xf32, #tpu.memory_space<vmem>>, vector<1x16xf32>,
        %mul3A_392 = arith.constant 16 : i32
        %mul3A_393 = arith.muli %scan3A_128, %mul3A_392 : i32
        %add3A_394 = arith.constant 3 : i32
        %add3A_395 = arith.addi %mul3A_393, %add3A_394 : i32
        %slice3A_396 = vector.extract_strided_slice %get3A_134 {offsets = [3], sizes = [1], strides = [1]} : vector<16xf32> to vector<1xf32>
        %squeeze3A_397 = vector.extract %slice3A_396[0] : f32 from vector<1xf32>
        %broadcast_in_dim3A_398 = vector.broadcast %squeeze3A_397 : f32 to vector<16xf32>
        %get3A_399 = arith.index_cast %add3A_395 : i32 to index
        %get3A_400 = arith.constant 0 : index
        %get3A_401 = tpu.vector_load %arg11[%get3A_399, %get3A_400] {strides = array<i32>} : memref<80x128xf32, #tpu.memory_space<vmem>>, vector<1x16xf32>,
        %get3A_402 = vector.shape_cast %get3A_401 : vector<1x16xf32> to vector<16xf32>
        %mul3A_403 = arith.mulf %get3A_402, %broadcast_in_dim3A_398 : vector<16xf32>
        %swap3A_404 = arith.index_cast %add3A_395 : i32 to index
        %swap3A_405 = arith.constant 0 : index
        %swap3A_406 = tpu.vector_load %arg11[%swap3A_404, %swap3A_405] {strides = array<i32>} : memref<80x128xf32, #tpu.memory_space<vmem>>, vector<1x16xf32>,
        %swap3A_407 = vector.shape_cast %swap3A_406 : vector<1x16xf32> to vector<16xf32>
        %swap3A_408 = vector.shape_cast %mul3A_403 : vector<16xf32> to vector<1x16xf32>
        tpu.vector_store %arg11[%swap3A_404, %swap3A_405], %swap3A_408 {strides = array<i32>} : memref<80x128xf32, #tpu.memory_space<vmem>>, vector<1x16xf32>,
        %get3A_409 = arith.index_cast %add3A_395 : i32 to index
        %get3A_410 = arith.constant 16 : index
        %get3A_411 = tpu.vector_load %arg11[%get3A_409, %get3A_410] {strides = array<i32>} : memref<80x128xf32, #tpu.memory_space<vmem>>, vector<1x16xf32>,
        %get3A_412 = vector.shape_cast %get3A_411 : vector<1x16xf32> to vector<16xf32>
        %mul3A_413 = arith.mulf %get3A_412, %broadcast_in_dim3A_398 : vector<16xf32>
        %swap3A_414 = arith.index_cast %add3A_395 : i32 to index
        %swap3A_415 = arith.constant 16 : index
        %swap3A_416 = tpu.vector_load %arg11[%swap3A_414, %swap3A_415] {strides = array<i32>} : memref<80x128xf32, #tpu.memory_space<vmem>>, vector<1x16xf32>,
        %swap3A_417 = vector.shape_cast %swap3A_416 : vector<1x16xf32> to vector<16xf32>
        %swap3A_418 = vector.shape_cast %mul3A_413 : vector<16xf32> to vector<1x16xf32>
        tpu.vector_store %arg11[%swap3A_414, %swap3A_415], %swap3A_418 {strides = array<i32>} : memref<80x128xf32, #tpu.memory_space<vmem>>, vector<1x16xf32>,
        %get3A_419 = arith.index_cast %add3A_395 : i32 to index
        %get3A_420 = arith.constant 32 : index
        %get3A_421 = tpu.vector_load %arg11[%get3A_419, %get3A_420] {strides = array<i32>} : memref<80x128xf32, #tpu.memory_space<vmem>>, vector<1x16xf32>,
        %get3A_422 = vector.shape_cast %get3A_421 : vector<1x16xf32> to vector<16xf32>
        %mul3A_423 = arith.mulf %get3A_422, %broadcast_in_dim3A_398 : vector<16xf32>
        %swap3A_424 = arith.index_cast %add3A_395 : i32 to index
        %swap3A_425 = arith.constant 32 : index
        %swap3A_426 = tpu.vector_load %arg11[%swap3A_424, %swap3A_425] {strides = array<i32>} : memref<80x128xf32, #tpu.memory_space<vmem>>, vector<1x16xf32>,
        %swap3A_427 = vector.shape_cast %swap3A_426 : vector<1x16xf32> to vector<16xf32>
        %swap3A_428 = vector.shape_cast %mul3A_423 : vector<16xf32> to vector<1x16xf32>
        tpu.vector_store %arg11[%swap3A_424, %swap3A_425], %swap3A_428 {strides = array<i32>} : memref<80x128xf32, #tpu.memory_space<vmem>>, vector<1x16xf32>,
        %get3A_429 = arith.index_cast %add3A_395 : i32 to index
        %get3A_430 = arith.constant 48 : index
        %get3A_431 = tpu.vector_load %arg11[%get3A_429, %get3A_430] {strides = array<i32>} : memref<80x128xf32, #tpu.memory_space<vmem>>, vector<1x16xf32>,
        %get3A_432 = vector.shape_cast %get3A_431 : vector<1x16xf32> to vector<16xf32>
        %mul3A_433 = arith.mulf %get3A_432, %broadcast_in_dim3A_398 : vector<16xf32>
        %swap3A_434 = arith.index_cast %add3A_395 : i32 to index
        %swap3A_435 = arith.constant 48 : index
        %swap3A_436 = tpu.vector_load %arg11[%swap3A_434, %swap3A_435] {strides = array<i32>} : memref<80x128xf32, #tpu.memory_space<vmem>>, vector<1x16xf32>,
        %swap3A_437 = vector.shape_cast %swap3A_436 : vector<1x16xf32> to vector<16xf32>
        %swap3A_438 = vector.shape_cast %mul3A_433 : vector<16xf32> to vector<1x16xf32>
        tpu.vector_store %arg11[%swap3A_434, %swap3A_435], %swap3A_438 {strides = array<i32>} : memref<80x128xf32, #tpu.memory_space<vmem>>, vector<1x16xf32>,
        %get3A_439 = arith.index_cast %add3A_395 : i32 to index
        %get3A_440 = arith.constant 64 : index
        %get3A_441 = tpu.vector_load %arg11[%get3A_439, %get3A_440] {strides = array<i32>} : memref<80x128xf32, #tpu.memory_space<vmem>>, vector<1x16xf32>,
        %get3A_442 = vector.shape_cast %get3A_441 : vector<1x16xf32> to vector<16xf32>
        %mul3A_443 = arith.mulf %get3A_442, %broadcast_in_dim3A_398 : vector<16xf32>
        %swap3A_444 = arith.index_cast %add3A_395 : i32 to index
        %swap3A_445 = arith.constant 64 : index
        %swap3A_446 = tpu.vector_load %arg11[%swap3A_444, %swap3A_445] {strides = array<i32>} : memref<80x128xf32, #tpu.memory_space<vmem>>, vector<1x16xf32>,
        %swap3A_447 = vector.shape_cast %swap3A_446 : vector<1x16xf32> to vector<16xf32>
        %swap3A_448 = vector.shape_cast %mul3A_443 : vector<16xf32> to vector<1x16xf32>
        tpu.vector_store %arg11[%swap3A_444, %swap3A_445], %swap3A_448 {strides = array<i32>} : memref<80x128xf32, #tpu.memory_space<vmem>>, vector<1x16xf32>,
        %get3A_449 = arith.index_cast %add3A_395 : i32 to index
        %get3A_450 = arith.constant 80 : index
        %get3A_451 = tpu.vector_load %arg11[%get3A_449, %get3A_450] {strides = array<i32>} : memref<80x128xf32, #tpu.memory_space<vmem>>, vector<1x16xf32>,
        %get3A_452 = vector.shape_cast %get3A_451 : vector<1x16xf32> to vector<16xf32>
        %mul3A_453 = arith.mulf %get3A_452, %broadcast_in_dim3A_398 : vector<16xf32>
        %swap3A_454 = arith.index_cast %add3A_395 : i32 to index
        %swap3A_455 = arith.constant 80 : index
        %swap3A_456 = tpu.vector_load %arg11[%swap3A_454, %swap3A_455] {strides = array<i32>} : memref<80x128xf32, #tpu.memory_space<vmem>>, vector<1x16xf32>,
        %swap3A_457 = vector.shape_cast %swap3A_456 : vector<1x16xf32> to vector<16xf32>
        %swap3A_458 = vector.shape_cast %mul3A_453 : vector<16xf32> to vector<1x16xf32>
        tpu.vector_store %arg11[%swap3A_454, %swap3A_455], %swap3A_458 {strides = array<i32>} : memref<80x128xf32, #tpu.memory_space<vmem>>, vector<1x16xf32>,
        %get3A_459 = arith.index_cast %add3A_395 : i32 to index
        %get3A_460 = arith.constant 96 : index
        %get3A_461 = tpu.vector_load %arg11[%get3A_459, %get3A_460] {strides = array<i32>} : memref<80x128xf32, #tpu.memory_space<vmem>>, vector<1x16xf32>,
        %get3A_462 = vector.shape_cast %get3A_461 : vector<1x16xf32> to vector<16xf32>
        %mul3A_463 = arith.mulf %get3A_462, %broadcast_in_dim3A_398 : vector<16xf32>
        %swap3A_464 = arith.index_cast %add3A_395 : i32 to index
        %swap3A_465 = arith.constant 96 : index
        %swap3A_466 = tpu.vector_load %arg11[%swap3A_464, %swap3A_465] {strides = array<i32>} : memref<80x128xf32, #tpu.memory_space<vmem>>, vector<1x16xf32>,
        %swap3A_467 = vector.shape_cast %swap3A_466 : vector<1x16xf32> to vector<16xf32>
        %swap3A_468 = vector.shape_cast %mul3A_463 : vector<16xf32> to vector<1x16xf32>
        tpu.vector_store %arg11[%swap3A_464, %swap3A_465], %swap3A_468 {strides = array<i32>} : memref<80x128xf32, #tpu.memory_space<vmem>>, vector<1x16xf32>,
        %get3A_469 = arith.index_cast %add3A_395 : i32 to index
        %get3A_470 = arith.constant 112 : index
        %get3A_471 = tpu.vector_load %arg11[%get3A_469, %get3A_470] {strides = array<i32>} : memref<80x128xf32, #tpu.memory_space<vmem>>, vector<1x16xf32>,
        %get3A_472 = vector.shape_cast %get3A_471 : vector<1x16xf32> to vector<16xf32>
        %mul3A_473 = arith.mulf %get3A_472, %broadcast_in_dim3A_398 : vector<16xf32>
        %swap3A_474 = arith.index_cast %add3A_395 : i32 to index
        %swap3A_475 = arith.constant 112 : index
        %swap3A_476 = tpu.vector_load %arg11[%swap3A_474, %swap3A_475] {strides = array<i32>} : memref<80x128xf32, #tpu.memory_space<vmem>>, vector<1x16xf32>,
        %swap3A_477 = vector.shape_cast %swap3A_476 : vector<1x16xf32> to vector<16xf32>
        %swap3A_478 = vector.shape_cast %mul3A_473 : vector<16xf32> to vector<1x16xf32>
        tpu.vector_store %arg11[%swap3A_474, %swap3A_475], %swap3A_478 {strides = array<i32>} : memref<80x128xf32, #tpu.memory_space<vmem>>, vector<1x16xf32>,
        %mul3A_479 = arith.constant 16 : i32
        %mul3A_480 = arith.muli %scan3A_128, %mul3A_479 : i32
        %add3A_481 = arith.constant 4 : i32
        %add3A_482 = arith.addi %mul3A_480, %add3A_481 : i32
        %slice3A_483 = vector.extract_strided_slice %get3A_134 {offsets = [4], sizes = [1], strides = [1]} : vector<16xf32> to vector<1xf32>
        %squeeze3A_484 = vector.extract %slice3A_483[0] : f32 from vector<1xf32>
        %broadcast_in_dim3A_485 = vector.broadcast %squeeze3A_484 : f32 to vector<16xf32>
        %get3A_486 = arith.index_cast %add3A_482 : i32 to index
        %get3A_487 = arith.constant 0 : index
        %get3A_488 = tpu.vector_load %arg11[%get3A_486, %get3A_487] {strides = array<i32>} : memref<80x128xf32, #tpu.memory_space<vmem>>, vector<1x16xf32>,
        %get3A_489 = vector.shape_cast %get3A_488 : vector<1x16xf32> to vector<16xf32>
        %mul3A_490 = arith.mulf %get3A_489, %broadcast_in_dim3A_485 : vector<16xf32>
        %swap3A_491 = arith.index_cast %add3A_482 : i32 to index
        %swap3A_492 = arith.constant 0 : index
        %swap3A_493 = tpu.vector_load %arg11[%swap3A_491, %swap3A_492] {strides = array<i32>} : memref<80x128xf32, #tpu.memory_space<vmem>>, vector<1x16xf32>,
        %swap3A_494 = vector.shape_cast %swap3A_493 : vector<1x16xf32> to vector<16xf32>
        %swap3A_495 = vector.shape_cast %mul3A_490 : vector<16xf32> to vector<1x16xf32>
        tpu.vector_store %arg11[%swap3A_491, %swap3A_492], %swap3A_495 {strides = array<i32>} : memref<80x128xf32, #tpu.memory_space<vmem>>, vector<1x16xf32>,
        %get3A_496 = arith.index_cast %add3A_482 : i32 to index
        %get3A_497 = arith.constant 16 : index
        %get3A_498 = tpu.vector_load %arg11[%get3A_496, %get3A_497] {strides = array<i32>} : memref<80x128xf32, #tpu.memory_space<vmem>>, vector<1x16xf32>,
        %get3A_499 = vector.shape_cast %get3A_498 : vector<1x16xf32> to vector<16xf32>
        %mul3A_500 = arith.mulf %get3A_499, %broadcast_in_dim3A_485 : vector<16xf32>
        %swap3A_501 = arith.index_cast %add3A_482 : i32 to index
        %swap3A_502 = arith.constant 16 : index
        %swap3A_503 = tpu.vector_load %arg11[%swap3A_501, %swap3A_502] {strides = array<i32>} : memref<80x128xf32, #tpu.memory_space<vmem>>, vector<1x16xf32>,
        %swap3A_504 = vector.shape_cast %swap3A_503 : vector<1x16xf32> to vector<16xf32>
        %swap3A_505 = vector.shape_cast %mul3A_500 : vector<16xf32> to vector<1x16xf32>
        tpu.vector_store %arg11[%swap3A_501, %swap3A_502], %swap3A_505 {strides = array<i32>} : memref<80x128xf32, #tpu.memory_space<vmem>>, vector<1x16xf32>,
        %get3A_506 = arith.index_cast %add3A_482 : i32 to index
        %get3A_507 = arith.constant 32 : index
        %get3A_508 = tpu.vector_load %arg11[%get3A_506, %get3A_507] {strides = array<i32>} : memref<80x128xf32, #tpu.memory_space<vmem>>, vector<1x16xf32>,
        %get3A_509 = vector.shape_cast %get3A_508 : vector<1x16xf32> to vector<16xf32>
        %mul3A_510 = arith.mulf %get3A_509, %broadcast_in_dim3A_485 : vector<16xf32>
        %swap3A_511 = arith.index_cast %add3A_482 : i32 to index
        %swap3A_512 = arith.constant 32 : index
        %swap3A_513 = tpu.vector_load %arg11[%swap3A_511, %swap3A_512] {strides = array<i32>} : memref<80x128xf32, #tpu.memory_space<vmem>>, vector<1x16xf32>,
        %swap3A_514 = vector.shape_cast %swap3A_513 : vector<1x16xf32> to vector<16xf32>
        %swap3A_515 = vector.shape_cast %mul3A_510 : vector<16xf32> to vector<1x16xf32>
        tpu.vector_store %arg11[%swap3A_511, %swap3A_512], %swap3A_515 {strides = array<i32>} : memref<80x128xf32, #tpu.memory_space<vmem>>, vector<1x16xf32>,
        %get3A_516 = arith.index_cast %add3A_482 : i32 to index
        %get3A_517 = arith.constant 48 : index
        %get3A_518 = tpu.vector_load %arg11[%get3A_516, %get3A_517] {strides = array<i32>} : memref<80x128xf32, #tpu.memory_space<vmem>>, vector<1x16xf32>,
        %get3A_519 = vector.shape_cast %get3A_518 : vector<1x16xf32> to vector<16xf32>
        %mul3A_520 = arith.mulf %get3A_519, %broadcast_in_dim3A_485 : vector<16xf32>
        %swap3A_521 = arith.index_cast %add3A_482 : i32 to index
        %swap3A_522 = arith.constant 48 : index
        %swap3A_523 = tpu.vector_load %arg11[%swap3A_521, %swap3A_522] {strides = array<i32>} : memref<80x128xf32, #tpu.memory_space<vmem>>, vector<1x16xf32>,
        %swap3A_524 = vector.shape_cast %swap3A_523 : vector<1x16xf32> to vector<16xf32>
        %swap3A_525 = vector.shape_cast %mul3A_520 : vector<16xf32> to vector<1x16xf32>
        tpu.vector_store %arg11[%swap3A_521, %swap3A_522], %swap3A_525 {strides = array<i32>} : memref<80x128xf32, #tpu.memory_space<vmem>>, vector<1x16xf32>,
        %get3A_526 = arith.index_cast %add3A_482 : i32 to index
        %get3A_527 = arith.constant 64 : index
        %get3A_528 = tpu.vector_load %arg11[%get3A_526, %get3A_527] {strides = array<i32>} : memref<80x128xf32, #tpu.memory_space<vmem>>, vector<1x16xf32>,
        %get3A_529 = vector.shape_cast %get3A_528 : vector<1x16xf32> to vector<16xf32>
        %mul3A_530 = arith.mulf %get3A_529, %broadcast_in_dim3A_485 : vector<16xf32>
        %swap3A_531 = arith.index_cast %add3A_482 : i32 to index
        %swap3A_532 = arith.constant 64 : index
        %swap3A_533 = tpu.vector_load %arg11[%swap3A_531, %swap3A_532] {strides = array<i32>} : memref<80x128xf32, #tpu.memory_space<vmem>>, vector<1x16xf32>,
        %swap3A_534 = vector.shape_cast %swap3A_533 : vector<1x16xf32> to vector<16xf32>
        %swap3A_535 = vector.shape_cast %mul3A_530 : vector<16xf32> to vector<1x16xf32>
        tpu.vector_store %arg11[%swap3A_531, %swap3A_532], %swap3A_535 {strides = array<i32>} : memref<80x128xf32, #tpu.memory_space<vmem>>, vector<1x16xf32>,
        %get3A_536 = arith.index_cast %add3A_482 : i32 to index
        %get3A_537 = arith.constant 80 : index
        %get3A_538 = tpu.vector_load %arg11[%get3A_536, %get3A_537] {strides = array<i32>} : memref<80x128xf32, #tpu.memory_space<vmem>>, vector<1x16xf32>,
        %get3A_539 = vector.shape_cast %get3A_538 : vector<1x16xf32> to vector<16xf32>
        %mul3A_540 = arith.mulf %get3A_539, %broadcast_in_dim3A_485 : vector<16xf32>
        %swap3A_541 = arith.index_cast %add3A_482 : i32 to index
        %swap3A_542 = arith.constant 80 : index
        %swap3A_543 = tpu.vector_load %arg11[%swap3A_541, %swap3A_542] {strides = array<i32>} : memref<80x128xf32, #tpu.memory_space<vmem>>, vector<1x16xf32>,
        %swap3A_544 = vector.shape_cast %swap3A_543 : vector<1x16xf32> to vector<16xf32>
        %swap3A_545 = vector.shape_cast %mul3A_540 : vector<16xf32> to vector<1x16xf32>
        tpu.vector_store %arg11[%swap3A_541, %swap3A_542], %swap3A_545 {strides = array<i32>} : memref<80x128xf32, #tpu.memory_space<vmem>>, vector<1x16xf32>,
        %get3A_546 = arith.index_cast %add3A_482 : i32 to index
        %get3A_547 = arith.constant 96 : index
        %get3A_548 = tpu.vector_load %arg11[%get3A_546, %get3A_547] {strides = array<i32>} : memref<80x128xf32, #tpu.memory_space<vmem>>, vector<1x16xf32>,
        %get3A_549 = vector.shape_cast %get3A_548 : vector<1x16xf32> to vector<16xf32>
        %mul3A_550 = arith.mulf %get3A_549, %broadcast_in_dim3A_485 : vector<16xf32>
        %swap3A_551 = arith.index_cast %add3A_482 : i32 to index
        %swap3A_552 = arith.constant 96 : index
        %swap3A_553 = tpu.vector_load %arg11[%swap3A_551, %swap3A_552] {strides = array<i32>} : memref<80x128xf32, #tpu.memory_space<vmem>>, vector<1x16xf32>,
        %swap3A_554 = vector.shape_cast %swap3A_553 : vector<1x16xf32> to vector<16xf32>
        %swap3A_555 = vector.shape_cast %mul3A_550 : vector<16xf32> to vector<1x16xf32>
        tpu.vector_store %arg11[%swap3A_551, %swap3A_552], %swap3A_555 {strides = array<i32>} : memref<80x128xf32, #tpu.memory_space<vmem>>, vector<1x16xf32>,
        %get3A_556 = arith.index_cast %add3A_482 : i32 to index
        %get3A_557 = arith.constant 112 : index
        %get3A_558 = tpu.vector_load %arg11[%get3A_556, %get3A_557] {strides = array<i32>} : memref<80x128xf32, #tpu.memory_space<vmem>>, vector<1x16xf32>,
        %get3A_559 = vector.shape_cast %get3A_558 : vector<1x16xf32> to vector<16xf32>
        %mul3A_560 = arith.mulf %get3A_559, %broadcast_in_dim3A_485 : vector<16xf32>
        %swap3A_561 = arith.index_cast %add3A_482 : i32 to index
        %swap3A_562 = arith.constant 112 : index
        %swap3A_563 = tpu.vector_load %arg11[%swap3A_561, %swap3A_562] {strides = array<i32>} : memref<80x128xf32, #tpu.memory_space<vmem>>, vector<1x16xf32>,
        %swap3A_564 = vector.shape_cast %swap3A_563 : vector<1x16xf32> to vector<16xf32>
        %swap3A_565 = vector.shape_cast %mul3A_560 : vector<16xf32> to vector<1x16xf32>
        tpu.vector_store %arg11[%swap3A_561, %swap3A_562], %swap3A_565 {strides = array<i32>} : memref<80x128xf32, #tpu.memory_space<vmem>>, vector<1x16xf32>,
        %mul3A_566 = arith.constant 16 : i32
        %mul3A_567 = arith.muli %scan3A_128, %mul3A_566 : i32
        %add3A_568 = arith.constant 5 : i32
        %add3A_569 = arith.addi %mul3A_567, %add3A_568 : i32
        %slice3A_570 = vector.extract_strided_slice %get3A_134 {offsets = [5], sizes = [1], strides = [1]} : vector<16xf32> to vector<1xf32>
        %squeeze3A_571 = vector.extract %slice3A_570[0] : f32 from vector<1xf32>
        %broadcast_in_dim3A_572 = vector.broadcast %squeeze3A_571 : f32 to vector<16xf32>
        %get3A_573 = arith.index_cast %add3A_569 : i32 to index
        %get3A_574 = arith.constant 0 : index
        %get3A_575 = tpu.vector_load %arg11[%get3A_573, %get3A_574] {strides = array<i32>} : memref<80x128xf32, #tpu.memory_space<vmem>>, vector<1x16xf32>,
        %get3A_576 = vector.shape_cast %get3A_575 : vector<1x16xf32> to vector<16xf32>
        %mul3A_577 = arith.mulf %get3A_576, %broadcast_in_dim3A_572 : vector<16xf32>
        %swap3A_578 = arith.index_cast %add3A_569 : i32 to index
        %swap3A_579 = arith.constant 0 : index
        %swap3A_580 = tpu.vector_load %arg11[%swap3A_578, %swap3A_579] {strides = array<i32>} : memref<80x128xf32, #tpu.memory_space<vmem>>, vector<1x16xf32>,
        %swap3A_581 = vector.shape_cast %swap3A_580 : vector<1x16xf32> to vector<16xf32>
        %swap3A_582 = vector.shape_cast %mul3A_577 : vector<16xf32> to vector<1x16xf32>
        tpu.vector_store %arg11[%swap3A_578, %swap3A_579], %swap3A_582 {strides = array<i32>} : memref<80x128xf32, #tpu.memory_space<vmem>>, vector<1x16xf32>,
        %get3A_583 = arith.index_cast %add3A_569 : i32 to index
        %get3A_584 = arith.constant 16 : index
        %get3A_585 = tpu.vector_load %arg11[%get3A_583, %get3A_584] {strides = array<i32>} : memref<80x128xf32, #tpu.memory_space<vmem>>, vector<1x16xf32>,
        %get3A_586 = vector.shape_cast %get3A_585 : vector<1x16xf32> to vector<16xf32>
        %mul3A_587 = arith.mulf %get3A_586, %broadcast_in_dim3A_572 : vector<16xf32>
        %swap3A_588 = arith.index_cast %add3A_569 : i32 to index
        %swap3A_589 = arith.constant 16 : index
        %swap3A_590 = tpu.vector_load %arg11[%swap3A_588, %swap3A_589] {strides = array<i32>} : memref<80x128xf32, #tpu.memory_space<vmem>>, vector<1x16xf32>,
        %swap3A_591 = vector.shape_cast %swap3A_590 : vector<1x16xf32> to vector<16xf32>
        %swap3A_592 = vector.shape_cast %mul3A_587 : vector<16xf32> to vector<1x16xf32>
        tpu.vector_store %arg11[%swap3A_588, %swap3A_589], %swap3A_592 {strides = array<i32>} : memref<80x128xf32, #tpu.memory_space<vmem>>, vector<1x16xf32>,
        %get3A_593 = arith.index_cast %add3A_569 : i32 to index
        %get3A_594 = arith.constant 32 : index
        %get3A_595 = tpu.vector_load %arg11[%get3A_593, %get3A_594] {strides = array<i32>} : memref<80x128xf32, #tpu.memory_space<vmem>>, vector<1x16xf32>,
        %get3A_596 = vector.shape_cast %get3A_595 : vector<1x16xf32> to vector<16xf32>
        %mul3A_597 = arith.mulf %get3A_596, %broadcast_in_dim3A_572 : vector<16xf32>
        %swap3A_598 = arith.index_cast %add3A_569 : i32 to index
        %swap3A_599 = arith.constant 32 : index
        %swap3A_600 = tpu.vector_load %arg11[%swap3A_598, %swap3A_599] {strides = array<i32>} : memref<80x128xf32, #tpu.memory_space<vmem>>, vector<1x16xf32>,
        %swap3A_601 = vector.shape_cast %swap3A_600 : vector<1x16xf32> to vector<16xf32>
        %swap3A_602 = vector.shape_cast %mul3A_597 : vector<16xf32> to vector<1x16xf32>
        tpu.vector_store %arg11[%swap3A_598, %swap3A_599], %swap3A_602 {strides = array<i32>} : memref<80x128xf32, #tpu.memory_space<vmem>>, vector<1x16xf32>,
        %get3A_603 = arith.index_cast %add3A_569 : i32 to index
        %get3A_604 = arith.constant 48 : index
        %get3A_605 = tpu.vector_load %arg11[%get3A_603, %get3A_604] {strides = array<i32>} : memref<80x128xf32, #tpu.memory_space<vmem>>, vector<1x16xf32>,
        %get3A_606 = vector.shape_cast %get3A_605 : vector<1x16xf32> to vector<16xf32>
        %mul3A_607 = arith.mulf %get3A_606, %broadcast_in_dim3A_572 : vector<16xf32>
        %swap3A_608 = arith.index_cast %add3A_569 : i32 to index
        %swap3A_609 = arith.constant 48 : index
        %swap3A_610 = tpu.vector_load %arg11[%swap3A_608, %swap3A_609] {strides = array<i32>} : memref<80x128xf32, #tpu.memory_space<vmem>>, vector<1x16xf32>,
        %swap3A_611 = vector.shape_cast %swap3A_610 : vector<1x16xf32> to vector<16xf32>
        %swap3A_612 = vector.shape_cast %mul3A_607 : vector<16xf32> to vector<1x16xf32>
        tpu.vector_store %arg11[%swap3A_608, %swap3A_609], %swap3A_612 {strides = array<i32>} : memref<80x128xf32, #tpu.memory_space<vmem>>, vector<1x16xf32>,
        %get3A_613 = arith.index_cast %add3A_569 : i32 to index
        %get3A_614 = arith.constant 64 : index
        %get3A_615 = tpu.vector_load %arg11[%get3A_613, %get3A_614] {strides = array<i32>} : memref<80x128xf32, #tpu.memory_space<vmem>>, vector<1x16xf32>,
        %get3A_616 = vector.shape_cast %get3A_615 : vector<1x16xf32> to vector<16xf32>
        %mul3A_617 = arith.mulf %get3A_616, %broadcast_in_dim3A_572 : vector<16xf32>
        %swap3A_618 = arith.index_cast %add3A_569 : i32 to index
        %swap3A_619 = arith.constant 64 : index
        %swap3A_620 = tpu.vector_load %arg11[%swap3A_618, %swap3A_619] {strides = array<i32>} : memref<80x128xf32, #tpu.memory_space<vmem>>, vector<1x16xf32>,
        %swap3A_621 = vector.shape_cast %swap3A_620 : vector<1x16xf32> to vector<16xf32>
        %swap3A_622 = vector.shape_cast %mul3A_617 : vector<16xf32> to vector<1x16xf32>
        tpu.vector_store %arg11[%swap3A_618, %swap3A_619], %swap3A_622 {strides = array<i32>} : memref<80x128xf32, #tpu.memory_space<vmem>>, vector<1x16xf32>,
        %get3A_623 = arith.index_cast %add3A_569 : i32 to index
        %get3A_624 = arith.constant 80 : index
        %get3A_625 = tpu.vector_load %arg11[%get3A_623, %get3A_624] {strides = array<i32>} : memref<80x128xf32, #tpu.memory_space<vmem>>, vector<1x16xf32>,
        %get3A_626 = vector.shape_cast %get3A_625 : vector<1x16xf32> to vector<16xf32>
        %mul3A_627 = arith.mulf %get3A_626, %broadcast_in_dim3A_572 : vector<16xf32>
        %swap3A_628 = arith.index_cast %add3A_569 : i32 to index
        %swap3A_629 = arith.constant 80 : index
        %swap3A_630 = tpu.vector_load %arg11[%swap3A_628, %swap3A_629] {strides = array<i32>} : memref<80x128xf32, #tpu.memory_space<vmem>>, vector<1x16xf32>,
        %swap3A_631 = vector.shape_cast %swap3A_630 : vector<1x16xf32> to vector<16xf32>
        %swap3A_632 = vector.shape_cast %mul3A_627 : vector<16xf32> to vector<1x16xf32>
        tpu.vector_store %arg11[%swap3A_628, %swap3A_629], %swap3A_632 {strides = array<i32>} : memref<80x128xf32, #tpu.memory_space<vmem>>, vector<1x16xf32>,
        %get3A_633 = arith.index_cast %add3A_569 : i32 to index
        %get3A_634 = arith.constant 96 : index
        %get3A_635 = tpu.vector_load %arg11[%get3A_633, %get3A_634] {strides = array<i32>} : memref<80x128xf32, #tpu.memory_space<vmem>>, vector<1x16xf32>,
        %get3A_636 = vector.shape_cast %get3A_635 : vector<1x16xf32> to vector<16xf32>
        %mul3A_637 = arith.mulf %get3A_636, %broadcast_in_dim3A_572 : vector<16xf32>
        %swap3A_638 = arith.index_cast %add3A_569 : i32 to index
        %swap3A_639 = arith.constant 96 : index
        %swap3A_640 = tpu.vector_load %arg11[%swap3A_638, %swap3A_639] {strides = array<i32>} : memref<80x128xf32, #tpu.memory_space<vmem>>, vector<1x16xf32>,
        %swap3A_641 = vector.shape_cast %swap3A_640 : vector<1x16xf32> to vector<16xf32>
        %swap3A_642 = vector.shape_cast %mul3A_637 : vector<16xf32> to vector<1x16xf32>
        tpu.vector_store %arg11[%swap3A_638, %swap3A_639], %swap3A_642 {strides = array<i32>} : memref<80x128xf32, #tpu.memory_space<vmem>>, vector<1x16xf32>,
        %get3A_643 = arith.index_cast %add3A_569 : i32 to index
        %get3A_644 = arith.constant 112 : index
        %get3A_645 = tpu.vector_load %arg11[%get3A_643, %get3A_644] {strides = array<i32>} : memref<80x128xf32, #tpu.memory_space<vmem>>, vector<1x16xf32>,
        %get3A_646 = vector.shape_cast %get3A_645 : vector<1x16xf32> to vector<16xf32>
        %mul3A_647 = arith.mulf %get3A_646, %broadcast_in_dim3A_572 : vector<16xf32>
        %swap3A_648 = arith.index_cast %add3A_569 : i32 to index
        %swap3A_649 = arith.constant 112 : index
        %swap3A_650 = tpu.vector_load %arg11[%swap3A_648, %swap3A_649] {strides = array<i32>} : memref<80x128xf32, #tpu.memory_space<vmem>>, vector<1x16xf32>,
        %swap3A_651 = vector.shape_cast %swap3A_650 : vector<1x16xf32> to vector<16xf32>
        %swap3A_652 = vector.shape_cast %mul3A_647 : vector<16xf32> to vector<1x16xf32>
        tpu.vector_store %arg11[%swap3A_648, %swap3A_649], %swap3A_652 {strides = array<i32>} : memref<80x128xf32, #tpu.memory_space<vmem>>, vector<1x16xf32>,
        %mul3A_653 = arith.constant 16 : i32
        %mul3A_654 = arith.muli %scan3A_128, %mul3A_653 : i32
        %add3A_655 = arith.constant 6 : i32
        %add3A_656 = arith.addi %mul3A_654, %add3A_655 : i32
        %slice3A_657 = vector.extract_strided_slice %get3A_134 {offsets = [6], sizes = [1], strides = [1]} : vector<16xf32> to vector<1xf32>
        %squeeze3A_658 = vector.extract %slice3A_657[0] : f32 from vector<1xf32>
        %broadcast_in_dim3A_659 = vector.broadcast %squeeze3A_658 : f32 to vector<16xf32>
        %get3A_660 = arith.index_cast %add3A_656 : i32 to index
        %get3A_661 = arith.constant 0 : index
        %get3A_662 = tpu.vector_load %arg11[%get3A_660, %get3A_661] {strides = array<i32>} : memref<80x128xf32, #tpu.memory_space<vmem>>, vector<1x16xf32>,
        %get3A_663 = vector.shape_cast %get3A_662 : vector<1x16xf32> to vector<16xf32>
        %mul3A_664 = arith.mulf %get3A_663, %broadcast_in_dim3A_659 : vector<16xf32>
        %swap3A_665 = arith.index_cast %add3A_656 : i32 to index
        %swap3A_666 = arith.constant 0 : index
        %swap3A_667 = tpu.vector_load %arg11[%swap3A_665, %swap3A_666] {strides = array<i32>} : memref<80x128xf32, #tpu.memory_space<vmem>>, vector<1x16xf32>,
        %swap3A_668 = vector.shape_cast %swap3A_667 : vector<1x16xf32> to vector<16xf32>
        %swap3A_669 = vector.shape_cast %mul3A_664 : vector<16xf32> to vector<1x16xf32>
        tpu.vector_store %arg11[%swap3A_665, %swap3A_666], %swap3A_669 {strides = array<i32>} : memref<80x128xf32, #tpu.memory_space<vmem>>, vector<1x16xf32>,
        %get3A_670 = arith.index_cast %add3A_656 : i32 to index
        %get3A_671 = arith.constant 16 : index
        %get3A_672 = tpu.vector_load %arg11[%get3A_670, %get3A_671] {strides = array<i32>} : memref<80x128xf32, #tpu.memory_space<vmem>>, vector<1x16xf32>,
        %get3A_673 = vector.shape_cast %get3A_672 : vector<1x16xf32> to vector<16xf32>
        %mul3A_674 = arith.mulf %get3A_673, %broadcast_in_dim3A_659 : vector<16xf32>
        %swap3A_675 = arith.index_cast %add3A_656 : i32 to index
        %swap3A_676 = arith.constant 16 : index
        %swap3A_677 = tpu.vector_load %arg11[%swap3A_675, %swap3A_676] {strides = array<i32>} : memref<80x128xf32, #tpu.memory_space<vmem>>, vector<1x16xf32>,
        %swap3A_678 = vector.shape_cast %swap3A_677 : vector<1x16xf32> to vector<16xf32>
        %swap3A_679 = vector.shape_cast %mul3A_674 : vector<16xf32> to vector<1x16xf32>
        tpu.vector_store %arg11[%swap3A_675, %swap3A_676], %swap3A_679 {strides = array<i32>} : memref<80x128xf32, #tpu.memory_space<vmem>>, vector<1x16xf32>,
        %get3A_680 = arith.index_cast %add3A_656 : i32 to index
        %get3A_681 = arith.constant 32 : index
        %get3A_682 = tpu.vector_load %arg11[%get3A_680, %get3A_681] {strides = array<i32>} : memref<80x128xf32, #tpu.memory_space<vmem>>, vector<1x16xf32>,
        %get3A_683 = vector.shape_cast %get3A_682 : vector<1x16xf32> to vector<16xf32>
        %mul3A_684 = arith.mulf %get3A_683, %broadcast_in_dim3A_659 : vector<16xf32>
        %swap3A_685 = arith.index_cast %add3A_656 : i32 to index
        %swap3A_686 = arith.constant 32 : index
        %swap3A_687 = tpu.vector_load %arg11[%swap3A_685, %swap3A_686] {strides = array<i32>} : memref<80x128xf32, #tpu.memory_space<vmem>>, vector<1x16xf32>,
        %swap3A_688 = vector.shape_cast %swap3A_687 : vector<1x16xf32> to vector<16xf32>
        %swap3A_689 = vector.shape_cast %mul3A_684 : vector<16xf32> to vector<1x16xf32>
        tpu.vector_store %arg11[%swap3A_685, %swap3A_686], %swap3A_689 {strides = array<i32>} : memref<80x128xf32, #tpu.memory_space<vmem>>, vector<1x16xf32>,
        %get3A_690 = arith.index_cast %add3A_656 : i32 to index
        %get3A_691 = arith.constant 48 : index
        %get3A_692 = tpu.vector_load %arg11[%get3A_690, %get3A_691] {strides = array<i32>} : memref<80x128xf32, #tpu.memory_space<vmem>>, vector<1x16xf32>,
        %get3A_693 = vector.shape_cast %get3A_692 : vector<1x16xf32> to vector<16xf32>
        %mul3A_694 = arith.mulf %get3A_693, %broadcast_in_dim3A_659 : vector<16xf32>
        %swap3A_695 = arith.index_cast %add3A_656 : i32 to index
        %swap3A_696 = arith.constant 48 : index
        %swap3A_697 = tpu.vector_load %arg11[%swap3A_695, %swap3A_696] {strides = array<i32>} : memref<80x128xf32, #tpu.memory_space<vmem>>, vector<1x16xf32>,
        %swap3A_698 = vector.shape_cast %swap3A_697 : vector<1x16xf32> to vector<16xf32>
        %swap3A_699 = vector.shape_cast %mul3A_694 : vector<16xf32> to vector<1x16xf32>
        tpu.vector_store %arg11[%swap3A_695, %swap3A_696], %swap3A_699 {strides = array<i32>} : memref<80x128xf32, #tpu.memory_space<vmem>>, vector<1x16xf32>,
        %get3A_700 = arith.index_cast %add3A_656 : i32 to index
        %get3A_701 = arith.constant 64 : index
        %get3A_702 = tpu.vector_load %arg11[%get3A_700, %get3A_701] {strides = array<i32>} : memref<80x128xf32, #tpu.memory_space<vmem>>, vector<1x16xf32>,
        %get3A_703 = vector.shape_cast %get3A_702 : vector<1x16xf32> to vector<16xf32>
        %mul3A_704 = arith.mulf %get3A_703, %broadcast_in_dim3A_659 : vector<16xf32>
        %swap3A_705 = arith.index_cast %add3A_656 : i32 to index
        %swap3A_706 = arith.constant 64 : index
        %swap3A_707 = tpu.vector_load %arg11[%swap3A_705, %swap3A_706] {strides = array<i32>} : memref<80x128xf32, #tpu.memory_space<vmem>>, vector<1x16xf32>,
        %swap3A_708 = vector.shape_cast %swap3A_707 : vector<1x16xf32> to vector<16xf32>
        %swap3A_709 = vector.shape_cast %mul3A_704 : vector<16xf32> to vector<1x16xf32>
        tpu.vector_store %arg11[%swap3A_705, %swap3A_706], %swap3A_709 {strides = array<i32>} : memref<80x128xf32, #tpu.memory_space<vmem>>, vector<1x16xf32>,
        %get3A_710 = arith.index_cast %add3A_656 : i32 to index
        %get3A_711 = arith.constant 80 : index
        %get3A_712 = tpu.vector_load %arg11[%get3A_710, %get3A_711] {strides = array<i32>} : memref<80x128xf32, #tpu.memory_space<vmem>>, vector<1x16xf32>,
        %get3A_713 = vector.shape_cast %get3A_712 : vector<1x16xf32> to vector<16xf32>
        %mul3A_714 = arith.mulf %get3A_713, %broadcast_in_dim3A_659 : vector<16xf32>
        %swap3A_715 = arith.index_cast %add3A_656 : i32 to index
        %swap3A_716 = arith.constant 80 : index
        %swap3A_717 = tpu.vector_load %arg11[%swap3A_715, %swap3A_716] {strides = array<i32>} : memref<80x128xf32, #tpu.memory_space<vmem>>, vector<1x16xf32>,
        %swap3A_718 = vector.shape_cast %swap3A_717 : vector<1x16xf32> to vector<16xf32>
        %swap3A_719 = vector.shape_cast %mul3A_714 : vector<16xf32> to vector<1x16xf32>
        tpu.vector_store %arg11[%swap3A_715, %swap3A_716], %swap3A_719 {strides = array<i32>} : memref<80x128xf32, #tpu.memory_space<vmem>>, vector<1x16xf32>,
        %get3A_720 = arith.index_cast %add3A_656 : i32 to index
        %get3A_721 = arith.constant 96 : index
        %get3A_722 = tpu.vector_load %arg11[%get3A_720, %get3A_721] {strides = array<i32>} : memref<80x128xf32, #tpu.memory_space<vmem>>, vector<1x16xf32>,
        %get3A_723 = vector.shape_cast %get3A_722 : vector<1x16xf32> to vector<16xf32>
        %mul3A_724 = arith.mulf %get3A_723, %broadcast_in_dim3A_659 : vector<16xf32>
        %swap3A_725 = arith.index_cast %add3A_656 : i32 to index
        %swap3A_726 = arith.constant 96 : index
        %swap3A_727 = tpu.vector_load %arg11[%swap3A_725, %swap3A_726] {strides = array<i32>} : memref<80x128xf32, #tpu.memory_space<vmem>>, vector<1x16xf32>,
        %swap3A_728 = vector.shape_cast %swap3A_727 : vector<1x16xf32> to vector<16xf32>
        %swap3A_729 = vector.shape_cast %mul3A_724 : vector<16xf32> to vector<1x16xf32>
        tpu.vector_store %arg11[%swap3A_725, %swap3A_726], %swap3A_729 {strides = array<i32>} : memref<80x128xf32, #tpu.memory_space<vmem>>, vector<1x16xf32>,
        %get3A_730 = arith.index_cast %add3A_656 : i32 to index
        %get3A_731 = arith.constant 112 : index
        %get3A_732 = tpu.vector_load %arg11[%get3A_730, %get3A_731] {strides = array<i32>} : memref<80x128xf32, #tpu.memory_space<vmem>>, vector<1x16xf32>,
        %get3A_733 = vector.shape_cast %get3A_732 : vector<1x16xf32> to vector<16xf32>
        %mul3A_734 = arith.mulf %get3A_733, %broadcast_in_dim3A_659 : vector<16xf32>
        %swap3A_735 = arith.index_cast %add3A_656 : i32 to index
        %swap3A_736 = arith.constant 112 : index
        %swap3A_737 = tpu.vector_load %arg11[%swap3A_735, %swap3A_736] {strides = array<i32>} : memref<80x128xf32, #tpu.memory_space<vmem>>, vector<1x16xf32>,
        %swap3A_738 = vector.shape_cast %swap3A_737 : vector<1x16xf32> to vector<16xf32>
        %swap3A_739 = vector.shape_cast %mul3A_734 : vector<16xf32> to vector<1x16xf32>
        tpu.vector_store %arg11[%swap3A_735, %swap3A_736], %swap3A_739 {strides = array<i32>} : memref<80x128xf32, #tpu.memory_space<vmem>>, vector<1x16xf32>,
        %mul3A_740 = arith.constant 16 : i32
        %mul3A_741 = arith.muli %scan3A_128, %mul3A_740 : i32
        %add3A_742 = arith.constant 7 : i32
        %add3A_743 = arith.addi %mul3A_741, %add3A_742 : i32
        %slice3A_744 = vector.extract_strided_slice %get3A_134 {offsets = [7], sizes = [1], strides = [1]} : vector<16xf32> to vector<1xf32>
        %squeeze3A_745 = vector.extract %slice3A_744[0] : f32 from vector<1xf32>
        %broadcast_in_dim3A_746 = vector.broadcast %squeeze3A_745 : f32 to vector<16xf32>
        %get3A_747 = arith.index_cast %add3A_743 : i32 to index
        %get3A_748 = arith.constant 0 : index
        %get3A_749 = tpu.vector_load %arg11[%get3A_747, %get3A_748] {strides = array<i32>} : memref<80x128xf32, #tpu.memory_space<vmem>>, vector<1x16xf32>,
        %get3A_750 = vector.shape_cast %get3A_749 : vector<1x16xf32> to vector<16xf32>
        %mul3A_751 = arith.mulf %get3A_750, %broadcast_in_dim3A_746 : vector<16xf32>
        %swap3A_752 = arith.index_cast %add3A_743 : i32 to index
        %swap3A_753 = arith.constant 0 : index
        %swap3A_754 = tpu.vector_load %arg11[%swap3A_752, %swap3A_753] {strides = array<i32>} : memref<80x128xf32, #tpu.memory_space<vmem>>, vector<1x16xf32>,
        %swap3A_755 = vector.shape_cast %swap3A_754 : vector<1x16xf32> to vector<16xf32>
        %swap3A_756 = vector.shape_cast %mul3A_751 : vector<16xf32> to vector<1x16xf32>
        tpu.vector_store %arg11[%swap3A_752, %swap3A_753], %swap3A_756 {strides = array<i32>} : memref<80x128xf32, #tpu.memory_space<vmem>>, vector<1x16xf32>,
        %get3A_757 = arith.index_cast %add3A_743 : i32 to index
        %get3A_758 = arith.constant 16 : index
        %get3A_759 = tpu.vector_load %arg11[%get3A_757, %get3A_758] {strides = array<i32>} : memref<80x128xf32, #tpu.memory_space<vmem>>, vector<1x16xf32>,
        %get3A_760 = vector.shape_cast %get3A_759 : vector<1x16xf32> to vector<16xf32>
        %mul3A_761 = arith.mulf %get3A_760, %broadcast_in_dim3A_746 : vector<16xf32>
        %swap3A_762 = arith.index_cast %add3A_743 : i32 to index
        %swap3A_763 = arith.constant 16 : index
        %swap3A_764 = tpu.vector_load %arg11[%swap3A_762, %swap3A_763] {strides = array<i32>} : memref<80x128xf32, #tpu.memory_space<vmem>>, vector<1x16xf32>,
        %swap3A_765 = vector.shape_cast %swap3A_764 : vector<1x16xf32> to vector<16xf32>
        %swap3A_766 = vector.shape_cast %mul3A_761 : vector<16xf32> to vector<1x16xf32>
        tpu.vector_store %arg11[%swap3A_762, %swap3A_763], %swap3A_766 {strides = array<i32>} : memref<80x128xf32, #tpu.memory_space<vmem>>, vector<1x16xf32>,
        %get3A_767 = arith.index_cast %add3A_743 : i32 to index
        %get3A_768 = arith.constant 32 : index
        %get3A_769 = tpu.vector_load %arg11[%get3A_767, %get3A_768] {strides = array<i32>} : memref<80x128xf32, #tpu.memory_space<vmem>>, vector<1x16xf32>,
        %get3A_770 = vector.shape_cast %get3A_769 : vector<1x16xf32> to vector<16xf32>
        %mul3A_771 = arith.mulf %get3A_770, %broadcast_in_dim3A_746 : vector<16xf32>
        %swap3A_772 = arith.index_cast %add3A_743 : i32 to index
        %swap3A_773 = arith.constant 32 : index
        %swap3A_774 = tpu.vector_load %arg11[%swap3A_772, %swap3A_773] {strides = array<i32>} : memref<80x128xf32, #tpu.memory_space<vmem>>, vector<1x16xf32>,
        %swap3A_775 = vector.shape_cast %swap3A_774 : vector<1x16xf32> to vector<16xf32>
        %swap3A_776 = vector.shape_cast %mul3A_771 : vector<16xf32> to vector<1x16xf32>
        tpu.vector_store %arg11[%swap3A_772, %swap3A_773], %swap3A_776 {strides = array<i32>} : memref<80x128xf32, #tpu.memory_space<vmem>>, vector<1x16xf32>,
        %get3A_777 = arith.index_cast %add3A_743 : i32 to index
        %get3A_778 = arith.constant 48 : index
        %get3A_779 = tpu.vector_load %arg11[%get3A_777, %get3A_778] {strides = array<i32>} : memref<80x128xf32, #tpu.memory_space<vmem>>, vector<1x16xf32>,
        %get3A_780 = vector.shape_cast %get3A_779 : vector<1x16xf32> to vector<16xf32>
        %mul3A_781 = arith.mulf %get3A_780, %broadcast_in_dim3A_746 : vector<16xf32>
        %swap3A_782 = arith.index_cast %add3A_743 : i32 to index
        %swap3A_783 = arith.constant 48 : index
        %swap3A_784 = tpu.vector_load %arg11[%swap3A_782, %swap3A_783] {strides = array<i32>} : memref<80x128xf32, #tpu.memory_space<vmem>>, vector<1x16xf32>,
        %swap3A_785 = vector.shape_cast %swap3A_784 : vector<1x16xf32> to vector<16xf32>
        %swap3A_786 = vector.shape_cast %mul3A_781 : vector<16xf32> to vector<1x16xf32>
        tpu.vector_store %arg11[%swap3A_782, %swap3A_783], %swap3A_786 {strides = array<i32>} : memref<80x128xf32, #tpu.memory_space<vmem>>, vector<1x16xf32>,
        %get3A_787 = arith.index_cast %add3A_743 : i32 to index
        %get3A_788 = arith.constant 64 : index
        %get3A_789 = tpu.vector_load %arg11[%get3A_787, %get3A_788] {strides = array<i32>} : memref<80x128xf32, #tpu.memory_space<vmem>>, vector<1x16xf32>,
        %get3A_790 = vector.shape_cast %get3A_789 : vector<1x16xf32> to vector<16xf32>
        %mul3A_791 = arith.mulf %get3A_790, %broadcast_in_dim3A_746 : vector<16xf32>
        %swap3A_792 = arith.index_cast %add3A_743 : i32 to index
        %swap3A_793 = arith.constant 64 : index
        %swap3A_794 = tpu.vector_load %arg11[%swap3A_792, %swap3A_793] {strides = array<i32>} : memref<80x128xf32, #tpu.memory_space<vmem>>, vector<1x16xf32>,
        %swap3A_795 = vector.shape_cast %swap3A_794 : vector<1x16xf32> to vector<16xf32>
        %swap3A_796 = vector.shape_cast %mul3A_791 : vector<16xf32> to vector<1x16xf32>
        tpu.vector_store %arg11[%swap3A_792, %swap3A_793], %swap3A_796 {strides = array<i32>} : memref<80x128xf32, #tpu.memory_space<vmem>>, vector<1x16xf32>,
        %get3A_797 = arith.index_cast %add3A_743 : i32 to index
        %get3A_798 = arith.constant 80 : index
        %get3A_799 = tpu.vector_load %arg11[%get3A_797, %get3A_798] {strides = array<i32>} : memref<80x128xf32, #tpu.memory_space<vmem>>, vector<1x16xf32>,
        %get3A_800 = vector.shape_cast %get3A_799 : vector<1x16xf32> to vector<16xf32>
        %mul3A_801 = arith.mulf %get3A_800, %broadcast_in_dim3A_746 : vector<16xf32>
        %swap3A_802 = arith.index_cast %add3A_743 : i32 to index
        %swap3A_803 = arith.constant 80 : index
        %swap3A_804 = tpu.vector_load %arg11[%swap3A_802, %swap3A_803] {strides = array<i32>} : memref<80x128xf32, #tpu.memory_space<vmem>>, vector<1x16xf32>,
        %swap3A_805 = vector.shape_cast %swap3A_804 : vector<1x16xf32> to vector<16xf32>
        %swap3A_806 = vector.shape_cast %mul3A_801 : vector<16xf32> to vector<1x16xf32>
        tpu.vector_store %arg11[%swap3A_802, %swap3A_803], %swap3A_806 {strides = array<i32>} : memref<80x128xf32, #tpu.memory_space<vmem>>, vector<1x16xf32>,
        %get3A_807 = arith.index_cast %add3A_743 : i32 to index
        %get3A_808 = arith.constant 96 : index
        %get3A_809 = tpu.vector_load %arg11[%get3A_807, %get3A_808] {strides = array<i32>} : memref<80x128xf32, #tpu.memory_space<vmem>>, vector<1x16xf32>,
        %get3A_810 = vector.shape_cast %get3A_809 : vector<1x16xf32> to vector<16xf32>
        %mul3A_811 = arith.mulf %get3A_810, %broadcast_in_dim3A_746 : vector<16xf32>
        %swap3A_812 = arith.index_cast %add3A_743 : i32 to index
        %swap3A_813 = arith.constant 96 : index
        %swap3A_814 = tpu.vector_load %arg11[%swap3A_812, %swap3A_813] {strides = array<i32>} : memref<80x128xf32, #tpu.memory_space<vmem>>, vector<1x16xf32>,
        %swap3A_815 = vector.shape_cast %swap3A_814 : vector<1x16xf32> to vector<16xf32>
        %swap3A_816 = vector.shape_cast %mul3A_811 : vector<16xf32> to vector<1x16xf32>
        tpu.vector_store %arg11[%swap3A_812, %swap3A_813], %swap3A_816 {strides = array<i32>} : memref<80x128xf32, #tpu.memory_space<vmem>>, vector<1x16xf32>,
        %get3A_817 = arith.index_cast %add3A_743 : i32 to index
        %get3A_818 = arith.constant 112 : index
        %get3A_819 = tpu.vector_load %arg11[%get3A_817, %get3A_818] {strides = array<i32>} : memref<80x128xf32, #tpu.memory_space<vmem>>, vector<1x16xf32>,
        %get3A_820 = vector.shape_cast %get3A_819 : vector<1x16xf32> to vector<16xf32>
        %mul3A_821 = arith.mulf %get3A_820, %broadcast_in_dim3A_746 : vector<16xf32>
        %swap3A_822 = arith.index_cast %add3A_743 : i32 to index
        %swap3A_823 = arith.constant 112 : index
        %swap3A_824 = tpu.vector_load %arg11[%swap3A_822, %swap3A_823] {strides = array<i32>} : memref<80x128xf32, #tpu.memory_space<vmem>>, vector<1x16xf32>,
        %swap3A_825 = vector.shape_cast %swap3A_824 : vector<1x16xf32> to vector<16xf32>
        %swap3A_826 = vector.shape_cast %mul3A_821 : vector<16xf32> to vector<1x16xf32>
        tpu.vector_store %arg11[%swap3A_822, %swap3A_823], %swap3A_826 {strides = array<i32>} : memref<80x128xf32, #tpu.memory_space<vmem>>, vector<1x16xf32>,
        %mul3A_827 = arith.constant 16 : i32
        %mul3A_828 = arith.muli %scan3A_128, %mul3A_827 : i32
        %add3A_829 = arith.constant 8 : i32
        %add3A_830 = arith.addi %mul3A_828, %add3A_829 : i32
        %slice3A_831 = vector.extract_strided_slice %get3A_134 {offsets = [8], sizes = [1], strides = [1]} : vector<16xf32> to vector<1xf32>
        %squeeze3A_832 = vector.extract %slice3A_831[0] : f32 from vector<1xf32>
        %broadcast_in_dim3A_833 = vector.broadcast %squeeze3A_832 : f32 to vector<16xf32>
        %get3A_834 = arith.index_cast %add3A_830 : i32 to index
        %get3A_835 = arith.constant 0 : index
        %get3A_836 = tpu.vector_load %arg11[%get3A_834, %get3A_835] {strides = array<i32>} : memref<80x128xf32, #tpu.memory_space<vmem>>, vector<1x16xf32>,
        %get3A_837 = vector.shape_cast %get3A_836 : vector<1x16xf32> to vector<16xf32>
        %mul3A_838 = arith.mulf %get3A_837, %broadcast_in_dim3A_833 : vector<16xf32>
        %swap3A_839 = arith.index_cast %add3A_830 : i32 to index
        %swap3A_840 = arith.constant 0 : index
        %swap3A_841 = tpu.vector_load %arg11[%swap3A_839, %swap3A_840] {strides = array<i32>} : memref<80x128xf32, #tpu.memory_space<vmem>>, vector<1x16xf32>,
        %swap3A_842 = vector.shape_cast %swap3A_841 : vector<1x16xf32> to vector<16xf32>
        %swap3A_843 = vector.shape_cast %mul3A_838 : vector<16xf32> to vector<1x16xf32>
        tpu.vector_store %arg11[%swap3A_839, %swap3A_840], %swap3A_843 {strides = array<i32>} : memref<80x128xf32, #tpu.memory_space<vmem>>, vector<1x16xf32>,
        %get3A_844 = arith.index_cast %add3A_830 : i32 to index
        %get3A_845 = arith.constant 16 : index
        %get3A_846 = tpu.vector_load %arg11[%get3A_844, %get3A_845] {strides = array<i32>} : memref<80x128xf32, #tpu.memory_space<vmem>>, vector<1x16xf32>,
        %get3A_847 = vector.shape_cast %get3A_846 : vector<1x16xf32> to vector<16xf32>
        %mul3A_848 = arith.mulf %get3A_847, %broadcast_in_dim3A_833 : vector<16xf32>
        %swap3A_849 = arith.index_cast %add3A_830 : i32 to index
        %swap3A_850 = arith.constant 16 : index
        %swap3A_851 = tpu.vector_load %arg11[%swap3A_849, %swap3A_850] {strides = array<i32>} : memref<80x128xf32, #tpu.memory_space<vmem>>, vector<1x16xf32>,
        %swap3A_852 = vector.shape_cast %swap3A_851 : vector<1x16xf32> to vector<16xf32>
        %swap3A_853 = vector.shape_cast %mul3A_848 : vector<16xf32> to vector<1x16xf32>
        tpu.vector_store %arg11[%swap3A_849, %swap3A_850], %swap3A_853 {strides = array<i32>} : memref<80x128xf32, #tpu.memory_space<vmem>>, vector<1x16xf32>,
        %get3A_854 = arith.index_cast %add3A_830 : i32 to index
        %get3A_855 = arith.constant 32 : index
        %get3A_856 = tpu.vector_load %arg11[%get3A_854, %get3A_855] {strides = array<i32>} : memref<80x128xf32, #tpu.memory_space<vmem>>, vector<1x16xf32>,
        %get3A_857 = vector.shape_cast %get3A_856 : vector<1x16xf32> to vector<16xf32>
        %mul3A_858 = arith.mulf %get3A_857, %broadcast_in_dim3A_833 : vector<16xf32>
        %swap3A_859 = arith.index_cast %add3A_830 : i32 to index
        %swap3A_860 = arith.constant 32 : index
        %swap3A_861 = tpu.vector_load %arg11[%swap3A_859, %swap3A_860] {strides = array<i32>} : memref<80x128xf32, #tpu.memory_space<vmem>>, vector<1x16xf32>,
        %swap3A_862 = vector.shape_cast %swap3A_861 : vector<1x16xf32> to vector<16xf32>
        %swap3A_863 = vector.shape_cast %mul3A_858 : vector<16xf32> to vector<1x16xf32>
        tpu.vector_store %arg11[%swap3A_859, %swap3A_860], %swap3A_863 {strides = array<i32>} : memref<80x128xf32, #tpu.memory_space<vmem>>, vector<1x16xf32>,
        %get3A_864 = arith.index_cast %add3A_830 : i32 to index
        %get3A_865 = arith.constant 48 : index
        %get3A_866 = tpu.vector_load %arg11[%get3A_864, %get3A_865] {strides = array<i32>} : memref<80x128xf32, #tpu.memory_space<vmem>>, vector<1x16xf32>,
        %get3A_867 = vector.shape_cast %get3A_866 : vector<1x16xf32> to vector<16xf32>
        %mul3A_868 = arith.mulf %get3A_867, %broadcast_in_dim3A_833 : vector<16xf32>
        %swap3A_869 = arith.index_cast %add3A_830 : i32 to index
        %swap3A_870 = arith.constant 48 : index
        %swap3A_871 = tpu.vector_load %arg11[%swap3A_869, %swap3A_870] {strides = array<i32>} : memref<80x128xf32, #tpu.memory_space<vmem>>, vector<1x16xf32>,
        %swap3A_872 = vector.shape_cast %swap3A_871 : vector<1x16xf32> to vector<16xf32>
        %swap3A_873 = vector.shape_cast %mul3A_868 : vector<16xf32> to vector<1x16xf32>
        tpu.vector_store %arg11[%swap3A_869, %swap3A_870], %swap3A_873 {strides = array<i32>} : memref<80x128xf32, #tpu.memory_space<vmem>>, vector<1x16xf32>,
        %get3A_874 = arith.index_cast %add3A_830 : i32 to index
        %get3A_875 = arith.constant 64 : index
        %get3A_876 = tpu.vector_load %arg11[%get3A_874, %get3A_875] {strides = array<i32>} : memref<80x128xf32, #tpu.memory_space<vmem>>, vector<1x16xf32>,
        %get3A_877 = vector.shape_cast %get3A_876 : vector<1x16xf32> to vector<16xf32>
        %mul3A_878 = arith.mulf %get3A_877, %broadcast_in_dim3A_833 : vector<16xf32>
        %swap3A_879 = arith.index_cast %add3A_830 : i32 to index
        %swap3A_880 = arith.constant 64 : index
        %swap3A_881 = tpu.vector_load %arg11[%swap3A_879, %swap3A_880] {strides = array<i32>} : memref<80x128xf32, #tpu.memory_space<vmem>>, vector<1x16xf32>,
        %swap3A_882 = vector.shape_cast %swap3A_881 : vector<1x16xf32> to vector<16xf32>
        %swap3A_883 = vector.shape_cast %mul3A_878 : vector<16xf32> to vector<1x16xf32>
        tpu.vector_store %arg11[%swap3A_879, %swap3A_880], %swap3A_883 {strides = array<i32>} : memref<80x128xf32, #tpu.memory_space<vmem>>, vector<1x16xf32>,
        %get3A_884 = arith.index_cast %add3A_830 : i32 to index
        %get3A_885 = arith.constant 80 : index
        %get3A_886 = tpu.vector_load %arg11[%get3A_884, %get3A_885] {strides = array<i32>} : memref<80x128xf32, #tpu.memory_space<vmem>>, vector<1x16xf32>,
        %get3A_887 = vector.shape_cast %get3A_886 : vector<1x16xf32> to vector<16xf32>
        %mul3A_888 = arith.mulf %get3A_887, %broadcast_in_dim3A_833 : vector<16xf32>
        %swap3A_889 = arith.index_cast %add3A_830 : i32 to index
        %swap3A_890 = arith.constant 80 : index
        %swap3A_891 = tpu.vector_load %arg11[%swap3A_889, %swap3A_890] {strides = array<i32>} : memref<80x128xf32, #tpu.memory_space<vmem>>, vector<1x16xf32>,
        %swap3A_892 = vector.shape_cast %swap3A_891 : vector<1x16xf32> to vector<16xf32>
        %swap3A_893 = vector.shape_cast %mul3A_888 : vector<16xf32> to vector<1x16xf32>
        tpu.vector_store %arg11[%swap3A_889, %swap3A_890], %swap3A_893 {strides = array<i32>} : memref<80x128xf32, #tpu.memory_space<vmem>>, vector<1x16xf32>,
        %get3A_894 = arith.index_cast %add3A_830 : i32 to index
        %get3A_895 = arith.constant 96 : index
        %get3A_896 = tpu.vector_load %arg11[%get3A_894, %get3A_895] {strides = array<i32>} : memref<80x128xf32, #tpu.memory_space<vmem>>, vector<1x16xf32>,
        %get3A_897 = vector.shape_cast %get3A_896 : vector<1x16xf32> to vector<16xf32>
        %mul3A_898 = arith.mulf %get3A_897, %broadcast_in_dim3A_833 : vector<16xf32>
        %swap3A_899 = arith.index_cast %add3A_830 : i32 to index
        %swap3A_900 = arith.constant 96 : index
        %swap3A_901 = tpu.vector_load %arg11[%swap3A_899, %swap3A_900] {strides = array<i32>} : memref<80x128xf32, #tpu.memory_space<vmem>>, vector<1x16xf32>,
        %swap3A_902 = vector.shape_cast %swap3A_901 : vector<1x16xf32> to vector<16xf32>
        %swap3A_903 = vector.shape_cast %mul3A_898 : vector<16xf32> to vector<1x16xf32>
        tpu.vector_store %arg11[%swap3A_899, %swap3A_900], %swap3A_903 {strides = array<i32>} : memref<80x128xf32, #tpu.memory_space<vmem>>, vector<1x16xf32>,
        %get3A_904 = arith.index_cast %add3A_830 : i32 to index
        %get3A_905 = arith.constant 112 : index
        %get3A_906 = tpu.vector_load %arg11[%get3A_904, %get3A_905] {strides = array<i32>} : memref<80x128xf32, #tpu.memory_space<vmem>>, vector<1x16xf32>,
        %get3A_907 = vector.shape_cast %get3A_906 : vector<1x16xf32> to vector<16xf32>
        %mul3A_908 = arith.mulf %get3A_907, %broadcast_in_dim3A_833 : vector<16xf32>
        %swap3A_909 = arith.index_cast %add3A_830 : i32 to index
        %swap3A_910 = arith.constant 112 : index
        %swap3A_911 = tpu.vector_load %arg11[%swap3A_909, %swap3A_910] {strides = array<i32>} : memref<80x128xf32, #tpu.memory_space<vmem>>, vector<1x16xf32>,
        %swap3A_912 = vector.shape_cast %swap3A_911 : vector<1x16xf32> to vector<16xf32>
        %swap3A_913 = vector.shape_cast %mul3A_908 : vector<16xf32> to vector<1x16xf32>
        tpu.vector_store %arg11[%swap3A_909, %swap3A_910], %swap3A_913 {strides = array<i32>} : memref<80x128xf32, #tpu.memory_space<vmem>>, vector<1x16xf32>,
        %mul3A_914 = arith.constant 16 : i32
        %mul3A_915 = arith.muli %scan3A_128, %mul3A_914 : i32
        %add3A_916 = arith.constant 9 : i32
        %add3A_917 = arith.addi %mul3A_915, %add3A_916 : i32
        %slice3A_918 = vector.extract_strided_slice %get3A_134 {offsets = [9], sizes = [1], strides = [1]} : vector<16xf32> to vector<1xf32>
        %squeeze3A_919 = vector.extract %slice3A_918[0] : f32 from vector<1xf32>
        %broadcast_in_dim3A_920 = vector.broadcast %squeeze3A_919 : f32 to vector<16xf32>
        %get3A_921 = arith.index_cast %add3A_917 : i32 to index
        %get3A_922 = arith.constant 0 : index
        %get3A_923 = tpu.vector_load %arg11[%get3A_921, %get3A_922] {strides = array<i32>} : memref<80x128xf32, #tpu.memory_space<vmem>>, vector<1x16xf32>,
        %get3A_924 = vector.shape_cast %get3A_923 : vector<1x16xf32> to vector<16xf32>
        %mul3A_925 = arith.mulf %get3A_924, %broadcast_in_dim3A_920 : vector<16xf32>
        %swap3A_926 = arith.index_cast %add3A_917 : i32 to index
        %swap3A_927 = arith.constant 0 : index
        %swap3A_928 = tpu.vector_load %arg11[%swap3A_926, %swap3A_927] {strides = array<i32>} : memref<80x128xf32, #tpu.memory_space<vmem>>, vector<1x16xf32>,
        %swap3A_929 = vector.shape_cast %swap3A_928 : vector<1x16xf32> to vector<16xf32>
        %swap3A_930 = vector.shape_cast %mul3A_925 : vector<16xf32> to vector<1x16xf32>
        tpu.vector_store %arg11[%swap3A_926, %swap3A_927], %swap3A_930 {strides = array<i32>} : memref<80x128xf32, #tpu.memory_space<vmem>>, vector<1x16xf32>,
        %get3A_931 = arith.index_cast %add3A_917 : i32 to index
        %get3A_932 = arith.constant 16 : index
        %get3A_933 = tpu.vector_load %arg11[%get3A_931, %get3A_932] {strides = array<i32>} : memref<80x128xf32, #tpu.memory_space<vmem>>, vector<1x16xf32>,
        %get3A_934 = vector.shape_cast %get3A_933 : vector<1x16xf32> to vector<16xf32>
        %mul3A_935 = arith.mulf %get3A_934, %broadcast_in_dim3A_920 : vector<16xf32>
        %swap3A_936 = arith.index_cast %add3A_917 : i32 to index
        %swap3A_937 = arith.constant 16 : index
        %swap3A_938 = tpu.vector_load %arg11[%swap3A_936, %swap3A_937] {strides = array<i32>} : memref<80x128xf32, #tpu.memory_space<vmem>>, vector<1x16xf32>,
        %swap3A_939 = vector.shape_cast %swap3A_938 : vector<1x16xf32> to vector<16xf32>
        %swap3A_940 = vector.shape_cast %mul3A_935 : vector<16xf32> to vector<1x16xf32>
        tpu.vector_store %arg11[%swap3A_936, %swap3A_937], %swap3A_940 {strides = array<i32>} : memref<80x128xf32, #tpu.memory_space<vmem>>, vector<1x16xf32>,
        %get3A_941 = arith.index_cast %add3A_917 : i32 to index
        %get3A_942 = arith.constant 32 : index
        %get3A_943 = tpu.vector_load %arg11[%get3A_941, %get3A_942] {strides = array<i32>} : memref<80x128xf32, #tpu.memory_space<vmem>>, vector<1x16xf32>,
        %get3A_944 = vector.shape_cast %get3A_943 : vector<1x16xf32> to vector<16xf32>
        %mul3A_945 = arith.mulf %get3A_944, %broadcast_in_dim3A_920 : vector<16xf32>
        %swap3A_946 = arith.index_cast %add3A_917 : i32 to index
        %swap3A_947 = arith.constant 32 : index
        %swap3A_948 = tpu.vector_load %arg11[%swap3A_946, %swap3A_947] {strides = array<i32>} : memref<80x128xf32, #tpu.memory_space<vmem>>, vector<1x16xf32>,
        %swap3A_949 = vector.shape_cast %swap3A_948 : vector<1x16xf32> to vector<16xf32>
        %swap3A_950 = vector.shape_cast %mul3A_945 : vector<16xf32> to vector<1x16xf32>
        tpu.vector_store %arg11[%swap3A_946, %swap3A_947], %swap3A_950 {strides = array<i32>} : memref<80x128xf32, #tpu.memory_space<vmem>>, vector<1x16xf32>,
        %get3A_951 = arith.index_cast %add3A_917 : i32 to index
        %get3A_952 = arith.constant 48 : index
        %get3A_953 = tpu.vector_load %arg11[%get3A_951, %get3A_952] {strides = array<i32>} : memref<80x128xf32, #tpu.memory_space<vmem>>, vector<1x16xf32>,
        %get3A_954 = vector.shape_cast %get3A_953 : vector<1x16xf32> to vector<16xf32>
        %mul3A_955 = arith.mulf %get3A_954, %broadcast_in_dim3A_920 : vector<16xf32>
        %swap3A_956 = arith.index_cast %add3A_917 : i32 to index
        %swap3A_957 = arith.constant 48 : index
        %swap3A_958 = tpu.vector_load %arg11[%swap3A_956, %swap3A_957] {strides = array<i32>} : memref<80x128xf32, #tpu.memory_space<vmem>>, vector<1x16xf32>,
        %swap3A_959 = vector.shape_cast %swap3A_958 : vector<1x16xf32> to vector<16xf32>
        %swap3A_960 = vector.shape_cast %mul3A_955 : vector<16xf32> to vector<1x16xf32>
        tpu.vector_store %arg11[%swap3A_956, %swap3A_957], %swap3A_960 {strides = array<i32>} : memref<80x128xf32, #tpu.memory_space<vmem>>, vector<1x16xf32>,
        %get3A_961 = arith.index_cast %add3A_917 : i32 to index
        %get3A_962 = arith.constant 64 : index
        %get3A_963 = tpu.vector_load %arg11[%get3A_961, %get3A_962] {strides = array<i32>} : memref<80x128xf32, #tpu.memory_space<vmem>>, vector<1x16xf32>,
        %get3A_964 = vector.shape_cast %get3A_963 : vector<1x16xf32> to vector<16xf32>
        %mul3A_965 = arith.mulf %get3A_964, %broadcast_in_dim3A_920 : vector<16xf32>
        %swap3A_966 = arith.index_cast %add3A_917 : i32 to index
        %swap3A_967 = arith.constant 64 : index
        %swap3A_968 = tpu.vector_load %arg11[%swap3A_966, %swap3A_967] {strides = array<i32>} : memref<80x128xf32, #tpu.memory_space<vmem>>, vector<1x16xf32>,
        %swap3A_969 = vector.shape_cast %swap3A_968 : vector<1x16xf32> to vector<16xf32>
        %swap3A_970 = vector.shape_cast %mul3A_965 : vector<16xf32> to vector<1x16xf32>
        tpu.vector_store %arg11[%swap3A_966, %swap3A_967], %swap3A_970 {strides = array<i32>} : memref<80x128xf32, #tpu.memory_space<vmem>>, vector<1x16xf32>,
        %get3A_971 = arith.index_cast %add3A_917 : i32 to index
        %get3A_972 = arith.constant 80 : index
        %get3A_973 = tpu.vector_load %arg11[%get3A_971, %get3A_972] {strides = array<i32>} : memref<80x128xf32, #tpu.memory_space<vmem>>, vector<1x16xf32>,
        %get3A_974 = vector.shape_cast %get3A_973 : vector<1x16xf32> to vector<16xf32>
        %mul3A_975 = arith.mulf %get3A_974, %broadcast_in_dim3A_920 : vector<16xf32>
        %swap3A_976 = arith.index_cast %add3A_917 : i32 to index
        %swap3A_977 = arith.constant 80 : index
        %swap3A_978 = tpu.vector_load %arg11[%swap3A_976, %swap3A_977] {strides = array<i32>} : memref<80x128xf32, #tpu.memory_space<vmem>>, vector<1x16xf32>,
        %swap3A_979 = vector.shape_cast %swap3A_978 : vector<1x16xf32> to vector<16xf32>
        %swap3A_980 = vector.shape_cast %mul3A_975 : vector<16xf32> to vector<1x16xf32>
        tpu.vector_store %arg11[%swap3A_976, %swap3A_977], %swap3A_980 {strides = array<i32>} : memref<80x128xf32, #tpu.memory_space<vmem>>, vector<1x16xf32>,
        %get3A_981 = arith.index_cast %add3A_917 : i32 to index
        %get3A_982 = arith.constant 96 : index
        %get3A_983 = tpu.vector_load %arg11[%get3A_981, %get3A_982] {strides = array<i32>} : memref<80x128xf32, #tpu.memory_space<vmem>>, vector<1x16xf32>,
        %get3A_984 = vector.shape_cast %get3A_983 : vector<1x16xf32> to vector<16xf32>
        %mul3A_985 = arith.mulf %get3A_984, %broadcast_in_dim3A_920 : vector<16xf32>
        %swap3A_986 = arith.index_cast %add3A_917 : i32 to index
        %swap3A_987 = arith.constant 96 : index
        %swap3A_988 = tpu.vector_load %arg11[%swap3A_986, %swap3A_987] {strides = array<i32>} : memref<80x128xf32, #tpu.memory_space<vmem>>, vector<1x16xf32>,
        %swap3A_989 = vector.shape_cast %swap3A_988 : vector<1x16xf32> to vector<16xf32>
        %swap3A_990 = vector.shape_cast %mul3A_985 : vector<16xf32> to vector<1x16xf32>
        tpu.vector_store %arg11[%swap3A_986, %swap3A_987], %swap3A_990 {strides = array<i32>} : memref<80x128xf32, #tpu.memory_space<vmem>>, vector<1x16xf32>,
        %get3A_991 = arith.index_cast %add3A_917 : i32 to index
        %get3A_992 = arith.constant 112 : index
        %get3A_993 = tpu.vector_load %arg11[%get3A_991, %get3A_992] {strides = array<i32>} : memref<80x128xf32, #tpu.memory_space<vmem>>, vector<1x16xf32>,
        %get3A_994 = vector.shape_cast %get3A_993 : vector<1x16xf32> to vector<16xf32>
        %mul3A_995 = arith.mulf %get3A_994, %broadcast_in_dim3A_920 : vector<16xf32>
        %swap3A_996 = arith.index_cast %add3A_917 : i32 to index
        %swap3A_997 = arith.constant 112 : index
        %swap3A_998 = tpu.vector_load %arg11[%swap3A_996, %swap3A_997] {strides = array<i32>} : memref<80x128xf32, #tpu.memory_space<vmem>>, vector<1x16xf32>,
        %swap3A_999 = vector.shape_cast %swap3A_998 : vector<1x16xf32> to vector<16xf32>
        %swap3A_1000 = vector.shape_cast %mul3A_995 : vector<16xf32> to vector<1x16xf32>
        tpu.vector_store %arg11[%swap3A_996, %swap3A_997], %swap3A_1000 {strides = array<i32>} : memref<80x128xf32, #tpu.memory_space<vmem>>, vector<1x16xf32>,
        %mul3A_1001 = arith.constant 16 : i32
        %mul3A_1002 = arith.muli %scan3A_128, %mul3A_1001 : i32
        %add3A_1003 = arith.constant 10 : i32
        %add3A_1004 = arith.addi %mul3A_1002, %add3A_1003 : i32
        %slice3A_1005 = vector.extract_strided_slice %get3A_134 {offsets = [10], sizes = [1], strides = [1]} : vector<16xf32> to vector<1xf32>
        %squeeze3A_1006 = vector.extract %slice3A_1005[0] : f32 from vector<1xf32>
        %broadcast_in_dim3A_1007 = vector.broadcast %squeeze3A_1006 : f32 to vector<16xf32>
        %get3A_1008 = arith.index_cast %add3A_1004 : i32 to index
        %get3A_1009 = arith.constant 0 : index
        %get3A_1010 = tpu.vector_load %arg11[%get3A_1008, %get3A_1009] {strides = array<i32>} : memref<80x128xf32, #tpu.memory_space<vmem>>, vector<1x16xf32>,
        %get3A_1011 = vector.shape_cast %get3A_1010 : vector<1x16xf32> to vector<16xf32>
        %mul3A_1012 = arith.mulf %get3A_1011, %broadcast_in_dim3A_1007 : vector<16xf32>
        %swap3A_1013 = arith.index_cast %add3A_1004 : i32 to index
        %swap3A_1014 = arith.constant 0 : index
        %swap3A_1015 = tpu.vector_load %arg11[%swap3A_1013, %swap3A_1014] {strides = array<i32>} : memref<80x128xf32, #tpu.memory_space<vmem>>, vector<1x16xf32>,
        %swap3A_1016 = vector.shape_cast %swap3A_1015 : vector<1x16xf32> to vector<16xf32>
        %swap3A_1017 = vector.shape_cast %mul3A_1012 : vector<16xf32> to vector<1x16xf32>
        tpu.vector_store %arg11[%swap3A_1013, %swap3A_1014], %swap3A_1017 {strides = array<i32>} : memref<80x128xf32, #tpu.memory_space<vmem>>, vector<1x16xf32>,
        %get3A_1018 = arith.index_cast %add3A_1004 : i32 to index
        %get3A_1019 = arith.constant 16 : index
        %get3A_1020 = tpu.vector_load %arg11[%get3A_1018, %get3A_1019] {strides = array<i32>} : memref<80x128xf32, #tpu.memory_space<vmem>>, vector<1x16xf32>,
        %get3A_1021 = vector.shape_cast %get3A_1020 : vector<1x16xf32> to vector<16xf32>
        %mul3A_1022 = arith.mulf %get3A_1021, %broadcast_in_dim3A_1007 : vector<16xf32>
        %swap3A_1023 = arith.index_cast %add3A_1004 : i32 to index
        %swap3A_1024 = arith.constant 16 : index
        %swap3A_1025 = tpu.vector_load %arg11[%swap3A_1023, %swap3A_1024] {strides = array<i32>} : memref<80x128xf32, #tpu.memory_space<vmem>>, vector<1x16xf32>,
        %swap3A_1026 = vector.shape_cast %swap3A_1025 : vector<1x16xf32> to vector<16xf32>
        %swap3A_1027 = vector.shape_cast %mul3A_1022 : vector<16xf32> to vector<1x16xf32>
        tpu.vector_store %arg11[%swap3A_1023, %swap3A_1024], %swap3A_1027 {strides = array<i32>} : memref<80x128xf32, #tpu.memory_space<vmem>>, vector<1x16xf32>,
        %get3A_1028 = arith.index_cast %add3A_1004 : i32 to index
        %get3A_1029 = arith.constant 32 : index
        %get3A_1030 = tpu.vector_load %arg11[%get3A_1028, %get3A_1029] {strides = array<i32>} : memref<80x128xf32, #tpu.memory_space<vmem>>, vector<1x16xf32>,
        %get3A_1031 = vector.shape_cast %get3A_1030 : vector<1x16xf32> to vector<16xf32>
        %mul3A_1032 = arith.mulf %get3A_1031, %broadcast_in_dim3A_1007 : vector<16xf32>
        %swap3A_1033 = arith.index_cast %add3A_1004 : i32 to index
        %swap3A_1034 = arith.constant 32 : index
        %swap3A_1035 = tpu.vector_load %arg11[%swap3A_1033, %swap3A_1034] {strides = array<i32>} : memref<80x128xf32, #tpu.memory_space<vmem>>, vector<1x16xf32>,
        %swap3A_1036 = vector.shape_cast %swap3A_1035 : vector<1x16xf32> to vector<16xf32>
        %swap3A_1037 = vector.shape_cast %mul3A_1032 : vector<16xf32> to vector<1x16xf32>
        tpu.vector_store %arg11[%swap3A_1033, %swap3A_1034], %swap3A_1037 {strides = array<i32>} : memref<80x128xf32, #tpu.memory_space<vmem>>, vector<1x16xf32>,
        %get3A_1038 = arith.index_cast %add3A_1004 : i32 to index
        %get3A_1039 = arith.constant 48 : index
        %get3A_1040 = tpu.vector_load %arg11[%get3A_1038, %get3A_1039] {strides = array<i32>} : memref<80x128xf32, #tpu.memory_space<vmem>>, vector<1x16xf32>,
        %get3A_1041 = vector.shape_cast %get3A_1040 : vector<1x16xf32> to vector<16xf32>
        %mul3A_1042 = arith.mulf %get3A_1041, %broadcast_in_dim3A_1007 : vector<16xf32>
        %swap3A_1043 = arith.index_cast %add3A_1004 : i32 to index
        %swap3A_1044 = arith.constant 48 : index
        %swap3A_1045 = tpu.vector_load %arg11[%swap3A_1043, %swap3A_1044] {strides = array<i32>} : memref<80x128xf32, #tpu.memory_space<vmem>>, vector<1x16xf32>,
        %swap3A_1046 = vector.shape_cast %swap3A_1045 : vector<1x16xf32> to vector<16xf32>
        %swap3A_1047 = vector.shape_cast %mul3A_1042 : vector<16xf32> to vector<1x16xf32>
        tpu.vector_store %arg11[%swap3A_1043, %swap3A_1044], %swap3A_1047 {strides = array<i32>} : memref<80x128xf32, #tpu.memory_space<vmem>>, vector<1x16xf32>,
        %get3A_1048 = arith.index_cast %add3A_1004 : i32 to index
        %get3A_1049 = arith.constant 64 : index
        %get3A_1050 = tpu.vector_load %arg11[%get3A_1048, %get3A_1049] {strides = array<i32>} : memref<80x128xf32, #tpu.memory_space<vmem>>, vector<1x16xf32>,
        %get3A_1051 = vector.shape_cast %get3A_1050 : vector<1x16xf32> to vector<16xf32>
        %mul3A_1052 = arith.mulf %get3A_1051, %broadcast_in_dim3A_1007 : vector<16xf32>
        %swap3A_1053 = arith.index_cast %add3A_1004 : i32 to index
        %swap3A_1054 = arith.constant 64 : index
        %swap3A_1055 = tpu.vector_load %arg11[%swap3A_1053, %swap3A_1054] {strides = array<i32>} : memref<80x128xf32, #tpu.memory_space<vmem>>, vector<1x16xf32>,
        %swap3A_1056 = vector.shape_cast %swap3A_1055 : vector<1x16xf32> to vector<16xf32>
        %swap3A_1057 = vector.shape_cast %mul3A_1052 : vector<16xf32> to vector<1x16xf32>
        tpu.vector_store %arg11[%swap3A_1053, %swap3A_1054], %swap3A_1057 {strides = array<i32>} : memref<80x128xf32, #tpu.memory_space<vmem>>, vector<1x16xf32>,
        %get3A_1058 = arith.index_cast %add3A_1004 : i32 to index
        %get3A_1059 = arith.constant 80 : index
        %get3A_1060 = tpu.vector_load %arg11[%get3A_1058, %get3A_1059] {strides = array<i32>} : memref<80x128xf32, #tpu.memory_space<vmem>>, vector<1x16xf32>,
        %get3A_1061 = vector.shape_cast %get3A_1060 : vector<1x16xf32> to vector<16xf32>
        %mul3A_1062 = arith.mulf %get3A_1061, %broadcast_in_dim3A_1007 : vector<16xf32>
        %swap3A_1063 = arith.index_cast %add3A_1004 : i32 to index
        %swap3A_1064 = arith.constant 80 : index
        %swap3A_1065 = tpu.vector_load %arg11[%swap3A_1063, %swap3A_1064] {strides = array<i32>} : memref<80x128xf32, #tpu.memory_space<vmem>>, vector<1x16xf32>,
        %swap3A_1066 = vector.shape_cast %swap3A_1065 : vector<1x16xf32> to vector<16xf32>
        %swap3A_1067 = vector.shape_cast %mul3A_1062 : vector<16xf32> to vector<1x16xf32>
        tpu.vector_store %arg11[%swap3A_1063, %swap3A_1064], %swap3A_1067 {strides = array<i32>} : memref<80x128xf32, #tpu.memory_space<vmem>>, vector<1x16xf32>,
        %get3A_1068 = arith.index_cast %add3A_1004 : i32 to index
        %get3A_1069 = arith.constant 96 : index
        %get3A_1070 = tpu.vector_load %arg11[%get3A_1068, %get3A_1069] {strides = array<i32>} : memref<80x128xf32, #tpu.memory_space<vmem>>, vector<1x16xf32>,
        %get3A_1071 = vector.shape_cast %get3A_1070 : vector<1x16xf32> to vector<16xf32>
        %mul3A_1072 = arith.mulf %get3A_1071, %broadcast_in_dim3A_1007 : vector<16xf32>
        %swap3A_1073 = arith.index_cast %add3A_1004 : i32 to index
        %swap3A_1074 = arith.constant 96 : index
        %swap3A_1075 = tpu.vector_load %arg11[%swap3A_1073, %swap3A_1074] {strides = array<i32>} : memref<80x128xf32, #tpu.memory_space<vmem>>, vector<1x16xf32>,
        %swap3A_1076 = vector.shape_cast %swap3A_1075 : vector<1x16xf32> to vector<16xf32>
        %swap3A_1077 = vector.shape_cast %mul3A_1072 : vector<16xf32> to vector<1x16xf32>
        tpu.vector_store %arg11[%swap3A_1073, %swap3A_1074], %swap3A_1077 {strides = array<i32>} : memref<80x128xf32, #tpu.memory_space<vmem>>, vector<1x16xf32>,
        %get3A_1078 = arith.index_cast %add3A_1004 : i32 to index
        %get3A_1079 = arith.constant 112 : index
        %get3A_1080 = tpu.vector_load %arg11[%get3A_1078, %get3A_1079] {strides = array<i32>} : memref<80x128xf32, #tpu.memory_space<vmem>>, vector<1x16xf32>,
        %get3A_1081 = vector.shape_cast %get3A_1080 : vector<1x16xf32> to vector<16xf32>
        %mul3A_1082 = arith.mulf %get3A_1081, %broadcast_in_dim3A_1007 : vector<16xf32>
        %swap3A_1083 = arith.index_cast %add3A_1004 : i32 to index
        %swap3A_1084 = arith.constant 112 : index
        %swap3A_1085 = tpu.vector_load %arg11[%swap3A_1083, %swap3A_1084] {strides = array<i32>} : memref<80x128xf32, #tpu.memory_space<vmem>>, vector<1x16xf32>,
        %swap3A_1086 = vector.shape_cast %swap3A_1085 : vector<1x16xf32> to vector<16xf32>
        %swap3A_1087 = vector.shape_cast %mul3A_1082 : vector<16xf32> to vector<1x16xf32>
        tpu.vector_store %arg11[%swap3A_1083, %swap3A_1084], %swap3A_1087 {strides = array<i32>} : memref<80x128xf32, #tpu.memory_space<vmem>>, vector<1x16xf32>,
        %mul3A_1088 = arith.constant 16 : i32
        %mul3A_1089 = arith.muli %scan3A_128, %mul3A_1088 : i32
        %add3A_1090 = arith.constant 11 : i32
        %add3A_1091 = arith.addi %mul3A_1089, %add3A_1090 : i32
        %slice3A_1092 = vector.extract_strided_slice %get3A_134 {offsets = [11], sizes = [1], strides = [1]} : vector<16xf32> to vector<1xf32>
        %squeeze3A_1093 = vector.extract %slice3A_1092[0] : f32 from vector<1xf32>
        %broadcast_in_dim3A_1094 = vector.broadcast %squeeze3A_1093 : f32 to vector<16xf32>
        %get3A_1095 = arith.index_cast %add3A_1091 : i32 to index
        %get3A_1096 = arith.constant 0 : index
        %get3A_1097 = tpu.vector_load %arg11[%get3A_1095, %get3A_1096] {strides = array<i32>} : memref<80x128xf32, #tpu.memory_space<vmem>>, vector<1x16xf32>,
        %get3A_1098 = vector.shape_cast %get3A_1097 : vector<1x16xf32> to vector<16xf32>
        %mul3A_1099 = arith.mulf %get3A_1098, %broadcast_in_dim3A_1094 : vector<16xf32>
        %swap3A_1100 = arith.index_cast %add3A_1091 : i32 to index
        %swap3A_1101 = arith.constant 0 : index
        %swap3A_1102 = tpu.vector_load %arg11[%swap3A_1100, %swap3A_1101] {strides = array<i32>} : memref<80x128xf32, #tpu.memory_space<vmem>>, vector<1x16xf32>,
        %swap3A_1103 = vector.shape_cast %swap3A_1102 : vector<1x16xf32> to vector<16xf32>
        %swap3A_1104 = vector.shape_cast %mul3A_1099 : vector<16xf32> to vector<1x16xf32>
        tpu.vector_store %arg11[%swap3A_1100, %swap3A_1101], %swap3A_1104 {strides = array<i32>} : memref<80x128xf32, #tpu.memory_space<vmem>>, vector<1x16xf32>,
        %get3A_1105 = arith.index_cast %add3A_1091 : i32 to index
        %get3A_1106 = arith.constant 16 : index
        %get3A_1107 = tpu.vector_load %arg11[%get3A_1105, %get3A_1106] {strides = array<i32>} : memref<80x128xf32, #tpu.memory_space<vmem>>, vector<1x16xf32>,
        %get3A_1108 = vector.shape_cast %get3A_1107 : vector<1x16xf32> to vector<16xf32>
        %mul3A_1109 = arith.mulf %get3A_1108, %broadcast_in_dim3A_1094 : vector<16xf32>
        %swap3A_1110 = arith.index_cast %add3A_1091 : i32 to index
        %swap3A_1111 = arith.constant 16 : index
        %swap3A_1112 = tpu.vector_load %arg11[%swap3A_1110, %swap3A_1111] {strides = array<i32>} : memref<80x128xf32, #tpu.memory_space<vmem>>, vector<1x16xf32>,
        %swap3A_1113 = vector.shape_cast %swap3A_1112 : vector<1x16xf32> to vector<16xf32>
        %swap3A_1114 = vector.shape_cast %mul3A_1109 : vector<16xf32> to vector<1x16xf32>
        tpu.vector_store %arg11[%swap3A_1110, %swap3A_1111], %swap3A_1114 {strides = array<i32>} : memref<80x128xf32, #tpu.memory_space<vmem>>, vector<1x16xf32>,
        %get3A_1115 = arith.index_cast %add3A_1091 : i32 to index
        %get3A_1116 = arith.constant 32 : index
        %get3A_1117 = tpu.vector_load %arg11[%get3A_1115, %get3A_1116] {strides = array<i32>} : memref<80x128xf32, #tpu.memory_space<vmem>>, vector<1x16xf32>,
        %get3A_1118 = vector.shape_cast %get3A_1117 : vector<1x16xf32> to vector<16xf32>
        %mul3A_1119 = arith.mulf %get3A_1118, %broadcast_in_dim3A_1094 : vector<16xf32>
        %swap3A_1120 = arith.index_cast %add3A_1091 : i32 to index
        %swap3A_1121 = arith.constant 32 : index
        %swap3A_1122 = tpu.vector_load %arg11[%swap3A_1120, %swap3A_1121] {strides = array<i32>} : memref<80x128xf32, #tpu.memory_space<vmem>>, vector<1x16xf32>,
        %swap3A_1123 = vector.shape_cast %swap3A_1122 : vector<1x16xf32> to vector<16xf32>
        %swap3A_1124 = vector.shape_cast %mul3A_1119 : vector<16xf32> to vector<1x16xf32>
        tpu.vector_store %arg11[%swap3A_1120, %swap3A_1121], %swap3A_1124 {strides = array<i32>} : memref<80x128xf32, #tpu.memory_space<vmem>>, vector<1x16xf32>,
        %get3A_1125 = arith.index_cast %add3A_1091 : i32 to index
        %get3A_1126 = arith.constant 48 : index
        %get3A_1127 = tpu.vector_load %arg11[%get3A_1125, %get3A_1126] {strides = array<i32>} : memref<80x128xf32, #tpu.memory_space<vmem>>, vector<1x16xf32>,
        %get3A_1128 = vector.shape_cast %get3A_1127 : vector<1x16xf32> to vector<16xf32>
        %mul3A_1129 = arith.mulf %get3A_1128, %broadcast_in_dim3A_1094 : vector<16xf32>
        %swap3A_1130 = arith.index_cast %add3A_1091 : i32 to index
        %swap3A_1131 = arith.constant 48 : index
        %swap3A_1132 = tpu.vector_load %arg11[%swap3A_1130, %swap3A_1131] {strides = array<i32>} : memref<80x128xf32, #tpu.memory_space<vmem>>, vector<1x16xf32>,
        %swap3A_1133 = vector.shape_cast %swap3A_1132 : vector<1x16xf32> to vector<16xf32>
        %swap3A_1134 = vector.shape_cast %mul3A_1129 : vector<16xf32> to vector<1x16xf32>
        tpu.vector_store %arg11[%swap3A_1130, %swap3A_1131], %swap3A_1134 {strides = array<i32>} : memref<80x128xf32, #tpu.memory_space<vmem>>, vector<1x16xf32>,
        %get3A_1135 = arith.index_cast %add3A_1091 : i32 to index
        %get3A_1136 = arith.constant 64 : index
        %get3A_1137 = tpu.vector_load %arg11[%get3A_1135, %get3A_1136] {strides = array<i32>} : memref<80x128xf32, #tpu.memory_space<vmem>>, vector<1x16xf32>,
        %get3A_1138 = vector.shape_cast %get3A_1137 : vector<1x16xf32> to vector<16xf32>
        %mul3A_1139 = arith.mulf %get3A_1138, %broadcast_in_dim3A_1094 : vector<16xf32>
        %swap3A_1140 = arith.index_cast %add3A_1091 : i32 to index
        %swap3A_1141 = arith.constant 64 : index
        %swap3A_1142 = tpu.vector_load %arg11[%swap3A_1140, %swap3A_1141] {strides = array<i32>} : memref<80x128xf32, #tpu.memory_space<vmem>>, vector<1x16xf32>,
        %swap3A_1143 = vector.shape_cast %swap3A_1142 : vector<1x16xf32> to vector<16xf32>
        %swap3A_1144 = vector.shape_cast %mul3A_1139 : vector<16xf32> to vector<1x16xf32>
        tpu.vector_store %arg11[%swap3A_1140, %swap3A_1141], %swap3A_1144 {strides = array<i32>} : memref<80x128xf32, #tpu.memory_space<vmem>>, vector<1x16xf32>,
        %get3A_1145 = arith.index_cast %add3A_1091 : i32 to index
        %get3A_1146 = arith.constant 80 : index
        %get3A_1147 = tpu.vector_load %arg11[%get3A_1145, %get3A_1146] {strides = array<i32>} : memref<80x128xf32, #tpu.memory_space<vmem>>, vector<1x16xf32>,
        %get3A_1148 = vector.shape_cast %get3A_1147 : vector<1x16xf32> to vector<16xf32>
        %mul3A_1149 = arith.mulf %get3A_1148, %broadcast_in_dim3A_1094 : vector<16xf32>
        %swap3A_1150 = arith.index_cast %add3A_1091 : i32 to index
        %swap3A_1151 = arith.constant 80 : index
        %swap3A_1152 = tpu.vector_load %arg11[%swap3A_1150, %swap3A_1151] {strides = array<i32>} : memref<80x128xf32, #tpu.memory_space<vmem>>, vector<1x16xf32>,
        %swap3A_1153 = vector.shape_cast %swap3A_1152 : vector<1x16xf32> to vector<16xf32>
        %swap3A_1154 = vector.shape_cast %mul3A_1149 : vector<16xf32> to vector<1x16xf32>
        tpu.vector_store %arg11[%swap3A_1150, %swap3A_1151], %swap3A_1154 {strides = array<i32>} : memref<80x128xf32, #tpu.memory_space<vmem>>, vector<1x16xf32>,
        %get3A_1155 = arith.index_cast %add3A_1091 : i32 to index
        %get3A_1156 = arith.constant 96 : index
        %get3A_1157 = tpu.vector_load %arg11[%get3A_1155, %get3A_1156] {strides = array<i32>} : memref<80x128xf32, #tpu.memory_space<vmem>>, vector<1x16xf32>,
        %get3A_1158 = vector.shape_cast %get3A_1157 : vector<1x16xf32> to vector<16xf32>
        %mul3A_1159 = arith.mulf %get3A_1158, %broadcast_in_dim3A_1094 : vector<16xf32>
        %swap3A_1160 = arith.index_cast %add3A_1091 : i32 to index
        %swap3A_1161 = arith.constant 96 : index
        %swap3A_1162 = tpu.vector_load %arg11[%swap3A_1160, %swap3A_1161] {strides = array<i32>} : memref<80x128xf32, #tpu.memory_space<vmem>>, vector<1x16xf32>,
        %swap3A_1163 = vector.shape_cast %swap3A_1162 : vector<1x16xf32> to vector<16xf32>
        %swap3A_1164 = vector.shape_cast %mul3A_1159 : vector<16xf32> to vector<1x16xf32>
        tpu.vector_store %arg11[%swap3A_1160, %swap3A_1161], %swap3A_1164 {strides = array<i32>} : memref<80x128xf32, #tpu.memory_space<vmem>>, vector<1x16xf32>,
        %get3A_1165 = arith.index_cast %add3A_1091 : i32 to index
        %get3A_1166 = arith.constant 112 : index
        %get3A_1167 = tpu.vector_load %arg11[%get3A_1165, %get3A_1166] {strides = array<i32>} : memref<80x128xf32, #tpu.memory_space<vmem>>, vector<1x16xf32>,
        %get3A_1168 = vector.shape_cast %get3A_1167 : vector<1x16xf32> to vector<16xf32>
        %mul3A_1169 = arith.mulf %get3A_1168, %broadcast_in_dim3A_1094 : vector<16xf32>
        %swap3A_1170 = arith.index_cast %add3A_1091 : i32 to index
        %swap3A_1171 = arith.constant 112 : index
        %swap3A_1172 = tpu.vector_load %arg11[%swap3A_1170, %swap3A_1171] {strides = array<i32>} : memref<80x128xf32, #tpu.memory_space<vmem>>, vector<1x16xf32>,
        %swap3A_1173 = vector.shape_cast %swap3A_1172 : vector<1x16xf32> to vector<16xf32>
        %swap3A_1174 = vector.shape_cast %mul3A_1169 : vector<16xf32> to vector<1x16xf32>
        tpu.vector_store %arg11[%swap3A_1170, %swap3A_1171], %swap3A_1174 {strides = array<i32>} : memref<80x128xf32, #tpu.memory_space<vmem>>, vector<1x16xf32>,
        %mul3A_1175 = arith.constant 16 : i32
        %mul3A_1176 = arith.muli %scan3A_128, %mul3A_1175 : i32
        %add3A_1177 = arith.constant 12 : i32
        %add3A_1178 = arith.addi %mul3A_1176, %add3A_1177 : i32
        %slice3A_1179 = vector.extract_strided_slice %get3A_134 {offsets = [12], sizes = [1], strides = [1]} : vector<16xf32> to vector<1xf32>
        %squeeze3A_1180 = vector.extract %slice3A_1179[0] : f32 from vector<1xf32>
        %broadcast_in_dim3A_1181 = vector.broadcast %squeeze3A_1180 : f32 to vector<16xf32>
        %get3A_1182 = arith.index_cast %add3A_1178 : i32 to index
        %get3A_1183 = arith.constant 0 : index
        %get3A_1184 = tpu.vector_load %arg11[%get3A_1182, %get3A_1183] {strides = array<i32>} : memref<80x128xf32, #tpu.memory_space<vmem>>, vector<1x16xf32>,
        %get3A_1185 = vector.shape_cast %get3A_1184 : vector<1x16xf32> to vector<16xf32>
        %mul3A_1186 = arith.mulf %get3A_1185, %broadcast_in_dim3A_1181 : vector<16xf32>
        %swap3A_1187 = arith.index_cast %add3A_1178 : i32 to index
        %swap3A_1188 = arith.constant 0 : index
        %swap3A_1189 = tpu.vector_load %arg11[%swap3A_1187, %swap3A_1188] {strides = array<i32>} : memref<80x128xf32, #tpu.memory_space<vmem>>, vector<1x16xf32>,
        %swap3A_1190 = vector.shape_cast %swap3A_1189 : vector<1x16xf32> to vector<16xf32>
        %swap3A_1191 = vector.shape_cast %mul3A_1186 : vector<16xf32> to vector<1x16xf32>
        tpu.vector_store %arg11[%swap3A_1187, %swap3A_1188], %swap3A_1191 {strides = array<i32>} : memref<80x128xf32, #tpu.memory_space<vmem>>, vector<1x16xf32>,
        %get3A_1192 = arith.index_cast %add3A_1178 : i32 to index
        %get3A_1193 = arith.constant 16 : index
        %get3A_1194 = tpu.vector_load %arg11[%get3A_1192, %get3A_1193] {strides = array<i32>} : memref<80x128xf32, #tpu.memory_space<vmem>>, vector<1x16xf32>,
        %get3A_1195 = vector.shape_cast %get3A_1194 : vector<1x16xf32> to vector<16xf32>
        %mul3A_1196 = arith.mulf %get3A_1195, %broadcast_in_dim3A_1181 : vector<16xf32>
        %swap3A_1197 = arith.index_cast %add3A_1178 : i32 to index
        %swap3A_1198 = arith.constant 16 : index
        %swap3A_1199 = tpu.vector_load %arg11[%swap3A_1197, %swap3A_1198] {strides = array<i32>} : memref<80x128xf32, #tpu.memory_space<vmem>>, vector<1x16xf32>,
        %swap3A_1200 = vector.shape_cast %swap3A_1199 : vector<1x16xf32> to vector<16xf32>
        %swap3A_1201 = vector.shape_cast %mul3A_1196 : vector<16xf32> to vector<1x16xf32>
        tpu.vector_store %arg11[%swap3A_1197, %swap3A_1198], %swap3A_1201 {strides = array<i32>} : memref<80x128xf32, #tpu.memory_space<vmem>>, vector<1x16xf32>,
        %get3A_1202 = arith.index_cast %add3A_1178 : i32 to index
        %get3A_1203 = arith.constant 32 : index
        %get3A_1204 = tpu.vector_load %arg11[%get3A_1202, %get3A_1203] {strides = array<i32>} : memref<80x128xf32, #tpu.memory_space<vmem>>, vector<1x16xf32>,
        %get3A_1205 = vector.shape_cast %get3A_1204 : vector<1x16xf32> to vector<16xf32>
        %mul3A_1206 = arith.mulf %get3A_1205, %broadcast_in_dim3A_1181 : vector<16xf32>
        %swap3A_1207 = arith.index_cast %add3A_1178 : i32 to index
        %swap3A_1208 = arith.constant 32 : index
        %swap3A_1209 = tpu.vector_load %arg11[%swap3A_1207, %swap3A_1208] {strides = array<i32>} : memref<80x128xf32, #tpu.memory_space<vmem>>, vector<1x16xf32>,
        %swap3A_1210 = vector.shape_cast %swap3A_1209 : vector<1x16xf32> to vector<16xf32>
        %swap3A_1211 = vector.shape_cast %mul3A_1206 : vector<16xf32> to vector<1x16xf32>
        tpu.vector_store %arg11[%swap3A_1207, %swap3A_1208], %swap3A_1211 {strides = array<i32>} : memref<80x128xf32, #tpu.memory_space<vmem>>, vector<1x16xf32>,
        %get3A_1212 = arith.index_cast %add3A_1178 : i32 to index
        %get3A_1213 = arith.constant 48 : index
        %get3A_1214 = tpu.vector_load %arg11[%get3A_1212, %get3A_1213] {strides = array<i32>} : memref<80x128xf32, #tpu.memory_space<vmem>>, vector<1x16xf32>,
        %get3A_1215 = vector.shape_cast %get3A_1214 : vector<1x16xf32> to vector<16xf32>
        %mul3A_1216 = arith.mulf %get3A_1215, %broadcast_in_dim3A_1181 : vector<16xf32>
        %swap3A_1217 = arith.index_cast %add3A_1178 : i32 to index
        %swap3A_1218 = arith.constant 48 : index
        %swap3A_1219 = tpu.vector_load %arg11[%swap3A_1217, %swap3A_1218] {strides = array<i32>} : memref<80x128xf32, #tpu.memory_space<vmem>>, vector<1x16xf32>,
        %swap3A_1220 = vector.shape_cast %swap3A_1219 : vector<1x16xf32> to vector<16xf32>
        %swap3A_1221 = vector.shape_cast %mul3A_1216 : vector<16xf32> to vector<1x16xf32>
        tpu.vector_store %arg11[%swap3A_1217, %swap3A_1218], %swap3A_1221 {strides = array<i32>} : memref<80x128xf32, #tpu.memory_space<vmem>>, vector<1x16xf32>,
        %get3A_1222 = arith.index_cast %add3A_1178 : i32 to index
        %get3A_1223 = arith.constant 64 : index
        %get3A_1224 = tpu.vector_load %arg11[%get3A_1222, %get3A_1223] {strides = array<i32>} : memref<80x128xf32, #tpu.memory_space<vmem>>, vector<1x16xf32>,
        %get3A_1225 = vector.shape_cast %get3A_1224 : vector<1x16xf32> to vector<16xf32>
        %mul3A_1226 = arith.mulf %get3A_1225, %broadcast_in_dim3A_1181 : vector<16xf32>
        %swap3A_1227 = arith.index_cast %add3A_1178 : i32 to index
        %swap3A_1228 = arith.constant 64 : index
        %swap3A_1229 = tpu.vector_load %arg11[%swap3A_1227, %swap3A_1228] {strides = array<i32>} : memref<80x128xf32, #tpu.memory_space<vmem>>, vector<1x16xf32>,
        %swap3A_1230 = vector.shape_cast %swap3A_1229 : vector<1x16xf32> to vector<16xf32>
        %swap3A_1231 = vector.shape_cast %mul3A_1226 : vector<16xf32> to vector<1x16xf32>
        tpu.vector_store %arg11[%swap3A_1227, %swap3A_1228], %swap3A_1231 {strides = array<i32>} : memref<80x128xf32, #tpu.memory_space<vmem>>, vector<1x16xf32>,
        %get3A_1232 = arith.index_cast %add3A_1178 : i32 to index
        %get3A_1233 = arith.constant 80 : index
        %get3A_1234 = tpu.vector_load %arg11[%get3A_1232, %get3A_1233] {strides = array<i32>} : memref<80x128xf32, #tpu.memory_space<vmem>>, vector<1x16xf32>,
        %get3A_1235 = vector.shape_cast %get3A_1234 : vector<1x16xf32> to vector<16xf32>
        %mul3A_1236 = arith.mulf %get3A_1235, %broadcast_in_dim3A_1181 : vector<16xf32>
        %swap3A_1237 = arith.index_cast %add3A_1178 : i32 to index
        %swap3A_1238 = arith.constant 80 : index
        %swap3A_1239 = tpu.vector_load %arg11[%swap3A_1237, %swap3A_1238] {strides = array<i32>} : memref<80x128xf32, #tpu.memory_space<vmem>>, vector<1x16xf32>,
        %swap3A_1240 = vector.shape_cast %swap3A_1239 : vector<1x16xf32> to vector<16xf32>
        %swap3A_1241 = vector.shape_cast %mul3A_1236 : vector<16xf32> to vector<1x16xf32>
        tpu.vector_store %arg11[%swap3A_1237, %swap3A_1238], %swap3A_1241 {strides = array<i32>} : memref<80x128xf32, #tpu.memory_space<vmem>>, vector<1x16xf32>,
        %get3A_1242 = arith.index_cast %add3A_1178 : i32 to index
        %get3A_1243 = arith.constant 96 : index
        %get3A_1244 = tpu.vector_load %arg11[%get3A_1242, %get3A_1243] {strides = array<i32>} : memref<80x128xf32, #tpu.memory_space<vmem>>, vector<1x16xf32>,
        %get3A_1245 = vector.shape_cast %get3A_1244 : vector<1x16xf32> to vector<16xf32>
        %mul3A_1246 = arith.mulf %get3A_1245, %broadcast_in_dim3A_1181 : vector<16xf32>
        %swap3A_1247 = arith.index_cast %add3A_1178 : i32 to index
        %swap3A_1248 = arith.constant 96 : index
        %swap3A_1249 = tpu.vector_load %arg11[%swap3A_1247, %swap3A_1248] {strides = array<i32>} : memref<80x128xf32, #tpu.memory_space<vmem>>, vector<1x16xf32>,
        %swap3A_1250 = vector.shape_cast %swap3A_1249 : vector<1x16xf32> to vector<16xf32>
        %swap3A_1251 = vector.shape_cast %mul3A_1246 : vector<16xf32> to vector<1x16xf32>
        tpu.vector_store %arg11[%swap3A_1247, %swap3A_1248], %swap3A_1251 {strides = array<i32>} : memref<80x128xf32, #tpu.memory_space<vmem>>, vector<1x16xf32>,
        %get3A_1252 = arith.index_cast %add3A_1178 : i32 to index
        %get3A_1253 = arith.constant 112 : index
        %get3A_1254 = tpu.vector_load %arg11[%get3A_1252, %get3A_1253] {strides = array<i32>} : memref<80x128xf32, #tpu.memory_space<vmem>>, vector<1x16xf32>,
        %get3A_1255 = vector.shape_cast %get3A_1254 : vector<1x16xf32> to vector<16xf32>
        %mul3A_1256 = arith.mulf %get3A_1255, %broadcast_in_dim3A_1181 : vector<16xf32>
        %swap3A_1257 = arith.index_cast %add3A_1178 : i32 to index
        %swap3A_1258 = arith.constant 112 : index
        %swap3A_1259 = tpu.vector_load %arg11[%swap3A_1257, %swap3A_1258] {strides = array<i32>} : memref<80x128xf32, #tpu.memory_space<vmem>>, vector<1x16xf32>,
        %swap3A_1260 = vector.shape_cast %swap3A_1259 : vector<1x16xf32> to vector<16xf32>
        %swap3A_1261 = vector.shape_cast %mul3A_1256 : vector<16xf32> to vector<1x16xf32>
        tpu.vector_store %arg11[%swap3A_1257, %swap3A_1258], %swap3A_1261 {strides = array<i32>} : memref<80x128xf32, #tpu.memory_space<vmem>>, vector<1x16xf32>,
        %mul3A_1262 = arith.constant 16 : i32
        %mul3A_1263 = arith.muli %scan3A_128, %mul3A_1262 : i32
        %add3A_1264 = arith.constant 13 : i32
        %add3A_1265 = arith.addi %mul3A_1263, %add3A_1264 : i32
        %slice3A_1266 = vector.extract_strided_slice %get3A_134 {offsets = [13], sizes = [1], strides = [1]} : vector<16xf32> to vector<1xf32>
        %squeeze3A_1267 = vector.extract %slice3A_1266[0] : f32 from vector<1xf32>
        %broadcast_in_dim3A_1268 = vector.broadcast %squeeze3A_1267 : f32 to vector<16xf32>
        %get3A_1269 = arith.index_cast %add3A_1265 : i32 to index
        %get3A_1270 = arith.constant 0 : index
        %get3A_1271 = tpu.vector_load %arg11[%get3A_1269, %get3A_1270] {strides = array<i32>} : memref<80x128xf32, #tpu.memory_space<vmem>>, vector<1x16xf32>,
        %get3A_1272 = vector.shape_cast %get3A_1271 : vector<1x16xf32> to vector<16xf32>
        %mul3A_1273 = arith.mulf %get3A_1272, %broadcast_in_dim3A_1268 : vector<16xf32>
        %swap3A_1274 = arith.index_cast %add3A_1265 : i32 to index
        %swap3A_1275 = arith.constant 0 : index
        %swap3A_1276 = tpu.vector_load %arg11[%swap3A_1274, %swap3A_1275] {strides = array<i32>} : memref<80x128xf32, #tpu.memory_space<vmem>>, vector<1x16xf32>,
        %swap3A_1277 = vector.shape_cast %swap3A_1276 : vector<1x16xf32> to vector<16xf32>
        %swap3A_1278 = vector.shape_cast %mul3A_1273 : vector<16xf32> to vector<1x16xf32>
        tpu.vector_store %arg11[%swap3A_1274, %swap3A_1275], %swap3A_1278 {strides = array<i32>} : memref<80x128xf32, #tpu.memory_space<vmem>>, vector<1x16xf32>,
        %get3A_1279 = arith.index_cast %add3A_1265 : i32 to index
        %get3A_1280 = arith.constant 16 : index
        %get3A_1281 = tpu.vector_load %arg11[%get3A_1279, %get3A_1280] {strides = array<i32>} : memref<80x128xf32, #tpu.memory_space<vmem>>, vector<1x16xf32>,
        %get3A_1282 = vector.shape_cast %get3A_1281 : vector<1x16xf32> to vector<16xf32>
        %mul3A_1283 = arith.mulf %get3A_1282, %broadcast_in_dim3A_1268 : vector<16xf32>
        %swap3A_1284 = arith.index_cast %add3A_1265 : i32 to index
        %swap3A_1285 = arith.constant 16 : index
        %swap3A_1286 = tpu.vector_load %arg11[%swap3A_1284, %swap3A_1285] {strides = array<i32>} : memref<80x128xf32, #tpu.memory_space<vmem>>, vector<1x16xf32>,
        %swap3A_1287 = vector.shape_cast %swap3A_1286 : vector<1x16xf32> to vector<16xf32>
        %swap3A_1288 = vector.shape_cast %mul3A_1283 : vector<16xf32> to vector<1x16xf32>
        tpu.vector_store %arg11[%swap3A_1284, %swap3A_1285], %swap3A_1288 {strides = array<i32>} : memref<80x128xf32, #tpu.memory_space<vmem>>, vector<1x16xf32>,
        %get3A_1289 = arith.index_cast %add3A_1265 : i32 to index
        %get3A_1290 = arith.constant 32 : index
        %get3A_1291 = tpu.vector_load %arg11[%get3A_1289, %get3A_1290] {strides = array<i32>} : memref<80x128xf32, #tpu.memory_space<vmem>>, vector<1x16xf32>,
        %get3A_1292 = vector.shape_cast %get3A_1291 : vector<1x16xf32> to vector<16xf32>
        %mul3A_1293 = arith.mulf %get3A_1292, %broadcast_in_dim3A_1268 : vector<16xf32>
        %swap3A_1294 = arith.index_cast %add3A_1265 : i32 to index
        %swap3A_1295 = arith.constant 32 : index
        %swap3A_1296 = tpu.vector_load %arg11[%swap3A_1294, %swap3A_1295] {strides = array<i32>} : memref<80x128xf32, #tpu.memory_space<vmem>>, vector<1x16xf32>,
        %swap3A_1297 = vector.shape_cast %swap3A_1296 : vector<1x16xf32> to vector<16xf32>
        %swap3A_1298 = vector.shape_cast %mul3A_1293 : vector<16xf32> to vector<1x16xf32>
        tpu.vector_store %arg11[%swap3A_1294, %swap3A_1295], %swap3A_1298 {strides = array<i32>} : memref<80x128xf32, #tpu.memory_space<vmem>>, vector<1x16xf32>,
        %get3A_1299 = arith.index_cast %add3A_1265 : i32 to index
        %get3A_1300 = arith.constant 48 : index
        %get3A_1301 = tpu.vector_load %arg11[%get3A_1299, %get3A_1300] {strides = array<i32>} : memref<80x128xf32, #tpu.memory_space<vmem>>, vector<1x16xf32>,
        %get3A_1302 = vector.shape_cast %get3A_1301 : vector<1x16xf32> to vector<16xf32>
        %mul3A_1303 = arith.mulf %get3A_1302, %broadcast_in_dim3A_1268 : vector<16xf32>
        %swap3A_1304 = arith.index_cast %add3A_1265 : i32 to index
        %swap3A_1305 = arith.constant 48 : index
        %swap3A_1306 = tpu.vector_load %arg11[%swap3A_1304, %swap3A_1305] {strides = array<i32>} : memref<80x128xf32, #tpu.memory_space<vmem>>, vector<1x16xf32>,
        %swap3A_1307 = vector.shape_cast %swap3A_1306 : vector<1x16xf32> to vector<16xf32>
        %swap3A_1308 = vector.shape_cast %mul3A_1303 : vector<16xf32> to vector<1x16xf32>
        tpu.vector_store %arg11[%swap3A_1304, %swap3A_1305], %swap3A_1308 {strides = array<i32>} : memref<80x128xf32, #tpu.memory_space<vmem>>, vector<1x16xf32>,
        %get3A_1309 = arith.index_cast %add3A_1265 : i32 to index
        %get3A_1310 = arith.constant 64 : index
        %get3A_1311 = tpu.vector_load %arg11[%get3A_1309, %get3A_1310] {strides = array<i32>} : memref<80x128xf32, #tpu.memory_space<vmem>>, vector<1x16xf32>,
        %get3A_1312 = vector.shape_cast %get3A_1311 : vector<1x16xf32> to vector<16xf32>
        %mul3A_1313 = arith.mulf %get3A_1312, %broadcast_in_dim3A_1268 : vector<16xf32>
        %swap3A_1314 = arith.index_cast %add3A_1265 : i32 to index
        %swap3A_1315 = arith.constant 64 : index
        %swap3A_1316 = tpu.vector_load %arg11[%swap3A_1314, %swap3A_1315] {strides = array<i32>} : memref<80x128xf32, #tpu.memory_space<vmem>>, vector<1x16xf32>,
        %swap3A_1317 = vector.shape_cast %swap3A_1316 : vector<1x16xf32> to vector<16xf32>
        %swap3A_1318 = vector.shape_cast %mul3A_1313 : vector<16xf32> to vector<1x16xf32>
        tpu.vector_store %arg11[%swap3A_1314, %swap3A_1315], %swap3A_1318 {strides = array<i32>} : memref<80x128xf32, #tpu.memory_space<vmem>>, vector<1x16xf32>,
        %get3A_1319 = arith.index_cast %add3A_1265 : i32 to index
        %get3A_1320 = arith.constant 80 : index
        %get3A_1321 = tpu.vector_load %arg11[%get3A_1319, %get3A_1320] {strides = array<i32>} : memref<80x128xf32, #tpu.memory_space<vmem>>, vector<1x16xf32>,
        %get3A_1322 = vector.shape_cast %get3A_1321 : vector<1x16xf32> to vector<16xf32>
        %mul3A_1323 = arith.mulf %get3A_1322, %broadcast_in_dim3A_1268 : vector<16xf32>
        %swap3A_1324 = arith.index_cast %add3A_1265 : i32 to index
        %swap3A_1325 = arith.constant 80 : index
        %swap3A_1326 = tpu.vector_load %arg11[%swap3A_1324, %swap3A_1325] {strides = array<i32>} : memref<80x128xf32, #tpu.memory_space<vmem>>, vector<1x16xf32>,
        %swap3A_1327 = vector.shape_cast %swap3A_1326 : vector<1x16xf32> to vector<16xf32>
        %swap3A_1328 = vector.shape_cast %mul3A_1323 : vector<16xf32> to vector<1x16xf32>
        tpu.vector_store %arg11[%swap3A_1324, %swap3A_1325], %swap3A_1328 {strides = array<i32>} : memref<80x128xf32, #tpu.memory_space<vmem>>, vector<1x16xf32>,
        %get3A_1329 = arith.index_cast %add3A_1265 : i32 to index
        %get3A_1330 = arith.constant 96 : index
        %get3A_1331 = tpu.vector_load %arg11[%get3A_1329, %get3A_1330] {strides = array<i32>} : memref<80x128xf32, #tpu.memory_space<vmem>>, vector<1x16xf32>,
        %get3A_1332 = vector.shape_cast %get3A_1331 : vector<1x16xf32> to vector<16xf32>
        %mul3A_1333 = arith.mulf %get3A_1332, %broadcast_in_dim3A_1268 : vector<16xf32>
        %swap3A_1334 = arith.index_cast %add3A_1265 : i32 to index
        %swap3A_1335 = arith.constant 96 : index
        %swap3A_1336 = tpu.vector_load %arg11[%swap3A_1334, %swap3A_1335] {strides = array<i32>} : memref<80x128xf32, #tpu.memory_space<vmem>>, vector<1x16xf32>,
        %swap3A_1337 = vector.shape_cast %swap3A_1336 : vector<1x16xf32> to vector<16xf32>
        %swap3A_1338 = vector.shape_cast %mul3A_1333 : vector<16xf32> to vector<1x16xf32>
        tpu.vector_store %arg11[%swap3A_1334, %swap3A_1335], %swap3A_1338 {strides = array<i32>} : memref<80x128xf32, #tpu.memory_space<vmem>>, vector<1x16xf32>,
        %get3A_1339 = arith.index_cast %add3A_1265 : i32 to index
        %get3A_1340 = arith.constant 112 : index
        %get3A_1341 = tpu.vector_load %arg11[%get3A_1339, %get3A_1340] {strides = array<i32>} : memref<80x128xf32, #tpu.memory_space<vmem>>, vector<1x16xf32>,
        %get3A_1342 = vector.shape_cast %get3A_1341 : vector<1x16xf32> to vector<16xf32>
        %mul3A_1343 = arith.mulf %get3A_1342, %broadcast_in_dim3A_1268 : vector<16xf32>
        %swap3A_1344 = arith.index_cast %add3A_1265 : i32 to index
        %swap3A_1345 = arith.constant 112 : index
        %swap3A_1346 = tpu.vector_load %arg11[%swap3A_1344, %swap3A_1345] {strides = array<i32>} : memref<80x128xf32, #tpu.memory_space<vmem>>, vector<1x16xf32>,
        %swap3A_1347 = vector.shape_cast %swap3A_1346 : vector<1x16xf32> to vector<16xf32>
        %swap3A_1348 = vector.shape_cast %mul3A_1343 : vector<16xf32> to vector<1x16xf32>
        tpu.vector_store %arg11[%swap3A_1344, %swap3A_1345], %swap3A_1348 {strides = array<i32>} : memref<80x128xf32, #tpu.memory_space<vmem>>, vector<1x16xf32>,
        %mul3A_1349 = arith.constant 16 : i32
        %mul3A_1350 = arith.muli %scan3A_128, %mul3A_1349 : i32
        %add3A_1351 = arith.constant 14 : i32
        %add3A_1352 = arith.addi %mul3A_1350, %add3A_1351 : i32
        %slice3A_1353 = vector.extract_strided_slice %get3A_134 {offsets = [14], sizes = [1], strides = [1]} : vector<16xf32> to vector<1xf32>
        %squeeze3A_1354 = vector.extract %slice3A_1353[0] : f32 from vector<1xf32>
        %broadcast_in_dim3A_1355 = vector.broadcast %squeeze3A_1354 : f32 to vector<16xf32>
        %get3A_1356 = arith.index_cast %add3A_1352 : i32 to index
        %get3A_1357 = arith.constant 0 : index
        %get3A_1358 = tpu.vector_load %arg11[%get3A_1356, %get3A_1357] {strides = array<i32>} : memref<80x128xf32, #tpu.memory_space<vmem>>, vector<1x16xf32>,
        %get3A_1359 = vector.shape_cast %get3A_1358 : vector<1x16xf32> to vector<16xf32>
        %mul3A_1360 = arith.mulf %get3A_1359, %broadcast_in_dim3A_1355 : vector<16xf32>
        %swap3A_1361 = arith.index_cast %add3A_1352 : i32 to index
        %swap3A_1362 = arith.constant 0 : index
        %swap3A_1363 = tpu.vector_load %arg11[%swap3A_1361, %swap3A_1362] {strides = array<i32>} : memref<80x128xf32, #tpu.memory_space<vmem>>, vector<1x16xf32>,
        %swap3A_1364 = vector.shape_cast %swap3A_1363 : vector<1x16xf32> to vector<16xf32>
        %swap3A_1365 = vector.shape_cast %mul3A_1360 : vector<16xf32> to vector<1x16xf32>
        tpu.vector_store %arg11[%swap3A_1361, %swap3A_1362], %swap3A_1365 {strides = array<i32>} : memref<80x128xf32, #tpu.memory_space<vmem>>, vector<1x16xf32>,
        %get3A_1366 = arith.index_cast %add3A_1352 : i32 to index
        %get3A_1367 = arith.constant 16 : index
        %get3A_1368 = tpu.vector_load %arg11[%get3A_1366, %get3A_1367] {strides = array<i32>} : memref<80x128xf32, #tpu.memory_space<vmem>>, vector<1x16xf32>,
        %get3A_1369 = vector.shape_cast %get3A_1368 : vector<1x16xf32> to vector<16xf32>
        %mul3A_1370 = arith.mulf %get3A_1369, %broadcast_in_dim3A_1355 : vector<16xf32>
        %swap3A_1371 = arith.index_cast %add3A_1352 : i32 to index
        %swap3A_1372 = arith.constant 16 : index
        %swap3A_1373 = tpu.vector_load %arg11[%swap3A_1371, %swap3A_1372] {strides = array<i32>} : memref<80x128xf32, #tpu.memory_space<vmem>>, vector<1x16xf32>,
        %swap3A_1374 = vector.shape_cast %swap3A_1373 : vector<1x16xf32> to vector<16xf32>
        %swap3A_1375 = vector.shape_cast %mul3A_1370 : vector<16xf32> to vector<1x16xf32>
        tpu.vector_store %arg11[%swap3A_1371, %swap3A_1372], %swap3A_1375 {strides = array<i32>} : memref<80x128xf32, #tpu.memory_space<vmem>>, vector<1x16xf32>,
        %get3A_1376 = arith.index_cast %add3A_1352 : i32 to index
        %get3A_1377 = arith.constant 32 : index
        %get3A_1378 = tpu.vector_load %arg11[%get3A_1376, %get3A_1377] {strides = array<i32>} : memref<80x128xf32, #tpu.memory_space<vmem>>, vector<1x16xf32>,
        %get3A_1379 = vector.shape_cast %get3A_1378 : vector<1x16xf32> to vector<16xf32>
        %mul3A_1380 = arith.mulf %get3A_1379, %broadcast_in_dim3A_1355 : vector<16xf32>
        %swap3A_1381 = arith.index_cast %add3A_1352 : i32 to index
        %swap3A_1382 = arith.constant 32 : index
        %swap3A_1383 = tpu.vector_load %arg11[%swap3A_1381, %swap3A_1382] {strides = array<i32>} : memref<80x128xf32, #tpu.memory_space<vmem>>, vector<1x16xf32>,
        %swap3A_1384 = vector.shape_cast %swap3A_1383 : vector<1x16xf32> to vector<16xf32>
        %swap3A_1385 = vector.shape_cast %mul3A_1380 : vector<16xf32> to vector<1x16xf32>
        tpu.vector_store %arg11[%swap3A_1381, %swap3A_1382], %swap3A_1385 {strides = array<i32>} : memref<80x128xf32, #tpu.memory_space<vmem>>, vector<1x16xf32>,
        %get3A_1386 = arith.index_cast %add3A_1352 : i32 to index
        %get3A_1387 = arith.constant 48 : index
        %get3A_1388 = tpu.vector_load %arg11[%get3A_1386, %get3A_1387] {strides = array<i32>} : memref<80x128xf32, #tpu.memory_space<vmem>>, vector<1x16xf32>,
        %get3A_1389 = vector.shape_cast %get3A_1388 : vector<1x16xf32> to vector<16xf32>
        %mul3A_1390 = arith.mulf %get3A_1389, %broadcast_in_dim3A_1355 : vector<16xf32>
        %swap3A_1391 = arith.index_cast %add3A_1352 : i32 to index
        %swap3A_1392 = arith.constant 48 : index
        %swap3A_1393 = tpu.vector_load %arg11[%swap3A_1391, %swap3A_1392] {strides = array<i32>} : memref<80x128xf32, #tpu.memory_space<vmem>>, vector<1x16xf32>,
        %swap3A_1394 = vector.shape_cast %swap3A_1393 : vector<1x16xf32> to vector<16xf32>
        %swap3A_1395 = vector.shape_cast %mul3A_1390 : vector<16xf32> to vector<1x16xf32>
        tpu.vector_store %arg11[%swap3A_1391, %swap3A_1392], %swap3A_1395 {strides = array<i32>} : memref<80x128xf32, #tpu.memory_space<vmem>>, vector<1x16xf32>,
        %get3A_1396 = arith.index_cast %add3A_1352 : i32 to index
        %get3A_1397 = arith.constant 64 : index
        %get3A_1398 = tpu.vector_load %arg11[%get3A_1396, %get3A_1397] {strides = array<i32>} : memref<80x128xf32, #tpu.memory_space<vmem>>, vector<1x16xf32>,
        %get3A_1399 = vector.shape_cast %get3A_1398 : vector<1x16xf32> to vector<16xf32>
        %mul3A_1400 = arith.mulf %get3A_1399, %broadcast_in_dim3A_1355 : vector<16xf32>
        %swap3A_1401 = arith.index_cast %add3A_1352 : i32 to index
        %swap3A_1402 = arith.constant 64 : index
        %swap3A_1403 = tpu.vector_load %arg11[%swap3A_1401, %swap3A_1402] {strides = array<i32>} : memref<80x128xf32, #tpu.memory_space<vmem>>, vector<1x16xf32>,
        %swap3A_1404 = vector.shape_cast %swap3A_1403 : vector<1x16xf32> to vector<16xf32>
        %swap3A_1405 = vector.shape_cast %mul3A_1400 : vector<16xf32> to vector<1x16xf32>
        tpu.vector_store %arg11[%swap3A_1401, %swap3A_1402], %swap3A_1405 {strides = array<i32>} : memref<80x128xf32, #tpu.memory_space<vmem>>, vector<1x16xf32>,
        %get3A_1406 = arith.index_cast %add3A_1352 : i32 to index
        %get3A_1407 = arith.constant 80 : index
        %get3A_1408 = tpu.vector_load %arg11[%get3A_1406, %get3A_1407] {strides = array<i32>} : memref<80x128xf32, #tpu.memory_space<vmem>>, vector<1x16xf32>,
        %get3A_1409 = vector.shape_cast %get3A_1408 : vector<1x16xf32> to vector<16xf32>
        %mul3A_1410 = arith.mulf %get3A_1409, %broadcast_in_dim3A_1355 : vector<16xf32>
        %swap3A_1411 = arith.index_cast %add3A_1352 : i32 to index
        %swap3A_1412 = arith.constant 80 : index
        %swap3A_1413 = tpu.vector_load %arg11[%swap3A_1411, %swap3A_1412] {strides = array<i32>} : memref<80x128xf32, #tpu.memory_space<vmem>>, vector<1x16xf32>,
        %swap3A_1414 = vector.shape_cast %swap3A_1413 : vector<1x16xf32> to vector<16xf32>
        %swap3A_1415 = vector.shape_cast %mul3A_1410 : vector<16xf32> to vector<1x16xf32>
        tpu.vector_store %arg11[%swap3A_1411, %swap3A_1412], %swap3A_1415 {strides = array<i32>} : memref<80x128xf32, #tpu.memory_space<vmem>>, vector<1x16xf32>,
        %get3A_1416 = arith.index_cast %add3A_1352 : i32 to index
        %get3A_1417 = arith.constant 96 : index
        %get3A_1418 = tpu.vector_load %arg11[%get3A_1416, %get3A_1417] {strides = array<i32>} : memref<80x128xf32, #tpu.memory_space<vmem>>, vector<1x16xf32>,
        %get3A_1419 = vector.shape_cast %get3A_1418 : vector<1x16xf32> to vector<16xf32>
        %mul3A_1420 = arith.mulf %get3A_1419, %broadcast_in_dim3A_1355 : vector<16xf32>
        %swap3A_1421 = arith.index_cast %add3A_1352 : i32 to index
        %swap3A_1422 = arith.constant 96 : index
        %swap3A_1423 = tpu.vector_load %arg11[%swap3A_1421, %swap3A_1422] {strides = array<i32>} : memref<80x128xf32, #tpu.memory_space<vmem>>, vector<1x16xf32>,
        %swap3A_1424 = vector.shape_cast %swap3A_1423 : vector<1x16xf32> to vector<16xf32>
        %swap3A_1425 = vector.shape_cast %mul3A_1420 : vector<16xf32> to vector<1x16xf32>
        tpu.vector_store %arg11[%swap3A_1421, %swap3A_1422], %swap3A_1425 {strides = array<i32>} : memref<80x128xf32, #tpu.memory_space<vmem>>, vector<1x16xf32>,
        %get3A_1426 = arith.index_cast %add3A_1352 : i32 to index
        %get3A_1427 = arith.constant 112 : index
        %get3A_1428 = tpu.vector_load %arg11[%get3A_1426, %get3A_1427] {strides = array<i32>} : memref<80x128xf32, #tpu.memory_space<vmem>>, vector<1x16xf32>,
        %get3A_1429 = vector.shape_cast %get3A_1428 : vector<1x16xf32> to vector<16xf32>
        %mul3A_1430 = arith.mulf %get3A_1429, %broadcast_in_dim3A_1355 : vector<16xf32>
        %swap3A_1431 = arith.index_cast %add3A_1352 : i32 to index
        %swap3A_1432 = arith.constant 112 : index
        %swap3A_1433 = tpu.vector_load %arg11[%swap3A_1431, %swap3A_1432] {strides = array<i32>} : memref<80x128xf32, #tpu.memory_space<vmem>>, vector<1x16xf32>,
        %swap3A_1434 = vector.shape_cast %swap3A_1433 : vector<1x16xf32> to vector<16xf32>
        %swap3A_1435 = vector.shape_cast %mul3A_1430 : vector<16xf32> to vector<1x16xf32>
        tpu.vector_store %arg11[%swap3A_1431, %swap3A_1432], %swap3A_1435 {strides = array<i32>} : memref<80x128xf32, #tpu.memory_space<vmem>>, vector<1x16xf32>,
        %mul3A_1436 = arith.constant 16 : i32
        %mul3A_1437 = arith.muli %scan3A_128, %mul3A_1436 : i32
        %add3A_1438 = arith.constant 15 : i32
        %add3A_1439 = arith.addi %mul3A_1437, %add3A_1438 : i32
        %slice3A_1440 = vector.extract_strided_slice %get3A_134 {offsets = [15], sizes = [1], strides = [1]} : vector<16xf32> to vector<1xf32>
        %squeeze3A_1441 = vector.extract %slice3A_1440[0] : f32 from vector<1xf32>
        %broadcast_in_dim3A_1442 = vector.broadcast %squeeze3A_1441 : f32 to vector<16xf32>
        %get3A_1443 = arith.index_cast %add3A_1439 : i32 to index
        %get3A_1444 = arith.constant 0 : index
        %get3A_1445 = tpu.vector_load %arg11[%get3A_1443, %get3A_1444] {strides = array<i32>} : memref<80x128xf32, #tpu.memory_space<vmem>>, vector<1x16xf32>,
        %get3A_1446 = vector.shape_cast %get3A_1445 : vector<1x16xf32> to vector<16xf32>
        %mul3A_1447 = arith.mulf %get3A_1446, %broadcast_in_dim3A_1442 : vector<16xf32>
        %swap3A_1448 = arith.index_cast %add3A_1439 : i32 to index
        %swap3A_1449 = arith.constant 0 : index
        %swap3A_1450 = tpu.vector_load %arg11[%swap3A_1448, %swap3A_1449] {strides = array<i32>} : memref<80x128xf32, #tpu.memory_space<vmem>>, vector<1x16xf32>,
        %swap3A_1451 = vector.shape_cast %swap3A_1450 : vector<1x16xf32> to vector<16xf32>
        %swap3A_1452 = vector.shape_cast %mul3A_1447 : vector<16xf32> to vector<1x16xf32>
        tpu.vector_store %arg11[%swap3A_1448, %swap3A_1449], %swap3A_1452 {strides = array<i32>} : memref<80x128xf32, #tpu.memory_space<vmem>>, vector<1x16xf32>,
        %get3A_1453 = arith.index_cast %add3A_1439 : i32 to index
        %get3A_1454 = arith.constant 16 : index
        %get3A_1455 = tpu.vector_load %arg11[%get3A_1453, %get3A_1454] {strides = array<i32>} : memref<80x128xf32, #tpu.memory_space<vmem>>, vector<1x16xf32>,
        %get3A_1456 = vector.shape_cast %get3A_1455 : vector<1x16xf32> to vector<16xf32>
        %mul3A_1457 = arith.mulf %get3A_1456, %broadcast_in_dim3A_1442 : vector<16xf32>
        %swap3A_1458 = arith.index_cast %add3A_1439 : i32 to index
        %swap3A_1459 = arith.constant 16 : index
        %swap3A_1460 = tpu.vector_load %arg11[%swap3A_1458, %swap3A_1459] {strides = array<i32>} : memref<80x128xf32, #tpu.memory_space<vmem>>, vector<1x16xf32>,
        %swap3A_1461 = vector.shape_cast %swap3A_1460 : vector<1x16xf32> to vector<16xf32>
        %swap3A_1462 = vector.shape_cast %mul3A_1457 : vector<16xf32> to vector<1x16xf32>
        tpu.vector_store %arg11[%swap3A_1458, %swap3A_1459], %swap3A_1462 {strides = array<i32>} : memref<80x128xf32, #tpu.memory_space<vmem>>, vector<1x16xf32>,
        %get3A_1463 = arith.index_cast %add3A_1439 : i32 to index
        %get3A_1464 = arith.constant 32 : index
        %get3A_1465 = tpu.vector_load %arg11[%get3A_1463, %get3A_1464] {strides = array<i32>} : memref<80x128xf32, #tpu.memory_space<vmem>>, vector<1x16xf32>,
        %get3A_1466 = vector.shape_cast %get3A_1465 : vector<1x16xf32> to vector<16xf32>
        %mul3A_1467 = arith.mulf %get3A_1466, %broadcast_in_dim3A_1442 : vector<16xf32>
        %swap3A_1468 = arith.index_cast %add3A_1439 : i32 to index
        %swap3A_1469 = arith.constant 32 : index
        %swap3A_1470 = tpu.vector_load %arg11[%swap3A_1468, %swap3A_1469] {strides = array<i32>} : memref<80x128xf32, #tpu.memory_space<vmem>>, vector<1x16xf32>,
        %swap3A_1471 = vector.shape_cast %swap3A_1470 : vector<1x16xf32> to vector<16xf32>
        %swap3A_1472 = vector.shape_cast %mul3A_1467 : vector<16xf32> to vector<1x16xf32>
        tpu.vector_store %arg11[%swap3A_1468, %swap3A_1469], %swap3A_1472 {strides = array<i32>} : memref<80x128xf32, #tpu.memory_space<vmem>>, vector<1x16xf32>,
        %get3A_1473 = arith.index_cast %add3A_1439 : i32 to index
        %get3A_1474 = arith.constant 48 : index
        %get3A_1475 = tpu.vector_load %arg11[%get3A_1473, %get3A_1474] {strides = array<i32>} : memref<80x128xf32, #tpu.memory_space<vmem>>, vector<1x16xf32>,
        %get3A_1476 = vector.shape_cast %get3A_1475 : vector<1x16xf32> to vector<16xf32>
        %mul3A_1477 = arith.mulf %get3A_1476, %broadcast_in_dim3A_1442 : vector<16xf32>
        %swap3A_1478 = arith.index_cast %add3A_1439 : i32 to index
        %swap3A_1479 = arith.constant 48 : index
        %swap3A_1480 = tpu.vector_load %arg11[%swap3A_1478, %swap3A_1479] {strides = array<i32>} : memref<80x128xf32, #tpu.memory_space<vmem>>, vector<1x16xf32>,
        %swap3A_1481 = vector.shape_cast %swap3A_1480 : vector<1x16xf32> to vector<16xf32>
        %swap3A_1482 = vector.shape_cast %mul3A_1477 : vector<16xf32> to vector<1x16xf32>
        tpu.vector_store %arg11[%swap3A_1478, %swap3A_1479], %swap3A_1482 {strides = array<i32>} : memref<80x128xf32, #tpu.memory_space<vmem>>, vector<1x16xf32>,
        %get3A_1483 = arith.index_cast %add3A_1439 : i32 to index
        %get3A_1484 = arith.constant 64 : index
        %get3A_1485 = tpu.vector_load %arg11[%get3A_1483, %get3A_1484] {strides = array<i32>} : memref<80x128xf32, #tpu.memory_space<vmem>>, vector<1x16xf32>,
        %get3A_1486 = vector.shape_cast %get3A_1485 : vector<1x16xf32> to vector<16xf32>
        %mul3A_1487 = arith.mulf %get3A_1486, %broadcast_in_dim3A_1442 : vector<16xf32>
        %swap3A_1488 = arith.index_cast %add3A_1439 : i32 to index
        %swap3A_1489 = arith.constant 64 : index
        %swap3A_1490 = tpu.vector_load %arg11[%swap3A_1488, %swap3A_1489] {strides = array<i32>} : memref<80x128xf32, #tpu.memory_space<vmem>>, vector<1x16xf32>,
        %swap3A_1491 = vector.shape_cast %swap3A_1490 : vector<1x16xf32> to vector<16xf32>
        %swap3A_1492 = vector.shape_cast %mul3A_1487 : vector<16xf32> to vector<1x16xf32>
        tpu.vector_store %arg11[%swap3A_1488, %swap3A_1489], %swap3A_1492 {strides = array<i32>} : memref<80x128xf32, #tpu.memory_space<vmem>>, vector<1x16xf32>,
        %get3A_1493 = arith.index_cast %add3A_1439 : i32 to index
        %get3A_1494 = arith.constant 80 : index
        %get3A_1495 = tpu.vector_load %arg11[%get3A_1493, %get3A_1494] {strides = array<i32>} : memref<80x128xf32, #tpu.memory_space<vmem>>, vector<1x16xf32>,
        %get3A_1496 = vector.shape_cast %get3A_1495 : vector<1x16xf32> to vector<16xf32>
        %mul3A_1497 = arith.mulf %get3A_1496, %broadcast_in_dim3A_1442 : vector<16xf32>
        %swap3A_1498 = arith.index_cast %add3A_1439 : i32 to index
        %swap3A_1499 = arith.constant 80 : index
        %swap3A_1500 = tpu.vector_load %arg11[%swap3A_1498, %swap3A_1499] {strides = array<i32>} : memref<80x128xf32, #tpu.memory_space<vmem>>, vector<1x16xf32>,
        %swap3A_1501 = vector.shape_cast %swap3A_1500 : vector<1x16xf32> to vector<16xf32>
        %swap3A_1502 = vector.shape_cast %mul3A_1497 : vector<16xf32> to vector<1x16xf32>
        tpu.vector_store %arg11[%swap3A_1498, %swap3A_1499], %swap3A_1502 {strides = array<i32>} : memref<80x128xf32, #tpu.memory_space<vmem>>, vector<1x16xf32>,
        %get3A_1503 = arith.index_cast %add3A_1439 : i32 to index
        %get3A_1504 = arith.constant 96 : index
        %get3A_1505 = tpu.vector_load %arg11[%get3A_1503, %get3A_1504] {strides = array<i32>} : memref<80x128xf32, #tpu.memory_space<vmem>>, vector<1x16xf32>,
        %get3A_1506 = vector.shape_cast %get3A_1505 : vector<1x16xf32> to vector<16xf32>
        %mul3A_1507 = arith.mulf %get3A_1506, %broadcast_in_dim3A_1442 : vector<16xf32>
        %swap3A_1508 = arith.index_cast %add3A_1439 : i32 to index
        %swap3A_1509 = arith.constant 96 : index
        %swap3A_1510 = tpu.vector_load %arg11[%swap3A_1508, %swap3A_1509] {strides = array<i32>} : memref<80x128xf32, #tpu.memory_space<vmem>>, vector<1x16xf32>,
        %swap3A_1511 = vector.shape_cast %swap3A_1510 : vector<1x16xf32> to vector<16xf32>
        %swap3A_1512 = vector.shape_cast %mul3A_1507 : vector<16xf32> to vector<1x16xf32>
        tpu.vector_store %arg11[%swap3A_1508, %swap3A_1509], %swap3A_1512 {strides = array<i32>} : memref<80x128xf32, #tpu.memory_space<vmem>>, vector<1x16xf32>,
        %get3A_1513 = arith.index_cast %add3A_1439 : i32 to index
        %get3A_1514 = arith.constant 112 : index
        %get3A_1515 = tpu.vector_load %arg11[%get3A_1513, %get3A_1514] {strides = array<i32>} : memref<80x128xf32, #tpu.memory_space<vmem>>, vector<1x16xf32>,
        %get3A_1516 = vector.shape_cast %get3A_1515 : vector<1x16xf32> to vector<16xf32>
        %mul3A_1517 = arith.mulf %get3A_1516, %broadcast_in_dim3A_1442 : vector<16xf32>
        %swap3A_1518 = arith.index_cast %add3A_1439 : i32 to index
        %swap3A_1519 = arith.constant 112 : index
        %swap3A_1520 = tpu.vector_load %arg11[%swap3A_1518, %swap3A_1519] {strides = array<i32>} : memref<80x128xf32, #tpu.memory_space<vmem>>, vector<1x16xf32>,
        %swap3A_1521 = vector.shape_cast %swap3A_1520 : vector<1x16xf32> to vector<16xf32>
        %swap3A_1522 = vector.shape_cast %mul3A_1517 : vector<16xf32> to vector<1x16xf32>
        tpu.vector_store %arg11[%swap3A_1518, %swap3A_1519], %swap3A_1522 {strides = array<i32>} : memref<80x128xf32, #tpu.memory_space<vmem>>, vector<1x16xf32>,
        %scan3A_1523 = arith.constant 0 : i32
        scf.yield %scan3A_1523 : i32
      }
      %scan3A_85 = arith.constant 5 : i32
      %mul3A_86 = arith.constant 80 : i32
      %mul3A_87 = arith.muli %mul3A_56, %mul3A_86 : i32
      %dma_start3A_88 = tpu.memref_slice %arg9[%mul3A_87] : memref<10000xi32, #tpu.memory_space<vmem>> -> memref<80xi32, #tpu.memory_space<vmem>>
      %dma_start3A_89 = arith.constant 0 : i32
      %dma_start3A_90 = arith.constant 0 : i32
      %dma_start3A_91 = tpu.memref_slice %arg13[%dma_start3A_89, %dma_start3A_90] : memref<10000x128xf32, #tpu.memory_space<vmem_shared>> -> memref<10000x128xf32, #tpu.memory_space<vmem_shared>>
      tpu.enqueue_indirect_dma source(%arg11 : memref<80x128xf32, #tpu.memory_space<vmem>>) target(%dma_start3A_91 : memref<10000x128xf32, #tpu.memory_space<vmem_shared>>) offsets(%dma_start3A_88 : memref<80xi32, #tpu.memory_space<vmem>>) semaphore(%arg16 : memref<!tpu.dma_semaphore, #tpu.memory_space<semaphore_mem>>) {add = true}
      %mul3A_92 = arith.constant 80 : i32
      %mul3A_93 = arith.muli %add3A_60, %mul3A_92 : i32
      %dma_wait3A_94 = tpu.memref_slice %arg8[%mul3A_93] : memref<10000xi32, #tpu.memory_space<vmem>> -> memref<80xi32, #tpu.memory_space<vmem>>
      %dma_wait3A_95 = arith.constant 0 : i32
      %dma_wait3A_96 = arith.constant 0 : i32
      %dma_wait3A_97 = tpu.memref_slice %arg5[%dma_wait3A_95, %dma_wait3A_96] : memref<10000x128xf32, #tpu.memory_space<hbm>> -> memref<10000x128xf32, #tpu.memory_space<hbm>>
      tpu.wait_indirect_dma semaphore(%arg15 : memref<!tpu.dma_semaphore, #tpu.memory_space<semaphore_mem>>) src(%dma_wait3A_97 : memref<10000x128xf32, #tpu.memory_space<hbm>>) dst(%arg12 : memref<80x128xf32, #tpu.memory_space<vmem>>)
      %mul3A_98 = arith.constant 80 : i32
      %mul3A_99 = arith.muli %mul3A_56, %mul3A_98 : i32
      %dma_wait3A_100 = tpu.memref_slice %arg9[%mul3A_99] : memref<10000xi32, #tpu.memory_space<vmem>> -> memref<80xi32, #tpu.memory_space<vmem>>
      %dma_wait3A_101 = arith.constant 0 : i32
      %dma_wait3A_102 = arith.constant 0 : i32
      %dma_wait3A_103 = tpu.memref_slice %arg13[%dma_wait3A_101, %dma_wait3A_102] : memref<10000x128xf32, #tpu.memory_space<vmem_shared>> -> memref<10000x128xf32, #tpu.memory_space<vmem_shared>>
      tpu.wait_indirect_dma semaphore(%arg16 : memref<!tpu.dma_semaphore, #tpu.memory_space<semaphore_mem>>) src(%arg11 : memref<80x128xf32, #tpu.memory_space<vmem>>) dst(%dma_wait3A_103 : memref<10000x128xf32, #tpu.memory_space<vmem_shared>>)
      %add3A_104 = arith.constant 2 : i32
      %add3A_105 = arith.addi %mul3A_56, %add3A_104 : i32
      %mul3A_106 = arith.constant 80 : i32
      %mul3A_107 = arith.muli %add3A_105, %mul3A_106 : i32
      %dma_start3A_108 = tpu.memref_slice %arg8[%mul3A_107] : memref<10000xi32, #tpu.memory_space<vmem>> -> memref<80xi32, #tpu.memory_space<vmem>>
      %dma_start3A_109 = arith.constant 0 : i32
      %dma_start3A_110 = arith.constant 0 : i32
      %dma_start3A_111 = tpu.memref_slice %arg5[%dma_start3A_109, %dma_start3A_110] : memref<10000x128xf32, #tpu.memory_space<hbm>> -> memref<10000x128xf32, #tpu.memory_space<hbm>>
      tpu.enqueue_indirect_dma source(%dma_start3A_111 : memref<10000x128xf32, #tpu.memory_space<hbm>>) target(%arg11 : memref<80x128xf32, #tpu.memory_space<vmem>>) offsets(%dma_start3A_108 : memref<80xi32, #tpu.memory_space<vmem>>) semaphore(%arg14 : memref<!tpu.dma_semaphore, #tpu.memory_space<semaphore_mem>>)
      %mul3A_112 = arith.constant 80 : i32
      %mul3A_113 = arith.muli %add3A_60, %mul3A_112 : i32
      %scan3A_114 = arith.constant 0 : i32
      %scan3A_115 = arith.constant 0 : i32
      %scan3A_116 = arith.constant 5 : i32
      %scan3A_117 = arith.addi %scan3A_115, %scan3A_116 : i32
      %scan3A_118 = arith.constant 1 : i32
      %scan3A_119 = scf.for %scan3A_128 = %scan3A_115 to %scan3A_117 step %scan3A_118 iter_args(%scan3A_129 = %scan3A_114) -> (i32)  : i32 {
        %mul3A_130 = arith.constant 16 : i32
        %mul3A_131 = arith.muli %scan3A_128, %mul3A_130 : i32
        %add3A_132 = arith.addi %mul3A_113, %mul3A_131 : i32
        %get3A = arith.index_cast %add3A_132 : i32 to index
        %get3A_133 = tpu.vector_load %arg10[%get3A] {strides = array<i32>} : memref<10000xf32, #tpu.memory_space<vmem>>, vector<16xf32>,
        %get3A_134 = vector.shape_cast %get3A_133 : vector<16xf32> to vector<16xf32>
        %mul3A_135 = arith.constant 16 : i32
        %mul3A_136 = arith.muli %scan3A_128, %mul3A_135 : i32
        %add3A_137 = arith.constant 0 : i32
        %add3A_138 = arith.addi %mul3A_136, %add3A_137 : i32
        %slice3A = vector.extract_strided_slice %get3A_134 {offsets = [0], sizes = [1], strides = [1]} : vector<16xf32> to vector<1xf32>
        %squeeze3A = vector.extract %slice3A[0] : f32 from vector<1xf32>
        %broadcast_in_dim3A = vector.broadcast %squeeze3A : f32 to vector<16xf32>
        %get3A_139 = arith.index_cast %add3A_138 : i32 to index
        %get3A_140 = arith.constant 0 : index
        %get3A_141 = tpu.vector_load %arg12[%get3A_139, %get3A_140] {strides = array<i32>} : memref<80x128xf32, #tpu.memory_space<vmem>>, vector<1x16xf32>,
        %get3A_142 = vector.shape_cast %get3A_141 : vector<1x16xf32> to vector<16xf32>
        %mul3A_143 = arith.mulf %get3A_142, %broadcast_in_dim3A : vector<16xf32>
        %swap3A = arith.index_cast %add3A_138 : i32 to index
        %swap3A_144 = arith.constant 0 : index
        %swap3A_145 = tpu.vector_load %arg12[%swap3A, %swap3A_144] {strides = array<i32>} : memref<80x128xf32, #tpu.memory_space<vmem>>, vector<1x16xf32>,
        %swap3A_146 = vector.shape_cast %swap3A_145 : vector<1x16xf32> to vector<16xf32>
        %swap3A_147 = vector.shape_cast %mul3A_143 : vector<16xf32> to vector<1x16xf32>
        tpu.vector_store %arg12[%swap3A, %swap3A_144], %swap3A_147 {strides = array<i32>} : memref<80x128xf32, #tpu.memory_space<vmem>>, vector<1x16xf32>,
        %get3A_148 = arith.index_cast %add3A_138 : i32 to index
        %get3A_149 = arith.constant 16 : index
        %get3A_150 = tpu.vector_load %arg12[%get3A_148, %get3A_149] {strides = array<i32>} : memref<80x128xf32, #tpu.memory_space<vmem>>, vector<1x16xf32>,
        %get3A_151 = vector.shape_cast %get3A_150 : vector<1x16xf32> to vector<16xf32>
        %mul3A_152 = arith.mulf %get3A_151, %broadcast_in_dim3A : vector<16xf32>
        %swap3A_153 = arith.index_cast %add3A_138 : i32 to index
        %swap3A_154 = arith.constant 16 : index
        %swap3A_155 = tpu.vector_load %arg12[%swap3A_153, %swap3A_154] {strides = array<i32>} : memref<80x128xf32, #tpu.memory_space<vmem>>, vector<1x16xf32>,
        %swap3A_156 = vector.shape_cast %swap3A_155 : vector<1x16xf32> to vector<16xf32>
        %swap3A_157 = vector.shape_cast %mul3A_152 : vector<16xf32> to vector<1x16xf32>
        tpu.vector_store %arg12[%swap3A_153, %swap3A_154], %swap3A_157 {strides = array<i32>} : memref<80x128xf32, #tpu.memory_space<vmem>>, vector<1x16xf32>,
        %get3A_158 = arith.index_cast %add3A_138 : i32 to index
        %get3A_159 = arith.constant 32 : index
        %get3A_160 = tpu.vector_load %arg12[%get3A_158, %get3A_159] {strides = array<i32>} : memref<80x128xf32, #tpu.memory_space<vmem>>, vector<1x16xf32>,
        %get3A_161 = vector.shape_cast %get3A_160 : vector<1x16xf32> to vector<16xf32>
        %mul3A_162 = arith.mulf %get3A_161, %broadcast_in_dim3A : vector<16xf32>
        %swap3A_163 = arith.index_cast %add3A_138 : i32 to index
        %swap3A_164 = arith.constant 32 : index
        %swap3A_165 = tpu.vector_load %arg12[%swap3A_163, %swap3A_164] {strides = array<i32>} : memref<80x128xf32, #tpu.memory_space<vmem>>, vector<1x16xf32>,
        %swap3A_166 = vector.shape_cast %swap3A_165 : vector<1x16xf32> to vector<16xf32>
        %swap3A_167 = vector.shape_cast %mul3A_162 : vector<16xf32> to vector<1x16xf32>
        tpu.vector_store %arg12[%swap3A_163, %swap3A_164], %swap3A_167 {strides = array<i32>} : memref<80x128xf32, #tpu.memory_space<vmem>>, vector<1x16xf32>,
        %get3A_168 = arith.index_cast %add3A_138 : i32 to index
        %get3A_169 = arith.constant 48 : index
        %get3A_170 = tpu.vector_load %arg12[%get3A_168, %get3A_169] {strides = array<i32>} : memref<80x128xf32, #tpu.memory_space<vmem>>, vector<1x16xf32>,
        %get3A_171 = vector.shape_cast %get3A_170 : vector<1x16xf32> to vector<16xf32>
        %mul3A_172 = arith.mulf %get3A_171, %broadcast_in_dim3A : vector<16xf32>
        %swap3A_173 = arith.index_cast %add3A_138 : i32 to index
        %swap3A_174 = arith.constant 48 : index
        %swap3A_175 = tpu.vector_load %arg12[%swap3A_173, %swap3A_174] {strides = array<i32>} : memref<80x128xf32, #tpu.memory_space<vmem>>, vector<1x16xf32>,
        %swap3A_176 = vector.shape_cast %swap3A_175 : vector<1x16xf32> to vector<16xf32>
        %swap3A_177 = vector.shape_cast %mul3A_172 : vector<16xf32> to vector<1x16xf32>
        tpu.vector_store %arg12[%swap3A_173, %swap3A_174], %swap3A_177 {strides = array<i32>} : memref<80x128xf32, #tpu.memory_space<vmem>>, vector<1x16xf32>,
        %get3A_178 = arith.index_cast %add3A_138 : i32 to index
        %get3A_179 = arith.constant 64 : index
        %get3A_180 = tpu.vector_load %arg12[%get3A_178, %get3A_179] {strides = array<i32>} : memref<80x128xf32, #tpu.memory_space<vmem>>, vector<1x16xf32>,
        %get3A_181 = vector.shape_cast %get3A_180 : vector<1x16xf32> to vector<16xf32>
        %mul3A_182 = arith.mulf %get3A_181, %broadcast_in_dim3A : vector<16xf32>
        %swap3A_183 = arith.index_cast %add3A_138 : i32 to index
        %swap3A_184 = arith.constant 64 : index
        %swap3A_185 = tpu.vector_load %arg12[%swap3A_183, %swap3A_184] {strides = array<i32>} : memref<80x128xf32, #tpu.memory_space<vmem>>, vector<1x16xf32>,
        %swap3A_186 = vector.shape_cast %swap3A_185 : vector<1x16xf32> to vector<16xf32>
        %swap3A_187 = vector.shape_cast %mul3A_182 : vector<16xf32> to vector<1x16xf32>
        tpu.vector_store %arg12[%swap3A_183, %swap3A_184], %swap3A_187 {strides = array<i32>} : memref<80x128xf32, #tpu.memory_space<vmem>>, vector<1x16xf32>,
        %get3A_188 = arith.index_cast %add3A_138 : i32 to index
        %get3A_189 = arith.constant 80 : index
        %get3A_190 = tpu.vector_load %arg12[%get3A_188, %get3A_189] {strides = array<i32>} : memref<80x128xf32, #tpu.memory_space<vmem>>, vector<1x16xf32>,
        %get3A_191 = vector.shape_cast %get3A_190 : vector<1x16xf32> to vector<16xf32>
        %mul3A_192 = arith.mulf %get3A_191, %broadcast_in_dim3A : vector<16xf32>
        %swap3A_193 = arith.index_cast %add3A_138 : i32 to index
        %swap3A_194 = arith.constant 80 : index
        %swap3A_195 = tpu.vector_load %arg12[%swap3A_193, %swap3A_194] {strides = array<i32>} : memref<80x128xf32, #tpu.memory_space<vmem>>, vector<1x16xf32>,
        %swap3A_196 = vector.shape_cast %swap3A_195 : vector<1x16xf32> to vector<16xf32>
        %swap3A_197 = vector.shape_cast %mul3A_192 : vector<16xf32> to vector<1x16xf32>
        tpu.vector_store %arg12[%swap3A_193, %swap3A_194], %swap3A_197 {strides = array<i32>} : memref<80x128xf32, #tpu.memory_space<vmem>>, vector<1x16xf32>,
        %get3A_198 = arith.index_cast %add3A_138 : i32 to index
        %get3A_199 = arith.constant 96 : index
        %get3A_200 = tpu.vector_load %arg12[%get3A_198, %get3A_199] {strides = array<i32>} : memref<80x128xf32, #tpu.memory_space<vmem>>, vector<1x16xf32>,
        %get3A_201 = vector.shape_cast %get3A_200 : vector<1x16xf32> to vector<16xf32>
        %mul3A_202 = arith.mulf %get3A_201, %broadcast_in_dim3A : vector<16xf32>
        %swap3A_203 = arith.index_cast %add3A_138 : i32 to index
        %swap3A_204 = arith.constant 96 : index
        %swap3A_205 = tpu.vector_load %arg12[%swap3A_203, %swap3A_204] {strides = array<i32>} : memref<80x128xf32, #tpu.memory_space<vmem>>, vector<1x16xf32>,
        %swap3A_206 = vector.shape_cast %swap3A_205 : vector<1x16xf32> to vector<16xf32>
        %swap3A_207 = vector.shape_cast %mul3A_202 : vector<16xf32> to vector<1x16xf32>
        tpu.vector_store %arg12[%swap3A_203, %swap3A_204], %swap3A_207 {strides = array<i32>} : memref<80x128xf32, #tpu.memory_space<vmem>>, vector<1x16xf32>,
        %get3A_208 = arith.index_cast %add3A_138 : i32 to index
        %get3A_209 = arith.constant 112 : index
        %get3A_210 = tpu.vector_load %arg12[%get3A_208, %get3A_209] {strides = array<i32>} : memref<80x128xf32, #tpu.memory_space<vmem>>, vector<1x16xf32>,
        %get3A_211 = vector.shape_cast %get3A_210 : vector<1x16xf32> to vector<16xf32>
        %mul3A_212 = arith.mulf %get3A_211, %broadcast_in_dim3A : vector<16xf32>
        %swap3A_213 = arith.index_cast %add3A_138 : i32 to index
        %swap3A_214 = arith.constant 112 : index
        %swap3A_215 = tpu.vector_load %arg12[%swap3A_213, %swap3A_214] {strides = array<i32>} : memref<80x128xf32, #tpu.memory_space<vmem>>, vector<1x16xf32>,
        %swap3A_216 = vector.shape_cast %swap3A_215 : vector<1x16xf32> to vector<16xf32>
        %swap3A_217 = vector.shape_cast %mul3A_212 : vector<16xf32> to vector<1x16xf32>
        tpu.vector_store %arg12[%swap3A_213, %swap3A_214], %swap3A_217 {strides = array<i32>} : memref<80x128xf32, #tpu.memory_space<vmem>>, vector<1x16xf32>,
        %mul3A_218 = arith.constant 16 : i32
        %mul3A_219 = arith.muli %scan3A_128, %mul3A_218 : i32
        %add3A_220 = arith.constant 1 : i32
        %add3A_221 = arith.addi %mul3A_219, %add3A_220 : i32
        %slice3A_222 = vector.extract_strided_slice %get3A_134 {offsets = [1], sizes = [1], strides = [1]} : vector<16xf32> to vector<1xf32>
        %squeeze3A_223 = vector.extract %slice3A_222[0] : f32 from vector<1xf32>
        %broadcast_in_dim3A_224 = vector.broadcast %squeeze3A_223 : f32 to vector<16xf32>
        %get3A_225 = arith.index_cast %add3A_221 : i32 to index
        %get3A_226 = arith.constant 0 : index
        %get3A_227 = tpu.vector_load %arg12[%get3A_225, %get3A_226] {strides = array<i32>} : memref<80x128xf32, #tpu.memory_space<vmem>>, vector<1x16xf32>,
        %get3A_228 = vector.shape_cast %get3A_227 : vector<1x16xf32> to vector<16xf32>
        %mul3A_229 = arith.mulf %get3A_228, %broadcast_in_dim3A_224 : vector<16xf32>
        %swap3A_230 = arith.index_cast %add3A_221 : i32 to index
        %swap3A_231 = arith.constant 0 : index
        %swap3A_232 = tpu.vector_load %arg12[%swap3A_230, %swap3A_231] {strides = array<i32>} : memref<80x128xf32, #tpu.memory_space<vmem>>, vector<1x16xf32>,
        %swap3A_233 = vector.shape_cast %swap3A_232 : vector<1x16xf32> to vector<16xf32>
        %swap3A_234 = vector.shape_cast %mul3A_229 : vector<16xf32> to vector<1x16xf32>
        tpu.vector_store %arg12[%swap3A_230, %swap3A_231], %swap3A_234 {strides = array<i32>} : memref<80x128xf32, #tpu.memory_space<vmem>>, vector<1x16xf32>,
        %get3A_235 = arith.index_cast %add3A_221 : i32 to index
        %get3A_236 = arith.constant 16 : index
        %get3A_237 = tpu.vector_load %arg12[%get3A_235, %get3A_236] {strides = array<i32>} : memref<80x128xf32, #tpu.memory_space<vmem>>, vector<1x16xf32>,
        %get3A_238 = vector.shape_cast %get3A_237 : vector<1x16xf32> to vector<16xf32>
        %mul3A_239 = arith.mulf %get3A_238, %broadcast_in_dim3A_224 : vector<16xf32>
        %swap3A_240 = arith.index_cast %add3A_221 : i32 to index
        %swap3A_241 = arith.constant 16 : index
        %swap3A_242 = tpu.vector_load %arg12[%swap3A_240, %swap3A_241] {strides = array<i32>} : memref<80x128xf32, #tpu.memory_space<vmem>>, vector<1x16xf32>,
        %swap3A_243 = vector.shape_cast %swap3A_242 : vector<1x16xf32> to vector<16xf32>
        %swap3A_244 = vector.shape_cast %mul3A_239 : vector<16xf32> to vector<1x16xf32>
        tpu.vector_store %arg12[%swap3A_240, %swap3A_241], %swap3A_244 {strides = array<i32>} : memref<80x128xf32, #tpu.memory_space<vmem>>, vector<1x16xf32>,
        %get3A_245 = arith.index_cast %add3A_221 : i32 to index
        %get3A_246 = arith.constant 32 : index
        %get3A_247 = tpu.vector_load %arg12[%get3A_245, %get3A_246] {strides = array<i32>} : memref<80x128xf32, #tpu.memory_space<vmem>>, vector<1x16xf32>,
        %get3A_248 = vector.shape_cast %get3A_247 : vector<1x16xf32> to vector<16xf32>
        %mul3A_249 = arith.mulf %get3A_248, %broadcast_in_dim3A_224 : vector<16xf32>
        %swap3A_250 = arith.index_cast %add3A_221 : i32 to index
        %swap3A_251 = arith.constant 32 : index
        %swap3A_252 = tpu.vector_load %arg12[%swap3A_250, %swap3A_251] {strides = array<i32>} : memref<80x128xf32, #tpu.memory_space<vmem>>, vector<1x16xf32>,
        %swap3A_253 = vector.shape_cast %swap3A_252 : vector<1x16xf32> to vector<16xf32>
        %swap3A_254 = vector.shape_cast %mul3A_249 : vector<16xf32> to vector<1x16xf32>
        tpu.vector_store %arg12[%swap3A_250, %swap3A_251], %swap3A_254 {strides = array<i32>} : memref<80x128xf32, #tpu.memory_space<vmem>>, vector<1x16xf32>,
        %get3A_255 = arith.index_cast %add3A_221 : i32 to index
        %get3A_256 = arith.constant 48 : index
        %get3A_257 = tpu.vector_load %arg12[%get3A_255, %get3A_256] {strides = array<i32>} : memref<80x128xf32, #tpu.memory_space<vmem>>, vector<1x16xf32>,
        %get3A_258 = vector.shape_cast %get3A_257 : vector<1x16xf32> to vector<16xf32>
        %mul3A_259 = arith.mulf %get3A_258, %broadcast_in_dim3A_224 : vector<16xf32>
        %swap3A_260 = arith.index_cast %add3A_221 : i32 to index
        %swap3A_261 = arith.constant 48 : index
        %swap3A_262 = tpu.vector_load %arg12[%swap3A_260, %swap3A_261] {strides = array<i32>} : memref<80x128xf32, #tpu.memory_space<vmem>>, vector<1x16xf32>,
        %swap3A_263 = vector.shape_cast %swap3A_262 : vector<1x16xf32> to vector<16xf32>
        %swap3A_264 = vector.shape_cast %mul3A_259 : vector<16xf32> to vector<1x16xf32>
        tpu.vector_store %arg12[%swap3A_260, %swap3A_261], %swap3A_264 {strides = array<i32>} : memref<80x128xf32, #tpu.memory_space<vmem>>, vector<1x16xf32>,
        %get3A_265 = arith.index_cast %add3A_221 : i32 to index
        %get3A_266 = arith.constant 64 : index
        %get3A_267 = tpu.vector_load %arg12[%get3A_265, %get3A_266] {strides = array<i32>} : memref<80x128xf32, #tpu.memory_space<vmem>>, vector<1x16xf32>,
        %get3A_268 = vector.shape_cast %get3A_267 : vector<1x16xf32> to vector<16xf32>
        %mul3A_269 = arith.mulf %get3A_268, %broadcast_in_dim3A_224 : vector<16xf32>
        %swap3A_270 = arith.index_cast %add3A_221 : i32 to index
        %swap3A_271 = arith.constant 64 : index
        %swap3A_272 = tpu.vector_load %arg12[%swap3A_270, %swap3A_271] {strides = array<i32>} : memref<80x128xf32, #tpu.memory_space<vmem>>, vector<1x16xf32>,
        %swap3A_273 = vector.shape_cast %swap3A_272 : vector<1x16xf32> to vector<16xf32>
        %swap3A_274 = vector.shape_cast %mul3A_269 : vector<16xf32> to vector<1x16xf32>
        tpu.vector_store %arg12[%swap3A_270, %swap3A_271], %swap3A_274 {strides = array<i32>} : memref<80x128xf32, #tpu.memory_space<vmem>>, vector<1x16xf32>,
        %get3A_275 = arith.index_cast %add3A_221 : i32 to index
        %get3A_276 = arith.constant 80 : index
        %get3A_277 = tpu.vector_load %arg12[%get3A_275, %get3A_276] {strides = array<i32>} : memref<80x128xf32, #tpu.memory_space<vmem>>, vector<1x16xf32>,
        %get3A_278 = vector.shape_cast %get3A_277 : vector<1x16xf32> to vector<16xf32>
        %mul3A_279 = arith.mulf %get3A_278, %broadcast_in_dim3A_224 : vector<16xf32>
        %swap3A_280 = arith.index_cast %add3A_221 : i32 to index
        %swap3A_281 = arith.constant 80 : index
        %swap3A_282 = tpu.vector_load %arg12[%swap3A_280, %swap3A_281] {strides = array<i32>} : memref<80x128xf32, #tpu.memory_space<vmem>>, vector<1x16xf32>,
        %swap3A_283 = vector.shape_cast %swap3A_282 : vector<1x16xf32> to vector<16xf32>
        %swap3A_284 = vector.shape_cast %mul3A_279 : vector<16xf32> to vector<1x16xf32>
        tpu.vector_store %arg12[%swap3A_280, %swap3A_281], %swap3A_284 {strides = array<i32>} : memref<80x128xf32, #tpu.memory_space<vmem>>, vector<1x16xf32>,
        %get3A_285 = arith.index_cast %add3A_221 : i32 to index
        %get3A_286 = arith.constant 96 : index
        %get3A_287 = tpu.vector_load %arg12[%get3A_285, %get3A_286] {strides = array<i32>} : memref<80x128xf32, #tpu.memory_space<vmem>>, vector<1x16xf32>,
        %get3A_288 = vector.shape_cast %get3A_287 : vector<1x16xf32> to vector<16xf32>
        %mul3A_289 = arith.mulf %get3A_288, %broadcast_in_dim3A_224 : vector<16xf32>
        %swap3A_290 = arith.index_cast %add3A_221 : i32 to index
        %swap3A_291 = arith.constant 96 : index
        %swap3A_292 = tpu.vector_load %arg12[%swap3A_290, %swap3A_291] {strides = array<i32>} : memref<80x128xf32, #tpu.memory_space<vmem>>, vector<1x16xf32>,
        %swap3A_293 = vector.shape_cast %swap3A_292 : vector<1x16xf32> to vector<16xf32>
        %swap3A_294 = vector.shape_cast %mul3A_289 : vector<16xf32> to vector<1x16xf32>
        tpu.vector_store %arg12[%swap3A_290, %swap3A_291], %swap3A_294 {strides = array<i32>} : memref<80x128xf32, #tpu.memory_space<vmem>>, vector<1x16xf32>,
        %get3A_295 = arith.index_cast %add3A_221 : i32 to index
        %get3A_296 = arith.constant 112 : index
        %get3A_297 = tpu.vector_load %arg12[%get3A_295, %get3A_296] {strides = array<i32>} : memref<80x128xf32, #tpu.memory_space<vmem>>, vector<1x16xf32>,
        %get3A_298 = vector.shape_cast %get3A_297 : vector<1x16xf32> to vector<16xf32>
        %mul3A_299 = arith.mulf %get3A_298, %broadcast_in_dim3A_224 : vector<16xf32>
        %swap3A_300 = arith.index_cast %add3A_221 : i32 to index
        %swap3A_301 = arith.constant 112 : index
        %swap3A_302 = tpu.vector_load %arg12[%swap3A_300, %swap3A_301] {strides = array<i32>} : memref<80x128xf32, #tpu.memory_space<vmem>>, vector<1x16xf32>,
        %swap3A_303 = vector.shape_cast %swap3A_302 : vector<1x16xf32> to vector<16xf32>
        %swap3A_304 = vector.shape_cast %mul3A_299 : vector<16xf32> to vector<1x16xf32>
        tpu.vector_store %arg12[%swap3A_300, %swap3A_301], %swap3A_304 {strides = array<i32>} : memref<80x128xf32, #tpu.memory_space<vmem>>, vector<1x16xf32>,
        %mul3A_305 = arith.constant 16 : i32
        %mul3A_306 = arith.muli %scan3A_128, %mul3A_305 : i32
        %add3A_307 = arith.constant 2 : i32
        %add3A_308 = arith.addi %mul3A_306, %add3A_307 : i32
        %slice3A_309 = vector.extract_strided_slice %get3A_134 {offsets = [2], sizes = [1], strides = [1]} : vector<16xf32> to vector<1xf32>
        %squeeze3A_310 = vector.extract %slice3A_309[0] : f32 from vector<1xf32>
        %broadcast_in_dim3A_311 = vector.broadcast %squeeze3A_310 : f32 to vector<16xf32>
        %get3A_312 = arith.index_cast %add3A_308 : i32 to index
        %get3A_313 = arith.constant 0 : index
        %get3A_314 = tpu.vector_load %arg12[%get3A_312, %get3A_313] {strides = array<i32>} : memref<80x128xf32, #tpu.memory_space<vmem>>, vector<1x16xf32>,
        %get3A_315 = vector.shape_cast %get3A_314 : vector<1x16xf32> to vector<16xf32>
        %mul3A_316 = arith.mulf %get3A_315, %broadcast_in_dim3A_311 : vector<16xf32>
        %swap3A_317 = arith.index_cast %add3A_308 : i32 to index
        %swap3A_318 = arith.constant 0 : index
        %swap3A_319 = tpu.vector_load %arg12[%swap3A_317, %swap3A_318] {strides = array<i32>} : memref<80x128xf32, #tpu.memory_space<vmem>>, vector<1x16xf32>,
        %swap3A_320 = vector.shape_cast %swap3A_319 : vector<1x16xf32> to vector<16xf32>
        %swap3A_321 = vector.shape_cast %mul3A_316 : vector<16xf32> to vector<1x16xf32>
        tpu.vector_store %arg12[%swap3A_317, %swap3A_318], %swap3A_321 {strides = array<i32>} : memref<80x128xf32, #tpu.memory_space<vmem>>, vector<1x16xf32>,
        %get3A_322 = arith.index_cast %add3A_308 : i32 to index
        %get3A_323 = arith.constant 16 : index
        %get3A_324 = tpu.vector_load %arg12[%get3A_322, %get3A_323] {strides = array<i32>} : memref<80x128xf32, #tpu.memory_space<vmem>>, vector<1x16xf32>,
        %get3A_325 = vector.shape_cast %get3A_324 : vector<1x16xf32> to vector<16xf32>
        %mul3A_326 = arith.mulf %get3A_325, %broadcast_in_dim3A_311 : vector<16xf32>
        %swap3A_327 = arith.index_cast %add3A_308 : i32 to index
        %swap3A_328 = arith.constant 16 : index
        %swap3A_329 = tpu.vector_load %arg12[%swap3A_327, %swap3A_328] {strides = array<i32>} : memref<80x128xf32, #tpu.memory_space<vmem>>, vector<1x16xf32>,
        %swap3A_330 = vector.shape_cast %swap3A_329 : vector<1x16xf32> to vector<16xf32>
        %swap3A_331 = vector.shape_cast %mul3A_326 : vector<16xf32> to vector<1x16xf32>
        tpu.vector_store %arg12[%swap3A_327, %swap3A_328], %swap3A_331 {strides = array<i32>} : memref<80x128xf32, #tpu.memory_space<vmem>>, vector<1x16xf32>,
        %get3A_332 = arith.index_cast %add3A_308 : i32 to index
        %get3A_333 = arith.constant 32 : index
        %get3A_334 = tpu.vector_load %arg12[%get3A_332, %get3A_333] {strides = array<i32>} : memref<80x128xf32, #tpu.memory_space<vmem>>, vector<1x16xf32>,
        %get3A_335 = vector.shape_cast %get3A_334 : vector<1x16xf32> to vector<16xf32>
        %mul3A_336 = arith.mulf %get3A_335, %broadcast_in_dim3A_311 : vector<16xf32>
        %swap3A_337 = arith.index_cast %add3A_308 : i32 to index
        %swap3A_338 = arith.constant 32 : index
        %swap3A_339 = tpu.vector_load %arg12[%swap3A_337, %swap3A_338] {strides = array<i32>} : memref<80x128xf32, #tpu.memory_space<vmem>>, vector<1x16xf32>,
        %swap3A_340 = vector.shape_cast %swap3A_339 : vector<1x16xf32> to vector<16xf32>
        %swap3A_341 = vector.shape_cast %mul3A_336 : vector<16xf32> to vector<1x16xf32>
        tpu.vector_store %arg12[%swap3A_337, %swap3A_338], %swap3A_341 {strides = array<i32>} : memref<80x128xf32, #tpu.memory_space<vmem>>, vector<1x16xf32>,
        %get3A_342 = arith.index_cast %add3A_308 : i32 to index
        %get3A_343 = arith.constant 48 : index
        %get3A_344 = tpu.vector_load %arg12[%get3A_342, %get3A_343] {strides = array<i32>} : memref<80x128xf32, #tpu.memory_space<vmem>>, vector<1x16xf32>,
        %get3A_345 = vector.shape_cast %get3A_344 : vector<1x16xf32> to vector<16xf32>
        %mul3A_346 = arith.mulf %get3A_345, %broadcast_in_dim3A_311 : vector<16xf32>
        %swap3A_347 = arith.index_cast %add3A_308 : i32 to index
        %swap3A_348 = arith.constant 48 : index
        %swap3A_349 = tpu.vector_load %arg12[%swap3A_347, %swap3A_348] {strides = array<i32>} : memref<80x128xf32, #tpu.memory_space<vmem>>, vector<1x16xf32>,
        %swap3A_350 = vector.shape_cast %swap3A_349 : vector<1x16xf32> to vector<16xf32>
        %swap3A_351 = vector.shape_cast %mul3A_346 : vector<16xf32> to vector<1x16xf32>
        tpu.vector_store %arg12[%swap3A_347, %swap3A_348], %swap3A_351 {strides = array<i32>} : memref<80x128xf32, #tpu.memory_space<vmem>>, vector<1x16xf32>,
        %get3A_352 = arith.index_cast %add3A_308 : i32 to index
        %get3A_353 = arith.constant 64 : index
        %get3A_354 = tpu.vector_load %arg12[%get3A_352, %get3A_353] {strides = array<i32>} : memref<80x128xf32, #tpu.memory_space<vmem>>, vector<1x16xf32>,
        %get3A_355 = vector.shape_cast %get3A_354 : vector<1x16xf32> to vector<16xf32>
        %mul3A_356 = arith.mulf %get3A_355, %broadcast_in_dim3A_311 : vector<16xf32>
        %swap3A_357 = arith.index_cast %add3A_308 : i32 to index
        %swap3A_358 = arith.constant 64 : index
        %swap3A_359 = tpu.vector_load %arg12[%swap3A_357, %swap3A_358] {strides = array<i32>} : memref<80x128xf32, #tpu.memory_space<vmem>>, vector<1x16xf32>,
        %swap3A_360 = vector.shape_cast %swap3A_359 : vector<1x16xf32> to vector<16xf32>
        %swap3A_361 = vector.shape_cast %mul3A_356 : vector<16xf32> to vector<1x16xf32>
        tpu.vector_store %arg12[%swap3A_357, %swap3A_358], %swap3A_361 {strides = array<i32>} : memref<80x128xf32, #tpu.memory_space<vmem>>, vector<1x16xf32>,
        %get3A_362 = arith.index_cast %add3A_308 : i32 to index
        %get3A_363 = arith.constant 80 : index
        %get3A_364 = tpu.vector_load %arg12[%get3A_362, %get3A_363] {strides = array<i32>} : memref<80x128xf32, #tpu.memory_space<vmem>>, vector<1x16xf32>,
        %get3A_365 = vector.shape_cast %get3A_364 : vector<1x16xf32> to vector<16xf32>
        %mul3A_366 = arith.mulf %get3A_365, %broadcast_in_dim3A_311 : vector<16xf32>
        %swap3A_367 = arith.index_cast %add3A_308 : i32 to index
        %swap3A_368 = arith.constant 80 : index
        %swap3A_369 = tpu.vector_load %arg12[%swap3A_367, %swap3A_368] {strides = array<i32>} : memref<80x128xf32, #tpu.memory_space<vmem>>, vector<1x16xf32>,
        %swap3A_370 = vector.shape_cast %swap3A_369 : vector<1x16xf32> to vector<16xf32>
        %swap3A_371 = vector.shape_cast %mul3A_366 : vector<16xf32> to vector<1x16xf32>
        tpu.vector_store %arg12[%swap3A_367, %swap3A_368], %swap3A_371 {strides = array<i32>} : memref<80x128xf32, #tpu.memory_space<vmem>>, vector<1x16xf32>,
        %get3A_372 = arith.index_cast %add3A_308 : i32 to index
        %get3A_373 = arith.constant 96 : index
        %get3A_374 = tpu.vector_load %arg12[%get3A_372, %get3A_373] {strides = array<i32>} : memref<80x128xf32, #tpu.memory_space<vmem>>, vector<1x16xf32>,
        %get3A_375 = vector.shape_cast %get3A_374 : vector<1x16xf32> to vector<16xf32>
        %mul3A_376 = arith.mulf %get3A_375, %broadcast_in_dim3A_311 : vector<16xf32>
        %swap3A_377 = arith.index_cast %add3A_308 : i32 to index
        %swap3A_378 = arith.constant 96 : index
        %swap3A_379 = tpu.vector_load %arg12[%swap3A_377, %swap3A_378] {strides = array<i32>} : memref<80x128xf32, #tpu.memory_space<vmem>>, vector<1x16xf32>,
        %swap3A_380 = vector.shape_cast %swap3A_379 : vector<1x16xf32> to vector<16xf32>
        %swap3A_381 = vector.shape_cast %mul3A_376 : vector<16xf32> to vector<1x16xf32>
        tpu.vector_store %arg12[%swap3A_377, %swap3A_378], %swap3A_381 {strides = array<i32>} : memref<80x128xf32, #tpu.memory_space<vmem>>, vector<1x16xf32>,
        %get3A_382 = arith.index_cast %add3A_308 : i32 to index
        %get3A_383 = arith.constant 112 : index
        %get3A_384 = tpu.vector_load %arg12[%get3A_382, %get3A_383] {strides = array<i32>} : memref<80x128xf32, #tpu.memory_space<vmem>>, vector<1x16xf32>,
        %get3A_385 = vector.shape_cast %get3A_384 : vector<1x16xf32> to vector<16xf32>
        %mul3A_386 = arith.mulf %get3A_385, %broadcast_in_dim3A_311 : vector<16xf32>
        %swap3A_387 = arith.index_cast %add3A_308 : i32 to index
        %swap3A_388 = arith.constant 112 : index
        %swap3A_389 = tpu.vector_load %arg12[%swap3A_387, %swap3A_388] {strides = array<i32>} : memref<80x128xf32, #tpu.memory_space<vmem>>, vector<1x16xf32>,
        %swap3A_390 = vector.shape_cast %swap3A_389 : vector<1x16xf32> to vector<16xf32>
        %swap3A_391 = vector.shape_cast %mul3A_386 : vector<16xf32> to vector<1x16xf32>
        tpu.vector_store %arg12[%swap3A_387, %swap3A_388], %swap3A_391 {strides = array<i32>} : memref<80x128xf32, #tpu.memory_space<vmem>>, vector<1x16xf32>,
        %mul3A_392 = arith.constant 16 : i32
        %mul3A_393 = arith.muli %scan3A_128, %mul3A_392 : i32
        %add3A_394 = arith.constant 3 : i32
        %add3A_395 = arith.addi %mul3A_393, %add3A_394 : i32
        %slice3A_396 = vector.extract_strided_slice %get3A_134 {offsets = [3], sizes = [1], strides = [1]} : vector<16xf32> to vector<1xf32>
        %squeeze3A_397 = vector.extract %slice3A_396[0] : f32 from vector<1xf32>
        %broadcast_in_dim3A_398 = vector.broadcast %squeeze3A_397 : f32 to vector<16xf32>
        %get3A_399 = arith.index_cast %add3A_395 : i32 to index
        %get3A_400 = arith.constant 0 : index
        %get3A_401 = tpu.vector_load %arg12[%get3A_399, %get3A_400] {strides = array<i32>} : memref<80x128xf32, #tpu.memory_space<vmem>>, vector<1x16xf32>,
        %get3A_402 = vector.shape_cast %get3A_401 : vector<1x16xf32> to vector<16xf32>
        %mul3A_403 = arith.mulf %get3A_402, %broadcast_in_dim3A_398 : vector<16xf32>
        %swap3A_404 = arith.index_cast %add3A_395 : i32 to index
        %swap3A_405 = arith.constant 0 : index
        %swap3A_406 = tpu.vector_load %arg12[%swap3A_404, %swap3A_405] {strides = array<i32>} : memref<80x128xf32, #tpu.memory_space<vmem>>, vector<1x16xf32>,
        %swap3A_407 = vector.shape_cast %swap3A_406 : vector<1x16xf32> to vector<16xf32>
        %swap3A_408 = vector.shape_cast %mul3A_403 : vector<16xf32> to vector<1x16xf32>
        tpu.vector_store %arg12[%swap3A_404, %swap3A_405], %swap3A_408 {strides = array<i32>} : memref<80x128xf32, #tpu.memory_space<vmem>>, vector<1x16xf32>,
        %get3A_409 = arith.index_cast %add3A_395 : i32 to index
        %get3A_410 = arith.constant 16 : index
        %get3A_411 = tpu.vector_load %arg12[%get3A_409, %get3A_410] {strides = array<i32>} : memref<80x128xf32, #tpu.memory_space<vmem>>, vector<1x16xf32>,
        %get3A_412 = vector.shape_cast %get3A_411 : vector<1x16xf32> to vector<16xf32>
        %mul3A_413 = arith.mulf %get3A_412, %broadcast_in_dim3A_398 : vector<16xf32>
        %swap3A_414 = arith.index_cast %add3A_395 : i32 to index
        %swap3A_415 = arith.constant 16 : index
        %swap3A_416 = tpu.vector_load %arg12[%swap3A_414, %swap3A_415] {strides = array<i32>} : memref<80x128xf32, #tpu.memory_space<vmem>>, vector<1x16xf32>,
        %swap3A_417 = vector.shape_cast %swap3A_416 : vector<1x16xf32> to vector<16xf32>
        %swap3A_418 = vector.shape_cast %mul3A_413 : vector<16xf32> to vector<1x16xf32>
        tpu.vector_store %arg12[%swap3A_414, %swap3A_415], %swap3A_418 {strides = array<i32>} : memref<80x128xf32, #tpu.memory_space<vmem>>, vector<1x16xf32>,
        %get3A_419 = arith.index_cast %add3A_395 : i32 to index
        %get3A_420 = arith.constant 32 : index
        %get3A_421 = tpu.vector_load %arg12[%get3A_419, %get3A_420] {strides = array<i32>} : memref<80x128xf32, #tpu.memory_space<vmem>>, vector<1x16xf32>,
        %get3A_422 = vector.shape_cast %get3A_421 : vector<1x16xf32> to vector<16xf32>
        %mul3A_423 = arith.mulf %get3A_422, %broadcast_in_dim3A_398 : vector<16xf32>
        %swap3A_424 = arith.index_cast %add3A_395 : i32 to index
        %swap3A_425 = arith.constant 32 : index
        %swap3A_426 = tpu.vector_load %arg12[%swap3A_424, %swap3A_425] {strides = array<i32>} : memref<80x128xf32, #tpu.memory_space<vmem>>, vector<1x16xf32>,
        %swap3A_427 = vector.shape_cast %swap3A_426 : vector<1x16xf32> to vector<16xf32>
        %swap3A_428 = vector.shape_cast %mul3A_423 : vector<16xf32> to vector<1x16xf32>
        tpu.vector_store %arg12[%swap3A_424, %swap3A_425], %swap3A_428 {strides = array<i32>} : memref<80x128xf32, #tpu.memory_space<vmem>>, vector<1x16xf32>,
        %get3A_429 = arith.index_cast %add3A_395 : i32 to index
        %get3A_430 = arith.constant 48 : index
        %get3A_431 = tpu.vector_load %arg12[%get3A_429, %get3A_430] {strides = array<i32>} : memref<80x128xf32, #tpu.memory_space<vmem>>, vector<1x16xf32>,
        %get3A_432 = vector.shape_cast %get3A_431 : vector<1x16xf32> to vector<16xf32>
        %mul3A_433 = arith.mulf %get3A_432, %broadcast_in_dim3A_398 : vector<16xf32>
        %swap3A_434 = arith.index_cast %add3A_395 : i32 to index
        %swap3A_435 = arith.constant 48 : index
        %swap3A_436 = tpu.vector_load %arg12[%swap3A_434, %swap3A_435] {strides = array<i32>} : memref<80x128xf32, #tpu.memory_space<vmem>>, vector<1x16xf32>,
        %swap3A_437 = vector.shape_cast %swap3A_436 : vector<1x16xf32> to vector<16xf32>
        %swap3A_438 = vector.shape_cast %mul3A_433 : vector<16xf32> to vector<1x16xf32>
        tpu.vector_store %arg12[%swap3A_434, %swap3A_435], %swap3A_438 {strides = array<i32>} : memref<80x128xf32, #tpu.memory_space<vmem>>, vector<1x16xf32>,
        %get3A_439 = arith.index_cast %add3A_395 : i32 to index
        %get3A_440 = arith.constant 64 : index
        %get3A_441 = tpu.vector_load %arg12[%get3A_439, %get3A_440] {strides = array<i32>} : memref<80x128xf32, #tpu.memory_space<vmem>>, vector<1x16xf32>,
        %get3A_442 = vector.shape_cast %get3A_441 : vector<1x16xf32> to vector<16xf32>
        %mul3A_443 = arith.mulf %get3A_442, %broadcast_in_dim3A_398 : vector<16xf32>
        %swap3A_444 = arith.index_cast %add3A_395 : i32 to index
        %swap3A_445 = arith.constant 64 : index
        %swap3A_446 = tpu.vector_load %arg12[%swap3A_444, %swap3A_445] {strides = array<i32>} : memref<80x128xf32, #tpu.memory_space<vmem>>, vector<1x16xf32>,
        %swap3A_447 = vector.shape_cast %swap3A_446 : vector<1x16xf32> to vector<16xf32>
        %swap3A_448 = vector.shape_cast %mul3A_443 : vector<16xf32> to vector<1x16xf32>
        tpu.vector_store %arg12[%swap3A_444, %swap3A_445], %swap3A_448 {strides = array<i32>} : memref<80x128xf32, #tpu.memory_space<vmem>>, vector<1x16xf32>,
        %get3A_449 = arith.index_cast %add3A_395 : i32 to index
        %get3A_450 = arith.constant 80 : index
        %get3A_451 = tpu.vector_load %arg12[%get3A_449, %get3A_450] {strides = array<i32>} : memref<80x128xf32, #tpu.memory_space<vmem>>, vector<1x16xf32>,
        %get3A_452 = vector.shape_cast %get3A_451 : vector<1x16xf32> to vector<16xf32>
        %mul3A_453 = arith.mulf %get3A_452, %broadcast_in_dim3A_398 : vector<16xf32>
        %swap3A_454 = arith.index_cast %add3A_395 : i32 to index
        %swap3A_455 = arith.constant 80 : index
        %swap3A_456 = tpu.vector_load %arg12[%swap3A_454, %swap3A_455] {strides = array<i32>} : memref<80x128xf32, #tpu.memory_space<vmem>>, vector<1x16xf32>,
        %swap3A_457 = vector.shape_cast %swap3A_456 : vector<1x16xf32> to vector<16xf32>
        %swap3A_458 = vector.shape_cast %mul3A_453 : vector<16xf32> to vector<1x16xf32>
        tpu.vector_store %arg12[%swap3A_454, %swap3A_455], %swap3A_458 {strides = array<i32>} : memref<80x128xf32, #tpu.memory_space<vmem>>, vector<1x16xf32>,
        %get3A_459 = arith.index_cast %add3A_395 : i32 to index
        %get3A_460 = arith.constant 96 : index
        %get3A_461 = tpu.vector_load %arg12[%get3A_459, %get3A_460] {strides = array<i32>} : memref<80x128xf32, #tpu.memory_space<vmem>>, vector<1x16xf32>,
        %get3A_462 = vector.shape_cast %get3A_461 : vector<1x16xf32> to vector<16xf32>
        %mul3A_463 = arith.mulf %get3A_462, %broadcast_in_dim3A_398 : vector<16xf32>
        %swap3A_464 = arith.index_cast %add3A_395 : i32 to index
        %swap3A_465 = arith.constant 96 : index
        %swap3A_466 = tpu.vector_load %arg12[%swap3A_464, %swap3A_465] {strides = array<i32>} : memref<80x128xf32, #tpu.memory_space<vmem>>, vector<1x16xf32>,
        %swap3A_467 = vector.shape_cast %swap3A_466 : vector<1x16xf32> to vector<16xf32>
        %swap3A_468 = vector.shape_cast %mul3A_463 : vector<16xf32> to vector<1x16xf32>
        tpu.vector_store %arg12[%swap3A_464, %swap3A_465], %swap3A_468 {strides = array<i32>} : memref<80x128xf32, #tpu.memory_space<vmem>>, vector<1x16xf32>,
        %get3A_469 = arith.index_cast %add3A_395 : i32 to index
        %get3A_470 = arith.constant 112 : index
        %get3A_471 = tpu.vector_load %arg12[%get3A_469, %get3A_470] {strides = array<i32>} : memref<80x128xf32, #tpu.memory_space<vmem>>, vector<1x16xf32>,
        %get3A_472 = vector.shape_cast %get3A_471 : vector<1x16xf32> to vector<16xf32>
        %mul3A_473 = arith.mulf %get3A_472, %broadcast_in_dim3A_398 : vector<16xf32>
        %swap3A_474 = arith.index_cast %add3A_395 : i32 to index
        %swap3A_475 = arith.constant 112 : index
        %swap3A_476 = tpu.vector_load %arg12[%swap3A_474, %swap3A_475] {strides = array<i32>} : memref<80x128xf32, #tpu.memory_space<vmem>>, vector<1x16xf32>,
        %swap3A_477 = vector.shape_cast %swap3A_476 : vector<1x16xf32> to vector<16xf32>
        %swap3A_478 = vector.shape_cast %mul3A_473 : vector<16xf32> to vector<1x16xf32>
        tpu.vector_store %arg12[%swap3A_474, %swap3A_475], %swap3A_478 {strides = array<i32>} : memref<80x128xf32, #tpu.memory_space<vmem>>, vector<1x16xf32>,
        %mul3A_479 = arith.constant 16 : i32
        %mul3A_480 = arith.muli %scan3A_128, %mul3A_479 : i32
        %add3A_481 = arith.constant 4 : i32
        %add3A_482 = arith.addi %mul3A_480, %add3A_481 : i32
        %slice3A_483 = vector.extract_strided_slice %get3A_134 {offsets = [4], sizes = [1], strides = [1]} : vector<16xf32> to vector<1xf32>
        %squeeze3A_484 = vector.extract %slice3A_483[0] : f32 from vector<1xf32>
        %broadcast_in_dim3A_485 = vector.broadcast %squeeze3A_484 : f32 to vector<16xf32>
        %get3A_486 = arith.index_cast %add3A_482 : i32 to index
        %get3A_487 = arith.constant 0 : index
        %get3A_488 = tpu.vector_load %arg12[%get3A_486, %get3A_487] {strides = array<i32>} : memref<80x128xf32, #tpu.memory_space<vmem>>, vector<1x16xf32>,
        %get3A_489 = vector.shape_cast %get3A_488 : vector<1x16xf32> to vector<16xf32>
        %mul3A_490 = arith.mulf %get3A_489, %broadcast_in_dim3A_485 : vector<16xf32>
        %swap3A_491 = arith.index_cast %add3A_482 : i32 to index
        %swap3A_492 = arith.constant 0 : index
        %swap3A_493 = tpu.vector_load %arg12[%swap3A_491, %swap3A_492] {strides = array<i32>} : memref<80x128xf32, #tpu.memory_space<vmem>>, vector<1x16xf32>,
        %swap3A_494 = vector.shape_cast %swap3A_493 : vector<1x16xf32> to vector<16xf32>
        %swap3A_495 = vector.shape_cast %mul3A_490 : vector<16xf32> to vector<1x16xf32>
        tpu.vector_store %arg12[%swap3A_491, %swap3A_492], %swap3A_495 {strides = array<i32>} : memref<80x128xf32, #tpu.memory_space<vmem>>, vector<1x16xf32>,
        %get3A_496 = arith.index_cast %add3A_482 : i32 to index
        %get3A_497 = arith.constant 16 : index
        %get3A_498 = tpu.vector_load %arg12[%get3A_496, %get3A_497] {strides = array<i32>} : memref<80x128xf32, #tpu.memory_space<vmem>>, vector<1x16xf32>,
        %get3A_499 = vector.shape_cast %get3A_498 : vector<1x16xf32> to vector<16xf32>
        %mul3A_500 = arith.mulf %get3A_499, %broadcast_in_dim3A_485 : vector<16xf32>
        %swap3A_501 = arith.index_cast %add3A_482 : i32 to index
        %swap3A_502 = arith.constant 16 : index
        %swap3A_503 = tpu.vector_load %arg12[%swap3A_501, %swap3A_502] {strides = array<i32>} : memref<80x128xf32, #tpu.memory_space<vmem>>, vector<1x16xf32>,
        %swap3A_504 = vector.shape_cast %swap3A_503 : vector<1x16xf32> to vector<16xf32>
        %swap3A_505 = vector.shape_cast %mul3A_500 : vector<16xf32> to vector<1x16xf32>
        tpu.vector_store %arg12[%swap3A_501, %swap3A_502], %swap3A_505 {strides = array<i32>} : memref<80x128xf32, #tpu.memory_space<vmem>>, vector<1x16xf32>,
        %get3A_506 = arith.index_cast %add3A_482 : i32 to index
        %get3A_507 = arith.constant 32 : index
        %get3A_508 = tpu.vector_load %arg12[%get3A_506, %get3A_507] {strides = array<i32>} : memref<80x128xf32, #tpu.memory_space<vmem>>, vector<1x16xf32>,
        %get3A_509 = vector.shape_cast %get3A_508 : vector<1x16xf32> to vector<16xf32>
        %mul3A_510 = arith.mulf %get3A_509, %broadcast_in_dim3A_485 : vector<16xf32>
        %swap3A_511 = arith.index_cast %add3A_482 : i32 to index
        %swap3A_512 = arith.constant 32 : index
        %swap3A_513 = tpu.vector_load %arg12[%swap3A_511, %swap3A_512] {strides = array<i32>} : memref<80x128xf32, #tpu.memory_space<vmem>>, vector<1x16xf32>,
        %swap3A_514 = vector.shape_cast %swap3A_513 : vector<1x16xf32> to vector<16xf32>
        %swap3A_515 = vector.shape_cast %mul3A_510 : vector<16xf32> to vector<1x16xf32>
        tpu.vector_store %arg12[%swap3A_511, %swap3A_512], %swap3A_515 {strides = array<i32>} : memref<80x128xf32, #tpu.memory_space<vmem>>, vector<1x16xf32>,
        %get3A_516 = arith.index_cast %add3A_482 : i32 to index
        %get3A_517 = arith.constant 48 : index
        %get3A_518 = tpu.vector_load %arg12[%get3A_516, %get3A_517] {strides = array<i32>} : memref<80x128xf32, #tpu.memory_space<vmem>>, vector<1x16xf32>,
        %get3A_519 = vector.shape_cast %get3A_518 : vector<1x16xf32> to vector<16xf32>
        %mul3A_520 = arith.mulf %get3A_519, %broadcast_in_dim3A_485 : vector<16xf32>
        %swap3A_521 = arith.index_cast %add3A_482 : i32 to index
        %swap3A_522 = arith.constant 48 : index
        %swap3A_523 = tpu.vector_load %arg12[%swap3A_521, %swap3A_522] {strides = array<i32>} : memref<80x128xf32, #tpu.memory_space<vmem>>, vector<1x16xf32>,
        %swap3A_524 = vector.shape_cast %swap3A_523 : vector<1x16xf32> to vector<16xf32>
        %swap3A_525 = vector.shape_cast %mul3A_520 : vector<16xf32> to vector<1x16xf32>
        tpu.vector_store %arg12[%swap3A_521, %swap3A_522], %swap3A_525 {strides = array<i32>} : memref<80x128xf32, #tpu.memory_space<vmem>>, vector<1x16xf32>,
        %get3A_526 = arith.index_cast %add3A_482 : i32 to index
        %get3A_527 = arith.constant 64 : index
        %get3A_528 = tpu.vector_load %arg12[%get3A_526, %get3A_527] {strides = array<i32>} : memref<80x128xf32, #tpu.memory_space<vmem>>, vector<1x16xf32>,
        %get3A_529 = vector.shape_cast %get3A_528 : vector<1x16xf32> to vector<16xf32>
        %mul3A_530 = arith.mulf %get3A_529, %broadcast_in_dim3A_485 : vector<16xf32>
        %swap3A_531 = arith.index_cast %add3A_482 : i32 to index
        %swap3A_532 = arith.constant 64 : index
        %swap3A_533 = tpu.vector_load %arg12[%swap3A_531, %swap3A_532] {strides = array<i32>} : memref<80x128xf32, #tpu.memory_space<vmem>>, vector<1x16xf32>,
        %swap3A_534 = vector.shape_cast %swap3A_533 : vector<1x16xf32> to vector<16xf32>
        %swap3A_535 = vector.shape_cast %mul3A_530 : vector<16xf32> to vector<1x16xf32>
        tpu.vector_store %arg12[%swap3A_531, %swap3A_532], %swap3A_535 {strides = array<i32>} : memref<80x128xf32, #tpu.memory_space<vmem>>, vector<1x16xf32>,
        %get3A_536 = arith.index_cast %add3A_482 : i32 to index
        %get3A_537 = arith.constant 80 : index
        %get3A_538 = tpu.vector_load %arg12[%get3A_536, %get3A_537] {strides = array<i32>} : memref<80x128xf32, #tpu.memory_space<vmem>>, vector<1x16xf32>,
        %get3A_539 = vector.shape_cast %get3A_538 : vector<1x16xf32> to vector<16xf32>
        %mul3A_540 = arith.mulf %get3A_539, %broadcast_in_dim3A_485 : vector<16xf32>
        %swap3A_541 = arith.index_cast %add3A_482 : i32 to index
        %swap3A_542 = arith.constant 80 : index
        %swap3A_543 = tpu.vector_load %arg12[%swap3A_541, %swap3A_542] {strides = array<i32>} : memref<80x128xf32, #tpu.memory_space<vmem>>, vector<1x16xf32>,
        %swap3A_544 = vector.shape_cast %swap3A_543 : vector<1x16xf32> to vector<16xf32>
        %swap3A_545 = vector.shape_cast %mul3A_540 : vector<16xf32> to vector<1x16xf32>
        tpu.vector_store %arg12[%swap3A_541, %swap3A_542], %swap3A_545 {strides = array<i32>} : memref<80x128xf32, #tpu.memory_space<vmem>>, vector<1x16xf32>,
        %get3A_546 = arith.index_cast %add3A_482 : i32 to index
        %get3A_547 = arith.constant 96 : index
        %get3A_548 = tpu.vector_load %arg12[%get3A_546, %get3A_547] {strides = array<i32>} : memref<80x128xf32, #tpu.memory_space<vmem>>, vector<1x16xf32>,
        %get3A_549 = vector.shape_cast %get3A_548 : vector<1x16xf32> to vector<16xf32>
        %mul3A_550 = arith.mulf %get3A_549, %broadcast_in_dim3A_485 : vector<16xf32>
        %swap3A_551 = arith.index_cast %add3A_482 : i32 to index
        %swap3A_552 = arith.constant 96 : index
        %swap3A_553 = tpu.vector_load %arg12[%swap3A_551, %swap3A_552] {strides = array<i32>} : memref<80x128xf32, #tpu.memory_space<vmem>>, vector<1x16xf32>,
        %swap3A_554 = vector.shape_cast %swap3A_553 : vector<1x16xf32> to vector<16xf32>
        %swap3A_555 = vector.shape_cast %mul3A_550 : vector<16xf32> to vector<1x16xf32>
        tpu.vector_store %arg12[%swap3A_551, %swap3A_552], %swap3A_555 {strides = array<i32>} : memref<80x128xf32, #tpu.memory_space<vmem>>, vector<1x16xf32>,
        %get3A_556 = arith.index_cast %add3A_482 : i32 to index
        %get3A_557 = arith.constant 112 : index
        %get3A_558 = tpu.vector_load %arg12[%get3A_556, %get3A_557] {strides = array<i32>} : memref<80x128xf32, #tpu.memory_space<vmem>>, vector<1x16xf32>,
        %get3A_559 = vector.shape_cast %get3A_558 : vector<1x16xf32> to vector<16xf32>
        %mul3A_560 = arith.mulf %get3A_559, %broadcast_in_dim3A_485 : vector<16xf32>
        %swap3A_561 = arith.index_cast %add3A_482 : i32 to index
        %swap3A_562 = arith.constant 112 : index
        %swap3A_563 = tpu.vector_load %arg12[%swap3A_561, %swap3A_562] {strides = array<i32>} : memref<80x128xf32, #tpu.memory_space<vmem>>, vector<1x16xf32>,
        %swap3A_564 = vector.shape_cast %swap3A_563 : vector<1x16xf32> to vector<16xf32>
        %swap3A_565 = vector.shape_cast %mul3A_560 : vector<16xf32> to vector<1x16xf32>
        tpu.vector_store %arg12[%swap3A_561, %swap3A_562], %swap3A_565 {strides = array<i32>} : memref<80x128xf32, #tpu.memory_space<vmem>>, vector<1x16xf32>,
        %mul3A_566 = arith.constant 16 : i32
        %mul3A_567 = arith.muli %scan3A_128, %mul3A_566 : i32
        %add3A_568 = arith.constant 5 : i32
        %add3A_569 = arith.addi %mul3A_567, %add3A_568 : i32
        %slice3A_570 = vector.extract_strided_slice %get3A_134 {offsets = [5], sizes = [1], strides = [1]} : vector<16xf32> to vector<1xf32>
        %squeeze3A_571 = vector.extract %slice3A_570[0] : f32 from vector<1xf32>
        %broadcast_in_dim3A_572 = vector.broadcast %squeeze3A_571 : f32 to vector<16xf32>
        %get3A_573 = arith.index_cast %add3A_569 : i32 to index
        %get3A_574 = arith.constant 0 : index
        %get3A_575 = tpu.vector_load %arg12[%get3A_573, %get3A_574] {strides = array<i32>} : memref<80x128xf32, #tpu.memory_space<vmem>>, vector<1x16xf32>,
        %get3A_576 = vector.shape_cast %get3A_575 : vector<1x16xf32> to vector<16xf32>
        %mul3A_577 = arith.mulf %get3A_576, %broadcast_in_dim3A_572 : vector<16xf32>
        %swap3A_578 = arith.index_cast %add3A_569 : i32 to index
        %swap3A_579 = arith.constant 0 : index
        %swap3A_580 = tpu.vector_load %arg12[%swap3A_578, %swap3A_579] {strides = array<i32>} : memref<80x128xf32, #tpu.memory_space<vmem>>, vector<1x16xf32>,
        %swap3A_581 = vector.shape_cast %swap3A_580 : vector<1x16xf32> to vector<16xf32>
        %swap3A_582 = vector.shape_cast %mul3A_577 : vector<16xf32> to vector<1x16xf32>
        tpu.vector_store %arg12[%swap3A_578, %swap3A_579], %swap3A_582 {strides = array<i32>} : memref<80x128xf32, #tpu.memory_space<vmem>>, vector<1x16xf32>,
        %get3A_583 = arith.index_cast %add3A_569 : i32 to index
        %get3A_584 = arith.constant 16 : index
        %get3A_585 = tpu.vector_load %arg12[%get3A_583, %get3A_584] {strides = array<i32>} : memref<80x128xf32, #tpu.memory_space<vmem>>, vector<1x16xf32>,
        %get3A_586 = vector.shape_cast %get3A_585 : vector<1x16xf32> to vector<16xf32>
        %mul3A_587 = arith.mulf %get3A_586, %broadcast_in_dim3A_572 : vector<16xf32>
        %swap3A_588 = arith.index_cast %add3A_569 : i32 to index
        %swap3A_589 = arith.constant 16 : index
        %swap3A_590 = tpu.vector_load %arg12[%swap3A_588, %swap3A_589] {strides = array<i32>} : memref<80x128xf32, #tpu.memory_space<vmem>>, vector<1x16xf32>,
        %swap3A_591 = vector.shape_cast %swap3A_590 : vector<1x16xf32> to vector<16xf32>
        %swap3A_592 = vector.shape_cast %mul3A_587 : vector<16xf32> to vector<1x16xf32>
        tpu.vector_store %arg12[%swap3A_588, %swap3A_589], %swap3A_592 {strides = array<i32>} : memref<80x128xf32, #tpu.memory_space<vmem>>, vector<1x16xf32>,
        %get3A_593 = arith.index_cast %add3A_569 : i32 to index
        %get3A_594 = arith.constant 32 : index
        %get3A_595 = tpu.vector_load %arg12[%get3A_593, %get3A_594] {strides = array<i32>} : memref<80x128xf32, #tpu.memory_space<vmem>>, vector<1x16xf32>,
        %get3A_596 = vector.shape_cast %get3A_595 : vector<1x16xf32> to vector<16xf32>
        %mul3A_597 = arith.mulf %get3A_596, %broadcast_in_dim3A_572 : vector<16xf32>
        %swap3A_598 = arith.index_cast %add3A_569 : i32 to index
        %swap3A_599 = arith.constant 32 : index
        %swap3A_600 = tpu.vector_load %arg12[%swap3A_598, %swap3A_599] {strides = array<i32>} : memref<80x128xf32, #tpu.memory_space<vmem>>, vector<1x16xf32>,
        %swap3A_601 = vector.shape_cast %swap3A_600 : vector<1x16xf32> to vector<16xf32>
        %swap3A_602 = vector.shape_cast %mul3A_597 : vector<16xf32> to vector<1x16xf32>
        tpu.vector_store %arg12[%swap3A_598, %swap3A_599], %swap3A_602 {strides = array<i32>} : memref<80x128xf32, #tpu.memory_space<vmem>>, vector<1x16xf32>,
        %get3A_603 = arith.index_cast %add3A_569 : i32 to index
        %get3A_604 = arith.constant 48 : index
        %get3A_605 = tpu.vector_load %arg12[%get3A_603, %get3A_604] {strides = array<i32>} : memref<80x128xf32, #tpu.memory_space<vmem>>, vector<1x16xf32>,
        %get3A_606 = vector.shape_cast %get3A_605 : vector<1x16xf32> to vector<16xf32>
        %mul3A_607 = arith.mulf %get3A_606, %broadcast_in_dim3A_572 : vector<16xf32>
        %swap3A_608 = arith.index_cast %add3A_569 : i32 to index
        %swap3A_609 = arith.constant 48 : index
        %swap3A_610 = tpu.vector_load %arg12[%swap3A_608, %swap3A_609] {strides = array<i32>} : memref<80x128xf32, #tpu.memory_space<vmem>>, vector<1x16xf32>,
        %swap3A_611 = vector.shape_cast %swap3A_610 : vector<1x16xf32> to vector<16xf32>
        %swap3A_612 = vector.shape_cast %mul3A_607 : vector<16xf32> to vector<1x16xf32>
        tpu.vector_store %arg12[%swap3A_608, %swap3A_609], %swap3A_612 {strides = array<i32>} : memref<80x128xf32, #tpu.memory_space<vmem>>, vector<1x16xf32>,
        %get3A_613 = arith.index_cast %add3A_569 : i32 to index
        %get3A_614 = arith.constant 64 : index
        %get3A_615 = tpu.vector_load %arg12[%get3A_613, %get3A_614] {strides = array<i32>} : memref<80x128xf32, #tpu.memory_space<vmem>>, vector<1x16xf32>,
        %get3A_616 = vector.shape_cast %get3A_615 : vector<1x16xf32> to vector<16xf32>
        %mul3A_617 = arith.mulf %get3A_616, %broadcast_in_dim3A_572 : vector<16xf32>
        %swap3A_618 = arith.index_cast %add3A_569 : i32 to index
        %swap3A_619 = arith.constant 64 : index
        %swap3A_620 = tpu.vector_load %arg12[%swap3A_618, %swap3A_619] {strides = array<i32>} : memref<80x128xf32, #tpu.memory_space<vmem>>, vector<1x16xf32>,
        %swap3A_621 = vector.shape_cast %swap3A_620 : vector<1x16xf32> to vector<16xf32>
        %swap3A_622 = vector.shape_cast %mul3A_617 : vector<16xf32> to vector<1x16xf32>
        tpu.vector_store %arg12[%swap3A_618, %swap3A_619], %swap3A_622 {strides = array<i32>} : memref<80x128xf32, #tpu.memory_space<vmem>>, vector<1x16xf32>,
        %get3A_623 = arith.index_cast %add3A_569 : i32 to index
        %get3A_624 = arith.constant 80 : index
        %get3A_625 = tpu.vector_load %arg12[%get3A_623, %get3A_624] {strides = array<i32>} : memref<80x128xf32, #tpu.memory_space<vmem>>, vector<1x16xf32>,
        %get3A_626 = vector.shape_cast %get3A_625 : vector<1x16xf32> to vector<16xf32>
        %mul3A_627 = arith.mulf %get3A_626, %broadcast_in_dim3A_572 : vector<16xf32>
        %swap3A_628 = arith.index_cast %add3A_569 : i32 to index
        %swap3A_629 = arith.constant 80 : index
        %swap3A_630 = tpu.vector_load %arg12[%swap3A_628, %swap3A_629] {strides = array<i32>} : memref<80x128xf32, #tpu.memory_space<vmem>>, vector<1x16xf32>,
        %swap3A_631 = vector.shape_cast %swap3A_630 : vector<1x16xf32> to vector<16xf32>
        %swap3A_632 = vector.shape_cast %mul3A_627 : vector<16xf32> to vector<1x16xf32>
        tpu.vector_store %arg12[%swap3A_628, %swap3A_629], %swap3A_632 {strides = array<i32>} : memref<80x128xf32, #tpu.memory_space<vmem>>, vector<1x16xf32>,
        %get3A_633 = arith.index_cast %add3A_569 : i32 to index
        %get3A_634 = arith.constant 96 : index
        %get3A_635 = tpu.vector_load %arg12[%get3A_633, %get3A_634] {strides = array<i32>} : memref<80x128xf32, #tpu.memory_space<vmem>>, vector<1x16xf32>,
        %get3A_636 = vector.shape_cast %get3A_635 : vector<1x16xf32> to vector<16xf32>
        %mul3A_637 = arith.mulf %get3A_636, %broadcast_in_dim3A_572 : vector<16xf32>
        %swap3A_638 = arith.index_cast %add3A_569 : i32 to index
        %swap3A_639 = arith.constant 96 : index
        %swap3A_640 = tpu.vector_load %arg12[%swap3A_638, %swap3A_639] {strides = array<i32>} : memref<80x128xf32, #tpu.memory_space<vmem>>, vector<1x16xf32>,
        %swap3A_641 = vector.shape_cast %swap3A_640 : vector<1x16xf32> to vector<16xf32>
        %swap3A_642 = vector.shape_cast %mul3A_637 : vector<16xf32> to vector<1x16xf32>
        tpu.vector_store %arg12[%swap3A_638, %swap3A_639], %swap3A_642 {strides = array<i32>} : memref<80x128xf32, #tpu.memory_space<vmem>>, vector<1x16xf32>,
        %get3A_643 = arith.index_cast %add3A_569 : i32 to index
        %get3A_644 = arith.constant 112 : index
        %get3A_645 = tpu.vector_load %arg12[%get3A_643, %get3A_644] {strides = array<i32>} : memref<80x128xf32, #tpu.memory_space<vmem>>, vector<1x16xf32>,
        %get3A_646 = vector.shape_cast %get3A_645 : vector<1x16xf32> to vector<16xf32>
        %mul3A_647 = arith.mulf %get3A_646, %broadcast_in_dim3A_572 : vector<16xf32>
        %swap3A_648 = arith.index_cast %add3A_569 : i32 to index
        %swap3A_649 = arith.constant 112 : index
        %swap3A_650 = tpu.vector_load %arg12[%swap3A_648, %swap3A_649] {strides = array<i32>} : memref<80x128xf32, #tpu.memory_space<vmem>>, vector<1x16xf32>,
        %swap3A_651 = vector.shape_cast %swap3A_650 : vector<1x16xf32> to vector<16xf32>
        %swap3A_652 = vector.shape_cast %mul3A_647 : vector<16xf32> to vector<1x16xf32>
        tpu.vector_store %arg12[%swap3A_648, %swap3A_649], %swap3A_652 {strides = array<i32>} : memref<80x128xf32, #tpu.memory_space<vmem>>, vector<1x16xf32>,
        %mul3A_653 = arith.constant 16 : i32
        %mul3A_654 = arith.muli %scan3A_128, %mul3A_653 : i32
        %add3A_655 = arith.constant 6 : i32
        %add3A_656 = arith.addi %mul3A_654, %add3A_655 : i32
        %slice3A_657 = vector.extract_strided_slice %get3A_134 {offsets = [6], sizes = [1], strides = [1]} : vector<16xf32> to vector<1xf32>
        %squeeze3A_658 = vector.extract %slice3A_657[0] : f32 from vector<1xf32>
        %broadcast_in_dim3A_659 = vector.broadcast %squeeze3A_658 : f32 to vector<16xf32>
        %get3A_660 = arith.index_cast %add3A_656 : i32 to index
        %get3A_661 = arith.constant 0 : index
        %get3A_662 = tpu.vector_load %arg12[%get3A_660, %get3A_661] {strides = array<i32>} : memref<80x128xf32, #tpu.memory_space<vmem>>, vector<1x16xf32>,
        %get3A_663 = vector.shape_cast %get3A_662 : vector<1x16xf32> to vector<16xf32>
        %mul3A_664 = arith.mulf %get3A_663, %broadcast_in_dim3A_659 : vector<16xf32>
        %swap3A_665 = arith.index_cast %add3A_656 : i32 to index
        %swap3A_666 = arith.constant 0 : index
        %swap3A_667 = tpu.vector_load %arg12[%swap3A_665, %swap3A_666] {strides = array<i32>} : memref<80x128xf32, #tpu.memory_space<vmem>>, vector<1x16xf32>,
        %swap3A_668 = vector.shape_cast %swap3A_667 : vector<1x16xf32> to vector<16xf32>
        %swap3A_669 = vector.shape_cast %mul3A_664 : vector<16xf32> to vector<1x16xf32>
        tpu.vector_store %arg12[%swap3A_665, %swap3A_666], %swap3A_669 {strides = array<i32>} : memref<80x128xf32, #tpu.memory_space<vmem>>, vector<1x16xf32>,
        %get3A_670 = arith.index_cast %add3A_656 : i32 to index
        %get3A_671 = arith.constant 16 : index
        %get3A_672 = tpu.vector_load %arg12[%get3A_670, %get3A_671] {strides = array<i32>} : memref<80x128xf32, #tpu.memory_space<vmem>>, vector<1x16xf32>,
        %get3A_673 = vector.shape_cast %get3A_672 : vector<1x16xf32> to vector<16xf32>
        %mul3A_674 = arith.mulf %get3A_673, %broadcast_in_dim3A_659 : vector<16xf32>
        %swap3A_675 = arith.index_cast %add3A_656 : i32 to index
        %swap3A_676 = arith.constant 16 : index
        %swap3A_677 = tpu.vector_load %arg12[%swap3A_675, %swap3A_676] {strides = array<i32>} : memref<80x128xf32, #tpu.memory_space<vmem>>, vector<1x16xf32>,
        %swap3A_678 = vector.shape_cast %swap3A_677 : vector<1x16xf32> to vector<16xf32>
        %swap3A_679 = vector.shape_cast %mul3A_674 : vector<16xf32> to vector<1x16xf32>
        tpu.vector_store %arg12[%swap3A_675, %swap3A_676], %swap3A_679 {strides = array<i32>} : memref<80x128xf32, #tpu.memory_space<vmem>>, vector<1x16xf32>,
        %get3A_680 = arith.index_cast %add3A_656 : i32 to index
        %get3A_681 = arith.constant 32 : index
        %get3A_682 = tpu.vector_load %arg12[%get3A_680, %get3A_681] {strides = array<i32>} : memref<80x128xf32, #tpu.memory_space<vmem>>, vector<1x16xf32>,
        %get3A_683 = vector.shape_cast %get3A_682 : vector<1x16xf32> to vector<16xf32>
        %mul3A_684 = arith.mulf %get3A_683, %broadcast_in_dim3A_659 : vector<16xf32>
        %swap3A_685 = arith.index_cast %add3A_656 : i32 to index
        %swap3A_686 = arith.constant 32 : index
        %swap3A_687 = tpu.vector_load %arg12[%swap3A_685, %swap3A_686] {strides = array<i32>} : memref<80x128xf32, #tpu.memory_space<vmem>>, vector<1x16xf32>,
        %swap3A_688 = vector.shape_cast %swap3A_687 : vector<1x16xf32> to vector<16xf32>
        %swap3A_689 = vector.shape_cast %mul3A_684 : vector<16xf32> to vector<1x16xf32>
        tpu.vector_store %arg12[%swap3A_685, %swap3A_686], %swap3A_689 {strides = array<i32>} : memref<80x128xf32, #tpu.memory_space<vmem>>, vector<1x16xf32>,
        %get3A_690 = arith.index_cast %add3A_656 : i32 to index
        %get3A_691 = arith.constant 48 : index
        %get3A_692 = tpu.vector_load %arg12[%get3A_690, %get3A_691] {strides = array<i32>} : memref<80x128xf32, #tpu.memory_space<vmem>>, vector<1x16xf32>,
        %get3A_693 = vector.shape_cast %get3A_692 : vector<1x16xf32> to vector<16xf32>
        %mul3A_694 = arith.mulf %get3A_693, %broadcast_in_dim3A_659 : vector<16xf32>
        %swap3A_695 = arith.index_cast %add3A_656 : i32 to index
        %swap3A_696 = arith.constant 48 : index
        %swap3A_697 = tpu.vector_load %arg12[%swap3A_695, %swap3A_696] {strides = array<i32>} : memref<80x128xf32, #tpu.memory_space<vmem>>, vector<1x16xf32>,
        %swap3A_698 = vector.shape_cast %swap3A_697 : vector<1x16xf32> to vector<16xf32>
        %swap3A_699 = vector.shape_cast %mul3A_694 : vector<16xf32> to vector<1x16xf32>
        tpu.vector_store %arg12[%swap3A_695, %swap3A_696], %swap3A_699 {strides = array<i32>} : memref<80x128xf32, #tpu.memory_space<vmem>>, vector<1x16xf32>,
        %get3A_700 = arith.index_cast %add3A_656 : i32 to index
        %get3A_701 = arith.constant 64 : index
        %get3A_702 = tpu.vector_load %arg12[%get3A_700, %get3A_701] {strides = array<i32>} : memref<80x128xf32, #tpu.memory_space<vmem>>, vector<1x16xf32>,
        %get3A_703 = vector.shape_cast %get3A_702 : vector<1x16xf32> to vector<16xf32>
        %mul3A_704 = arith.mulf %get3A_703, %broadcast_in_dim3A_659 : vector<16xf32>
        %swap3A_705 = arith.index_cast %add3A_656 : i32 to index
        %swap3A_706 = arith.constant 64 : index
        %swap3A_707 = tpu.vector_load %arg12[%swap3A_705, %swap3A_706] {strides = array<i32>} : memref<80x128xf32, #tpu.memory_space<vmem>>, vector<1x16xf32>,
        %swap3A_708 = vector.shape_cast %swap3A_707 : vector<1x16xf32> to vector<16xf32>
        %swap3A_709 = vector.shape_cast %mul3A_704 : vector<16xf32> to vector<1x16xf32>
        tpu.vector_store %arg12[%swap3A_705, %swap3A_706], %swap3A_709 {strides = array<i32>} : memref<80x128xf32, #tpu.memory_space<vmem>>, vector<1x16xf32>,
        %get3A_710 = arith.index_cast %add3A_656 : i32 to index
        %get3A_711 = arith.constant 80 : index
        %get3A_712 = tpu.vector_load %arg12[%get3A_710, %get3A_711] {strides = array<i32>} : memref<80x128xf32, #tpu.memory_space<vmem>>, vector<1x16xf32>,
        %get3A_713 = vector.shape_cast %get3A_712 : vector<1x16xf32> to vector<16xf32>
        %mul3A_714 = arith.mulf %get3A_713, %broadcast_in_dim3A_659 : vector<16xf32>
        %swap3A_715 = arith.index_cast %add3A_656 : i32 to index
        %swap3A_716 = arith.constant 80 : index
        %swap3A_717 = tpu.vector_load %arg12[%swap3A_715, %swap3A_716] {strides = array<i32>} : memref<80x128xf32, #tpu.memory_space<vmem>>, vector<1x16xf32>,
        %swap3A_718 = vector.shape_cast %swap3A_717 : vector<1x16xf32> to vector<16xf32>
        %swap3A_719 = vector.shape_cast %mul3A_714 : vector<16xf32> to vector<1x16xf32>
        tpu.vector_store %arg12[%swap3A_715, %swap3A_716], %swap3A_719 {strides = array<i32>} : memref<80x128xf32, #tpu.memory_space<vmem>>, vector<1x16xf32>,
        %get3A_720 = arith.index_cast %add3A_656 : i32 to index
        %get3A_721 = arith.constant 96 : index
        %get3A_722 = tpu.vector_load %arg12[%get3A_720, %get3A_721] {strides = array<i32>} : memref<80x128xf32, #tpu.memory_space<vmem>>, vector<1x16xf32>,
        %get3A_723 = vector.shape_cast %get3A_722 : vector<1x16xf32> to vector<16xf32>
        %mul3A_724 = arith.mulf %get3A_723, %broadcast_in_dim3A_659 : vector<16xf32>
        %swap3A_725 = arith.index_cast %add3A_656 : i32 to index
        %swap3A_726 = arith.constant 96 : index
        %swap3A_727 = tpu.vector_load %arg12[%swap3A_725, %swap3A_726] {strides = array<i32>} : memref<80x128xf32, #tpu.memory_space<vmem>>, vector<1x16xf32>,
        %swap3A_728 = vector.shape_cast %swap3A_727 : vector<1x16xf32> to vector<16xf32>
        %swap3A_729 = vector.shape_cast %mul3A_724 : vector<16xf32> to vector<1x16xf32>
        tpu.vector_store %arg12[%swap3A_725, %swap3A_726], %swap3A_729 {strides = array<i32>} : memref<80x128xf32, #tpu.memory_space<vmem>>, vector<1x16xf32>,
        %get3A_730 = arith.index_cast %add3A_656 : i32 to index
        %get3A_731 = arith.constant 112 : index
        %get3A_732 = tpu.vector_load %arg12[%get3A_730, %get3A_731] {strides = array<i32>} : memref<80x128xf32, #tpu.memory_space<vmem>>, vector<1x16xf32>,
        %get3A_733 = vector.shape_cast %get3A_732 : vector<1x16xf32> to vector<16xf32>
        %mul3A_734 = arith.mulf %get3A_733, %broadcast_in_dim3A_659 : vector<16xf32>
        %swap3A_735 = arith.index_cast %add3A_656 : i32 to index
        %swap3A_736 = arith.constant 112 : index
        %swap3A_737 = tpu.vector_load %arg12[%swap3A_735, %swap3A_736] {strides = array<i32>} : memref<80x128xf32, #tpu.memory_space<vmem>>, vector<1x16xf32>,
        %swap3A_738 = vector.shape_cast %swap3A_737 : vector<1x16xf32> to vector<16xf32>
        %swap3A_739 = vector.shape_cast %mul3A_734 : vector<16xf32> to vector<1x16xf32>
        tpu.vector_store %arg12[%swap3A_735, %swap3A_736], %swap3A_739 {strides = array<i32>} : memref<80x128xf32, #tpu.memory_space<vmem>>, vector<1x16xf32>,
        %mul3A_740 = arith.constant 16 : i32
        %mul3A_741 = arith.muli %scan3A_128, %mul3A_740 : i32
        %add3A_742 = arith.constant 7 : i32
        %add3A_743 = arith.addi %mul3A_741, %add3A_742 : i32
        %slice3A_744 = vector.extract_strided_slice %get3A_134 {offsets = [7], sizes = [1], strides = [1]} : vector<16xf32> to vector<1xf32>
        %squeeze3A_745 = vector.extract %slice3A_744[0] : f32 from vector<1xf32>
        %broadcast_in_dim3A_746 = vector.broadcast %squeeze3A_745 : f32 to vector<16xf32>
        %get3A_747 = arith.index_cast %add3A_743 : i32 to index
        %get3A_748 = arith.constant 0 : index
        %get3A_749 = tpu.vector_load %arg12[%get3A_747, %get3A_748] {strides = array<i32>} : memref<80x128xf32, #tpu.memory_space<vmem>>, vector<1x16xf32>,
        %get3A_750 = vector.shape_cast %get3A_749 : vector<1x16xf32> to vector<16xf32>
        %mul3A_751 = arith.mulf %get3A_750, %broadcast_in_dim3A_746 : vector<16xf32>
        %swap3A_752 = arith.index_cast %add3A_743 : i32 to index
        %swap3A_753 = arith.constant 0 : index
        %swap3A_754 = tpu.vector_load %arg12[%swap3A_752, %swap3A_753] {strides = array<i32>} : memref<80x128xf32, #tpu.memory_space<vmem>>, vector<1x16xf32>,
        %swap3A_755 = vector.shape_cast %swap3A_754 : vector<1x16xf32> to vector<16xf32>
        %swap3A_756 = vector.shape_cast %mul3A_751 : vector<16xf32> to vector<1x16xf32>
        tpu.vector_store %arg12[%swap3A_752, %swap3A_753], %swap3A_756 {strides = array<i32>} : memref<80x128xf32, #tpu.memory_space<vmem>>, vector<1x16xf32>,
        %get3A_757 = arith.index_cast %add3A_743 : i32 to index
        %get3A_758 = arith.constant 16 : index
        %get3A_759 = tpu.vector_load %arg12[%get3A_757, %get3A_758] {strides = array<i32>} : memref<80x128xf32, #tpu.memory_space<vmem>>, vector<1x16xf32>,
        %get3A_760 = vector.shape_cast %get3A_759 : vector<1x16xf32> to vector<16xf32>
        %mul3A_761 = arith.mulf %get3A_760, %broadcast_in_dim3A_746 : vector<16xf32>
        %swap3A_762 = arith.index_cast %add3A_743 : i32 to index
        %swap3A_763 = arith.constant 16 : index
        %swap3A_764 = tpu.vector_load %arg12[%swap3A_762, %swap3A_763] {strides = array<i32>} : memref<80x128xf32, #tpu.memory_space<vmem>>, vector<1x16xf32>,
        %swap3A_765 = vector.shape_cast %swap3A_764 : vector<1x16xf32> to vector<16xf32>
        %swap3A_766 = vector.shape_cast %mul3A_761 : vector<16xf32> to vector<1x16xf32>
        tpu.vector_store %arg12[%swap3A_762, %swap3A_763], %swap3A_766 {strides = array<i32>} : memref<80x128xf32, #tpu.memory_space<vmem>>, vector<1x16xf32>,
        %get3A_767 = arith.index_cast %add3A_743 : i32 to index
        %get3A_768 = arith.constant 32 : index
        %get3A_769 = tpu.vector_load %arg12[%get3A_767, %get3A_768] {strides = array<i32>} : memref<80x128xf32, #tpu.memory_space<vmem>>, vector<1x16xf32>,
        %get3A_770 = vector.shape_cast %get3A_769 : vector<1x16xf32> to vector<16xf32>
        %mul3A_771 = arith.mulf %get3A_770, %broadcast_in_dim3A_746 : vector<16xf32>
        %swap3A_772 = arith.index_cast %add3A_743 : i32 to index
        %swap3A_773 = arith.constant 32 : index
        %swap3A_774 = tpu.vector_load %arg12[%swap3A_772, %swap3A_773] {strides = array<i32>} : memref<80x128xf32, #tpu.memory_space<vmem>>, vector<1x16xf32>,
        %swap3A_775 = vector.shape_cast %swap3A_774 : vector<1x16xf32> to vector<16xf32>
        %swap3A_776 = vector.shape_cast %mul3A_771 : vector<16xf32> to vector<1x16xf32>
        tpu.vector_store %arg12[%swap3A_772, %swap3A_773], %swap3A_776 {strides = array<i32>} : memref<80x128xf32, #tpu.memory_space<vmem>>, vector<1x16xf32>,
        %get3A_777 = arith.index_cast %add3A_743 : i32 to index
        %get3A_778 = arith.constant 48 : index
        %get3A_779 = tpu.vector_load %arg12[%get3A_777, %get3A_778] {strides = array<i32>} : memref<80x128xf32, #tpu.memory_space<vmem>>, vector<1x16xf32>,
        %get3A_780 = vector.shape_cast %get3A_779 : vector<1x16xf32> to vector<16xf32>
        %mul3A_781 = arith.mulf %get3A_780, %broadcast_in_dim3A_746 : vector<16xf32>
        %swap3A_782 = arith.index_cast %add3A_743 : i32 to index
        %swap3A_783 = arith.constant 48 : index
        %swap3A_784 = tpu.vector_load %arg12[%swap3A_782, %swap3A_783] {strides = array<i32>} : memref<80x128xf32, #tpu.memory_space<vmem>>, vector<1x16xf32>,
        %swap3A_785 = vector.shape_cast %swap3A_784 : vector<1x16xf32> to vector<16xf32>
        %swap3A_786 = vector.shape_cast %mul3A_781 : vector<16xf32> to vector<1x16xf32>
        tpu.vector_store %arg12[%swap3A_782, %swap3A_783], %swap3A_786 {strides = array<i32>} : memref<80x128xf32, #tpu.memory_space<vmem>>, vector<1x16xf32>,
        %get3A_787 = arith.index_cast %add3A_743 : i32 to index
        %get3A_788 = arith.constant 64 : index
        %get3A_789 = tpu.vector_load %arg12[%get3A_787, %get3A_788] {strides = array<i32>} : memref<80x128xf32, #tpu.memory_space<vmem>>, vector<1x16xf32>,
        %get3A_790 = vector.shape_cast %get3A_789 : vector<1x16xf32> to vector<16xf32>
        %mul3A_791 = arith.mulf %get3A_790, %broadcast_in_dim3A_746 : vector<16xf32>
        %swap3A_792 = arith.index_cast %add3A_743 : i32 to index
        %swap3A_793 = arith.constant 64 : index
        %swap3A_794 = tpu.vector_load %arg12[%swap3A_792, %swap3A_793] {strides = array<i32>} : memref<80x128xf32, #tpu.memory_space<vmem>>, vector<1x16xf32>,
        %swap3A_795 = vector.shape_cast %swap3A_794 : vector<1x16xf32> to vector<16xf32>
        %swap3A_796 = vector.shape_cast %mul3A_791 : vector<16xf32> to vector<1x16xf32>
        tpu.vector_store %arg12[%swap3A_792, %swap3A_793], %swap3A_796 {strides = array<i32>} : memref<80x128xf32, #tpu.memory_space<vmem>>, vector<1x16xf32>,
        %get3A_797 = arith.index_cast %add3A_743 : i32 to index
        %get3A_798 = arith.constant 80 : index
        %get3A_799 = tpu.vector_load %arg12[%get3A_797, %get3A_798] {strides = array<i32>} : memref<80x128xf32, #tpu.memory_space<vmem>>, vector<1x16xf32>,
        %get3A_800 = vector.shape_cast %get3A_799 : vector<1x16xf32> to vector<16xf32>
        %mul3A_801 = arith.mulf %get3A_800, %broadcast_in_dim3A_746 : vector<16xf32>
        %swap3A_802 = arith.index_cast %add3A_743 : i32 to index
        %swap3A_803 = arith.constant 80 : index
        %swap3A_804 = tpu.vector_load %arg12[%swap3A_802, %swap3A_803] {strides = array<i32>} : memref<80x128xf32, #tpu.memory_space<vmem>>, vector<1x16xf32>,
        %swap3A_805 = vector.shape_cast %swap3A_804 : vector<1x16xf32> to vector<16xf32>
        %swap3A_806 = vector.shape_cast %mul3A_801 : vector<16xf32> to vector<1x16xf32>
        tpu.vector_store %arg12[%swap3A_802, %swap3A_803], %swap3A_806 {strides = array<i32>} : memref<80x128xf32, #tpu.memory_space<vmem>>, vector<1x16xf32>,
        %get3A_807 = arith.index_cast %add3A_743 : i32 to index
        %get3A_808 = arith.constant 96 : index
        %get3A_809 = tpu.vector_load %arg12[%get3A_807, %get3A_808] {strides = array<i32>} : memref<80x128xf32, #tpu.memory_space<vmem>>, vector<1x16xf32>,
        %get3A_810 = vector.shape_cast %get3A_809 : vector<1x16xf32> to vector<16xf32>
        %mul3A_811 = arith.mulf %get3A_810, %broadcast_in_dim3A_746 : vector<16xf32>
        %swap3A_812 = arith.index_cast %add3A_743 : i32 to index
        %swap3A_813 = arith.constant 96 : index
        %swap3A_814 = tpu.vector_load %arg12[%swap3A_812, %swap3A_813] {strides = array<i32>} : memref<80x128xf32, #tpu.memory_space<vmem>>, vector<1x16xf32>,
        %swap3A_815 = vector.shape_cast %swap3A_814 : vector<1x16xf32> to vector<16xf32>
        %swap3A_816 = vector.shape_cast %mul3A_811 : vector<16xf32> to vector<1x16xf32>
        tpu.vector_store %arg12[%swap3A_812, %swap3A_813], %swap3A_816 {strides = array<i32>} : memref<80x128xf32, #tpu.memory_space<vmem>>, vector<1x16xf32>,
        %get3A_817 = arith.index_cast %add3A_743 : i32 to index
        %get3A_818 = arith.constant 112 : index
        %get3A_819 = tpu.vector_load %arg12[%get3A_817, %get3A_818] {strides = array<i32>} : memref<80x128xf32, #tpu.memory_space<vmem>>, vector<1x16xf32>,
        %get3A_820 = vector.shape_cast %get3A_819 : vector<1x16xf32> to vector<16xf32>
        %mul3A_821 = arith.mulf %get3A_820, %broadcast_in_dim3A_746 : vector<16xf32>
        %swap3A_822 = arith.index_cast %add3A_743 : i32 to index
        %swap3A_823 = arith.constant 112 : index
        %swap3A_824 = tpu.vector_load %arg12[%swap3A_822, %swap3A_823] {strides = array<i32>} : memref<80x128xf32, #tpu.memory_space<vmem>>, vector<1x16xf32>,
        %swap3A_825 = vector.shape_cast %swap3A_824 : vector<1x16xf32> to vector<16xf32>
        %swap3A_826 = vector.shape_cast %mul3A_821 : vector<16xf32> to vector<1x16xf32>
        tpu.vector_store %arg12[%swap3A_822, %swap3A_823], %swap3A_826 {strides = array<i32>} : memref<80x128xf32, #tpu.memory_space<vmem>>, vector<1x16xf32>,
        %mul3A_827 = arith.constant 16 : i32
        %mul3A_828 = arith.muli %scan3A_128, %mul3A_827 : i32
        %add3A_829 = arith.constant 8 : i32
        %add3A_830 = arith.addi %mul3A_828, %add3A_829 : i32
        %slice3A_831 = vector.extract_strided_slice %get3A_134 {offsets = [8], sizes = [1], strides = [1]} : vector<16xf32> to vector<1xf32>
        %squeeze3A_832 = vector.extract %slice3A_831[0] : f32 from vector<1xf32>
        %broadcast_in_dim3A_833 = vector.broadcast %squeeze3A_832 : f32 to vector<16xf32>
        %get3A_834 = arith.index_cast %add3A_830 : i32 to index
        %get3A_835 = arith.constant 0 : index
        %get3A_836 = tpu.vector_load %arg12[%get3A_834, %get3A_835] {strides = array<i32>} : memref<80x128xf32, #tpu.memory_space<vmem>>, vector<1x16xf32>,
        %get3A_837 = vector.shape_cast %get3A_836 : vector<1x16xf32> to vector<16xf32>
        %mul3A_838 = arith.mulf %get3A_837, %broadcast_in_dim3A_833 : vector<16xf32>
        %swap3A_839 = arith.index_cast %add3A_830 : i32 to index
        %swap3A_840 = arith.constant 0 : index
        %swap3A_841 = tpu.vector_load %arg12[%swap3A_839, %swap3A_840] {strides = array<i32>} : memref<80x128xf32, #tpu.memory_space<vmem>>, vector<1x16xf32>,
        %swap3A_842 = vector.shape_cast %swap3A_841 : vector<1x16xf32> to vector<16xf32>
        %swap3A_843 = vector.shape_cast %mul3A_838 : vector<16xf32> to vector<1x16xf32>
        tpu.vector_store %arg12[%swap3A_839, %swap3A_840], %swap3A_843 {strides = array<i32>} : memref<80x128xf32, #tpu.memory_space<vmem>>, vector<1x16xf32>,
        %get3A_844 = arith.index_cast %add3A_830 : i32 to index
        %get3A_845 = arith.constant 16 : index
        %get3A_846 = tpu.vector_load %arg12[%get3A_844, %get3A_845] {strides = array<i32>} : memref<80x128xf32, #tpu.memory_space<vmem>>, vector<1x16xf32>,
        %get3A_847 = vector.shape_cast %get3A_846 : vector<1x16xf32> to vector<16xf32>
        %mul3A_848 = arith.mulf %get3A_847, %broadcast_in_dim3A_833 : vector<16xf32>
        %swap3A_849 = arith.index_cast %add3A_830 : i32 to index
        %swap3A_850 = arith.constant 16 : index
        %swap3A_851 = tpu.vector_load %arg12[%swap3A_849, %swap3A_850] {strides = array<i32>} : memref<80x128xf32, #tpu.memory_space<vmem>>, vector<1x16xf32>,
        %swap3A_852 = vector.shape_cast %swap3A_851 : vector<1x16xf32> to vector<16xf32>
        %swap3A_853 = vector.shape_cast %mul3A_848 : vector<16xf32> to vector<1x16xf32>
        tpu.vector_store %arg12[%swap3A_849, %swap3A_850], %swap3A_853 {strides = array<i32>} : memref<80x128xf32, #tpu.memory_space<vmem>>, vector<1x16xf32>,
        %get3A_854 = arith.index_cast %add3A_830 : i32 to index
        %get3A_855 = arith.constant 32 : index
        %get3A_856 = tpu.vector_load %arg12[%get3A_854, %get3A_855] {strides = array<i32>} : memref<80x128xf32, #tpu.memory_space<vmem>>, vector<1x16xf32>,
        %get3A_857 = vector.shape_cast %get3A_856 : vector<1x16xf32> to vector<16xf32>
        %mul3A_858 = arith.mulf %get3A_857, %broadcast_in_dim3A_833 : vector<16xf32>
        %swap3A_859 = arith.index_cast %add3A_830 : i32 to index
        %swap3A_860 = arith.constant 32 : index
        %swap3A_861 = tpu.vector_load %arg12[%swap3A_859, %swap3A_860] {strides = array<i32>} : memref<80x128xf32, #tpu.memory_space<vmem>>, vector<1x16xf32>,
        %swap3A_862 = vector.shape_cast %swap3A_861 : vector<1x16xf32> to vector<16xf32>
        %swap3A_863 = vector.shape_cast %mul3A_858 : vector<16xf32> to vector<1x16xf32>
        tpu.vector_store %arg12[%swap3A_859, %swap3A_860], %swap3A_863 {strides = array<i32>} : memref<80x128xf32, #tpu.memory_space<vmem>>, vector<1x16xf32>,
        %get3A_864 = arith.index_cast %add3A_830 : i32 to index
        %get3A_865 = arith.constant 48 : index
        %get3A_866 = tpu.vector_load %arg12[%get3A_864, %get3A_865] {strides = array<i32>} : memref<80x128xf32, #tpu.memory_space<vmem>>, vector<1x16xf32>,
        %get3A_867 = vector.shape_cast %get3A_866 : vector<1x16xf32> to vector<16xf32>
        %mul3A_868 = arith.mulf %get3A_867, %broadcast_in_dim3A_833 : vector<16xf32>
        %swap3A_869 = arith.index_cast %add3A_830 : i32 to index
        %swap3A_870 = arith.constant 48 : index
        %swap3A_871 = tpu.vector_load %arg12[%swap3A_869, %swap3A_870] {strides = array<i32>} : memref<80x128xf32, #tpu.memory_space<vmem>>, vector<1x16xf32>,
        %swap3A_872 = vector.shape_cast %swap3A_871 : vector<1x16xf32> to vector<16xf32>
        %swap3A_873 = vector.shape_cast %mul3A_868 : vector<16xf32> to vector<1x16xf32>
        tpu.vector_store %arg12[%swap3A_869, %swap3A_870], %swap3A_873 {strides = array<i32>} : memref<80x128xf32, #tpu.memory_space<vmem>>, vector<1x16xf32>,
        %get3A_874 = arith.index_cast %add3A_830 : i32 to index
        %get3A_875 = arith.constant 64 : index
        %get3A_876 = tpu.vector_load %arg12[%get3A_874, %get3A_875] {strides = array<i32>} : memref<80x128xf32, #tpu.memory_space<vmem>>, vector<1x16xf32>,
        %get3A_877 = vector.shape_cast %get3A_876 : vector<1x16xf32> to vector<16xf32>
        %mul3A_878 = arith.mulf %get3A_877, %broadcast_in_dim3A_833 : vector<16xf32>
        %swap3A_879 = arith.index_cast %add3A_830 : i32 to index
        %swap3A_880 = arith.constant 64 : index
        %swap3A_881 = tpu.vector_load %arg12[%swap3A_879, %swap3A_880] {strides = array<i32>} : memref<80x128xf32, #tpu.memory_space<vmem>>, vector<1x16xf32>,
        %swap3A_882 = vector.shape_cast %swap3A_881 : vector<1x16xf32> to vector<16xf32>
        %swap3A_883 = vector.shape_cast %mul3A_878 : vector<16xf32> to vector<1x16xf32>
        tpu.vector_store %arg12[%swap3A_879, %swap3A_880], %swap3A_883 {strides = array<i32>} : memref<80x128xf32, #tpu.memory_space<vmem>>, vector<1x16xf32>,
        %get3A_884 = arith.index_cast %add3A_830 : i32 to index
        %get3A_885 = arith.constant 80 : index
        %get3A_886 = tpu.vector_load %arg12[%get3A_884, %get3A_885] {strides = array<i32>} : memref<80x128xf32, #tpu.memory_space<vmem>>, vector<1x16xf32>,
        %get3A_887 = vector.shape_cast %get3A_886 : vector<1x16xf32> to vector<16xf32>
        %mul3A_888 = arith.mulf %get3A_887, %broadcast_in_dim3A_833 : vector<16xf32>
        %swap3A_889 = arith.index_cast %add3A_830 : i32 to index
        %swap3A_890 = arith.constant 80 : index
        %swap3A_891 = tpu.vector_load %arg12[%swap3A_889, %swap3A_890] {strides = array<i32>} : memref<80x128xf32, #tpu.memory_space<vmem>>, vector<1x16xf32>,
        %swap3A_892 = vector.shape_cast %swap3A_891 : vector<1x16xf32> to vector<16xf32>
        %swap3A_893 = vector.shape_cast %mul3A_888 : vector<16xf32> to vector<1x16xf32>
        tpu.vector_store %arg12[%swap3A_889, %swap3A_890], %swap3A_893 {strides = array<i32>} : memref<80x128xf32, #tpu.memory_space<vmem>>, vector<1x16xf32>,
        %get3A_894 = arith.index_cast %add3A_830 : i32 to index
        %get3A_895 = arith.constant 96 : index
        %get3A_896 = tpu.vector_load %arg12[%get3A_894, %get3A_895] {strides = array<i32>} : memref<80x128xf32, #tpu.memory_space<vmem>>, vector<1x16xf32>,
        %get3A_897 = vector.shape_cast %get3A_896 : vector<1x16xf32> to vector<16xf32>
        %mul3A_898 = arith.mulf %get3A_897, %broadcast_in_dim3A_833 : vector<16xf32>
        %swap3A_899 = arith.index_cast %add3A_830 : i32 to index
        %swap3A_900 = arith.constant 96 : index
        %swap3A_901 = tpu.vector_load %arg12[%swap3A_899, %swap3A_900] {strides = array<i32>} : memref<80x128xf32, #tpu.memory_space<vmem>>, vector<1x16xf32>,
        %swap3A_902 = vector.shape_cast %swap3A_901 : vector<1x16xf32> to vector<16xf32>
        %swap3A_903 = vector.shape_cast %mul3A_898 : vector<16xf32> to vector<1x16xf32>
        tpu.vector_store %arg12[%swap3A_899, %swap3A_900], %swap3A_903 {strides = array<i32>} : memref<80x128xf32, #tpu.memory_space<vmem>>, vector<1x16xf32>,
        %get3A_904 = arith.index_cast %add3A_830 : i32 to index
        %get3A_905 = arith.constant 112 : index
        %get3A_906 = tpu.vector_load %arg12[%get3A_904, %get3A_905] {strides = array<i32>} : memref<80x128xf32, #tpu.memory_space<vmem>>, vector<1x16xf32>,
        %get3A_907 = vector.shape_cast %get3A_906 : vector<1x16xf32> to vector<16xf32>
        %mul3A_908 = arith.mulf %get3A_907, %broadcast_in_dim3A_833 : vector<16xf32>
        %swap3A_909 = arith.index_cast %add3A_830 : i32 to index
        %swap3A_910 = arith.constant 112 : index
        %swap3A_911 = tpu.vector_load %arg12[%swap3A_909, %swap3A_910] {strides = array<i32>} : memref<80x128xf32, #tpu.memory_space<vmem>>, vector<1x16xf32>,
        %swap3A_912 = vector.shape_cast %swap3A_911 : vector<1x16xf32> to vector<16xf32>
        %swap3A_913 = vector.shape_cast %mul3A_908 : vector<16xf32> to vector<1x16xf32>
        tpu.vector_store %arg12[%swap3A_909, %swap3A_910], %swap3A_913 {strides = array<i32>} : memref<80x128xf32, #tpu.memory_space<vmem>>, vector<1x16xf32>,
        %mul3A_914 = arith.constant 16 : i32
        %mul3A_915 = arith.muli %scan3A_128, %mul3A_914 : i32
        %add3A_916 = arith.constant 9 : i32
        %add3A_917 = arith.addi %mul3A_915, %add3A_916 : i32
        %slice3A_918 = vector.extract_strided_slice %get3A_134 {offsets = [9], sizes = [1], strides = [1]} : vector<16xf32> to vector<1xf32>
        %squeeze3A_919 = vector.extract %slice3A_918[0] : f32 from vector<1xf32>
        %broadcast_in_dim3A_920 = vector.broadcast %squeeze3A_919 : f32 to vector<16xf32>
        %get3A_921 = arith.index_cast %add3A_917 : i32 to index
        %get3A_922 = arith.constant 0 : index
        %get3A_923 = tpu.vector_load %arg12[%get3A_921, %get3A_922] {strides = array<i32>} : memref<80x128xf32, #tpu.memory_space<vmem>>, vector<1x16xf32>,
        %get3A_924 = vector.shape_cast %get3A_923 : vector<1x16xf32> to vector<16xf32>
        %mul3A_925 = arith.mulf %get3A_924, %broadcast_in_dim3A_920 : vector<16xf32>
        %swap3A_926 = arith.index_cast %add3A_917 : i32 to index
        %swap3A_927 = arith.constant 0 : index
        %swap3A_928 = tpu.vector_load %arg12[%swap3A_926, %swap3A_927] {strides = array<i32>} : memref<80x128xf32, #tpu.memory_space<vmem>>, vector<1x16xf32>,
        %swap3A_929 = vector.shape_cast %swap3A_928 : vector<1x16xf32> to vector<16xf32>
        %swap3A_930 = vector.shape_cast %mul3A_925 : vector<16xf32> to vector<1x16xf32>
        tpu.vector_store %arg12[%swap3A_926, %swap3A_927], %swap3A_930 {strides = array<i32>} : memref<80x128xf32, #tpu.memory_space<vmem>>, vector<1x16xf32>,
        %get3A_931 = arith.index_cast %add3A_917 : i32 to index
        %get3A_932 = arith.constant 16 : index
        %get3A_933 = tpu.vector_load %arg12[%get3A_931, %get3A_932] {strides = array<i32>} : memref<80x128xf32, #tpu.memory_space<vmem>>, vector<1x16xf32>,
        %get3A_934 = vector.shape_cast %get3A_933 : vector<1x16xf32> to vector<16xf32>
        %mul3A_935 = arith.mulf %get3A_934, %broadcast_in_dim3A_920 : vector<16xf32>
        %swap3A_936 = arith.index_cast %add3A_917 : i32 to index
        %swap3A_937 = arith.constant 16 : index
        %swap3A_938 = tpu.vector_load %arg12[%swap3A_936, %swap3A_937] {strides = array<i32>} : memref<80x128xf32, #tpu.memory_space<vmem>>, vector<1x16xf32>,
        %swap3A_939 = vector.shape_cast %swap3A_938 : vector<1x16xf32> to vector<16xf32>
        %swap3A_940 = vector.shape_cast %mul3A_935 : vector<16xf32> to vector<1x16xf32>
        tpu.vector_store %arg12[%swap3A_936, %swap3A_937], %swap3A_940 {strides = array<i32>} : memref<80x128xf32, #tpu.memory_space<vmem>>, vector<1x16xf32>,
        %get3A_941 = arith.index_cast %add3A_917 : i32 to index
        %get3A_942 = arith.constant 32 : index
        %get3A_943 = tpu.vector_load %arg12[%get3A_941, %get3A_942] {strides = array<i32>} : memref<80x128xf32, #tpu.memory_space<vmem>>, vector<1x16xf32>,
        %get3A_944 = vector.shape_cast %get3A_943 : vector<1x16xf32> to vector<16xf32>
        %mul3A_945 = arith.mulf %get3A_944, %broadcast_in_dim3A_920 : vector<16xf32>
        %swap3A_946 = arith.index_cast %add3A_917 : i32 to index
        %swap3A_947 = arith.constant 32 : index
        %swap3A_948 = tpu.vector_load %arg12[%swap3A_946, %swap3A_947] {strides = array<i32>} : memref<80x128xf32, #tpu.memory_space<vmem>>, vector<1x16xf32>,
        %swap3A_949 = vector.shape_cast %swap3A_948 : vector<1x16xf32> to vector<16xf32>
        %swap3A_950 = vector.shape_cast %mul3A_945 : vector<16xf32> to vector<1x16xf32>
        tpu.vector_store %arg12[%swap3A_946, %swap3A_947], %swap3A_950 {strides = array<i32>} : memref<80x128xf32, #tpu.memory_space<vmem>>, vector<1x16xf32>,
        %get3A_951 = arith.index_cast %add3A_917 : i32 to index
        %get3A_952 = arith.constant 48 : index
        %get3A_953 = tpu.vector_load %arg12[%get3A_951, %get3A_952] {strides = array<i32>} : memref<80x128xf32, #tpu.memory_space<vmem>>, vector<1x16xf32>,
        %get3A_954 = vector.shape_cast %get3A_953 : vector<1x16xf32> to vector<16xf32>
        %mul3A_955 = arith.mulf %get3A_954, %broadcast_in_dim3A_920 : vector<16xf32>
        %swap3A_956 = arith.index_cast %add3A_917 : i32 to index
        %swap3A_957 = arith.constant 48 : index
        %swap3A_958 = tpu.vector_load %arg12[%swap3A_956, %swap3A_957] {strides = array<i32>} : memref<80x128xf32, #tpu.memory_space<vmem>>, vector<1x16xf32>,
        %swap3A_959 = vector.shape_cast %swap3A_958 : vector<1x16xf32> to vector<16xf32>
        %swap3A_960 = vector.shape_cast %mul3A_955 : vector<16xf32> to vector<1x16xf32>
        tpu.vector_store %arg12[%swap3A_956, %swap3A_957], %swap3A_960 {strides = array<i32>} : memref<80x128xf32, #tpu.memory_space<vmem>>, vector<1x16xf32>,
        %get3A_961 = arith.index_cast %add3A_917 : i32 to index
        %get3A_962 = arith.constant 64 : index
        %get3A_963 = tpu.vector_load %arg12[%get3A_961, %get3A_962] {strides = array<i32>} : memref<80x128xf32, #tpu.memory_space<vmem>>, vector<1x16xf32>,
        %get3A_964 = vector.shape_cast %get3A_963 : vector<1x16xf32> to vector<16xf32>
        %mul3A_965 = arith.mulf %get3A_964, %broadcast_in_dim3A_920 : vector<16xf32>
        %swap3A_966 = arith.index_cast %add3A_917 : i32 to index
        %swap3A_967 = arith.constant 64 : index
        %swap3A_968 = tpu.vector_load %arg12[%swap3A_966, %swap3A_967] {strides = array<i32>} : memref<80x128xf32, #tpu.memory_space<vmem>>, vector<1x16xf32>,
        %swap3A_969 = vector.shape_cast %swap3A_968 : vector<1x16xf32> to vector<16xf32>
        %swap3A_970 = vector.shape_cast %mul3A_965 : vector<16xf32> to vector<1x16xf32>
        tpu.vector_store %arg12[%swap3A_966, %swap3A_967], %swap3A_970 {strides = array<i32>} : memref<80x128xf32, #tpu.memory_space<vmem>>, vector<1x16xf32>,
        %get3A_971 = arith.index_cast %add3A_917 : i32 to index
        %get3A_972 = arith.constant 80 : index
        %get3A_973 = tpu.vector_load %arg12[%get3A_971, %get3A_972] {strides = array<i32>} : memref<80x128xf32, #tpu.memory_space<vmem>>, vector<1x16xf32>,
        %get3A_974 = vector.shape_cast %get3A_973 : vector<1x16xf32> to vector<16xf32>
        %mul3A_975 = arith.mulf %get3A_974, %broadcast_in_dim3A_920 : vector<16xf32>
        %swap3A_976 = arith.index_cast %add3A_917 : i32 to index
        %swap3A_977 = arith.constant 80 : index
        %swap3A_978 = tpu.vector_load %arg12[%swap3A_976, %swap3A_977] {strides = array<i32>} : memref<80x128xf32, #tpu.memory_space<vmem>>, vector<1x16xf32>,
        %swap3A_979 = vector.shape_cast %swap3A_978 : vector<1x16xf32> to vector<16xf32>
        %swap3A_980 = vector.shape_cast %mul3A_975 : vector<16xf32> to vector<1x16xf32>
        tpu.vector_store %arg12[%swap3A_976, %swap3A_977], %swap3A_980 {strides = array<i32>} : memref<80x128xf32, #tpu.memory_space<vmem>>, vector<1x16xf32>,
        %get3A_981 = arith.index_cast %add3A_917 : i32 to index
        %get3A_982 = arith.constant 96 : index
        %get3A_983 = tpu.vector_load %arg12[%get3A_981, %get3A_982] {strides = array<i32>} : memref<80x128xf32, #tpu.memory_space<vmem>>, vector<1x16xf32>,
        %get3A_984 = vector.shape_cast %get3A_983 : vector<1x16xf32> to vector<16xf32>
        %mul3A_985 = arith.mulf %get3A_984, %broadcast_in_dim3A_920 : vector<16xf32>
        %swap3A_986 = arith.index_cast %add3A_917 : i32 to index
        %swap3A_987 = arith.constant 96 : index
        %swap3A_988 = tpu.vector_load %arg12[%swap3A_986, %swap3A_987] {strides = array<i32>} : memref<80x128xf32, #tpu.memory_space<vmem>>, vector<1x16xf32>,
        %swap3A_989 = vector.shape_cast %swap3A_988 : vector<1x16xf32> to vector<16xf32>
        %swap3A_990 = vector.shape_cast %mul3A_985 : vector<16xf32> to vector<1x16xf32>
        tpu.vector_store %arg12[%swap3A_986, %swap3A_987], %swap3A_990 {strides = array<i32>} : memref<80x128xf32, #tpu.memory_space<vmem>>, vector<1x16xf32>,
        %get3A_991 = arith.index_cast %add3A_917 : i32 to index
        %get3A_992 = arith.constant 112 : index
        %get3A_993 = tpu.vector_load %arg12[%get3A_991, %get3A_992] {strides = array<i32>} : memref<80x128xf32, #tpu.memory_space<vmem>>, vector<1x16xf32>,
        %get3A_994 = vector.shape_cast %get3A_993 : vector<1x16xf32> to vector<16xf32>
        %mul3A_995 = arith.mulf %get3A_994, %broadcast_in_dim3A_920 : vector<16xf32>
        %swap3A_996 = arith.index_cast %add3A_917 : i32 to index
        %swap3A_997 = arith.constant 112 : index
        %swap3A_998 = tpu.vector_load %arg12[%swap3A_996, %swap3A_997] {strides = array<i32>} : memref<80x128xf32, #tpu.memory_space<vmem>>, vector<1x16xf32>,
        %swap3A_999 = vector.shape_cast %swap3A_998 : vector<1x16xf32> to vector<16xf32>
        %swap3A_1000 = vector.shape_cast %mul3A_995 : vector<16xf32> to vector<1x16xf32>
        tpu.vector_store %arg12[%swap3A_996, %swap3A_997], %swap3A_1000 {strides = array<i32>} : memref<80x128xf32, #tpu.memory_space<vmem>>, vector<1x16xf32>,
        %mul3A_1001 = arith.constant 16 : i32
        %mul3A_1002 = arith.muli %scan3A_128, %mul3A_1001 : i32
        %add3A_1003 = arith.constant 10 : i32
        %add3A_1004 = arith.addi %mul3A_1002, %add3A_1003 : i32
        %slice3A_1005 = vector.extract_strided_slice %get3A_134 {offsets = [10], sizes = [1], strides = [1]} : vector<16xf32> to vector<1xf32>
        %squeeze3A_1006 = vector.extract %slice3A_1005[0] : f32 from vector<1xf32>
        %broadcast_in_dim3A_1007 = vector.broadcast %squeeze3A_1006 : f32 to vector<16xf32>
        %get3A_1008 = arith.index_cast %add3A_1004 : i32 to index
        %get3A_1009 = arith.constant 0 : index
        %get3A_1010 = tpu.vector_load %arg12[%get3A_1008, %get3A_1009] {strides = array<i32>} : memref<80x128xf32, #tpu.memory_space<vmem>>, vector<1x16xf32>,
        %get3A_1011 = vector.shape_cast %get3A_1010 : vector<1x16xf32> to vector<16xf32>
        %mul3A_1012 = arith.mulf %get3A_1011, %broadcast_in_dim3A_1007 : vector<16xf32>
        %swap3A_1013 = arith.index_cast %add3A_1004 : i32 to index
        %swap3A_1014 = arith.constant 0 : index
        %swap3A_1015 = tpu.vector_load %arg12[%swap3A_1013, %swap3A_1014] {strides = array<i32>} : memref<80x128xf32, #tpu.memory_space<vmem>>, vector<1x16xf32>,
        %swap3A_1016 = vector.shape_cast %swap3A_1015 : vector<1x16xf32> to vector<16xf32>
        %swap3A_1017 = vector.shape_cast %mul3A_1012 : vector<16xf32> to vector<1x16xf32>
        tpu.vector_store %arg12[%swap3A_1013, %swap3A_1014], %swap3A_1017 {strides = array<i32>} : memref<80x128xf32, #tpu.memory_space<vmem>>, vector<1x16xf32>,
        %get3A_1018 = arith.index_cast %add3A_1004 : i32 to index
        %get3A_1019 = arith.constant 16 : index
        %get3A_1020 = tpu.vector_load %arg12[%get3A_1018, %get3A_1019] {strides = array<i32>} : memref<80x128xf32, #tpu.memory_space<vmem>>, vector<1x16xf32>,
        %get3A_1021 = vector.shape_cast %get3A_1020 : vector<1x16xf32> to vector<16xf32>
        %mul3A_1022 = arith.mulf %get3A_1021, %broadcast_in_dim3A_1007 : vector<16xf32>
        %swap3A_1023 = arith.index_cast %add3A_1004 : i32 to index
        %swap3A_1024 = arith.constant 16 : index
        %swap3A_1025 = tpu.vector_load %arg12[%swap3A_1023, %swap3A_1024] {strides = array<i32>} : memref<80x128xf32, #tpu.memory_space<vmem>>, vector<1x16xf32>,
        %swap3A_1026 = vector.shape_cast %swap3A_1025 : vector<1x16xf32> to vector<16xf32>
        %swap3A_1027 = vector.shape_cast %mul3A_1022 : vector<16xf32> to vector<1x16xf32>
        tpu.vector_store %arg12[%swap3A_1023, %swap3A_1024], %swap3A_1027 {strides = array<i32>} : memref<80x128xf32, #tpu.memory_space<vmem>>, vector<1x16xf32>,
        %get3A_1028 = arith.index_cast %add3A_1004 : i32 to index
        %get3A_1029 = arith.constant 32 : index
        %get3A_1030 = tpu.vector_load %arg12[%get3A_1028, %get3A_1029] {strides = array<i32>} : memref<80x128xf32, #tpu.memory_space<vmem>>, vector<1x16xf32>,
        %get3A_1031 = vector.shape_cast %get3A_1030 : vector<1x16xf32> to vector<16xf32>
        %mul3A_1032 = arith.mulf %get3A_1031, %broadcast_in_dim3A_1007 : vector<16xf32>
        %swap3A_1033 = arith.index_cast %add3A_1004 : i32 to index
        %swap3A_1034 = arith.constant 32 : index
        %swap3A_1035 = tpu.vector_load %arg12[%swap3A_1033, %swap3A_1034] {strides = array<i32>} : memref<80x128xf32, #tpu.memory_space<vmem>>, vector<1x16xf32>,
        %swap3A_1036 = vector.shape_cast %swap3A_1035 : vector<1x16xf32> to vector<16xf32>
        %swap3A_1037 = vector.shape_cast %mul3A_1032 : vector<16xf32> to vector<1x16xf32>
        tpu.vector_store %arg12[%swap3A_1033, %swap3A_1034], %swap3A_1037 {strides = array<i32>} : memref<80x128xf32, #tpu.memory_space<vmem>>, vector<1x16xf32>,
        %get3A_1038 = arith.index_cast %add3A_1004 : i32 to index
        %get3A_1039 = arith.constant 48 : index
        %get3A_1040 = tpu.vector_load %arg12[%get3A_1038, %get3A_1039] {strides = array<i32>} : memref<80x128xf32, #tpu.memory_space<vmem>>, vector<1x16xf32>,
        %get3A_1041 = vector.shape_cast %get3A_1040 : vector<1x16xf32> to vector<16xf32>
        %mul3A_1042 = arith.mulf %get3A_1041, %broadcast_in_dim3A_1007 : vector<16xf32>
        %swap3A_1043 = arith.index_cast %add3A_1004 : i32 to index
        %swap3A_1044 = arith.constant 48 : index
        %swap3A_1045 = tpu.vector_load %arg12[%swap3A_1043, %swap3A_1044] {strides = array<i32>} : memref<80x128xf32, #tpu.memory_space<vmem>>, vector<1x16xf32>,
        %swap3A_1046 = vector.shape_cast %swap3A_1045 : vector<1x16xf32> to vector<16xf32>
        %swap3A_1047 = vector.shape_cast %mul3A_1042 : vector<16xf32> to vector<1x16xf32>
        tpu.vector_store %arg12[%swap3A_1043, %swap3A_1044], %swap3A_1047 {strides = array<i32>} : memref<80x128xf32, #tpu.memory_space<vmem>>, vector<1x16xf32>,
        %get3A_1048 = arith.index_cast %add3A_1004 : i32 to index
        %get3A_1049 = arith.constant 64 : index
        %get3A_1050 = tpu.vector_load %arg12[%get3A_1048, %get3A_1049] {strides = array<i32>} : memref<80x128xf32, #tpu.memory_space<vmem>>, vector<1x16xf32>,
        %get3A_1051 = vector.shape_cast %get3A_1050 : vector<1x16xf32> to vector<16xf32>
        %mul3A_1052 = arith.mulf %get3A_1051, %broadcast_in_dim3A_1007 : vector<16xf32>
        %swap3A_1053 = arith.index_cast %add3A_1004 : i32 to index
        %swap3A_1054 = arith.constant 64 : index
        %swap3A_1055 = tpu.vector_load %arg12[%swap3A_1053, %swap3A_1054] {strides = array<i32>} : memref<80x128xf32, #tpu.memory_space<vmem>>, vector<1x16xf32>,
        %swap3A_1056 = vector.shape_cast %swap3A_1055 : vector<1x16xf32> to vector<16xf32>
        %swap3A_1057 = vector.shape_cast %mul3A_1052 : vector<16xf32> to vector<1x16xf32>
        tpu.vector_store %arg12[%swap3A_1053, %swap3A_1054], %swap3A_1057 {strides = array<i32>} : memref<80x128xf32, #tpu.memory_space<vmem>>, vector<1x16xf32>,
        %get3A_1058 = arith.index_cast %add3A_1004 : i32 to index
        %get3A_1059 = arith.constant 80 : index
        %get3A_1060 = tpu.vector_load %arg12[%get3A_1058, %get3A_1059] {strides = array<i32>} : memref<80x128xf32, #tpu.memory_space<vmem>>, vector<1x16xf32>,
        %get3A_1061 = vector.shape_cast %get3A_1060 : vector<1x16xf32> to vector<16xf32>
        %mul3A_1062 = arith.mulf %get3A_1061, %broadcast_in_dim3A_1007 : vector<16xf32>
        %swap3A_1063 = arith.index_cast %add3A_1004 : i32 to index
        %swap3A_1064 = arith.constant 80 : index
        %swap3A_1065 = tpu.vector_load %arg12[%swap3A_1063, %swap3A_1064] {strides = array<i32>} : memref<80x128xf32, #tpu.memory_space<vmem>>, vector<1x16xf32>,
        %swap3A_1066 = vector.shape_cast %swap3A_1065 : vector<1x16xf32> to vector<16xf32>
        %swap3A_1067 = vector.shape_cast %mul3A_1062 : vector<16xf32> to vector<1x16xf32>
        tpu.vector_store %arg12[%swap3A_1063, %swap3A_1064], %swap3A_1067 {strides = array<i32>} : memref<80x128xf32, #tpu.memory_space<vmem>>, vector<1x16xf32>,
        %get3A_1068 = arith.index_cast %add3A_1004 : i32 to index
        %get3A_1069 = arith.constant 96 : index
        %get3A_1070 = tpu.vector_load %arg12[%get3A_1068, %get3A_1069] {strides = array<i32>} : memref<80x128xf32, #tpu.memory_space<vmem>>, vector<1x16xf32>,
        %get3A_1071 = vector.shape_cast %get3A_1070 : vector<1x16xf32> to vector<16xf32>
        %mul3A_1072 = arith.mulf %get3A_1071, %broadcast_in_dim3A_1007 : vector<16xf32>
        %swap3A_1073 = arith.index_cast %add3A_1004 : i32 to index
        %swap3A_1074 = arith.constant 96 : index
        %swap3A_1075 = tpu.vector_load %arg12[%swap3A_1073, %swap3A_1074] {strides = array<i32>} : memref<80x128xf32, #tpu.memory_space<vmem>>, vector<1x16xf32>,
        %swap3A_1076 = vector.shape_cast %swap3A_1075 : vector<1x16xf32> to vector<16xf32>
        %swap3A_1077 = vector.shape_cast %mul3A_1072 : vector<16xf32> to vector<1x16xf32>
        tpu.vector_store %arg12[%swap3A_1073, %swap3A_1074], %swap3A_1077 {strides = array<i32>} : memref<80x128xf32, #tpu.memory_space<vmem>>, vector<1x16xf32>,
        %get3A_1078 = arith.index_cast %add3A_1004 : i32 to index
        %get3A_1079 = arith.constant 112 : index
        %get3A_1080 = tpu.vector_load %arg12[%get3A_1078, %get3A_1079] {strides = array<i32>} : memref<80x128xf32, #tpu.memory_space<vmem>>, vector<1x16xf32>,
        %get3A_1081 = vector.shape_cast %get3A_1080 : vector<1x16xf32> to vector<16xf32>
        %mul3A_1082 = arith.mulf %get3A_1081, %broadcast_in_dim3A_1007 : vector<16xf32>
        %swap3A_1083 = arith.index_cast %add3A_1004 : i32 to index
        %swap3A_1084 = arith.constant 112 : index
        %swap3A_1085 = tpu.vector_load %arg12[%swap3A_1083, %swap3A_1084] {strides = array<i32>} : memref<80x128xf32, #tpu.memory_space<vmem>>, vector<1x16xf32>,
        %swap3A_1086 = vector.shape_cast %swap3A_1085 : vector<1x16xf32> to vector<16xf32>
        %swap3A_1087 = vector.shape_cast %mul3A_1082 : vector<16xf32> to vector<1x16xf32>
        tpu.vector_store %arg12[%swap3A_1083, %swap3A_1084], %swap3A_1087 {strides = array<i32>} : memref<80x128xf32, #tpu.memory_space<vmem>>, vector<1x16xf32>,
        %mul3A_1088 = arith.constant 16 : i32
        %mul3A_1089 = arith.muli %scan3A_128, %mul3A_1088 : i32
        %add3A_1090 = arith.constant 11 : i32
        %add3A_1091 = arith.addi %mul3A_1089, %add3A_1090 : i32
        %slice3A_1092 = vector.extract_strided_slice %get3A_134 {offsets = [11], sizes = [1], strides = [1]} : vector<16xf32> to vector<1xf32>
        %squeeze3A_1093 = vector.extract %slice3A_1092[0] : f32 from vector<1xf32>
        %broadcast_in_dim3A_1094 = vector.broadcast %squeeze3A_1093 : f32 to vector<16xf32>
        %get3A_1095 = arith.index_cast %add3A_1091 : i32 to index
        %get3A_1096 = arith.constant 0 : index
        %get3A_1097 = tpu.vector_load %arg12[%get3A_1095, %get3A_1096] {strides = array<i32>} : memref<80x128xf32, #tpu.memory_space<vmem>>, vector<1x16xf32>,
        %get3A_1098 = vector.shape_cast %get3A_1097 : vector<1x16xf32> to vector<16xf32>
        %mul3A_1099 = arith.mulf %get3A_1098, %broadcast_in_dim3A_1094 : vector<16xf32>
        %swap3A_1100 = arith.index_cast %add3A_1091 : i32 to index
        %swap3A_1101 = arith.constant 0 : index
        %swap3A_1102 = tpu.vector_load %arg12[%swap3A_1100, %swap3A_1101] {strides = array<i32>} : memref<80x128xf32, #tpu.memory_space<vmem>>, vector<1x16xf32>,
        %swap3A_1103 = vector.shape_cast %swap3A_1102 : vector<1x16xf32> to vector<16xf32>
        %swap3A_1104 = vector.shape_cast %mul3A_1099 : vector<16xf32> to vector<1x16xf32>
        tpu.vector_store %arg12[%swap3A_1100, %swap3A_1101], %swap3A_1104 {strides = array<i32>} : memref<80x128xf32, #tpu.memory_space<vmem>>, vector<1x16xf32>,
        %get3A_1105 = arith.index_cast %add3A_1091 : i32 to index
        %get3A_1106 = arith.constant 16 : index
        %get3A_1107 = tpu.vector_load %arg12[%get3A_1105, %get3A_1106] {strides = array<i32>} : memref<80x128xf32, #tpu.memory_space<vmem>>, vector<1x16xf32>,
        %get3A_1108 = vector.shape_cast %get3A_1107 : vector<1x16xf32> to vector<16xf32>
        %mul3A_1109 = arith.mulf %get3A_1108, %broadcast_in_dim3A_1094 : vector<16xf32>
        %swap3A_1110 = arith.index_cast %add3A_1091 : i32 to index
        %swap3A_1111 = arith.constant 16 : index
        %swap3A_1112 = tpu.vector_load %arg12[%swap3A_1110, %swap3A_1111] {strides = array<i32>} : memref<80x128xf32, #tpu.memory_space<vmem>>, vector<1x16xf32>,
        %swap3A_1113 = vector.shape_cast %swap3A_1112 : vector<1x16xf32> to vector<16xf32>
        %swap3A_1114 = vector.shape_cast %mul3A_1109 : vector<16xf32> to vector<1x16xf32>
        tpu.vector_store %arg12[%swap3A_1110, %swap3A_1111], %swap3A_1114 {strides = array<i32>} : memref<80x128xf32, #tpu.memory_space<vmem>>, vector<1x16xf32>,
        %get3A_1115 = arith.index_cast %add3A_1091 : i32 to index
        %get3A_1116 = arith.constant 32 : index
        %get3A_1117 = tpu.vector_load %arg12[%get3A_1115, %get3A_1116] {strides = array<i32>} : memref<80x128xf32, #tpu.memory_space<vmem>>, vector<1x16xf32>,
        %get3A_1118 = vector.shape_cast %get3A_1117 : vector<1x16xf32> to vector<16xf32>
        %mul3A_1119 = arith.mulf %get3A_1118, %broadcast_in_dim3A_1094 : vector<16xf32>
        %swap3A_1120 = arith.index_cast %add3A_1091 : i32 to index
        %swap3A_1121 = arith.constant 32 : index
        %swap3A_1122 = tpu.vector_load %arg12[%swap3A_1120, %swap3A_1121] {strides = array<i32>} : memref<80x128xf32, #tpu.memory_space<vmem>>, vector<1x16xf32>,
        %swap3A_1123 = vector.shape_cast %swap3A_1122 : vector<1x16xf32> to vector<16xf32>
        %swap3A_1124 = vector.shape_cast %mul3A_1119 : vector<16xf32> to vector<1x16xf32>
        tpu.vector_store %arg12[%swap3A_1120, %swap3A_1121], %swap3A_1124 {strides = array<i32>} : memref<80x128xf32, #tpu.memory_space<vmem>>, vector<1x16xf32>,
        %get3A_1125 = arith.index_cast %add3A_1091 : i32 to index
        %get3A_1126 = arith.constant 48 : index
        %get3A_1127 = tpu.vector_load %arg12[%get3A_1125, %get3A_1126] {strides = array<i32>} : memref<80x128xf32, #tpu.memory_space<vmem>>, vector<1x16xf32>,
        %get3A_1128 = vector.shape_cast %get3A_1127 : vector<1x16xf32> to vector<16xf32>
        %mul3A_1129 = arith.mulf %get3A_1128, %broadcast_in_dim3A_1094 : vector<16xf32>
        %swap3A_1130 = arith.index_cast %add3A_1091 : i32 to index
        %swap3A_1131 = arith.constant 48 : index
        %swap3A_1132 = tpu.vector_load %arg12[%swap3A_1130, %swap3A_1131] {strides = array<i32>} : memref<80x128xf32, #tpu.memory_space<vmem>>, vector<1x16xf32>,
        %swap3A_1133 = vector.shape_cast %swap3A_1132 : vector<1x16xf32> to vector<16xf32>
        %swap3A_1134 = vector.shape_cast %mul3A_1129 : vector<16xf32> to vector<1x16xf32>
        tpu.vector_store %arg12[%swap3A_1130, %swap3A_1131], %swap3A_1134 {strides = array<i32>} : memref<80x128xf32, #tpu.memory_space<vmem>>, vector<1x16xf32>,
        %get3A_1135 = arith.index_cast %add3A_1091 : i32 to index
        %get3A_1136 = arith.constant 64 : index
        %get3A_1137 = tpu.vector_load %arg12[%get3A_1135, %get3A_1136] {strides = array<i32>} : memref<80x128xf32, #tpu.memory_space<vmem>>, vector<1x16xf32>,
        %get3A_1138 = vector.shape_cast %get3A_1137 : vector<1x16xf32> to vector<16xf32>
        %mul3A_1139 = arith.mulf %get3A_1138, %broadcast_in_dim3A_1094 : vector<16xf32>
        %swap3A_1140 = arith.index_cast %add3A_1091 : i32 to index
        %swap3A_1141 = arith.constant 64 : index
        %swap3A_1142 = tpu.vector_load %arg12[%swap3A_1140, %swap3A_1141] {strides = array<i32>} : memref<80x128xf32, #tpu.memory_space<vmem>>, vector<1x16xf32>,
        %swap3A_1143 = vector.shape_cast %swap3A_1142 : vector<1x16xf32> to vector<16xf32>
        %swap3A_1144 = vector.shape_cast %mul3A_1139 : vector<16xf32> to vector<1x16xf32>
        tpu.vector_store %arg12[%swap3A_1140, %swap3A_1141], %swap3A_1144 {strides = array<i32>} : memref<80x128xf32, #tpu.memory_space<vmem>>, vector<1x16xf32>,
        %get3A_1145 = arith.index_cast %add3A_1091 : i32 to index
        %get3A_1146 = arith.constant 80 : index
        %get3A_1147 = tpu.vector_load %arg12[%get3A_1145, %get3A_1146] {strides = array<i32>} : memref<80x128xf32, #tpu.memory_space<vmem>>, vector<1x16xf32>,
        %get3A_1148 = vector.shape_cast %get3A_1147 : vector<1x16xf32> to vector<16xf32>
        %mul3A_1149 = arith.mulf %get3A_1148, %broadcast_in_dim3A_1094 : vector<16xf32>
        %swap3A_1150 = arith.index_cast %add3A_1091 : i32 to index
        %swap3A_1151 = arith.constant 80 : index
        %swap3A_1152 = tpu.vector_load %arg12[%swap3A_1150, %swap3A_1151] {strides = array<i32>} : memref<80x128xf32, #tpu.memory_space<vmem>>, vector<1x16xf32>,
        %swap3A_1153 = vector.shape_cast %swap3A_1152 : vector<1x16xf32> to vector<16xf32>
        %swap3A_1154 = vector.shape_cast %mul3A_1149 : vector<16xf32> to vector<1x16xf32>
        tpu.vector_store %arg12[%swap3A_1150, %swap3A_1151], %swap3A_1154 {strides = array<i32>} : memref<80x128xf32, #tpu.memory_space<vmem>>, vector<1x16xf32>,
        %get3A_1155 = arith.index_cast %add3A_1091 : i32 to index
        %get3A_1156 = arith.constant 96 : index
        %get3A_1157 = tpu.vector_load %arg12[%get3A_1155, %get3A_1156] {strides = array<i32>} : memref<80x128xf32, #tpu.memory_space<vmem>>, vector<1x16xf32>,
        %get3A_1158 = vector.shape_cast %get3A_1157 : vector<1x16xf32> to vector<16xf32>
        %mul3A_1159 = arith.mulf %get3A_1158, %broadcast_in_dim3A_1094 : vector<16xf32>
        %swap3A_1160 = arith.index_cast %add3A_1091 : i32 to index
        %swap3A_1161 = arith.constant 96 : index
        %swap3A_1162 = tpu.vector_load %arg12[%swap3A_1160, %swap3A_1161] {strides = array<i32>} : memref<80x128xf32, #tpu.memory_space<vmem>>, vector<1x16xf32>,
        %swap3A_1163 = vector.shape_cast %swap3A_1162 : vector<1x16xf32> to vector<16xf32>
        %swap3A_1164 = vector.shape_cast %mul3A_1159 : vector<16xf32> to vector<1x16xf32>
        tpu.vector_store %arg12[%swap3A_1160, %swap3A_1161], %swap3A_1164 {strides = array<i32>} : memref<80x128xf32, #tpu.memory_space<vmem>>, vector<1x16xf32>,
        %get3A_1165 = arith.index_cast %add3A_1091 : i32 to index
        %get3A_1166 = arith.constant 112 : index
        %get3A_1167 = tpu.vector_load %arg12[%get3A_1165, %get3A_1166] {strides = array<i32>} : memref<80x128xf32, #tpu.memory_space<vmem>>, vector<1x16xf32>,
        %get3A_1168 = vector.shape_cast %get3A_1167 : vector<1x16xf32> to vector<16xf32>
        %mul3A_1169 = arith.mulf %get3A_1168, %broadcast_in_dim3A_1094 : vector<16xf32>
        %swap3A_1170 = arith.index_cast %add3A_1091 : i32 to index
        %swap3A_1171 = arith.constant 112 : index
        %swap3A_1172 = tpu.vector_load %arg12[%swap3A_1170, %swap3A_1171] {strides = array<i32>} : memref<80x128xf32, #tpu.memory_space<vmem>>, vector<1x16xf32>,
        %swap3A_1173 = vector.shape_cast %swap3A_1172 : vector<1x16xf32> to vector<16xf32>
        %swap3A_1174 = vector.shape_cast %mul3A_1169 : vector<16xf32> to vector<1x16xf32>
        tpu.vector_store %arg12[%swap3A_1170, %swap3A_1171], %swap3A_1174 {strides = array<i32>} : memref<80x128xf32, #tpu.memory_space<vmem>>, vector<1x16xf32>,
        %mul3A_1175 = arith.constant 16 : i32
        %mul3A_1176 = arith.muli %scan3A_128, %mul3A_1175 : i32
        %add3A_1177 = arith.constant 12 : i32
        %add3A_1178 = arith.addi %mul3A_1176, %add3A_1177 : i32
        %slice3A_1179 = vector.extract_strided_slice %get3A_134 {offsets = [12], sizes = [1], strides = [1]} : vector<16xf32> to vector<1xf32>
        %squeeze3A_1180 = vector.extract %slice3A_1179[0] : f32 from vector<1xf32>
        %broadcast_in_dim3A_1181 = vector.broadcast %squeeze3A_1180 : f32 to vector<16xf32>
        %get3A_1182 = arith.index_cast %add3A_1178 : i32 to index
        %get3A_1183 = arith.constant 0 : index
        %get3A_1184 = tpu.vector_load %arg12[%get3A_1182, %get3A_1183] {strides = array<i32>} : memref<80x128xf32, #tpu.memory_space<vmem>>, vector<1x16xf32>,
        %get3A_1185 = vector.shape_cast %get3A_1184 : vector<1x16xf32> to vector<16xf32>
        %mul3A_1186 = arith.mulf %get3A_1185, %broadcast_in_dim3A_1181 : vector<16xf32>
        %swap3A_1187 = arith.index_cast %add3A_1178 : i32 to index
        %swap3A_1188 = arith.constant 0 : index
        %swap3A_1189 = tpu.vector_load %arg12[%swap3A_1187, %swap3A_1188] {strides = array<i32>} : memref<80x128xf32, #tpu.memory_space<vmem>>, vector<1x16xf32>,
        %swap3A_1190 = vector.shape_cast %swap3A_1189 : vector<1x16xf32> to vector<16xf32>
        %swap3A_1191 = vector.shape_cast %mul3A_1186 : vector<16xf32> to vector<1x16xf32>
        tpu.vector_store %arg12[%swap3A_1187, %swap3A_1188], %swap3A_1191 {strides = array<i32>} : memref<80x128xf32, #tpu.memory_space<vmem>>, vector<1x16xf32>,
        %get3A_1192 = arith.index_cast %add3A_1178 : i32 to index
        %get3A_1193 = arith.constant 16 : index
        %get3A_1194 = tpu.vector_load %arg12[%get3A_1192, %get3A_1193] {strides = array<i32>} : memref<80x128xf32, #tpu.memory_space<vmem>>, vector<1x16xf32>,
        %get3A_1195 = vector.shape_cast %get3A_1194 : vector<1x16xf32> to vector<16xf32>
        %mul3A_1196 = arith.mulf %get3A_1195, %broadcast_in_dim3A_1181 : vector<16xf32>
        %swap3A_1197 = arith.index_cast %add3A_1178 : i32 to index
        %swap3A_1198 = arith.constant 16 : index
        %swap3A_1199 = tpu.vector_load %arg12[%swap3A_1197, %swap3A_1198] {strides = array<i32>} : memref<80x128xf32, #tpu.memory_space<vmem>>, vector<1x16xf32>,
        %swap3A_1200 = vector.shape_cast %swap3A_1199 : vector<1x16xf32> to vector<16xf32>
        %swap3A_1201 = vector.shape_cast %mul3A_1196 : vector<16xf32> to vector<1x16xf32>
        tpu.vector_store %arg12[%swap3A_1197, %swap3A_1198], %swap3A_1201 {strides = array<i32>} : memref<80x128xf32, #tpu.memory_space<vmem>>, vector<1x16xf32>,
        %get3A_1202 = arith.index_cast %add3A_1178 : i32 to index
        %get3A_1203 = arith.constant 32 : index
        %get3A_1204 = tpu.vector_load %arg12[%get3A_1202, %get3A_1203] {strides = array<i32>} : memref<80x128xf32, #tpu.memory_space<vmem>>, vector<1x16xf32>,
        %get3A_1205 = vector.shape_cast %get3A_1204 : vector<1x16xf32> to vector<16xf32>
        %mul3A_1206 = arith.mulf %get3A_1205, %broadcast_in_dim3A_1181 : vector<16xf32>
        %swap3A_1207 = arith.index_cast %add3A_1178 : i32 to index
        %swap3A_1208 = arith.constant 32 : index
        %swap3A_1209 = tpu.vector_load %arg12[%swap3A_1207, %swap3A_1208] {strides = array<i32>} : memref<80x128xf32, #tpu.memory_space<vmem>>, vector<1x16xf32>,
        %swap3A_1210 = vector.shape_cast %swap3A_1209 : vector<1x16xf32> to vector<16xf32>
        %swap3A_1211 = vector.shape_cast %mul3A_1206 : vector<16xf32> to vector<1x16xf32>
        tpu.vector_store %arg12[%swap3A_1207, %swap3A_1208], %swap3A_1211 {strides = array<i32>} : memref<80x128xf32, #tpu.memory_space<vmem>>, vector<1x16xf32>,
        %get3A_1212 = arith.index_cast %add3A_1178 : i32 to index
        %get3A_1213 = arith.constant 48 : index
        %get3A_1214 = tpu.vector_load %arg12[%get3A_1212, %get3A_1213] {strides = array<i32>} : memref<80x128xf32, #tpu.memory_space<vmem>>, vector<1x16xf32>,
        %get3A_1215 = vector.shape_cast %get3A_1214 : vector<1x16xf32> to vector<16xf32>
        %mul3A_1216 = arith.mulf %get3A_1215, %broadcast_in_dim3A_1181 : vector<16xf32>
        %swap3A_1217 = arith.index_cast %add3A_1178 : i32 to index
        %swap3A_1218 = arith.constant 48 : index
        %swap3A_1219 = tpu.vector_load %arg12[%swap3A_1217, %swap3A_1218] {strides = array<i32>} : memref<80x128xf32, #tpu.memory_space<vmem>>, vector<1x16xf32>,
        %swap3A_1220 = vector.shape_cast %swap3A_1219 : vector<1x16xf32> to vector<16xf32>
        %swap3A_1221 = vector.shape_cast %mul3A_1216 : vector<16xf32> to vector<1x16xf32>
        tpu.vector_store %arg12[%swap3A_1217, %swap3A_1218], %swap3A_1221 {strides = array<i32>} : memref<80x128xf32, #tpu.memory_space<vmem>>, vector<1x16xf32>,
        %get3A_1222 = arith.index_cast %add3A_1178 : i32 to index
        %get3A_1223 = arith.constant 64 : index
        %get3A_1224 = tpu.vector_load %arg12[%get3A_1222, %get3A_1223] {strides = array<i32>} : memref<80x128xf32, #tpu.memory_space<vmem>>, vector<1x16xf32>,
        %get3A_1225 = vector.shape_cast %get3A_1224 : vector<1x16xf32> to vector<16xf32>
        %mul3A_1226 = arith.mulf %get3A_1225, %broadcast_in_dim3A_1181 : vector<16xf32>
        %swap3A_1227 = arith.index_cast %add3A_1178 : i32 to index
        %swap3A_1228 = arith.constant 64 : index
        %swap3A_1229 = tpu.vector_load %arg12[%swap3A_1227, %swap3A_1228] {strides = array<i32>} : memref<80x128xf32, #tpu.memory_space<vmem>>, vector<1x16xf32>,
        %swap3A_1230 = vector.shape_cast %swap3A_1229 : vector<1x16xf32> to vector<16xf32>
        %swap3A_1231 = vector.shape_cast %mul3A_1226 : vector<16xf32> to vector<1x16xf32>
        tpu.vector_store %arg12[%swap3A_1227, %swap3A_1228], %swap3A_1231 {strides = array<i32>} : memref<80x128xf32, #tpu.memory_space<vmem>>, vector<1x16xf32>,
        %get3A_1232 = arith.index_cast %add3A_1178 : i32 to index
        %get3A_1233 = arith.constant 80 : index
        %get3A_1234 = tpu.vector_load %arg12[%get3A_1232, %get3A_1233] {strides = array<i32>} : memref<80x128xf32, #tpu.memory_space<vmem>>, vector<1x16xf32>,
        %get3A_1235 = vector.shape_cast %get3A_1234 : vector<1x16xf32> to vector<16xf32>
        %mul3A_1236 = arith.mulf %get3A_1235, %broadcast_in_dim3A_1181 : vector<16xf32>
        %swap3A_1237 = arith.index_cast %add3A_1178 : i32 to index
        %swap3A_1238 = arith.constant 80 : index
        %swap3A_1239 = tpu.vector_load %arg12[%swap3A_1237, %swap3A_1238] {strides = array<i32>} : memref<80x128xf32, #tpu.memory_space<vmem>>, vector<1x16xf32>,
        %swap3A_1240 = vector.shape_cast %swap3A_1239 : vector<1x16xf32> to vector<16xf32>
        %swap3A_1241 = vector.shape_cast %mul3A_1236 : vector<16xf32> to vector<1x16xf32>
        tpu.vector_store %arg12[%swap3A_1237, %swap3A_1238], %swap3A_1241 {strides = array<i32>} : memref<80x128xf32, #tpu.memory_space<vmem>>, vector<1x16xf32>,
        %get3A_1242 = arith.index_cast %add3A_1178 : i32 to index
        %get3A_1243 = arith.constant 96 : index
        %get3A_1244 = tpu.vector_load %arg12[%get3A_1242, %get3A_1243] {strides = array<i32>} : memref<80x128xf32, #tpu.memory_space<vmem>>, vector<1x16xf32>,
        %get3A_1245 = vector.shape_cast %get3A_1244 : vector<1x16xf32> to vector<16xf32>
        %mul3A_1246 = arith.mulf %get3A_1245, %broadcast_in_dim3A_1181 : vector<16xf32>
        %swap3A_1247 = arith.index_cast %add3A_1178 : i32 to index
        %swap3A_1248 = arith.constant 96 : index
        %swap3A_1249 = tpu.vector_load %arg12[%swap3A_1247, %swap3A_1248] {strides = array<i32>} : memref<80x128xf32, #tpu.memory_space<vmem>>, vector<1x16xf32>,
        %swap3A_1250 = vector.shape_cast %swap3A_1249 : vector<1x16xf32> to vector<16xf32>
        %swap3A_1251 = vector.shape_cast %mul3A_1246 : vector<16xf32> to vector<1x16xf32>
        tpu.vector_store %arg12[%swap3A_1247, %swap3A_1248], %swap3A_1251 {strides = array<i32>} : memref<80x128xf32, #tpu.memory_space<vmem>>, vector<1x16xf32>,
        %get3A_1252 = arith.index_cast %add3A_1178 : i32 to index
        %get3A_1253 = arith.constant 112 : index
        %get3A_1254 = tpu.vector_load %arg12[%get3A_1252, %get3A_1253] {strides = array<i32>} : memref<80x128xf32, #tpu.memory_space<vmem>>, vector<1x16xf32>,
        %get3A_1255 = vector.shape_cast %get3A_1254 : vector<1x16xf32> to vector<16xf32>
        %mul3A_1256 = arith.mulf %get3A_1255, %broadcast_in_dim3A_1181 : vector<16xf32>
        %swap3A_1257 = arith.index_cast %add3A_1178 : i32 to index
        %swap3A_1258 = arith.constant 112 : index
        %swap3A_1259 = tpu.vector_load %arg12[%swap3A_1257, %swap3A_1258] {strides = array<i32>} : memref<80x128xf32, #tpu.memory_space<vmem>>, vector<1x16xf32>,
        %swap3A_1260 = vector.shape_cast %swap3A_1259 : vector<1x16xf32> to vector<16xf32>
        %swap3A_1261 = vector.shape_cast %mul3A_1256 : vector<16xf32> to vector<1x16xf32>
        tpu.vector_store %arg12[%swap3A_1257, %swap3A_1258], %swap3A_1261 {strides = array<i32>} : memref<80x128xf32, #tpu.memory_space<vmem>>, vector<1x16xf32>,
        %mul3A_1262 = arith.constant 16 : i32
        %mul3A_1263 = arith.muli %scan3A_128, %mul3A_1262 : i32
        %add3A_1264 = arith.constant 13 : i32
        %add3A_1265 = arith.addi %mul3A_1263, %add3A_1264 : i32
        %slice3A_1266 = vector.extract_strided_slice %get3A_134 {offsets = [13], sizes = [1], strides = [1]} : vector<16xf32> to vector<1xf32>
        %squeeze3A_1267 = vector.extract %slice3A_1266[0] : f32 from vector<1xf32>
        %broadcast_in_dim3A_1268 = vector.broadcast %squeeze3A_1267 : f32 to vector<16xf32>
        %get3A_1269 = arith.index_cast %add3A_1265 : i32 to index
        %get3A_1270 = arith.constant 0 : index
        %get3A_1271 = tpu.vector_load %arg12[%get3A_1269, %get3A_1270] {strides = array<i32>} : memref<80x128xf32, #tpu.memory_space<vmem>>, vector<1x16xf32>,
        %get3A_1272 = vector.shape_cast %get3A_1271 : vector<1x16xf32> to vector<16xf32>
        %mul3A_1273 = arith.mulf %get3A_1272, %broadcast_in_dim3A_1268 : vector<16xf32>
        %swap3A_1274 = arith.index_cast %add3A_1265 : i32 to index
        %swap3A_1275 = arith.constant 0 : index
        %swap3A_1276 = tpu.vector_load %arg12[%swap3A_1274, %swap3A_1275] {strides = array<i32>} : memref<80x128xf32, #tpu.memory_space<vmem>>, vector<1x16xf32>,
        %swap3A_1277 = vector.shape_cast %swap3A_1276 : vector<1x16xf32> to vector<16xf32>
        %swap3A_1278 = vector.shape_cast %mul3A_1273 : vector<16xf32> to vector<1x16xf32>
        tpu.vector_store %arg12[%swap3A_1274, %swap3A_1275], %swap3A_1278 {strides = array<i32>} : memref<80x128xf32, #tpu.memory_space<vmem>>, vector<1x16xf32>,
        %get3A_1279 = arith.index_cast %add3A_1265 : i32 to index
        %get3A_1280 = arith.constant 16 : index
        %get3A_1281 = tpu.vector_load %arg12[%get3A_1279, %get3A_1280] {strides = array<i32>} : memref<80x128xf32, #tpu.memory_space<vmem>>, vector<1x16xf32>,
        %get3A_1282 = vector.shape_cast %get3A_1281 : vector<1x16xf32> to vector<16xf32>
        %mul3A_1283 = arith.mulf %get3A_1282, %broadcast_in_dim3A_1268 : vector<16xf32>
        %swap3A_1284 = arith.index_cast %add3A_1265 : i32 to index
        %swap3A_1285 = arith.constant 16 : index
        %swap3A_1286 = tpu.vector_load %arg12[%swap3A_1284, %swap3A_1285] {strides = array<i32>} : memref<80x128xf32, #tpu.memory_space<vmem>>, vector<1x16xf32>,
        %swap3A_1287 = vector.shape_cast %swap3A_1286 : vector<1x16xf32> to vector<16xf32>
        %swap3A_1288 = vector.shape_cast %mul3A_1283 : vector<16xf32> to vector<1x16xf32>
        tpu.vector_store %arg12[%swap3A_1284, %swap3A_1285], %swap3A_1288 {strides = array<i32>} : memref<80x128xf32, #tpu.memory_space<vmem>>, vector<1x16xf32>,
        %get3A_1289 = arith.index_cast %add3A_1265 : i32 to index
        %get3A_1290 = arith.constant 32 : index
        %get3A_1291 = tpu.vector_load %arg12[%get3A_1289, %get3A_1290] {strides = array<i32>} : memref<80x128xf32, #tpu.memory_space<vmem>>, vector<1x16xf32>,
        %get3A_1292 = vector.shape_cast %get3A_1291 : vector<1x16xf32> to vector<16xf32>
        %mul3A_1293 = arith.mulf %get3A_1292, %broadcast_in_dim3A_1268 : vector<16xf32>
        %swap3A_1294 = arith.index_cast %add3A_1265 : i32 to index
        %swap3A_1295 = arith.constant 32 : index
        %swap3A_1296 = tpu.vector_load %arg12[%swap3A_1294, %swap3A_1295] {strides = array<i32>} : memref<80x128xf32, #tpu.memory_space<vmem>>, vector<1x16xf32>,
        %swap3A_1297 = vector.shape_cast %swap3A_1296 : vector<1x16xf32> to vector<16xf32>
        %swap3A_1298 = vector.shape_cast %mul3A_1293 : vector<16xf32> to vector<1x16xf32>
        tpu.vector_store %arg12[%swap3A_1294, %swap3A_1295], %swap3A_1298 {strides = array<i32>} : memref<80x128xf32, #tpu.memory_space<vmem>>, vector<1x16xf32>,
        %get3A_1299 = arith.index_cast %add3A_1265 : i32 to index
        %get3A_1300 = arith.constant 48 : index
        %get3A_1301 = tpu.vector_load %arg12[%get3A_1299, %get3A_1300] {strides = array<i32>} : memref<80x128xf32, #tpu.memory_space<vmem>>, vector<1x16xf32>,
        %get3A_1302 = vector.shape_cast %get3A_1301 : vector<1x16xf32> to vector<16xf32>
        %mul3A_1303 = arith.mulf %get3A_1302, %broadcast_in_dim3A_1268 : vector<16xf32>
        %swap3A_1304 = arith.index_cast %add3A_1265 : i32 to index
        %swap3A_1305 = arith.constant 48 : index
        %swap3A_1306 = tpu.vector_load %arg12[%swap3A_1304, %swap3A_1305] {strides = array<i32>} : memref<80x128xf32, #tpu.memory_space<vmem>>, vector<1x16xf32>,
        %swap3A_1307 = vector.shape_cast %swap3A_1306 : vector<1x16xf32> to vector<16xf32>
        %swap3A_1308 = vector.shape_cast %mul3A_1303 : vector<16xf32> to vector<1x16xf32>
        tpu.vector_store %arg12[%swap3A_1304, %swap3A_1305], %swap3A_1308 {strides = array<i32>} : memref<80x128xf32, #tpu.memory_space<vmem>>, vector<1x16xf32>,
        %get3A_1309 = arith.index_cast %add3A_1265 : i32 to index
        %get3A_1310 = arith.constant 64 : index
        %get3A_1311 = tpu.vector_load %arg12[%get3A_1309, %get3A_1310] {strides = array<i32>} : memref<80x128xf32, #tpu.memory_space<vmem>>, vector<1x16xf32>,
        %get3A_1312 = vector.shape_cast %get3A_1311 : vector<1x16xf32> to vector<16xf32>
        %mul3A_1313 = arith.mulf %get3A_1312, %broadcast_in_dim3A_1268 : vector<16xf32>
        %swap3A_1314 = arith.index_cast %add3A_1265 : i32 to index
        %swap3A_1315 = arith.constant 64 : index
        %swap3A_1316 = tpu.vector_load %arg12[%swap3A_1314, %swap3A_1315] {strides = array<i32>} : memref<80x128xf32, #tpu.memory_space<vmem>>, vector<1x16xf32>,
        %swap3A_1317 = vector.shape_cast %swap3A_1316 : vector<1x16xf32> to vector<16xf32>
        %swap3A_1318 = vector.shape_cast %mul3A_1313 : vector<16xf32> to vector<1x16xf32>
        tpu.vector_store %arg12[%swap3A_1314, %swap3A_1315], %swap3A_1318 {strides = array<i32>} : memref<80x128xf32, #tpu.memory_space<vmem>>, vector<1x16xf32>,
        %get3A_1319 = arith.index_cast %add3A_1265 : i32 to index
        %get3A_1320 = arith.constant 80 : index
        %get3A_1321 = tpu.vector_load %arg12[%get3A_1319, %get3A_1320] {strides = array<i32>} : memref<80x128xf32, #tpu.memory_space<vmem>>, vector<1x16xf32>,
        %get3A_1322 = vector.shape_cast %get3A_1321 : vector<1x16xf32> to vector<16xf32>
        %mul3A_1323 = arith.mulf %get3A_1322, %broadcast_in_dim3A_1268 : vector<16xf32>
        %swap3A_1324 = arith.index_cast %add3A_1265 : i32 to index
        %swap3A_1325 = arith.constant 80 : index
        %swap3A_1326 = tpu.vector_load %arg12[%swap3A_1324, %swap3A_1325] {strides = array<i32>} : memref<80x128xf32, #tpu.memory_space<vmem>>, vector<1x16xf32>,
        %swap3A_1327 = vector.shape_cast %swap3A_1326 : vector<1x16xf32> to vector<16xf32>
        %swap3A_1328 = vector.shape_cast %mul3A_1323 : vector<16xf32> to vector<1x16xf32>
        tpu.vector_store %arg12[%swap3A_1324, %swap3A_1325], %swap3A_1328 {strides = array<i32>} : memref<80x128xf32, #tpu.memory_space<vmem>>, vector<1x16xf32>,
        %get3A_1329 = arith.index_cast %add3A_1265 : i32 to index
        %get3A_1330 = arith.constant 96 : index
        %get3A_1331 = tpu.vector_load %arg12[%get3A_1329, %get3A_1330] {strides = array<i32>} : memref<80x128xf32, #tpu.memory_space<vmem>>, vector<1x16xf32>,
        %get3A_1332 = vector.shape_cast %get3A_1331 : vector<1x16xf32> to vector<16xf32>
        %mul3A_1333 = arith.mulf %get3A_1332, %broadcast_in_dim3A_1268 : vector<16xf32>
        %swap3A_1334 = arith.index_cast %add3A_1265 : i32 to index
        %swap3A_1335 = arith.constant 96 : index
        %swap3A_1336 = tpu.vector_load %arg12[%swap3A_1334, %swap3A_1335] {strides = array<i32>} : memref<80x128xf32, #tpu.memory_space<vmem>>, vector<1x16xf32>,
        %swap3A_1337 = vector.shape_cast %swap3A_1336 : vector<1x16xf32> to vector<16xf32>
        %swap3A_1338 = vector.shape_cast %mul3A_1333 : vector<16xf32> to vector<1x16xf32>
        tpu.vector_store %arg12[%swap3A_1334, %swap3A_1335], %swap3A_1338 {strides = array<i32>} : memref<80x128xf32, #tpu.memory_space<vmem>>, vector<1x16xf32>,
        %get3A_1339 = arith.index_cast %add3A_1265 : i32 to index
        %get3A_1340 = arith.constant 112 : index
        %get3A_1341 = tpu.vector_load %arg12[%get3A_1339, %get3A_1340] {strides = array<i32>} : memref<80x128xf32, #tpu.memory_space<vmem>>, vector<1x16xf32>,
        %get3A_1342 = vector.shape_cast %get3A_1341 : vector<1x16xf32> to vector<16xf32>
        %mul3A_1343 = arith.mulf %get3A_1342, %broadcast_in_dim3A_1268 : vector<16xf32>
        %swap3A_1344 = arith.index_cast %add3A_1265 : i32 to index
        %swap3A_1345 = arith.constant 112 : index
        %swap3A_1346 = tpu.vector_load %arg12[%swap3A_1344, %swap3A_1345] {strides = array<i32>} : memref<80x128xf32, #tpu.memory_space<vmem>>, vector<1x16xf32>,
        %swap3A_1347 = vector.shape_cast %swap3A_1346 : vector<1x16xf32> to vector<16xf32>
        %swap3A_1348 = vector.shape_cast %mul3A_1343 : vector<16xf32> to vector<1x16xf32>
        tpu.vector_store %arg12[%swap3A_1344, %swap3A_1345], %swap3A_1348 {strides = array<i32>} : memref<80x128xf32, #tpu.memory_space<vmem>>, vector<1x16xf32>,
        %mul3A_1349 = arith.constant 16 : i32
        %mul3A_1350 = arith.muli %scan3A_128, %mul3A_1349 : i32
        %add3A_1351 = arith.constant 14 : i32
        %add3A_1352 = arith.addi %mul3A_1350, %add3A_1351 : i32
        %slice3A_1353 = vector.extract_strided_slice %get3A_134 {offsets = [14], sizes = [1], strides = [1]} : vector<16xf32> to vector<1xf32>
        %squeeze3A_1354 = vector.extract %slice3A_1353[0] : f32 from vector<1xf32>
        %broadcast_in_dim3A_1355 = vector.broadcast %squeeze3A_1354 : f32 to vector<16xf32>
        %get3A_1356 = arith.index_cast %add3A_1352 : i32 to index
        %get3A_1357 = arith.constant 0 : index
        %get3A_1358 = tpu.vector_load %arg12[%get3A_1356, %get3A_1357] {strides = array<i32>} : memref<80x128xf32, #tpu.memory_space<vmem>>, vector<1x16xf32>,
        %get3A_1359 = vector.shape_cast %get3A_1358 : vector<1x16xf32> to vector<16xf32>
        %mul3A_1360 = arith.mulf %get3A_1359, %broadcast_in_dim3A_1355 : vector<16xf32>
        %swap3A_1361 = arith.index_cast %add3A_1352 : i32 to index
        %swap3A_1362 = arith.constant 0 : index
        %swap3A_1363 = tpu.vector_load %arg12[%swap3A_1361, %swap3A_1362] {strides = array<i32>} : memref<80x128xf32, #tpu.memory_space<vmem>>, vector<1x16xf32>,
        %swap3A_1364 = vector.shape_cast %swap3A_1363 : vector<1x16xf32> to vector<16xf32>
        %swap3A_1365 = vector.shape_cast %mul3A_1360 : vector<16xf32> to vector<1x16xf32>
        tpu.vector_store %arg12[%swap3A_1361, %swap3A_1362], %swap3A_1365 {strides = array<i32>} : memref<80x128xf32, #tpu.memory_space<vmem>>, vector<1x16xf32>,
        %get3A_1366 = arith.index_cast %add3A_1352 : i32 to index
        %get3A_1367 = arith.constant 16 : index
        %get3A_1368 = tpu.vector_load %arg12[%get3A_1366, %get3A_1367] {strides = array<i32>} : memref<80x128xf32, #tpu.memory_space<vmem>>, vector<1x16xf32>,
        %get3A_1369 = vector.shape_cast %get3A_1368 : vector<1x16xf32> to vector<16xf32>
        %mul3A_1370 = arith.mulf %get3A_1369, %broadcast_in_dim3A_1355 : vector<16xf32>
        %swap3A_1371 = arith.index_cast %add3A_1352 : i32 to index
        %swap3A_1372 = arith.constant 16 : index
        %swap3A_1373 = tpu.vector_load %arg12[%swap3A_1371, %swap3A_1372] {strides = array<i32>} : memref<80x128xf32, #tpu.memory_space<vmem>>, vector<1x16xf32>,
        %swap3A_1374 = vector.shape_cast %swap3A_1373 : vector<1x16xf32> to vector<16xf32>
        %swap3A_1375 = vector.shape_cast %mul3A_1370 : vector<16xf32> to vector<1x16xf32>
        tpu.vector_store %arg12[%swap3A_1371, %swap3A_1372], %swap3A_1375 {strides = array<i32>} : memref<80x128xf32, #tpu.memory_space<vmem>>, vector<1x16xf32>,
        %get3A_1376 = arith.index_cast %add3A_1352 : i32 to index
        %get3A_1377 = arith.constant 32 : index
        %get3A_1378 = tpu.vector_load %arg12[%get3A_1376, %get3A_1377] {strides = array<i32>} : memref<80x128xf32, #tpu.memory_space<vmem>>, vector<1x16xf32>,
        %get3A_1379 = vector.shape_cast %get3A_1378 : vector<1x16xf32> to vector<16xf32>
        %mul3A_1380 = arith.mulf %get3A_1379, %broadcast_in_dim3A_1355 : vector<16xf32>
        %swap3A_1381 = arith.index_cast %add3A_1352 : i32 to index
        %swap3A_1382 = arith.constant 32 : index
        %swap3A_1383 = tpu.vector_load %arg12[%swap3A_1381, %swap3A_1382] {strides = array<i32>} : memref<80x128xf32, #tpu.memory_space<vmem>>, vector<1x16xf32>,
        %swap3A_1384 = vector.shape_cast %swap3A_1383 : vector<1x16xf32> to vector<16xf32>
        %swap3A_1385 = vector.shape_cast %mul3A_1380 : vector<16xf32> to vector<1x16xf32>
        tpu.vector_store %arg12[%swap3A_1381, %swap3A_1382], %swap3A_1385 {strides = array<i32>} : memref<80x128xf32, #tpu.memory_space<vmem>>, vector<1x16xf32>,
        %get3A_1386 = arith.index_cast %add3A_1352 : i32 to index
        %get3A_1387 = arith.constant 48 : index
        %get3A_1388 = tpu.vector_load %arg12[%get3A_1386, %get3A_1387] {strides = array<i32>} : memref<80x128xf32, #tpu.memory_space<vmem>>, vector<1x16xf32>,
        %get3A_1389 = vector.shape_cast %get3A_1388 : vector<1x16xf32> to vector<16xf32>
        %mul3A_1390 = arith.mulf %get3A_1389, %broadcast_in_dim3A_1355 : vector<16xf32>
        %swap3A_1391 = arith.index_cast %add3A_1352 : i32 to index
        %swap3A_1392 = arith.constant 48 : index
        %swap3A_1393 = tpu.vector_load %arg12[%swap3A_1391, %swap3A_1392] {strides = array<i32>} : memref<80x128xf32, #tpu.memory_space<vmem>>, vector<1x16xf32>,
        %swap3A_1394 = vector.shape_cast %swap3A_1393 : vector<1x16xf32> to vector<16xf32>
        %swap3A_1395 = vector.shape_cast %mul3A_1390 : vector<16xf32> to vector<1x16xf32>
        tpu.vector_store %arg12[%swap3A_1391, %swap3A_1392], %swap3A_1395 {strides = array<i32>} : memref<80x128xf32, #tpu.memory_space<vmem>>, vector<1x16xf32>,
        %get3A_1396 = arith.index_cast %add3A_1352 : i32 to index
        %get3A_1397 = arith.constant 64 : index
        %get3A_1398 = tpu.vector_load %arg12[%get3A_1396, %get3A_1397] {strides = array<i32>} : memref<80x128xf32, #tpu.memory_space<vmem>>, vector<1x16xf32>,
        %get3A_1399 = vector.shape_cast %get3A_1398 : vector<1x16xf32> to vector<16xf32>
        %mul3A_1400 = arith.mulf %get3A_1399, %broadcast_in_dim3A_1355 : vector<16xf32>
        %swap3A_1401 = arith.index_cast %add3A_1352 : i32 to index
        %swap3A_1402 = arith.constant 64 : index
        %swap3A_1403 = tpu.vector_load %arg12[%swap3A_1401, %swap3A_1402] {strides = array<i32>} : memref<80x128xf32, #tpu.memory_space<vmem>>, vector<1x16xf32>,
        %swap3A_1404 = vector.shape_cast %swap3A_1403 : vector<1x16xf32> to vector<16xf32>
        %swap3A_1405 = vector.shape_cast %mul3A_1400 : vector<16xf32> to vector<1x16xf32>
        tpu.vector_store %arg12[%swap3A_1401, %swap3A_1402], %swap3A_1405 {strides = array<i32>} : memref<80x128xf32, #tpu.memory_space<vmem>>, vector<1x16xf32>,
        %get3A_1406 = arith.index_cast %add3A_1352 : i32 to index
        %get3A_1407 = arith.constant 80 : index
        %get3A_1408 = tpu.vector_load %arg12[%get3A_1406, %get3A_1407] {strides = array<i32>} : memref<80x128xf32, #tpu.memory_space<vmem>>, vector<1x16xf32>,
        %get3A_1409 = vector.shape_cast %get3A_1408 : vector<1x16xf32> to vector<16xf32>
        %mul3A_1410 = arith.mulf %get3A_1409, %broadcast_in_dim3A_1355 : vector<16xf32>
        %swap3A_1411 = arith.index_cast %add3A_1352 : i32 to index
        %swap3A_1412 = arith.constant 80 : index
        %swap3A_1413 = tpu.vector_load %arg12[%swap3A_1411, %swap3A_1412] {strides = array<i32>} : memref<80x128xf32, #tpu.memory_space<vmem>>, vector<1x16xf32>,
        %swap3A_1414 = vector.shape_cast %swap3A_1413 : vector<1x16xf32> to vector<16xf32>
        %swap3A_1415 = vector.shape_cast %mul3A_1410 : vector<16xf32> to vector<1x16xf32>
        tpu.vector_store %arg12[%swap3A_1411, %swap3A_1412], %swap3A_1415 {strides = array<i32>} : memref<80x128xf32, #tpu.memory_space<vmem>>, vector<1x16xf32>,
        %get3A_1416 = arith.index_cast %add3A_1352 : i32 to index
        %get3A_1417 = arith.constant 96 : index
        %get3A_1418 = tpu.vector_load %arg12[%get3A_1416, %get3A_1417] {strides = array<i32>} : memref<80x128xf32, #tpu.memory_space<vmem>>, vector<1x16xf32>,
        %get3A_1419 = vector.shape_cast %get3A_1418 : vector<1x16xf32> to vector<16xf32>
        %mul3A_1420 = arith.mulf %get3A_1419, %broadcast_in_dim3A_1355 : vector<16xf32>
        %swap3A_1421 = arith.index_cast %add3A_1352 : i32 to index
        %swap3A_1422 = arith.constant 96 : index
        %swap3A_1423 = tpu.vector_load %arg12[%swap3A_1421, %swap3A_1422] {strides = array<i32>} : memref<80x128xf32, #tpu.memory_space<vmem>>, vector<1x16xf32>,
        %swap3A_1424 = vector.shape_cast %swap3A_1423 : vector<1x16xf32> to vector<16xf32>
        %swap3A_1425 = vector.shape_cast %mul3A_1420 : vector<16xf32> to vector<1x16xf32>
        tpu.vector_store %arg12[%swap3A_1421, %swap3A_1422], %swap3A_1425 {strides = array<i32>} : memref<80x128xf32, #tpu.memory_space<vmem>>, vector<1x16xf32>,
        %get3A_1426 = arith.index_cast %add3A_1352 : i32 to index
        %get3A_1427 = arith.constant 112 : index
        %get3A_1428 = tpu.vector_load %arg12[%get3A_1426, %get3A_1427] {strides = array<i32>} : memref<80x128xf32, #tpu.memory_space<vmem>>, vector<1x16xf32>,
        %get3A_1429 = vector.shape_cast %get3A_1428 : vector<1x16xf32> to vector<16xf32>
        %mul3A_1430 = arith.mulf %get3A_1429, %broadcast_in_dim3A_1355 : vector<16xf32>
        %swap3A_1431 = arith.index_cast %add3A_1352 : i32 to index
        %swap3A_1432 = arith.constant 112 : index
        %swap3A_1433 = tpu.vector_load %arg12[%swap3A_1431, %swap3A_1432] {strides = array<i32>} : memref<80x128xf32, #tpu.memory_space<vmem>>, vector<1x16xf32>,
        %swap3A_1434 = vector.shape_cast %swap3A_1433 : vector<1x16xf32> to vector<16xf32>
        %swap3A_1435 = vector.shape_cast %mul3A_1430 : vector<16xf32> to vector<1x16xf32>
        tpu.vector_store %arg12[%swap3A_1431, %swap3A_1432], %swap3A_1435 {strides = array<i32>} : memref<80x128xf32, #tpu.memory_space<vmem>>, vector<1x16xf32>,
        %mul3A_1436 = arith.constant 16 : i32
        %mul3A_1437 = arith.muli %scan3A_128, %mul3A_1436 : i32
        %add3A_1438 = arith.constant 15 : i32
        %add3A_1439 = arith.addi %mul3A_1437, %add3A_1438 : i32
        %slice3A_1440 = vector.extract_strided_slice %get3A_134 {offsets = [15], sizes = [1], strides = [1]} : vector<16xf32> to vector<1xf32>
        %squeeze3A_1441 = vector.extract %slice3A_1440[0] : f32 from vector<1xf32>
        %broadcast_in_dim3A_1442 = vector.broadcast %squeeze3A_1441 : f32 to vector<16xf32>
        %get3A_1443 = arith.index_cast %add3A_1439 : i32 to index
        %get3A_1444 = arith.constant 0 : index
        %get3A_1445 = tpu.vector_load %arg12[%get3A_1443, %get3A_1444] {strides = array<i32>} : memref<80x128xf32, #tpu.memory_space<vmem>>, vector<1x16xf32>,
        %get3A_1446 = vector.shape_cast %get3A_1445 : vector<1x16xf32> to vector<16xf32>
        %mul3A_1447 = arith.mulf %get3A_1446, %broadcast_in_dim3A_1442 : vector<16xf32>
        %swap3A_1448 = arith.index_cast %add3A_1439 : i32 to index
        %swap3A_1449 = arith.constant 0 : index
        %swap3A_1450 = tpu.vector_load %arg12[%swap3A_1448, %swap3A_1449] {strides = array<i32>} : memref<80x128xf32, #tpu.memory_space<vmem>>, vector<1x16xf32>,
        %swap3A_1451 = vector.shape_cast %swap3A_1450 : vector<1x16xf32> to vector<16xf32>
        %swap3A_1452 = vector.shape_cast %mul3A_1447 : vector<16xf32> to vector<1x16xf32>
        tpu.vector_store %arg12[%swap3A_1448, %swap3A_1449], %swap3A_1452 {strides = array<i32>} : memref<80x128xf32, #tpu.memory_space<vmem>>, vector<1x16xf32>,
        %get3A_1453 = arith.index_cast %add3A_1439 : i32 to index
        %get3A_1454 = arith.constant 16 : index
        %get3A_1455 = tpu.vector_load %arg12[%get3A_1453, %get3A_1454] {strides = array<i32>} : memref<80x128xf32, #tpu.memory_space<vmem>>, vector<1x16xf32>,
        %get3A_1456 = vector.shape_cast %get3A_1455 : vector<1x16xf32> to vector<16xf32>
        %mul3A_1457 = arith.mulf %get3A_1456, %broadcast_in_dim3A_1442 : vector<16xf32>
        %swap3A_1458 = arith.index_cast %add3A_1439 : i32 to index
        %swap3A_1459 = arith.constant 16 : index
        %swap3A_1460 = tpu.vector_load %arg12[%swap3A_1458, %swap3A_1459] {strides = array<i32>} : memref<80x128xf32, #tpu.memory_space<vmem>>, vector<1x16xf32>,
        %swap3A_1461 = vector.shape_cast %swap3A_1460 : vector<1x16xf32> to vector<16xf32>
        %swap3A_1462 = vector.shape_cast %mul3A_1457 : vector<16xf32> to vector<1x16xf32>
        tpu.vector_store %arg12[%swap3A_1458, %swap3A_1459], %swap3A_1462 {strides = array<i32>} : memref<80x128xf32, #tpu.memory_space<vmem>>, vector<1x16xf32>,
        %get3A_1463 = arith.index_cast %add3A_1439 : i32 to index
        %get3A_1464 = arith.constant 32 : index
        %get3A_1465 = tpu.vector_load %arg12[%get3A_1463, %get3A_1464] {strides = array<i32>} : memref<80x128xf32, #tpu.memory_space<vmem>>, vector<1x16xf32>,
        %get3A_1466 = vector.shape_cast %get3A_1465 : vector<1x16xf32> to vector<16xf32>
        %mul3A_1467 = arith.mulf %get3A_1466, %broadcast_in_dim3A_1442 : vector<16xf32>
        %swap3A_1468 = arith.index_cast %add3A_1439 : i32 to index
        %swap3A_1469 = arith.constant 32 : index
        %swap3A_1470 = tpu.vector_load %arg12[%swap3A_1468, %swap3A_1469] {strides = array<i32>} : memref<80x128xf32, #tpu.memory_space<vmem>>, vector<1x16xf32>,
        %swap3A_1471 = vector.shape_cast %swap3A_1470 : vector<1x16xf32> to vector<16xf32>
        %swap3A_1472 = vector.shape_cast %mul3A_1467 : vector<16xf32> to vector<1x16xf32>
        tpu.vector_store %arg12[%swap3A_1468, %swap3A_1469], %swap3A_1472 {strides = array<i32>} : memref<80x128xf32, #tpu.memory_space<vmem>>, vector<1x16xf32>,
        %get3A_1473 = arith.index_cast %add3A_1439 : i32 to index
        %get3A_1474 = arith.constant 48 : index
        %get3A_1475 = tpu.vector_load %arg12[%get3A_1473, %get3A_1474] {strides = array<i32>} : memref<80x128xf32, #tpu.memory_space<vmem>>, vector<1x16xf32>,
        %get3A_1476 = vector.shape_cast %get3A_1475 : vector<1x16xf32> to vector<16xf32>
        %mul3A_1477 = arith.mulf %get3A_1476, %broadcast_in_dim3A_1442 : vector<16xf32>
        %swap3A_1478 = arith.index_cast %add3A_1439 : i32 to index
        %swap3A_1479 = arith.constant 48 : index
        %swap3A_1480 = tpu.vector_load %arg12[%swap3A_1478, %swap3A_1479] {strides = array<i32>} : memref<80x128xf32, #tpu.memory_space<vmem>>, vector<1x16xf32>,
        %swap3A_1481 = vector.shape_cast %swap3A_1480 : vector<1x16xf32> to vector<16xf32>
        %swap3A_1482 = vector.shape_cast %mul3A_1477 : vector<16xf32> to vector<1x16xf32>
        tpu.vector_store %arg12[%swap3A_1478, %swap3A_1479], %swap3A_1482 {strides = array<i32>} : memref<80x128xf32, #tpu.memory_space<vmem>>, vector<1x16xf32>,
        %get3A_1483 = arith.index_cast %add3A_1439 : i32 to index
        %get3A_1484 = arith.constant 64 : index
        %get3A_1485 = tpu.vector_load %arg12[%get3A_1483, %get3A_1484] {strides = array<i32>} : memref<80x128xf32, #tpu.memory_space<vmem>>, vector<1x16xf32>,
        %get3A_1486 = vector.shape_cast %get3A_1485 : vector<1x16xf32> to vector<16xf32>
        %mul3A_1487 = arith.mulf %get3A_1486, %broadcast_in_dim3A_1442 : vector<16xf32>
        %swap3A_1488 = arith.index_cast %add3A_1439 : i32 to index
        %swap3A_1489 = arith.constant 64 : index
        %swap3A_1490 = tpu.vector_load %arg12[%swap3A_1488, %swap3A_1489] {strides = array<i32>} : memref<80x128xf32, #tpu.memory_space<vmem>>, vector<1x16xf32>,
        %swap3A_1491 = vector.shape_cast %swap3A_1490 : vector<1x16xf32> to vector<16xf32>
        %swap3A_1492 = vector.shape_cast %mul3A_1487 : vector<16xf32> to vector<1x16xf32>
        tpu.vector_store %arg12[%swap3A_1488, %swap3A_1489], %swap3A_1492 {strides = array<i32>} : memref<80x128xf32, #tpu.memory_space<vmem>>, vector<1x16xf32>,
        %get3A_1493 = arith.index_cast %add3A_1439 : i32 to index
        %get3A_1494 = arith.constant 80 : index
        %get3A_1495 = tpu.vector_load %arg12[%get3A_1493, %get3A_1494] {strides = array<i32>} : memref<80x128xf32, #tpu.memory_space<vmem>>, vector<1x16xf32>,
        %get3A_1496 = vector.shape_cast %get3A_1495 : vector<1x16xf32> to vector<16xf32>
        %mul3A_1497 = arith.mulf %get3A_1496, %broadcast_in_dim3A_1442 : vector<16xf32>
        %swap3A_1498 = arith.index_cast %add3A_1439 : i32 to index
        %swap3A_1499 = arith.constant 80 : index
        %swap3A_1500 = tpu.vector_load %arg12[%swap3A_1498, %swap3A_1499] {strides = array<i32>} : memref<80x128xf32, #tpu.memory_space<vmem>>, vector<1x16xf32>,
        %swap3A_1501 = vector.shape_cast %swap3A_1500 : vector<1x16xf32> to vector<16xf32>
        %swap3A_1502 = vector.shape_cast %mul3A_1497 : vector<16xf32> to vector<1x16xf32>
        tpu.vector_store %arg12[%swap3A_1498, %swap3A_1499], %swap3A_1502 {strides = array<i32>} : memref<80x128xf32, #tpu.memory_space<vmem>>, vector<1x16xf32>,
        %get3A_1503 = arith.index_cast %add3A_1439 : i32 to index
        %get3A_1504 = arith.constant 96 : index
        %get3A_1505 = tpu.vector_load %arg12[%get3A_1503, %get3A_1504] {strides = array<i32>} : memref<80x128xf32, #tpu.memory_space<vmem>>, vector<1x16xf32>,
        %get3A_1506 = vector.shape_cast %get3A_1505 : vector<1x16xf32> to vector<16xf32>
        %mul3A_1507 = arith.mulf %get3A_1506, %broadcast_in_dim3A_1442 : vector<16xf32>
        %swap3A_1508 = arith.index_cast %add3A_1439 : i32 to index
        %swap3A_1509 = arith.constant 96 : index
        %swap3A_1510 = tpu.vector_load %arg12[%swap3A_1508, %swap3A_1509] {strides = array<i32>} : memref<80x128xf32, #tpu.memory_space<vmem>>, vector<1x16xf32>,
        %swap3A_1511 = vector.shape_cast %swap3A_1510 : vector<1x16xf32> to vector<16xf32>
        %swap3A_1512 = vector.shape_cast %mul3A_1507 : vector<16xf32> to vector<1x16xf32>
        tpu.vector_store %arg12[%swap3A_1508, %swap3A_1509], %swap3A_1512 {strides = array<i32>} : memref<80x128xf32, #tpu.memory_space<vmem>>, vector<1x16xf32>,
        %get3A_1513 = arith.index_cast %add3A_1439 : i32 to index
        %get3A_1514 = arith.constant 112 : index
        %get3A_1515 = tpu.vector_load %arg12[%get3A_1513, %get3A_1514] {strides = array<i32>} : memref<80x128xf32, #tpu.memory_space<vmem>>, vector<1x16xf32>,
        %get3A_1516 = vector.shape_cast %get3A_1515 : vector<1x16xf32> to vector<16xf32>
        %mul3A_1517 = arith.mulf %get3A_1516, %broadcast_in_dim3A_1442 : vector<16xf32>
        %swap3A_1518 = arith.index_cast %add3A_1439 : i32 to index
        %swap3A_1519 = arith.constant 112 : index
        %swap3A_1520 = tpu.vector_load %arg12[%swap3A_1518, %swap3A_1519] {strides = array<i32>} : memref<80x128xf32, #tpu.memory_space<vmem>>, vector<1x16xf32>,
        %swap3A_1521 = vector.shape_cast %swap3A_1520 : vector<1x16xf32> to vector<16xf32>
        %swap3A_1522 = vector.shape_cast %mul3A_1517 : vector<16xf32> to vector<1x16xf32>
        tpu.vector_store %arg12[%swap3A_1518, %swap3A_1519], %swap3A_1522 {strides = array<i32>} : memref<80x128xf32, #tpu.memory_space<vmem>>, vector<1x16xf32>,
        %scan3A_1523 = arith.constant 0 : i32
        scf.yield %scan3A_1523 : i32
      }
      %scan3A_120 = arith.constant 5 : i32
      %mul3A_121 = arith.constant 80 : i32
      %mul3A_122 = arith.muli %add3A_60, %mul3A_121 : i32
      %dma_start3A_123 = tpu.memref_slice %arg9[%mul3A_122] : memref<10000xi32, #tpu.memory_space<vmem>> -> memref<80xi32, #tpu.memory_space<vmem>>
      %dma_start3A_124 = arith.constant 0 : i32
      %dma_start3A_125 = arith.constant 0 : i32
      %dma_start3A_126 = tpu.memref_slice %arg13[%dma_start3A_124, %dma_start3A_125] : memref<10000x128xf32, #tpu.memory_space<vmem_shared>> -> memref<10000x128xf32, #tpu.memory_space<vmem_shared>>
      tpu.enqueue_indirect_dma source(%arg12 : memref<80x128xf32, #tpu.memory_space<vmem>>) target(%dma_start3A_126 : memref<10000x128xf32, #tpu.memory_space<vmem_shared>>) offsets(%dma_start3A_123 : memref<80xi32, #tpu.memory_space<vmem>>) semaphore(%arg17 : memref<!tpu.dma_semaphore, #tpu.memory_space<semaphore_mem>>) {add = true}
      %scan3A_127 = arith.constant 0 : i32
      scf.yield %scan3A_127 : i32
    }
    %scan3A_16 = arith.constant 62 : i32
    %dma_wait3A = arith.constant 9920 : i32
    %dma_wait3A_17 = tpu.memref_slice %arg8[%dma_wait3A] : memref<10000xi32, #tpu.memory_space<vmem>> -> memref<80xi32, #tpu.memory_space<vmem>>
    %dma_wait3A_18 = arith.constant 0 : i32
    %dma_wait3A_19 = arith.constant 0 : i32
    %dma_wait3A_20 = tpu.memref_slice %arg5[%dma_wait3A_18, %dma_wait3A_19] : memref<10000x128xf32, #tpu.memory_space<hbm>> -> memref<10000x128xf32, #tpu.memory_space<hbm>>
    tpu.wait_indirect_dma semaphore(%arg14 : memref<!tpu.dma_semaphore, #tpu.memory_space<semaphore_mem>>) src(%dma_wait3A_20 : memref<10000x128xf32, #tpu.memory_space<hbm>>) dst(%arg11 : memref<80x128xf32, #tpu.memory_space<vmem>>)
    %dma_wait3A_21 = arith.constant 9840 : i32
    %dma_wait3A_22 = tpu.memref_slice %arg9[%dma_wait3A_21] : memref<10000xi32, #tpu.memory_space<vmem>> -> memref<80xi32, #tpu.memory_space<vmem>>
    %dma_wait3A_23 = arith.constant 0 : i32
    %dma_wait3A_24 = arith.constant 0 : i32
    %dma_wait3A_25 = tpu.memref_slice %arg13[%dma_wait3A_23, %dma_wait3A_24] : memref<10000x128xf32, #tpu.memory_space<vmem_shared>> -> memref<10000x128xf32, #tpu.memory_space<vmem_shared>>
    tpu.wait_indirect_dma semaphore(%arg17 : memref<!tpu.dma_semaphore, #tpu.memory_space<semaphore_mem>>) src(%arg12 : memref<80x128xf32, #tpu.memory_space<vmem>>) dst(%dma_wait3A_25 : memref<10000x128xf32, #tpu.memory_space<vmem_shared>>)
    %scan3A_26 = arith.constant 0 : i32
    %scan3A_27 = arith.constant 0 : i32
    %scan3A_28 = arith.constant 5 : i32
    %scan3A_29 = arith.addi %scan3A_27, %scan3A_28 : i32
    %scan3A_30 = arith.constant 1 : i32
    %scan3A_31 = scf.for %scan3A_53 = %scan3A_27 to %scan3A_29 step %scan3A_30 iter_args(%scan3A_54 = %scan3A_26) -> (i32)  : i32 {
      %mul3A_55 = arith.constant 16 : i32
      %mul3A_56 = arith.muli %scan3A_53, %mul3A_55 : i32
      %add3A_57 = arith.constant 9920 : i32
      %add3A_58 = arith.addi %add3A_57, %mul3A_56 : i32
      %get3A = arith.index_cast %add3A_58 : i32 to index
      %get3A_59 = tpu.vector_load %arg10[%get3A] {strides = array<i32>} : memref<10000xf32, #tpu.memory_space<vmem>>, vector<16xf32>,
      %get3A_60 = vector.shape_cast %get3A_59 : vector<16xf32> to vector<16xf32>
      %mul3A_61 = arith.constant 16 : i32
      %mul3A_62 = arith.muli %scan3A_53, %mul3A_61 : i32
      %add3A_63 = arith.constant 0 : i32
      %add3A_64 = arith.addi %mul3A_62, %add3A_63 : i32
      %slice3A = vector.extract_strided_slice %get3A_60 {offsets = [0], sizes = [1], strides = [1]} : vector<16xf32> to vector<1xf32>
      %squeeze3A = vector.extract %slice3A[0] : f32 from vector<1xf32>
      %broadcast_in_dim3A = vector.broadcast %squeeze3A : f32 to vector<16xf32>
      %get3A_65 = arith.index_cast %add3A_64 : i32 to index
      %get3A_66 = arith.constant 0 : index
      %get3A_67 = tpu.vector_load %arg11[%get3A_65, %get3A_66] {strides = array<i32>} : memref<80x128xf32, #tpu.memory_space<vmem>>, vector<1x16xf32>,
      %get3A_68 = vector.shape_cast %get3A_67 : vector<1x16xf32> to vector<16xf32>
      %mul3A_69 = arith.mulf %get3A_68, %broadcast_in_dim3A : vector<16xf32>
      %swap3A = arith.index_cast %add3A_64 : i32 to index
      %swap3A_70 = arith.constant 0 : index
      %swap3A_71 = tpu.vector_load %arg11[%swap3A, %swap3A_70] {strides = array<i32>} : memref<80x128xf32, #tpu.memory_space<vmem>>, vector<1x16xf32>,
      %swap3A_72 = vector.shape_cast %swap3A_71 : vector<1x16xf32> to vector<16xf32>
      %swap3A_73 = vector.shape_cast %mul3A_69 : vector<16xf32> to vector<1x16xf32>
      tpu.vector_store %arg11[%swap3A, %swap3A_70], %swap3A_73 {strides = array<i32>} : memref<80x128xf32, #tpu.memory_space<vmem>>, vector<1x16xf32>,
      %get3A_74 = arith.index_cast %add3A_64 : i32 to index
      %get3A_75 = arith.constant 16 : index
      %get3A_76 = tpu.vector_load %arg11[%get3A_74, %get3A_75] {strides = array<i32>} : memref<80x128xf32, #tpu.memory_space<vmem>>, vector<1x16xf32>,
      %get3A_77 = vector.shape_cast %get3A_76 : vector<1x16xf32> to vector<16xf32>
      %mul3A_78 = arith.mulf %get3A_77, %broadcast_in_dim3A : vector<16xf32>
      %swap3A_79 = arith.index_cast %add3A_64 : i32 to index
      %swap3A_80 = arith.constant 16 : index
      %swap3A_81 = tpu.vector_load %arg11[%swap3A_79, %swap3A_80] {strides = array<i32>} : memref<80x128xf32, #tpu.memory_space<vmem>>, vector<1x16xf32>,
      %swap3A_82 = vector.shape_cast %swap3A_81 : vector<1x16xf32> to vector<16xf32>
      %swap3A_83 = vector.shape_cast %mul3A_78 : vector<16xf32> to vector<1x16xf32>
      tpu.vector_store %arg11[%swap3A_79, %swap3A_80], %swap3A_83 {strides = array<i32>} : memref<80x128xf32, #tpu.memory_space<vmem>>, vector<1x16xf32>,
      %get3A_84 = arith.index_cast %add3A_64 : i32 to index
      %get3A_85 = arith.constant 32 : index
      %get3A_86 = tpu.vector_load %arg11[%get3A_84, %get3A_85] {strides = array<i32>} : memref<80x128xf32, #tpu.memory_space<vmem>>, vector<1x16xf32>,
      %get3A_87 = vector.shape_cast %get3A_86 : vector<1x16xf32> to vector<16xf32>
      %mul3A_88 = arith.mulf %get3A_87, %broadcast_in_dim3A : vector<16xf32>
      %swap3A_89 = arith.index_cast %add3A_64 : i32 to index
      %swap3A_90 = arith.constant 32 : index
      %swap3A_91 = tpu.vector_load %arg11[%swap3A_89, %swap3A_90] {strides = array<i32>} : memref<80x128xf32, #tpu.memory_space<vmem>>, vector<1x16xf32>,
      %swap3A_92 = vector.shape_cast %swap3A_91 : vector<1x16xf32> to vector<16xf32>
      %swap3A_93 = vector.shape_cast %mul3A_88 : vector<16xf32> to vector<1x16xf32>
      tpu.vector_store %arg11[%swap3A_89, %swap3A_90], %swap3A_93 {strides = array<i32>} : memref<80x128xf32, #tpu.memory_space<vmem>>, vector<1x16xf32>,
      %get3A_94 = arith.index_cast %add3A_64 : i32 to index
      %get3A_95 = arith.constant 48 : index
      %get3A_96 = tpu.vector_load %arg11[%get3A_94, %get3A_95] {strides = array<i32>} : memref<80x128xf32, #tpu.memory_space<vmem>>, vector<1x16xf32>,
      %get3A_97 = vector.shape_cast %get3A_96 : vector<1x16xf32> to vector<16xf32>
      %mul3A_98 = arith.mulf %get3A_97, %broadcast_in_dim3A : vector<16xf32>
      %swap3A_99 = arith.index_cast %add3A_64 : i32 to index
      %swap3A_100 = arith.constant 48 : index
      %swap3A_101 = tpu.vector_load %arg11[%swap3A_99, %swap3A_100] {strides = array<i32>} : memref<80x128xf32, #tpu.memory_space<vmem>>, vector<1x16xf32>,
      %swap3A_102 = vector.shape_cast %swap3A_101 : vector<1x16xf32> to vector<16xf32>
      %swap3A_103 = vector.shape_cast %mul3A_98 : vector<16xf32> to vector<1x16xf32>
      tpu.vector_store %arg11[%swap3A_99, %swap3A_100], %swap3A_103 {strides = array<i32>} : memref<80x128xf32, #tpu.memory_space<vmem>>, vector<1x16xf32>,
      %get3A_104 = arith.index_cast %add3A_64 : i32 to index
      %get3A_105 = arith.constant 64 : index
      %get3A_106 = tpu.vector_load %arg11[%get3A_104, %get3A_105] {strides = array<i32>} : memref<80x128xf32, #tpu.memory_space<vmem>>, vector<1x16xf32>,
      %get3A_107 = vector.shape_cast %get3A_106 : vector<1x16xf32> to vector<16xf32>
      %mul3A_108 = arith.mulf %get3A_107, %broadcast_in_dim3A : vector<16xf32>
      %swap3A_109 = arith.index_cast %add3A_64 : i32 to index
      %swap3A_110 = arith.constant 64 : index
      %swap3A_111 = tpu.vector_load %arg11[%swap3A_109, %swap3A_110] {strides = array<i32>} : memref<80x128xf32, #tpu.memory_space<vmem>>, vector<1x16xf32>,
      %swap3A_112 = vector.shape_cast %swap3A_111 : vector<1x16xf32> to vector<16xf32>
      %swap3A_113 = vector.shape_cast %mul3A_108 : vector<16xf32> to vector<1x16xf32>
      tpu.vector_store %arg11[%swap3A_109, %swap3A_110], %swap3A_113 {strides = array<i32>} : memref<80x128xf32, #tpu.memory_space<vmem>>, vector<1x16xf32>,
      %get3A_114 = arith.index_cast %add3A_64 : i32 to index
      %get3A_115 = arith.constant 80 : index
      %get3A_116 = tpu.vector_load %arg11[%get3A_114, %get3A_115] {strides = array<i32>} : memref<80x128xf32, #tpu.memory_space<vmem>>, vector<1x16xf32>,
      %get3A_117 = vector.shape_cast %get3A_116 : vector<1x16xf32> to vector<16xf32>
      %mul3A_118 = arith.mulf %get3A_117, %broadcast_in_dim3A : vector<16xf32>
      %swap3A_119 = arith.index_cast %add3A_64 : i32 to index
      %swap3A_120 = arith.constant 80 : index
      %swap3A_121 = tpu.vector_load %arg11[%swap3A_119, %swap3A_120] {strides = array<i32>} : memref<80x128xf32, #tpu.memory_space<vmem>>, vector<1x16xf32>,
      %swap3A_122 = vector.shape_cast %swap3A_121 : vector<1x16xf32> to vector<16xf32>
      %swap3A_123 = vector.shape_cast %mul3A_118 : vector<16xf32> to vector<1x16xf32>
      tpu.vector_store %arg11[%swap3A_119, %swap3A_120], %swap3A_123 {strides = array<i32>} : memref<80x128xf32, #tpu.memory_space<vmem>>, vector<1x16xf32>,
      %get3A_124 = arith.index_cast %add3A_64 : i32 to index
      %get3A_125 = arith.constant 96 : index
      %get3A_126 = tpu.vector_load %arg11[%get3A_124, %get3A_125] {strides = array<i32>} : memref<80x128xf32, #tpu.memory_space<vmem>>, vector<1x16xf32>,
      %get3A_127 = vector.shape_cast %get3A_126 : vector<1x16xf32> to vector<16xf32>
      %mul3A_128 = arith.mulf %get3A_127, %broadcast_in_dim3A : vector<16xf32>
      %swap3A_129 = arith.index_cast %add3A_64 : i32 to index
      %swap3A_130 = arith.constant 96 : index
      %swap3A_131 = tpu.vector_load %arg11[%swap3A_129, %swap3A_130] {strides = array<i32>} : memref<80x128xf32, #tpu.memory_space<vmem>>, vector<1x16xf32>,
      %swap3A_132 = vector.shape_cast %swap3A_131 : vector<1x16xf32> to vector<16xf32>
      %swap3A_133 = vector.shape_cast %mul3A_128 : vector<16xf32> to vector<1x16xf32>
      tpu.vector_store %arg11[%swap3A_129, %swap3A_130], %swap3A_133 {strides = array<i32>} : memref<80x128xf32, #tpu.memory_space<vmem>>, vector<1x16xf32>,
      %get3A_134 = arith.index_cast %add3A_64 : i32 to index
      %get3A_135 = arith.constant 112 : index
      %get3A_136 = tpu.vector_load %arg11[%get3A_134, %get3A_135] {strides = array<i32>} : memref<80x128xf32, #tpu.memory_space<vmem>>, vector<1x16xf32>,
      %get3A_137 = vector.shape_cast %get3A_136 : vector<1x16xf32> to vector<16xf32>
      %mul3A_138 = arith.mulf %get3A_137, %broadcast_in_dim3A : vector<16xf32>
      %swap3A_139 = arith.index_cast %add3A_64 : i32 to index
      %swap3A_140 = arith.constant 112 : index
      %swap3A_141 = tpu.vector_load %arg11[%swap3A_139, %swap3A_140] {strides = array<i32>} : memref<80x128xf32, #tpu.memory_space<vmem>>, vector<1x16xf32>,
      %swap3A_142 = vector.shape_cast %swap3A_141 : vector<1x16xf32> to vector<16xf32>
      %swap3A_143 = vector.shape_cast %mul3A_138 : vector<16xf32> to vector<1x16xf32>
      tpu.vector_store %arg11[%swap3A_139, %swap3A_140], %swap3A_143 {strides = array<i32>} : memref<80x128xf32, #tpu.memory_space<vmem>>, vector<1x16xf32>,
      %mul3A_144 = arith.constant 16 : i32
      %mul3A_145 = arith.muli %scan3A_53, %mul3A_144 : i32
      %add3A_146 = arith.constant 1 : i32
      %add3A_147 = arith.addi %mul3A_145, %add3A_146 : i32
      %slice3A_148 = vector.extract_strided_slice %get3A_60 {offsets = [1], sizes = [1], strides = [1]} : vector<16xf32> to vector<1xf32>
      %squeeze3A_149 = vector.extract %slice3A_148[0] : f32 from vector<1xf32>
      %broadcast_in_dim3A_150 = vector.broadcast %squeeze3A_149 : f32 to vector<16xf32>
      %get3A_151 = arith.index_cast %add3A_147 : i32 to index
      %get3A_152 = arith.constant 0 : index
      %get3A_153 = tpu.vector_load %arg11[%get3A_151, %get3A_152] {strides = array<i32>} : memref<80x128xf32, #tpu.memory_space<vmem>>, vector<1x16xf32>,
      %get3A_154 = vector.shape_cast %get3A_153 : vector<1x16xf32> to vector<16xf32>
      %mul3A_155 = arith.mulf %get3A_154, %broadcast_in_dim3A_150 : vector<16xf32>
      %swap3A_156 = arith.index_cast %add3A_147 : i32 to index
      %swap3A_157 = arith.constant 0 : index
      %swap3A_158 = tpu.vector_load %arg11[%swap3A_156, %swap3A_157] {strides = array<i32>} : memref<80x128xf32, #tpu.memory_space<vmem>>, vector<1x16xf32>,
      %swap3A_159 = vector.shape_cast %swap3A_158 : vector<1x16xf32> to vector<16xf32>
      %swap3A_160 = vector.shape_cast %mul3A_155 : vector<16xf32> to vector<1x16xf32>
      tpu.vector_store %arg11[%swap3A_156, %swap3A_157], %swap3A_160 {strides = array<i32>} : memref<80x128xf32, #tpu.memory_space<vmem>>, vector<1x16xf32>,
      %get3A_161 = arith.index_cast %add3A_147 : i32 to index
      %get3A_162 = arith.constant 16 : index
      %get3A_163 = tpu.vector_load %arg11[%get3A_161, %get3A_162] {strides = array<i32>} : memref<80x128xf32, #tpu.memory_space<vmem>>, vector<1x16xf32>,
      %get3A_164 = vector.shape_cast %get3A_163 : vector<1x16xf32> to vector<16xf32>
      %mul3A_165 = arith.mulf %get3A_164, %broadcast_in_dim3A_150 : vector<16xf32>
      %swap3A_166 = arith.index_cast %add3A_147 : i32 to index
      %swap3A_167 = arith.constant 16 : index
      %swap3A_168 = tpu.vector_load %arg11[%swap3A_166, %swap3A_167] {strides = array<i32>} : memref<80x128xf32, #tpu.memory_space<vmem>>, vector<1x16xf32>,
      %swap3A_169 = vector.shape_cast %swap3A_168 : vector<1x16xf32> to vector<16xf32>
      %swap3A_170 = vector.shape_cast %mul3A_165 : vector<16xf32> to vector<1x16xf32>
      tpu.vector_store %arg11[%swap3A_166, %swap3A_167], %swap3A_170 {strides = array<i32>} : memref<80x128xf32, #tpu.memory_space<vmem>>, vector<1x16xf32>,
      %get3A_171 = arith.index_cast %add3A_147 : i32 to index
      %get3A_172 = arith.constant 32 : index
      %get3A_173 = tpu.vector_load %arg11[%get3A_171, %get3A_172] {strides = array<i32>} : memref<80x128xf32, #tpu.memory_space<vmem>>, vector<1x16xf32>,
      %get3A_174 = vector.shape_cast %get3A_173 : vector<1x16xf32> to vector<16xf32>
      %mul3A_175 = arith.mulf %get3A_174, %broadcast_in_dim3A_150 : vector<16xf32>
      %swap3A_176 = arith.index_cast %add3A_147 : i32 to index
      %swap3A_177 = arith.constant 32 : index
      %swap3A_178 = tpu.vector_load %arg11[%swap3A_176, %swap3A_177] {strides = array<i32>} : memref<80x128xf32, #tpu.memory_space<vmem>>, vector<1x16xf32>,
      %swap3A_179 = vector.shape_cast %swap3A_178 : vector<1x16xf32> to vector<16xf32>
      %swap3A_180 = vector.shape_cast %mul3A_175 : vector<16xf32> to vector<1x16xf32>
      tpu.vector_store %arg11[%swap3A_176, %swap3A_177], %swap3A_180 {strides = array<i32>} : memref<80x128xf32, #tpu.memory_space<vmem>>, vector<1x16xf32>,
      %get3A_181 = arith.index_cast %add3A_147 : i32 to index
      %get3A_182 = arith.constant 48 : index
      %get3A_183 = tpu.vector_load %arg11[%get3A_181, %get3A_182] {strides = array<i32>} : memref<80x128xf32, #tpu.memory_space<vmem>>, vector<1x16xf32>,
      %get3A_184 = vector.shape_cast %get3A_183 : vector<1x16xf32> to vector<16xf32>
      %mul3A_185 = arith.mulf %get3A_184, %broadcast_in_dim3A_150 : vector<16xf32>
      %swap3A_186 = arith.index_cast %add3A_147 : i32 to index
      %swap3A_187 = arith.constant 48 : index
      %swap3A_188 = tpu.vector_load %arg11[%swap3A_186, %swap3A_187] {strides = array<i32>} : memref<80x128xf32, #tpu.memory_space<vmem>>, vector<1x16xf32>,
      %swap3A_189 = vector.shape_cast %swap3A_188 : vector<1x16xf32> to vector<16xf32>
      %swap3A_190 = vector.shape_cast %mul3A_185 : vector<16xf32> to vector<1x16xf32>
      tpu.vector_store %arg11[%swap3A_186, %swap3A_187], %swap3A_190 {strides = array<i32>} : memref<80x128xf32, #tpu.memory_space<vmem>>, vector<1x16xf32>,
      %get3A_191 = arith.index_cast %add3A_147 : i32 to index
      %get3A_192 = arith.constant 64 : index
      %get3A_193 = tpu.vector_load %arg11[%get3A_191, %get3A_192] {strides = array<i32>} : memref<80x128xf32, #tpu.memory_space<vmem>>, vector<1x16xf32>,
      %get3A_194 = vector.shape_cast %get3A_193 : vector<1x16xf32> to vector<16xf32>
      %mul3A_195 = arith.mulf %get3A_194, %broadcast_in_dim3A_150 : vector<16xf32>
      %swap3A_196 = arith.index_cast %add3A_147 : i32 to index
      %swap3A_197 = arith.constant 64 : index
      %swap3A_198 = tpu.vector_load %arg11[%swap3A_196, %swap3A_197] {strides = array<i32>} : memref<80x128xf32, #tpu.memory_space<vmem>>, vector<1x16xf32>,
      %swap3A_199 = vector.shape_cast %swap3A_198 : vector<1x16xf32> to vector<16xf32>
      %swap3A_200 = vector.shape_cast %mul3A_195 : vector<16xf32> to vector<1x16xf32>
      tpu.vector_store %arg11[%swap3A_196, %swap3A_197], %swap3A_200 {strides = array<i32>} : memref<80x128xf32, #tpu.memory_space<vmem>>, vector<1x16xf32>,
      %get3A_201 = arith.index_cast %add3A_147 : i32 to index
      %get3A_202 = arith.constant 80 : index
      %get3A_203 = tpu.vector_load %arg11[%get3A_201, %get3A_202] {strides = array<i32>} : memref<80x128xf32, #tpu.memory_space<vmem>>, vector<1x16xf32>,
      %get3A_204 = vector.shape_cast %get3A_203 : vector<1x16xf32> to vector<16xf32>
      %mul3A_205 = arith.mulf %get3A_204, %broadcast_in_dim3A_150 : vector<16xf32>
      %swap3A_206 = arith.index_cast %add3A_147 : i32 to index
      %swap3A_207 = arith.constant 80 : index
      %swap3A_208 = tpu.vector_load %arg11[%swap3A_206, %swap3A_207] {strides = array<i32>} : memref<80x128xf32, #tpu.memory_space<vmem>>, vector<1x16xf32>,
      %swap3A_209 = vector.shape_cast %swap3A_208 : vector<1x16xf32> to vector<16xf32>
      %swap3A_210 = vector.shape_cast %mul3A_205 : vector<16xf32> to vector<1x16xf32>
      tpu.vector_store %arg11[%swap3A_206, %swap3A_207], %swap3A_210 {strides = array<i32>} : memref<80x128xf32, #tpu.memory_space<vmem>>, vector<1x16xf32>,
      %get3A_211 = arith.index_cast %add3A_147 : i32 to index
      %get3A_212 = arith.constant 96 : index
      %get3A_213 = tpu.vector_load %arg11[%get3A_211, %get3A_212] {strides = array<i32>} : memref<80x128xf32, #tpu.memory_space<vmem>>, vector<1x16xf32>,
      %get3A_214 = vector.shape_cast %get3A_213 : vector<1x16xf32> to vector<16xf32>
      %mul3A_215 = arith.mulf %get3A_214, %broadcast_in_dim3A_150 : vector<16xf32>
      %swap3A_216 = arith.index_cast %add3A_147 : i32 to index
      %swap3A_217 = arith.constant 96 : index
      %swap3A_218 = tpu.vector_load %arg11[%swap3A_216, %swap3A_217] {strides = array<i32>} : memref<80x128xf32, #tpu.memory_space<vmem>>, vector<1x16xf32>,
      %swap3A_219 = vector.shape_cast %swap3A_218 : vector<1x16xf32> to vector<16xf32>
      %swap3A_220 = vector.shape_cast %mul3A_215 : vector<16xf32> to vector<1x16xf32>
      tpu.vector_store %arg11[%swap3A_216, %swap3A_217], %swap3A_220 {strides = array<i32>} : memref<80x128xf32, #tpu.memory_space<vmem>>, vector<1x16xf32>,
      %get3A_221 = arith.index_cast %add3A_147 : i32 to index
      %get3A_222 = arith.constant 112 : index
      %get3A_223 = tpu.vector_load %arg11[%get3A_221, %get3A_222] {strides = array<i32>} : memref<80x128xf32, #tpu.memory_space<vmem>>, vector<1x16xf32>,
      %get3A_224 = vector.shape_cast %get3A_223 : vector<1x16xf32> to vector<16xf32>
      %mul3A_225 = arith.mulf %get3A_224, %broadcast_in_dim3A_150 : vector<16xf32>
      %swap3A_226 = arith.index_cast %add3A_147 : i32 to index
      %swap3A_227 = arith.constant 112 : index
      %swap3A_228 = tpu.vector_load %arg11[%swap3A_226, %swap3A_227] {strides = array<i32>} : memref<80x128xf32, #tpu.memory_space<vmem>>, vector<1x16xf32>,
      %swap3A_229 = vector.shape_cast %swap3A_228 : vector<1x16xf32> to vector<16xf32>
      %swap3A_230 = vector.shape_cast %mul3A_225 : vector<16xf32> to vector<1x16xf32>
      tpu.vector_store %arg11[%swap3A_226, %swap3A_227], %swap3A_230 {strides = array<i32>} : memref<80x128xf32, #tpu.memory_space<vmem>>, vector<1x16xf32>,
      %mul3A_231 = arith.constant 16 : i32
      %mul3A_232 = arith.muli %scan3A_53, %mul3A_231 : i32
      %add3A_233 = arith.constant 2 : i32
      %add3A_234 = arith.addi %mul3A_232, %add3A_233 : i32
      %slice3A_235 = vector.extract_strided_slice %get3A_60 {offsets = [2], sizes = [1], strides = [1]} : vector<16xf32> to vector<1xf32>
      %squeeze3A_236 = vector.extract %slice3A_235[0] : f32 from vector<1xf32>
      %broadcast_in_dim3A_237 = vector.broadcast %squeeze3A_236 : f32 to vector<16xf32>
      %get3A_238 = arith.index_cast %add3A_234 : i32 to index
      %get3A_239 = arith.constant 0 : index
      %get3A_240 = tpu.vector_load %arg11[%get3A_238, %get3A_239] {strides = array<i32>} : memref<80x128xf32, #tpu.memory_space<vmem>>, vector<1x16xf32>,
      %get3A_241 = vector.shape_cast %get3A_240 : vector<1x16xf32> to vector<16xf32>
      %mul3A_242 = arith.mulf %get3A_241, %broadcast_in_dim3A_237 : vector<16xf32>
      %swap3A_243 = arith.index_cast %add3A_234 : i32 to index
      %swap3A_244 = arith.constant 0 : index
      %swap3A_245 = tpu.vector_load %arg11[%swap3A_243, %swap3A_244] {strides = array<i32>} : memref<80x128xf32, #tpu.memory_space<vmem>>, vector<1x16xf32>,
      %swap3A_246 = vector.shape_cast %swap3A_245 : vector<1x16xf32> to vector<16xf32>
      %swap3A_247 = vector.shape_cast %mul3A_242 : vector<16xf32> to vector<1x16xf32>
      tpu.vector_store %arg11[%swap3A_243, %swap3A_244], %swap3A_247 {strides = array<i32>} : memref<80x128xf32, #tpu.memory_space<vmem>>, vector<1x16xf32>,
      %get3A_248 = arith.index_cast %add3A_234 : i32 to index
      %get3A_249 = arith.constant 16 : index
      %get3A_250 = tpu.vector_load %arg11[%get3A_248, %get3A_249] {strides = array<i32>} : memref<80x128xf32, #tpu.memory_space<vmem>>, vector<1x16xf32>,
      %get3A_251 = vector.shape_cast %get3A_250 : vector<1x16xf32> to vector<16xf32>
      %mul3A_252 = arith.mulf %get3A_251, %broadcast_in_dim3A_237 : vector<16xf32>
      %swap3A_253 = arith.index_cast %add3A_234 : i32 to index
      %swap3A_254 = arith.constant 16 : index
      %swap3A_255 = tpu.vector_load %arg11[%swap3A_253, %swap3A_254] {strides = array<i32>} : memref<80x128xf32, #tpu.memory_space<vmem>>, vector<1x16xf32>,
      %swap3A_256 = vector.shape_cast %swap3A_255 : vector<1x16xf32> to vector<16xf32>
      %swap3A_257 = vector.shape_cast %mul3A_252 : vector<16xf32> to vector<1x16xf32>
      tpu.vector_store %arg11[%swap3A_253, %swap3A_254], %swap3A_257 {strides = array<i32>} : memref<80x128xf32, #tpu.memory_space<vmem>>, vector<1x16xf32>,
      %get3A_258 = arith.index_cast %add3A_234 : i32 to index
      %get3A_259 = arith.constant 32 : index
      %get3A_260 = tpu.vector_load %arg11[%get3A_258, %get3A_259] {strides = array<i32>} : memref<80x128xf32, #tpu.memory_space<vmem>>, vector<1x16xf32>,
      %get3A_261 = vector.shape_cast %get3A_260 : vector<1x16xf32> to vector<16xf32>
      %mul3A_262 = arith.mulf %get3A_261, %broadcast_in_dim3A_237 : vector<16xf32>
      %swap3A_263 = arith.index_cast %add3A_234 : i32 to index
      %swap3A_264 = arith.constant 32 : index
      %swap3A_265 = tpu.vector_load %arg11[%swap3A_263, %swap3A_264] {strides = array<i32>} : memref<80x128xf32, #tpu.memory_space<vmem>>, vector<1x16xf32>,
      %swap3A_266 = vector.shape_cast %swap3A_265 : vector<1x16xf32> to vector<16xf32>
      %swap3A_267 = vector.shape_cast %mul3A_262 : vector<16xf32> to vector<1x16xf32>
      tpu.vector_store %arg11[%swap3A_263, %swap3A_264], %swap3A_267 {strides = array<i32>} : memref<80x128xf32, #tpu.memory_space<vmem>>, vector<1x16xf32>,
      %get3A_268 = arith.index_cast %add3A_234 : i32 to index
      %get3A_269 = arith.constant 48 : index
      %get3A_270 = tpu.vector_load %arg11[%get3A_268, %get3A_269] {strides = array<i32>} : memref<80x128xf32, #tpu.memory_space<vmem>>, vector<1x16xf32>,
      %get3A_271 = vector.shape_cast %get3A_270 : vector<1x16xf32> to vector<16xf32>
      %mul3A_272 = arith.mulf %get3A_271, %broadcast_in_dim3A_237 : vector<16xf32>
      %swap3A_273 = arith.index_cast %add3A_234 : i32 to index
      %swap3A_274 = arith.constant 48 : index
      %swap3A_275 = tpu.vector_load %arg11[%swap3A_273, %swap3A_274] {strides = array<i32>} : memref<80x128xf32, #tpu.memory_space<vmem>>, vector<1x16xf32>,
      %swap3A_276 = vector.shape_cast %swap3A_275 : vector<1x16xf32> to vector<16xf32>
      %swap3A_277 = vector.shape_cast %mul3A_272 : vector<16xf32> to vector<1x16xf32>
      tpu.vector_store %arg11[%swap3A_273, %swap3A_274], %swap3A_277 {strides = array<i32>} : memref<80x128xf32, #tpu.memory_space<vmem>>, vector<1x16xf32>,
      %get3A_278 = arith.index_cast %add3A_234 : i32 to index
      %get3A_279 = arith.constant 64 : index
      %get3A_280 = tpu.vector_load %arg11[%get3A_278, %get3A_279] {strides = array<i32>} : memref<80x128xf32, #tpu.memory_space<vmem>>, vector<1x16xf32>,
      %get3A_281 = vector.shape_cast %get3A_280 : vector<1x16xf32> to vector<16xf32>
      %mul3A_282 = arith.mulf %get3A_281, %broadcast_in_dim3A_237 : vector<16xf32>
      %swap3A_283 = arith.index_cast %add3A_234 : i32 to index
      %swap3A_284 = arith.constant 64 : index
      %swap3A_285 = tpu.vector_load %arg11[%swap3A_283, %swap3A_284] {strides = array<i32>} : memref<80x128xf32, #tpu.memory_space<vmem>>, vector<1x16xf32>,
      %swap3A_286 = vector.shape_cast %swap3A_285 : vector<1x16xf32> to vector<16xf32>
      %swap3A_287 = vector.shape_cast %mul3A_282 : vector<16xf32> to vector<1x16xf32>
      tpu.vector_store %arg11[%swap3A_283, %swap3A_284], %swap3A_287 {strides = array<i32>} : memref<80x128xf32, #tpu.memory_space<vmem>>, vector<1x16xf32>,
      %get3A_288 = arith.index_cast %add3A_234 : i32 to index
      %get3A_289 = arith.constant 80 : index
      %get3A_290 = tpu.vector_load %arg11[%get3A_288, %get3A_289] {strides = array<i32>} : memref<80x128xf32, #tpu.memory_space<vmem>>, vector<1x16xf32>,
      %get3A_291 = vector.shape_cast %get3A_290 : vector<1x16xf32> to vector<16xf32>
      %mul3A_292 = arith.mulf %get3A_291, %broadcast_in_dim3A_237 : vector<16xf32>
      %swap3A_293 = arith.index_cast %add3A_234 : i32 to index
      %swap3A_294 = arith.constant 80 : index
      %swap3A_295 = tpu.vector_load %arg11[%swap3A_293, %swap3A_294] {strides = array<i32>} : memref<80x128xf32, #tpu.memory_space<vmem>>, vector<1x16xf32>,
      %swap3A_296 = vector.shape_cast %swap3A_295 : vector<1x16xf32> to vector<16xf32>
      %swap3A_297 = vector.shape_cast %mul3A_292 : vector<16xf32> to vector<1x16xf32>
      tpu.vector_store %arg11[%swap3A_293, %swap3A_294], %swap3A_297 {strides = array<i32>} : memref<80x128xf32, #tpu.memory_space<vmem>>, vector<1x16xf32>,
      %get3A_298 = arith.index_cast %add3A_234 : i32 to index
      %get3A_299 = arith.constant 96 : index
      %get3A_300 = tpu.vector_load %arg11[%get3A_298, %get3A_299] {strides = array<i32>} : memref<80x128xf32, #tpu.memory_space<vmem>>, vector<1x16xf32>,
      %get3A_301 = vector.shape_cast %get3A_300 : vector<1x16xf32> to vector<16xf32>
      %mul3A_302 = arith.mulf %get3A_301, %broadcast_in_dim3A_237 : vector<16xf32>
      %swap3A_303 = arith.index_cast %add3A_234 : i32 to index
      %swap3A_304 = arith.constant 96 : index
      %swap3A_305 = tpu.vector_load %arg11[%swap3A_303, %swap3A_304] {strides = array<i32>} : memref<80x128xf32, #tpu.memory_space<vmem>>, vector<1x16xf32>,
      %swap3A_306 = vector.shape_cast %swap3A_305 : vector<1x16xf32> to vector<16xf32>
      %swap3A_307 = vector.shape_cast %mul3A_302 : vector<16xf32> to vector<1x16xf32>
      tpu.vector_store %arg11[%swap3A_303, %swap3A_304], %swap3A_307 {strides = array<i32>} : memref<80x128xf32, #tpu.memory_space<vmem>>, vector<1x16xf32>,
      %get3A_308 = arith.index_cast %add3A_234 : i32 to index
      %get3A_309 = arith.constant 112 : index
      %get3A_310 = tpu.vector_load %arg11[%get3A_308, %get3A_309] {strides = array<i32>} : memref<80x128xf32, #tpu.memory_space<vmem>>, vector<1x16xf32>,
      %get3A_311 = vector.shape_cast %get3A_310 : vector<1x16xf32> to vector<16xf32>
      %mul3A_312 = arith.mulf %get3A_311, %broadcast_in_dim3A_237 : vector<16xf32>
      %swap3A_313 = arith.index_cast %add3A_234 : i32 to index
      %swap3A_314 = arith.constant 112 : index
      %swap3A_315 = tpu.vector_load %arg11[%swap3A_313, %swap3A_314] {strides = array<i32>} : memref<80x128xf32, #tpu.memory_space<vmem>>, vector<1x16xf32>,
      %swap3A_316 = vector.shape_cast %swap3A_315 : vector<1x16xf32> to vector<16xf32>
      %swap3A_317 = vector.shape_cast %mul3A_312 : vector<16xf32> to vector<1x16xf32>
      tpu.vector_store %arg11[%swap3A_313, %swap3A_314], %swap3A_317 {strides = array<i32>} : memref<80x128xf32, #tpu.memory_space<vmem>>, vector<1x16xf32>,
      %mul3A_318 = arith.constant 16 : i32
      %mul3A_319 = arith.muli %scan3A_53, %mul3A_318 : i32
      %add3A_320 = arith.constant 3 : i32
      %add3A_321 = arith.addi %mul3A_319, %add3A_320 : i32
      %slice3A_322 = vector.extract_strided_slice %get3A_60 {offsets = [3], sizes = [1], strides = [1]} : vector<16xf32> to vector<1xf32>
      %squeeze3A_323 = vector.extract %slice3A_322[0] : f32 from vector<1xf32>
      %broadcast_in_dim3A_324 = vector.broadcast %squeeze3A_323 : f32 to vector<16xf32>
      %get3A_325 = arith.index_cast %add3A_321 : i32 to index
      %get3A_326 = arith.constant 0 : index
      %get3A_327 = tpu.vector_load %arg11[%get3A_325, %get3A_326] {strides = array<i32>} : memref<80x128xf32, #tpu.memory_space<vmem>>, vector<1x16xf32>,
      %get3A_328 = vector.shape_cast %get3A_327 : vector<1x16xf32> to vector<16xf32>
      %mul3A_329 = arith.mulf %get3A_328, %broadcast_in_dim3A_324 : vector<16xf32>
      %swap3A_330 = arith.index_cast %add3A_321 : i32 to index
      %swap3A_331 = arith.constant 0 : index
      %swap3A_332 = tpu.vector_load %arg11[%swap3A_330, %swap3A_331] {strides = array<i32>} : memref<80x128xf32, #tpu.memory_space<vmem>>, vector<1x16xf32>,
      %swap3A_333 = vector.shape_cast %swap3A_332 : vector<1x16xf32> to vector<16xf32>
      %swap3A_334 = vector.shape_cast %mul3A_329 : vector<16xf32> to vector<1x16xf32>
      tpu.vector_store %arg11[%swap3A_330, %swap3A_331], %swap3A_334 {strides = array<i32>} : memref<80x128xf32, #tpu.memory_space<vmem>>, vector<1x16xf32>,
      %get3A_335 = arith.index_cast %add3A_321 : i32 to index
      %get3A_336 = arith.constant 16 : index
      %get3A_337 = tpu.vector_load %arg11[%get3A_335, %get3A_336] {strides = array<i32>} : memref<80x128xf32, #tpu.memory_space<vmem>>, vector<1x16xf32>,
      %get3A_338 = vector.shape_cast %get3A_337 : vector<1x16xf32> to vector<16xf32>
      %mul3A_339 = arith.mulf %get3A_338, %broadcast_in_dim3A_324 : vector<16xf32>
      %swap3A_340 = arith.index_cast %add3A_321 : i32 to index
      %swap3A_341 = arith.constant 16 : index
      %swap3A_342 = tpu.vector_load %arg11[%swap3A_340, %swap3A_341] {strides = array<i32>} : memref<80x128xf32, #tpu.memory_space<vmem>>, vector<1x16xf32>,
      %swap3A_343 = vector.shape_cast %swap3A_342 : vector<1x16xf32> to vector<16xf32>
      %swap3A_344 = vector.shape_cast %mul3A_339 : vector<16xf32> to vector<1x16xf32>
      tpu.vector_store %arg11[%swap3A_340, %swap3A_341], %swap3A_344 {strides = array<i32>} : memref<80x128xf32, #tpu.memory_space<vmem>>, vector<1x16xf32>,
      %get3A_345 = arith.index_cast %add3A_321 : i32 to index
      %get3A_346 = arith.constant 32 : index
      %get3A_347 = tpu.vector_load %arg11[%get3A_345, %get3A_346] {strides = array<i32>} : memref<80x128xf32, #tpu.memory_space<vmem>>, vector<1x16xf32>,
      %get3A_348 = vector.shape_cast %get3A_347 : vector<1x16xf32> to vector<16xf32>
      %mul3A_349 = arith.mulf %get3A_348, %broadcast_in_dim3A_324 : vector<16xf32>
      %swap3A_350 = arith.index_cast %add3A_321 : i32 to index
      %swap3A_351 = arith.constant 32 : index
      %swap3A_352 = tpu.vector_load %arg11[%swap3A_350, %swap3A_351] {strides = array<i32>} : memref<80x128xf32, #tpu.memory_space<vmem>>, vector<1x16xf32>,
      %swap3A_353 = vector.shape_cast %swap3A_352 : vector<1x16xf32> to vector<16xf32>
      %swap3A_354 = vector.shape_cast %mul3A_349 : vector<16xf32> to vector<1x16xf32>
      tpu.vector_store %arg11[%swap3A_350, %swap3A_351], %swap3A_354 {strides = array<i32>} : memref<80x128xf32, #tpu.memory_space<vmem>>, vector<1x16xf32>,
      %get3A_355 = arith.index_cast %add3A_321 : i32 to index
      %get3A_356 = arith.constant 48 : index
      %get3A_357 = tpu.vector_load %arg11[%get3A_355, %get3A_356] {strides = array<i32>} : memref<80x128xf32, #tpu.memory_space<vmem>>, vector<1x16xf32>,
      %get3A_358 = vector.shape_cast %get3A_357 : vector<1x16xf32> to vector<16xf32>
      %mul3A_359 = arith.mulf %get3A_358, %broadcast_in_dim3A_324 : vector<16xf32>
      %swap3A_360 = arith.index_cast %add3A_321 : i32 to index
      %swap3A_361 = arith.constant 48 : index
      %swap3A_362 = tpu.vector_load %arg11[%swap3A_360, %swap3A_361] {strides = array<i32>} : memref<80x128xf32, #tpu.memory_space<vmem>>, vector<1x16xf32>,
      %swap3A_363 = vector.shape_cast %swap3A_362 : vector<1x16xf32> to vector<16xf32>
      %swap3A_364 = vector.shape_cast %mul3A_359 : vector<16xf32> to vector<1x16xf32>
      tpu.vector_store %arg11[%swap3A_360, %swap3A_361], %swap3A_364 {strides = array<i32>} : memref<80x128xf32, #tpu.memory_space<vmem>>, vector<1x16xf32>,
      %get3A_365 = arith.index_cast %add3A_321 : i32 to index
      %get3A_366 = arith.constant 64 : index
      %get3A_367 = tpu.vector_load %arg11[%get3A_365, %get3A_366] {strides = array<i32>} : memref<80x128xf32, #tpu.memory_space<vmem>>, vector<1x16xf32>,
      %get3A_368 = vector.shape_cast %get3A_367 : vector<1x16xf32> to vector<16xf32>
      %mul3A_369 = arith.mulf %get3A_368, %broadcast_in_dim3A_324 : vector<16xf32>
      %swap3A_370 = arith.index_cast %add3A_321 : i32 to index
      %swap3A_371 = arith.constant 64 : index
      %swap3A_372 = tpu.vector_load %arg11[%swap3A_370, %swap3A_371] {strides = array<i32>} : memref<80x128xf32, #tpu.memory_space<vmem>>, vector<1x16xf32>,
      %swap3A_373 = vector.shape_cast %swap3A_372 : vector<1x16xf32> to vector<16xf32>
      %swap3A_374 = vector.shape_cast %mul3A_369 : vector<16xf32> to vector<1x16xf32>
      tpu.vector_store %arg11[%swap3A_370, %swap3A_371], %swap3A_374 {strides = array<i32>} : memref<80x128xf32, #tpu.memory_space<vmem>>, vector<1x16xf32>,
      %get3A_375 = arith.index_cast %add3A_321 : i32 to index
      %get3A_376 = arith.constant 80 : index
      %get3A_377 = tpu.vector_load %arg11[%get3A_375, %get3A_376] {strides = array<i32>} : memref<80x128xf32, #tpu.memory_space<vmem>>, vector<1x16xf32>,
      %get3A_378 = vector.shape_cast %get3A_377 : vector<1x16xf32> to vector<16xf32>
      %mul3A_379 = arith.mulf %get3A_378, %broadcast_in_dim3A_324 : vector<16xf32>
      %swap3A_380 = arith.index_cast %add3A_321 : i32 to index
      %swap3A_381 = arith.constant 80 : index
      %swap3A_382 = tpu.vector_load %arg11[%swap3A_380, %swap3A_381] {strides = array<i32>} : memref<80x128xf32, #tpu.memory_space<vmem>>, vector<1x16xf32>,
      %swap3A_383 = vector.shape_cast %swap3A_382 : vector<1x16xf32> to vector<16xf32>
      %swap3A_384 = vector.shape_cast %mul3A_379 : vector<16xf32> to vector<1x16xf32>
      tpu.vector_store %arg11[%swap3A_380, %swap3A_381], %swap3A_384 {strides = array<i32>} : memref<80x128xf32, #tpu.memory_space<vmem>>, vector<1x16xf32>,
      %get3A_385 = arith.index_cast %add3A_321 : i32 to index
      %get3A_386 = arith.constant 96 : index
      %get3A_387 = tpu.vector_load %arg11[%get3A_385, %get3A_386] {strides = array<i32>} : memref<80x128xf32, #tpu.memory_space<vmem>>, vector<1x16xf32>,
      %get3A_388 = vector.shape_cast %get3A_387 : vector<1x16xf32> to vector<16xf32>
      %mul3A_389 = arith.mulf %get3A_388, %broadcast_in_dim3A_324 : vector<16xf32>
      %swap3A_390 = arith.index_cast %add3A_321 : i32 to index
      %swap3A_391 = arith.constant 96 : index
      %swap3A_392 = tpu.vector_load %arg11[%swap3A_390, %swap3A_391] {strides = array<i32>} : memref<80x128xf32, #tpu.memory_space<vmem>>, vector<1x16xf32>,
      %swap3A_393 = vector.shape_cast %swap3A_392 : vector<1x16xf32> to vector<16xf32>
      %swap3A_394 = vector.shape_cast %mul3A_389 : vector<16xf32> to vector<1x16xf32>
      tpu.vector_store %arg11[%swap3A_390, %swap3A_391], %swap3A_394 {strides = array<i32>} : memref<80x128xf32, #tpu.memory_space<vmem>>, vector<1x16xf32>,
      %get3A_395 = arith.index_cast %add3A_321 : i32 to index
      %get3A_396 = arith.constant 112 : index
      %get3A_397 = tpu.vector_load %arg11[%get3A_395, %get3A_396] {strides = array<i32>} : memref<80x128xf32, #tpu.memory_space<vmem>>, vector<1x16xf32>,
      %get3A_398 = vector.shape_cast %get3A_397 : vector<1x16xf32> to vector<16xf32>
      %mul3A_399 = arith.mulf %get3A_398, %broadcast_in_dim3A_324 : vector<16xf32>
      %swap3A_400 = arith.index_cast %add3A_321 : i32 to index
      %swap3A_401 = arith.constant 112 : index
      %swap3A_402 = tpu.vector_load %arg11[%swap3A_400, %swap3A_401] {strides = array<i32>} : memref<80x128xf32, #tpu.memory_space<vmem>>, vector<1x16xf32>,
      %swap3A_403 = vector.shape_cast %swap3A_402 : vector<1x16xf32> to vector<16xf32>
      %swap3A_404 = vector.shape_cast %mul3A_399 : vector<16xf32> to vector<1x16xf32>
      tpu.vector_store %arg11[%swap3A_400, %swap3A_401], %swap3A_404 {strides = array<i32>} : memref<80x128xf32, #tpu.memory_space<vmem>>, vector<1x16xf32>,
      %mul3A_405 = arith.constant 16 : i32
      %mul3A_406 = arith.muli %scan3A_53, %mul3A_405 : i32
      %add3A_407 = arith.constant 4 : i32
      %add3A_408 = arith.addi %mul3A_406, %add3A_407 : i32
      %slice3A_409 = vector.extract_strided_slice %get3A_60 {offsets = [4], sizes = [1], strides = [1]} : vector<16xf32> to vector<1xf32>
      %squeeze3A_410 = vector.extract %slice3A_409[0] : f32 from vector<1xf32>
      %broadcast_in_dim3A_411 = vector.broadcast %squeeze3A_410 : f32 to vector<16xf32>
      %get3A_412 = arith.index_cast %add3A_408 : i32 to index
      %get3A_413 = arith.constant 0 : index
      %get3A_414 = tpu.vector_load %arg11[%get3A_412, %get3A_413] {strides = array<i32>} : memref<80x128xf32, #tpu.memory_space<vmem>>, vector<1x16xf32>,
      %get3A_415 = vector.shape_cast %get3A_414 : vector<1x16xf32> to vector<16xf32>
      %mul3A_416 = arith.mulf %get3A_415, %broadcast_in_dim3A_411 : vector<16xf32>
      %swap3A_417 = arith.index_cast %add3A_408 : i32 to index
      %swap3A_418 = arith.constant 0 : index
      %swap3A_419 = tpu.vector_load %arg11[%swap3A_417, %swap3A_418] {strides = array<i32>} : memref<80x128xf32, #tpu.memory_space<vmem>>, vector<1x16xf32>,
      %swap3A_420 = vector.shape_cast %swap3A_419 : vector<1x16xf32> to vector<16xf32>
      %swap3A_421 = vector.shape_cast %mul3A_416 : vector<16xf32> to vector<1x16xf32>
      tpu.vector_store %arg11[%swap3A_417, %swap3A_418], %swap3A_421 {strides = array<i32>} : memref<80x128xf32, #tpu.memory_space<vmem>>, vector<1x16xf32>,
      %get3A_422 = arith.index_cast %add3A_408 : i32 to index
      %get3A_423 = arith.constant 16 : index
      %get3A_424 = tpu.vector_load %arg11[%get3A_422, %get3A_423] {strides = array<i32>} : memref<80x128xf32, #tpu.memory_space<vmem>>, vector<1x16xf32>,
      %get3A_425 = vector.shape_cast %get3A_424 : vector<1x16xf32> to vector<16xf32>
      %mul3A_426 = arith.mulf %get3A_425, %broadcast_in_dim3A_411 : vector<16xf32>
      %swap3A_427 = arith.index_cast %add3A_408 : i32 to index
      %swap3A_428 = arith.constant 16 : index
      %swap3A_429 = tpu.vector_load %arg11[%swap3A_427, %swap3A_428] {strides = array<i32>} : memref<80x128xf32, #tpu.memory_space<vmem>>, vector<1x16xf32>,
      %swap3A_430 = vector.shape_cast %swap3A_429 : vector<1x16xf32> to vector<16xf32>
      %swap3A_431 = vector.shape_cast %mul3A_426 : vector<16xf32> to vector<1x16xf32>
      tpu.vector_store %arg11[%swap3A_427, %swap3A_428], %swap3A_431 {strides = array<i32>} : memref<80x128xf32, #tpu.memory_space<vmem>>, vector<1x16xf32>,
      %get3A_432 = arith.index_cast %add3A_408 : i32 to index
      %get3A_433 = arith.constant 32 : index
      %get3A_434 = tpu.vector_load %arg11[%get3A_432, %get3A_433] {strides = array<i32>} : memref<80x128xf32, #tpu.memory_space<vmem>>, vector<1x16xf32>,
      %get3A_435 = vector.shape_cast %get3A_434 : vector<1x16xf32> to vector<16xf32>
      %mul3A_436 = arith.mulf %get3A_435, %broadcast_in_dim3A_411 : vector<16xf32>
      %swap3A_437 = arith.index_cast %add3A_408 : i32 to index
      %swap3A_438 = arith.constant 32 : index
      %swap3A_439 = tpu.vector_load %arg11[%swap3A_437, %swap3A_438] {strides = array<i32>} : memref<80x128xf32, #tpu.memory_space<vmem>>, vector<1x16xf32>,
      %swap3A_440 = vector.shape_cast %swap3A_439 : vector<1x16xf32> to vector<16xf32>
      %swap3A_441 = vector.shape_cast %mul3A_436 : vector<16xf32> to vector<1x16xf32>
      tpu.vector_store %arg11[%swap3A_437, %swap3A_438], %swap3A_441 {strides = array<i32>} : memref<80x128xf32, #tpu.memory_space<vmem>>, vector<1x16xf32>,
      %get3A_442 = arith.index_cast %add3A_408 : i32 to index
      %get3A_443 = arith.constant 48 : index
      %get3A_444 = tpu.vector_load %arg11[%get3A_442, %get3A_443] {strides = array<i32>} : memref<80x128xf32, #tpu.memory_space<vmem>>, vector<1x16xf32>,
      %get3A_445 = vector.shape_cast %get3A_444 : vector<1x16xf32> to vector<16xf32>
      %mul3A_446 = arith.mulf %get3A_445, %broadcast_in_dim3A_411 : vector<16xf32>
      %swap3A_447 = arith.index_cast %add3A_408 : i32 to index
      %swap3A_448 = arith.constant 48 : index
      %swap3A_449 = tpu.vector_load %arg11[%swap3A_447, %swap3A_448] {strides = array<i32>} : memref<80x128xf32, #tpu.memory_space<vmem>>, vector<1x16xf32>,
      %swap3A_450 = vector.shape_cast %swap3A_449 : vector<1x16xf32> to vector<16xf32>
      %swap3A_451 = vector.shape_cast %mul3A_446 : vector<16xf32> to vector<1x16xf32>
      tpu.vector_store %arg11[%swap3A_447, %swap3A_448], %swap3A_451 {strides = array<i32>} : memref<80x128xf32, #tpu.memory_space<vmem>>, vector<1x16xf32>,
      %get3A_452 = arith.index_cast %add3A_408 : i32 to index
      %get3A_453 = arith.constant 64 : index
      %get3A_454 = tpu.vector_load %arg11[%get3A_452, %get3A_453] {strides = array<i32>} : memref<80x128xf32, #tpu.memory_space<vmem>>, vector<1x16xf32>,
      %get3A_455 = vector.shape_cast %get3A_454 : vector<1x16xf32> to vector<16xf32>
      %mul3A_456 = arith.mulf %get3A_455, %broadcast_in_dim3A_411 : vector<16xf32>
      %swap3A_457 = arith.index_cast %add3A_408 : i32 to index
      %swap3A_458 = arith.constant 64 : index
      %swap3A_459 = tpu.vector_load %arg11[%swap3A_457, %swap3A_458] {strides = array<i32>} : memref<80x128xf32, #tpu.memory_space<vmem>>, vector<1x16xf32>,
      %swap3A_460 = vector.shape_cast %swap3A_459 : vector<1x16xf32> to vector<16xf32>
      %swap3A_461 = vector.shape_cast %mul3A_456 : vector<16xf32> to vector<1x16xf32>
      tpu.vector_store %arg11[%swap3A_457, %swap3A_458], %swap3A_461 {strides = array<i32>} : memref<80x128xf32, #tpu.memory_space<vmem>>, vector<1x16xf32>,
      %get3A_462 = arith.index_cast %add3A_408 : i32 to index
      %get3A_463 = arith.constant 80 : index
      %get3A_464 = tpu.vector_load %arg11[%get3A_462, %get3A_463] {strides = array<i32>} : memref<80x128xf32, #tpu.memory_space<vmem>>, vector<1x16xf32>,
      %get3A_465 = vector.shape_cast %get3A_464 : vector<1x16xf32> to vector<16xf32>
      %mul3A_466 = arith.mulf %get3A_465, %broadcast_in_dim3A_411 : vector<16xf32>
      %swap3A_467 = arith.index_cast %add3A_408 : i32 to index
      %swap3A_468 = arith.constant 80 : index
      %swap3A_469 = tpu.vector_load %arg11[%swap3A_467, %swap3A_468] {strides = array<i32>} : memref<80x128xf32, #tpu.memory_space<vmem>>, vector<1x16xf32>,
      %swap3A_470 = vector.shape_cast %swap3A_469 : vector<1x16xf32> to vector<16xf32>
      %swap3A_471 = vector.shape_cast %mul3A_466 : vector<16xf32> to vector<1x16xf32>
      tpu.vector_store %arg11[%swap3A_467, %swap3A_468], %swap3A_471 {strides = array<i32>} : memref<80x128xf32, #tpu.memory_space<vmem>>, vector<1x16xf32>,
      %get3A_472 = arith.index_cast %add3A_408 : i32 to index
      %get3A_473 = arith.constant 96 : index
      %get3A_474 = tpu.vector_load %arg11[%get3A_472, %get3A_473] {strides = array<i32>} : memref<80x128xf32, #tpu.memory_space<vmem>>, vector<1x16xf32>,
      %get3A_475 = vector.shape_cast %get3A_474 : vector<1x16xf32> to vector<16xf32>
      %mul3A_476 = arith.mulf %get3A_475, %broadcast_in_dim3A_411 : vector<16xf32>
      %swap3A_477 = arith.index_cast %add3A_408 : i32 to index
      %swap3A_478 = arith.constant 96 : index
      %swap3A_479 = tpu.vector_load %arg11[%swap3A_477, %swap3A_478] {strides = array<i32>} : memref<80x128xf32, #tpu.memory_space<vmem>>, vector<1x16xf32>,
      %swap3A_480 = vector.shape_cast %swap3A_479 : vector<1x16xf32> to vector<16xf32>
      %swap3A_481 = vector.shape_cast %mul3A_476 : vector<16xf32> to vector<1x16xf32>
      tpu.vector_store %arg11[%swap3A_477, %swap3A_478], %swap3A_481 {strides = array<i32>} : memref<80x128xf32, #tpu.memory_space<vmem>>, vector<1x16xf32>,
      %get3A_482 = arith.index_cast %add3A_408 : i32 to index
      %get3A_483 = arith.constant 112 : index
      %get3A_484 = tpu.vector_load %arg11[%get3A_482, %get3A_483] {strides = array<i32>} : memref<80x128xf32, #tpu.memory_space<vmem>>, vector<1x16xf32>,
      %get3A_485 = vector.shape_cast %get3A_484 : vector<1x16xf32> to vector<16xf32>
      %mul3A_486 = arith.mulf %get3A_485, %broadcast_in_dim3A_411 : vector<16xf32>
      %swap3A_487 = arith.index_cast %add3A_408 : i32 to index
      %swap3A_488 = arith.constant 112 : index
      %swap3A_489 = tpu.vector_load %arg11[%swap3A_487, %swap3A_488] {strides = array<i32>} : memref<80x128xf32, #tpu.memory_space<vmem>>, vector<1x16xf32>,
      %swap3A_490 = vector.shape_cast %swap3A_489 : vector<1x16xf32> to vector<16xf32>
      %swap3A_491 = vector.shape_cast %mul3A_486 : vector<16xf32> to vector<1x16xf32>
      tpu.vector_store %arg11[%swap3A_487, %swap3A_488], %swap3A_491 {strides = array<i32>} : memref<80x128xf32, #tpu.memory_space<vmem>>, vector<1x16xf32>,
      %mul3A_492 = arith.constant 16 : i32
      %mul3A_493 = arith.muli %scan3A_53, %mul3A_492 : i32
      %add3A_494 = arith.constant 5 : i32
      %add3A_495 = arith.addi %mul3A_493, %add3A_494 : i32
      %slice3A_496 = vector.extract_strided_slice %get3A_60 {offsets = [5], sizes = [1], strides = [1]} : vector<16xf32> to vector<1xf32>
      %squeeze3A_497 = vector.extract %slice3A_496[0] : f32 from vector<1xf32>
      %broadcast_in_dim3A_498 = vector.broadcast %squeeze3A_497 : f32 to vector<16xf32>
      %get3A_499 = arith.index_cast %add3A_495 : i32 to index
      %get3A_500 = arith.constant 0 : index
      %get3A_501 = tpu.vector_load %arg11[%get3A_499, %get3A_500] {strides = array<i32>} : memref<80x128xf32, #tpu.memory_space<vmem>>, vector<1x16xf32>,
      %get3A_502 = vector.shape_cast %get3A_501 : vector<1x16xf32> to vector<16xf32>
      %mul3A_503 = arith.mulf %get3A_502, %broadcast_in_dim3A_498 : vector<16xf32>
      %swap3A_504 = arith.index_cast %add3A_495 : i32 to index
      %swap3A_505 = arith.constant 0 : index
      %swap3A_506 = tpu.vector_load %arg11[%swap3A_504, %swap3A_505] {strides = array<i32>} : memref<80x128xf32, #tpu.memory_space<vmem>>, vector<1x16xf32>,
      %swap3A_507 = vector.shape_cast %swap3A_506 : vector<1x16xf32> to vector<16xf32>
      %swap3A_508 = vector.shape_cast %mul3A_503 : vector<16xf32> to vector<1x16xf32>
      tpu.vector_store %arg11[%swap3A_504, %swap3A_505], %swap3A_508 {strides = array<i32>} : memref<80x128xf32, #tpu.memory_space<vmem>>, vector<1x16xf32>,
      %get3A_509 = arith.index_cast %add3A_495 : i32 to index
      %get3A_510 = arith.constant 16 : index
      %get3A_511 = tpu.vector_load %arg11[%get3A_509, %get3A_510] {strides = array<i32>} : memref<80x128xf32, #tpu.memory_space<vmem>>, vector<1x16xf32>,
      %get3A_512 = vector.shape_cast %get3A_511 : vector<1x16xf32> to vector<16xf32>
      %mul3A_513 = arith.mulf %get3A_512, %broadcast_in_dim3A_498 : vector<16xf32>
      %swap3A_514 = arith.index_cast %add3A_495 : i32 to index
      %swap3A_515 = arith.constant 16 : index
      %swap3A_516 = tpu.vector_load %arg11[%swap3A_514, %swap3A_515] {strides = array<i32>} : memref<80x128xf32, #tpu.memory_space<vmem>>, vector<1x16xf32>,
      %swap3A_517 = vector.shape_cast %swap3A_516 : vector<1x16xf32> to vector<16xf32>
      %swap3A_518 = vector.shape_cast %mul3A_513 : vector<16xf32> to vector<1x16xf32>
      tpu.vector_store %arg11[%swap3A_514, %swap3A_515], %swap3A_518 {strides = array<i32>} : memref<80x128xf32, #tpu.memory_space<vmem>>, vector<1x16xf32>,
      %get3A_519 = arith.index_cast %add3A_495 : i32 to index
      %get3A_520 = arith.constant 32 : index
      %get3A_521 = tpu.vector_load %arg11[%get3A_519, %get3A_520] {strides = array<i32>} : memref<80x128xf32, #tpu.memory_space<vmem>>, vector<1x16xf32>,
      %get3A_522 = vector.shape_cast %get3A_521 : vector<1x16xf32> to vector<16xf32>
      %mul3A_523 = arith.mulf %get3A_522, %broadcast_in_dim3A_498 : vector<16xf32>
      %swap3A_524 = arith.index_cast %add3A_495 : i32 to index
      %swap3A_525 = arith.constant 32 : index
      %swap3A_526 = tpu.vector_load %arg11[%swap3A_524, %swap3A_525] {strides = array<i32>} : memref<80x128xf32, #tpu.memory_space<vmem>>, vector<1x16xf32>,
      %swap3A_527 = vector.shape_cast %swap3A_526 : vector<1x16xf32> to vector<16xf32>
      %swap3A_528 = vector.shape_cast %mul3A_523 : vector<16xf32> to vector<1x16xf32>
      tpu.vector_store %arg11[%swap3A_524, %swap3A_525], %swap3A_528 {strides = array<i32>} : memref<80x128xf32, #tpu.memory_space<vmem>>, vector<1x16xf32>,
      %get3A_529 = arith.index_cast %add3A_495 : i32 to index
      %get3A_530 = arith.constant 48 : index
      %get3A_531 = tpu.vector_load %arg11[%get3A_529, %get3A_530] {strides = array<i32>} : memref<80x128xf32, #tpu.memory_space<vmem>>, vector<1x16xf32>,
      %get3A_532 = vector.shape_cast %get3A_531 : vector<1x16xf32> to vector<16xf32>
      %mul3A_533 = arith.mulf %get3A_532, %broadcast_in_dim3A_498 : vector<16xf32>
      %swap3A_534 = arith.index_cast %add3A_495 : i32 to index
      %swap3A_535 = arith.constant 48 : index
      %swap3A_536 = tpu.vector_load %arg11[%swap3A_534, %swap3A_535] {strides = array<i32>} : memref<80x128xf32, #tpu.memory_space<vmem>>, vector<1x16xf32>,
      %swap3A_537 = vector.shape_cast %swap3A_536 : vector<1x16xf32> to vector<16xf32>
      %swap3A_538 = vector.shape_cast %mul3A_533 : vector<16xf32> to vector<1x16xf32>
      tpu.vector_store %arg11[%swap3A_534, %swap3A_535], %swap3A_538 {strides = array<i32>} : memref<80x128xf32, #tpu.memory_space<vmem>>, vector<1x16xf32>,
      %get3A_539 = arith.index_cast %add3A_495 : i32 to index
      %get3A_540 = arith.constant 64 : index
      %get3A_541 = tpu.vector_load %arg11[%get3A_539, %get3A_540] {strides = array<i32>} : memref<80x128xf32, #tpu.memory_space<vmem>>, vector<1x16xf32>,
      %get3A_542 = vector.shape_cast %get3A_541 : vector<1x16xf32> to vector<16xf32>
      %mul3A_543 = arith.mulf %get3A_542, %broadcast_in_dim3A_498 : vector<16xf32>
      %swap3A_544 = arith.index_cast %add3A_495 : i32 to index
      %swap3A_545 = arith.constant 64 : index
      %swap3A_546 = tpu.vector_load %arg11[%swap3A_544, %swap3A_545] {strides = array<i32>} : memref<80x128xf32, #tpu.memory_space<vmem>>, vector<1x16xf32>,
      %swap3A_547 = vector.shape_cast %swap3A_546 : vector<1x16xf32> to vector<16xf32>
      %swap3A_548 = vector.shape_cast %mul3A_543 : vector<16xf32> to vector<1x16xf32>
      tpu.vector_store %arg11[%swap3A_544, %swap3A_545], %swap3A_548 {strides = array<i32>} : memref<80x128xf32, #tpu.memory_space<vmem>>, vector<1x16xf32>,
      %get3A_549 = arith.index_cast %add3A_495 : i32 to index
      %get3A_550 = arith.constant 80 : index
      %get3A_551 = tpu.vector_load %arg11[%get3A_549, %get3A_550] {strides = array<i32>} : memref<80x128xf32, #tpu.memory_space<vmem>>, vector<1x16xf32>,
      %get3A_552 = vector.shape_cast %get3A_551 : vector<1x16xf32> to vector<16xf32>
      %mul3A_553 = arith.mulf %get3A_552, %broadcast_in_dim3A_498 : vector<16xf32>
      %swap3A_554 = arith.index_cast %add3A_495 : i32 to index
      %swap3A_555 = arith.constant 80 : index
      %swap3A_556 = tpu.vector_load %arg11[%swap3A_554, %swap3A_555] {strides = array<i32>} : memref<80x128xf32, #tpu.memory_space<vmem>>, vector<1x16xf32>,
      %swap3A_557 = vector.shape_cast %swap3A_556 : vector<1x16xf32> to vector<16xf32>
      %swap3A_558 = vector.shape_cast %mul3A_553 : vector<16xf32> to vector<1x16xf32>
      tpu.vector_store %arg11[%swap3A_554, %swap3A_555], %swap3A_558 {strides = array<i32>} : memref<80x128xf32, #tpu.memory_space<vmem>>, vector<1x16xf32>,
      %get3A_559 = arith.index_cast %add3A_495 : i32 to index
      %get3A_560 = arith.constant 96 : index
      %get3A_561 = tpu.vector_load %arg11[%get3A_559, %get3A_560] {strides = array<i32>} : memref<80x128xf32, #tpu.memory_space<vmem>>, vector<1x16xf32>,
      %get3A_562 = vector.shape_cast %get3A_561 : vector<1x16xf32> to vector<16xf32>
      %mul3A_563 = arith.mulf %get3A_562, %broadcast_in_dim3A_498 : vector<16xf32>
      %swap3A_564 = arith.index_cast %add3A_495 : i32 to index
      %swap3A_565 = arith.constant 96 : index
      %swap3A_566 = tpu.vector_load %arg11[%swap3A_564, %swap3A_565] {strides = array<i32>} : memref<80x128xf32, #tpu.memory_space<vmem>>, vector<1x16xf32>,
      %swap3A_567 = vector.shape_cast %swap3A_566 : vector<1x16xf32> to vector<16xf32>
      %swap3A_568 = vector.shape_cast %mul3A_563 : vector<16xf32> to vector<1x16xf32>
      tpu.vector_store %arg11[%swap3A_564, %swap3A_565], %swap3A_568 {strides = array<i32>} : memref<80x128xf32, #tpu.memory_space<vmem>>, vector<1x16xf32>,
      %get3A_569 = arith.index_cast %add3A_495 : i32 to index
      %get3A_570 = arith.constant 112 : index
      %get3A_571 = tpu.vector_load %arg11[%get3A_569, %get3A_570] {strides = array<i32>} : memref<80x128xf32, #tpu.memory_space<vmem>>, vector<1x16xf32>,
      %get3A_572 = vector.shape_cast %get3A_571 : vector<1x16xf32> to vector<16xf32>
      %mul3A_573 = arith.mulf %get3A_572, %broadcast_in_dim3A_498 : vector<16xf32>
      %swap3A_574 = arith.index_cast %add3A_495 : i32 to index
      %swap3A_575 = arith.constant 112 : index
      %swap3A_576 = tpu.vector_load %arg11[%swap3A_574, %swap3A_575] {strides = array<i32>} : memref<80x128xf32, #tpu.memory_space<vmem>>, vector<1x16xf32>,
      %swap3A_577 = vector.shape_cast %swap3A_576 : vector<1x16xf32> to vector<16xf32>
      %swap3A_578 = vector.shape_cast %mul3A_573 : vector<16xf32> to vector<1x16xf32>
      tpu.vector_store %arg11[%swap3A_574, %swap3A_575], %swap3A_578 {strides = array<i32>} : memref<80x128xf32, #tpu.memory_space<vmem>>, vector<1x16xf32>,
      %mul3A_579 = arith.constant 16 : i32
      %mul3A_580 = arith.muli %scan3A_53, %mul3A_579 : i32
      %add3A_581 = arith.constant 6 : i32
      %add3A_582 = arith.addi %mul3A_580, %add3A_581 : i32
      %slice3A_583 = vector.extract_strided_slice %get3A_60 {offsets = [6], sizes = [1], strides = [1]} : vector<16xf32> to vector<1xf32>
      %squeeze3A_584 = vector.extract %slice3A_583[0] : f32 from vector<1xf32>
      %broadcast_in_dim3A_585 = vector.broadcast %squeeze3A_584 : f32 to vector<16xf32>
      %get3A_586 = arith.index_cast %add3A_582 : i32 to index
      %get3A_587 = arith.constant 0 : index
      %get3A_588 = tpu.vector_load %arg11[%get3A_586, %get3A_587] {strides = array<i32>} : memref<80x128xf32, #tpu.memory_space<vmem>>, vector<1x16xf32>,
      %get3A_589 = vector.shape_cast %get3A_588 : vector<1x16xf32> to vector<16xf32>
      %mul3A_590 = arith.mulf %get3A_589, %broadcast_in_dim3A_585 : vector<16xf32>
      %swap3A_591 = arith.index_cast %add3A_582 : i32 to index
      %swap3A_592 = arith.constant 0 : index
      %swap3A_593 = tpu.vector_load %arg11[%swap3A_591, %swap3A_592] {strides = array<i32>} : memref<80x128xf32, #tpu.memory_space<vmem>>, vector<1x16xf32>,
      %swap3A_594 = vector.shape_cast %swap3A_593 : vector<1x16xf32> to vector<16xf32>
      %swap3A_595 = vector.shape_cast %mul3A_590 : vector<16xf32> to vector<1x16xf32>
      tpu.vector_store %arg11[%swap3A_591, %swap3A_592], %swap3A_595 {strides = array<i32>} : memref<80x128xf32, #tpu.memory_space<vmem>>, vector<1x16xf32>,
      %get3A_596 = arith.index_cast %add3A_582 : i32 to index
      %get3A_597 = arith.constant 16 : index
      %get3A_598 = tpu.vector_load %arg11[%get3A_596, %get3A_597] {strides = array<i32>} : memref<80x128xf32, #tpu.memory_space<vmem>>, vector<1x16xf32>,
      %get3A_599 = vector.shape_cast %get3A_598 : vector<1x16xf32> to vector<16xf32>
      %mul3A_600 = arith.mulf %get3A_599, %broadcast_in_dim3A_585 : vector<16xf32>
      %swap3A_601 = arith.index_cast %add3A_582 : i32 to index
      %swap3A_602 = arith.constant 16 : index
      %swap3A_603 = tpu.vector_load %arg11[%swap3A_601, %swap3A_602] {strides = array<i32>} : memref<80x128xf32, #tpu.memory_space<vmem>>, vector<1x16xf32>,
      %swap3A_604 = vector.shape_cast %swap3A_603 : vector<1x16xf32> to vector<16xf32>
      %swap3A_605 = vector.shape_cast %mul3A_600 : vector<16xf32> to vector<1x16xf32>
      tpu.vector_store %arg11[%swap3A_601, %swap3A_602], %swap3A_605 {strides = array<i32>} : memref<80x128xf32, #tpu.memory_space<vmem>>, vector<1x16xf32>,
      %get3A_606 = arith.index_cast %add3A_582 : i32 to index
      %get3A_607 = arith.constant 32 : index
      %get3A_608 = tpu.vector_load %arg11[%get3A_606, %get3A_607] {strides = array<i32>} : memref<80x128xf32, #tpu.memory_space<vmem>>, vector<1x16xf32>,
      %get3A_609 = vector.shape_cast %get3A_608 : vector<1x16xf32> to vector<16xf32>
      %mul3A_610 = arith.mulf %get3A_609, %broadcast_in_dim3A_585 : vector<16xf32>
      %swap3A_611 = arith.index_cast %add3A_582 : i32 to index
      %swap3A_612 = arith.constant 32 : index
      %swap3A_613 = tpu.vector_load %arg11[%swap3A_611, %swap3A_612] {strides = array<i32>} : memref<80x128xf32, #tpu.memory_space<vmem>>, vector<1x16xf32>,
      %swap3A_614 = vector.shape_cast %swap3A_613 : vector<1x16xf32> to vector<16xf32>
      %swap3A_615 = vector.shape_cast %mul3A_610 : vector<16xf32> to vector<1x16xf32>
      tpu.vector_store %arg11[%swap3A_611, %swap3A_612], %swap3A_615 {strides = array<i32>} : memref<80x128xf32, #tpu.memory_space<vmem>>, vector<1x16xf32>,
      %get3A_616 = arith.index_cast %add3A_582 : i32 to index
      %get3A_617 = arith.constant 48 : index
      %get3A_618 = tpu.vector_load %arg11[%get3A_616, %get3A_617] {strides = array<i32>} : memref<80x128xf32, #tpu.memory_space<vmem>>, vector<1x16xf32>,
      %get3A_619 = vector.shape_cast %get3A_618 : vector<1x16xf32> to vector<16xf32>
      %mul3A_620 = arith.mulf %get3A_619, %broadcast_in_dim3A_585 : vector<16xf32>
      %swap3A_621 = arith.index_cast %add3A_582 : i32 to index
      %swap3A_622 = arith.constant 48 : index
      %swap3A_623 = tpu.vector_load %arg11[%swap3A_621, %swap3A_622] {strides = array<i32>} : memref<80x128xf32, #tpu.memory_space<vmem>>, vector<1x16xf32>,
      %swap3A_624 = vector.shape_cast %swap3A_623 : vector<1x16xf32> to vector<16xf32>
      %swap3A_625 = vector.shape_cast %mul3A_620 : vector<16xf32> to vector<1x16xf32>
      tpu.vector_store %arg11[%swap3A_621, %swap3A_622], %swap3A_625 {strides = array<i32>} : memref<80x128xf32, #tpu.memory_space<vmem>>, vector<1x16xf32>,
      %get3A_626 = arith.index_cast %add3A_582 : i32 to index
      %get3A_627 = arith.constant 64 : index
      %get3A_628 = tpu.vector_load %arg11[%get3A_626, %get3A_627] {strides = array<i32>} : memref<80x128xf32, #tpu.memory_space<vmem>>, vector<1x16xf32>,
      %get3A_629 = vector.shape_cast %get3A_628 : vector<1x16xf32> to vector<16xf32>
      %mul3A_630 = arith.mulf %get3A_629, %broadcast_in_dim3A_585 : vector<16xf32>
      %swap3A_631 = arith.index_cast %add3A_582 : i32 to index
      %swap3A_632 = arith.constant 64 : index
      %swap3A_633 = tpu.vector_load %arg11[%swap3A_631, %swap3A_632] {strides = array<i32>} : memref<80x128xf32, #tpu.memory_space<vmem>>, vector<1x16xf32>,
      %swap3A_634 = vector.shape_cast %swap3A_633 : vector<1x16xf32> to vector<16xf32>
      %swap3A_635 = vector.shape_cast %mul3A_630 : vector<16xf32> to vector<1x16xf32>
      tpu.vector_store %arg11[%swap3A_631, %swap3A_632], %swap3A_635 {strides = array<i32>} : memref<80x128xf32, #tpu.memory_space<vmem>>, vector<1x16xf32>,
      %get3A_636 = arith.index_cast %add3A_582 : i32 to index
      %get3A_637 = arith.constant 80 : index
      %get3A_638 = tpu.vector_load %arg11[%get3A_636, %get3A_637] {strides = array<i32>} : memref<80x128xf32, #tpu.memory_space<vmem>>, vector<1x16xf32>,
      %get3A_639 = vector.shape_cast %get3A_638 : vector<1x16xf32> to vector<16xf32>
      %mul3A_640 = arith.mulf %get3A_639, %broadcast_in_dim3A_585 : vector<16xf32>
      %swap3A_641 = arith.index_cast %add3A_582 : i32 to index
      %swap3A_642 = arith.constant 80 : index
      %swap3A_643 = tpu.vector_load %arg11[%swap3A_641, %swap3A_642] {strides = array<i32>} : memref<80x128xf32, #tpu.memory_space<vmem>>, vector<1x16xf32>,
      %swap3A_644 = vector.shape_cast %swap3A_643 : vector<1x16xf32> to vector<16xf32>
      %swap3A_645 = vector.shape_cast %mul3A_640 : vector<16xf32> to vector<1x16xf32>
      tpu.vector_store %arg11[%swap3A_641, %swap3A_642], %swap3A_645 {strides = array<i32>} : memref<80x128xf32, #tpu.memory_space<vmem>>, vector<1x16xf32>,
      %get3A_646 = arith.index_cast %add3A_582 : i32 to index
      %get3A_647 = arith.constant 96 : index
      %get3A_648 = tpu.vector_load %arg11[%get3A_646, %get3A_647] {strides = array<i32>} : memref<80x128xf32, #tpu.memory_space<vmem>>, vector<1x16xf32>,
      %get3A_649 = vector.shape_cast %get3A_648 : vector<1x16xf32> to vector<16xf32>
      %mul3A_650 = arith.mulf %get3A_649, %broadcast_in_dim3A_585 : vector<16xf32>
      %swap3A_651 = arith.index_cast %add3A_582 : i32 to index
      %swap3A_652 = arith.constant 96 : index
      %swap3A_653 = tpu.vector_load %arg11[%swap3A_651, %swap3A_652] {strides = array<i32>} : memref<80x128xf32, #tpu.memory_space<vmem>>, vector<1x16xf32>,
      %swap3A_654 = vector.shape_cast %swap3A_653 : vector<1x16xf32> to vector<16xf32>
      %swap3A_655 = vector.shape_cast %mul3A_650 : vector<16xf32> to vector<1x16xf32>
      tpu.vector_store %arg11[%swap3A_651, %swap3A_652], %swap3A_655 {strides = array<i32>} : memref<80x128xf32, #tpu.memory_space<vmem>>, vector<1x16xf32>,
      %get3A_656 = arith.index_cast %add3A_582 : i32 to index
      %get3A_657 = arith.constant 112 : index
      %get3A_658 = tpu.vector_load %arg11[%get3A_656, %get3A_657] {strides = array<i32>} : memref<80x128xf32, #tpu.memory_space<vmem>>, vector<1x16xf32>,
      %get3A_659 = vector.shape_cast %get3A_658 : vector<1x16xf32> to vector<16xf32>
      %mul3A_660 = arith.mulf %get3A_659, %broadcast_in_dim3A_585 : vector<16xf32>
      %swap3A_661 = arith.index_cast %add3A_582 : i32 to index
      %swap3A_662 = arith.constant 112 : index
      %swap3A_663 = tpu.vector_load %arg11[%swap3A_661, %swap3A_662] {strides = array<i32>} : memref<80x128xf32, #tpu.memory_space<vmem>>, vector<1x16xf32>,
      %swap3A_664 = vector.shape_cast %swap3A_663 : vector<1x16xf32> to vector<16xf32>
      %swap3A_665 = vector.shape_cast %mul3A_660 : vector<16xf32> to vector<1x16xf32>
      tpu.vector_store %arg11[%swap3A_661, %swap3A_662], %swap3A_665 {strides = array<i32>} : memref<80x128xf32, #tpu.memory_space<vmem>>, vector<1x16xf32>,
      %mul3A_666 = arith.constant 16 : i32
      %mul3A_667 = arith.muli %scan3A_53, %mul3A_666 : i32
      %add3A_668 = arith.constant 7 : i32
      %add3A_669 = arith.addi %mul3A_667, %add3A_668 : i32
      %slice3A_670 = vector.extract_strided_slice %get3A_60 {offsets = [7], sizes = [1], strides = [1]} : vector<16xf32> to vector<1xf32>
      %squeeze3A_671 = vector.extract %slice3A_670[0] : f32 from vector<1xf32>
      %broadcast_in_dim3A_672 = vector.broadcast %squeeze3A_671 : f32 to vector<16xf32>
      %get3A_673 = arith.index_cast %add3A_669 : i32 to index
      %get3A_674 = arith.constant 0 : index
      %get3A_675 = tpu.vector_load %arg11[%get3A_673, %get3A_674] {strides = array<i32>} : memref<80x128xf32, #tpu.memory_space<vmem>>, vector<1x16xf32>,
      %get3A_676 = vector.shape_cast %get3A_675 : vector<1x16xf32> to vector<16xf32>
      %mul3A_677 = arith.mulf %get3A_676, %broadcast_in_dim3A_672 : vector<16xf32>
      %swap3A_678 = arith.index_cast %add3A_669 : i32 to index
      %swap3A_679 = arith.constant 0 : index
      %swap3A_680 = tpu.vector_load %arg11[%swap3A_678, %swap3A_679] {strides = array<i32>} : memref<80x128xf32, #tpu.memory_space<vmem>>, vector<1x16xf32>,
      %swap3A_681 = vector.shape_cast %swap3A_680 : vector<1x16xf32> to vector<16xf32>
      %swap3A_682 = vector.shape_cast %mul3A_677 : vector<16xf32> to vector<1x16xf32>
      tpu.vector_store %arg11[%swap3A_678, %swap3A_679], %swap3A_682 {strides = array<i32>} : memref<80x128xf32, #tpu.memory_space<vmem>>, vector<1x16xf32>,
      %get3A_683 = arith.index_cast %add3A_669 : i32 to index
      %get3A_684 = arith.constant 16 : index
      %get3A_685 = tpu.vector_load %arg11[%get3A_683, %get3A_684] {strides = array<i32>} : memref<80x128xf32, #tpu.memory_space<vmem>>, vector<1x16xf32>,
      %get3A_686 = vector.shape_cast %get3A_685 : vector<1x16xf32> to vector<16xf32>
      %mul3A_687 = arith.mulf %get3A_686, %broadcast_in_dim3A_672 : vector<16xf32>
      %swap3A_688 = arith.index_cast %add3A_669 : i32 to index
      %swap3A_689 = arith.constant 16 : index
      %swap3A_690 = tpu.vector_load %arg11[%swap3A_688, %swap3A_689] {strides = array<i32>} : memref<80x128xf32, #tpu.memory_space<vmem>>, vector<1x16xf32>,
      %swap3A_691 = vector.shape_cast %swap3A_690 : vector<1x16xf32> to vector<16xf32>
      %swap3A_692 = vector.shape_cast %mul3A_687 : vector<16xf32> to vector<1x16xf32>
      tpu.vector_store %arg11[%swap3A_688, %swap3A_689], %swap3A_692 {strides = array<i32>} : memref<80x128xf32, #tpu.memory_space<vmem>>, vector<1x16xf32>,
      %get3A_693 = arith.index_cast %add3A_669 : i32 to index
      %get3A_694 = arith.constant 32 : index
      %get3A_695 = tpu.vector_load %arg11[%get3A_693, %get3A_694] {strides = array<i32>} : memref<80x128xf32, #tpu.memory_space<vmem>>, vector<1x16xf32>,
      %get3A_696 = vector.shape_cast %get3A_695 : vector<1x16xf32> to vector<16xf32>
      %mul3A_697 = arith.mulf %get3A_696, %broadcast_in_dim3A_672 : vector<16xf32>
      %swap3A_698 = arith.index_cast %add3A_669 : i32 to index
      %swap3A_699 = arith.constant 32 : index
      %swap3A_700 = tpu.vector_load %arg11[%swap3A_698, %swap3A_699] {strides = array<i32>} : memref<80x128xf32, #tpu.memory_space<vmem>>, vector<1x16xf32>,
      %swap3A_701 = vector.shape_cast %swap3A_700 : vector<1x16xf32> to vector<16xf32>
      %swap3A_702 = vector.shape_cast %mul3A_697 : vector<16xf32> to vector<1x16xf32>
      tpu.vector_store %arg11[%swap3A_698, %swap3A_699], %swap3A_702 {strides = array<i32>} : memref<80x128xf32, #tpu.memory_space<vmem>>, vector<1x16xf32>,
      %get3A_703 = arith.index_cast %add3A_669 : i32 to index
      %get3A_704 = arith.constant 48 : index
      %get3A_705 = tpu.vector_load %arg11[%get3A_703, %get3A_704] {strides = array<i32>} : memref<80x128xf32, #tpu.memory_space<vmem>>, vector<1x16xf32>,
      %get3A_706 = vector.shape_cast %get3A_705 : vector<1x16xf32> to vector<16xf32>
      %mul3A_707 = arith.mulf %get3A_706, %broadcast_in_dim3A_672 : vector<16xf32>
      %swap3A_708 = arith.index_cast %add3A_669 : i32 to index
      %swap3A_709 = arith.constant 48 : index
      %swap3A_710 = tpu.vector_load %arg11[%swap3A_708, %swap3A_709] {strides = array<i32>} : memref<80x128xf32, #tpu.memory_space<vmem>>, vector<1x16xf32>,
      %swap3A_711 = vector.shape_cast %swap3A_710 : vector<1x16xf32> to vector<16xf32>
      %swap3A_712 = vector.shape_cast %mul3A_707 : vector<16xf32> to vector<1x16xf32>
      tpu.vector_store %arg11[%swap3A_708, %swap3A_709], %swap3A_712 {strides = array<i32>} : memref<80x128xf32, #tpu.memory_space<vmem>>, vector<1x16xf32>,
      %get3A_713 = arith.index_cast %add3A_669 : i32 to index
      %get3A_714 = arith.constant 64 : index
      %get3A_715 = tpu.vector_load %arg11[%get3A_713, %get3A_714] {strides = array<i32>} : memref<80x128xf32, #tpu.memory_space<vmem>>, vector<1x16xf32>,
      %get3A_716 = vector.shape_cast %get3A_715 : vector<1x16xf32> to vector<16xf32>
      %mul3A_717 = arith.mulf %get3A_716, %broadcast_in_dim3A_672 : vector<16xf32>
      %swap3A_718 = arith.index_cast %add3A_669 : i32 to index
      %swap3A_719 = arith.constant 64 : index
      %swap3A_720 = tpu.vector_load %arg11[%swap3A_718, %swap3A_719] {strides = array<i32>} : memref<80x128xf32, #tpu.memory_space<vmem>>, vector<1x16xf32>,
      %swap3A_721 = vector.shape_cast %swap3A_720 : vector<1x16xf32> to vector<16xf32>
      %swap3A_722 = vector.shape_cast %mul3A_717 : vector<16xf32> to vector<1x16xf32>
      tpu.vector_store %arg11[%swap3A_718, %swap3A_719], %swap3A_722 {strides = array<i32>} : memref<80x128xf32, #tpu.memory_space<vmem>>, vector<1x16xf32>,
      %get3A_723 = arith.index_cast %add3A_669 : i32 to index
      %get3A_724 = arith.constant 80 : index
      %get3A_725 = tpu.vector_load %arg11[%get3A_723, %get3A_724] {strides = array<i32>} : memref<80x128xf32, #tpu.memory_space<vmem>>, vector<1x16xf32>,
      %get3A_726 = vector.shape_cast %get3A_725 : vector<1x16xf32> to vector<16xf32>
      %mul3A_727 = arith.mulf %get3A_726, %broadcast_in_dim3A_672 : vector<16xf32>
      %swap3A_728 = arith.index_cast %add3A_669 : i32 to index
      %swap3A_729 = arith.constant 80 : index
      %swap3A_730 = tpu.vector_load %arg11[%swap3A_728, %swap3A_729] {strides = array<i32>} : memref<80x128xf32, #tpu.memory_space<vmem>>, vector<1x16xf32>,
      %swap3A_731 = vector.shape_cast %swap3A_730 : vector<1x16xf32> to vector<16xf32>
      %swap3A_732 = vector.shape_cast %mul3A_727 : vector<16xf32> to vector<1x16xf32>
      tpu.vector_store %arg11[%swap3A_728, %swap3A_729], %swap3A_732 {strides = array<i32>} : memref<80x128xf32, #tpu.memory_space<vmem>>, vector<1x16xf32>,
      %get3A_733 = arith.index_cast %add3A_669 : i32 to index
      %get3A_734 = arith.constant 96 : index
      %get3A_735 = tpu.vector_load %arg11[%get3A_733, %get3A_734] {strides = array<i32>} : memref<80x128xf32, #tpu.memory_space<vmem>>, vector<1x16xf32>,
      %get3A_736 = vector.shape_cast %get3A_735 : vector<1x16xf32> to vector<16xf32>
      %mul3A_737 = arith.mulf %get3A_736, %broadcast_in_dim3A_672 : vector<16xf32>
      %swap3A_738 = arith.index_cast %add3A_669 : i32 to index
      %swap3A_739 = arith.constant 96 : index
      %swap3A_740 = tpu.vector_load %arg11[%swap3A_738, %swap3A_739] {strides = array<i32>} : memref<80x128xf32, #tpu.memory_space<vmem>>, vector<1x16xf32>,
      %swap3A_741 = vector.shape_cast %swap3A_740 : vector<1x16xf32> to vector<16xf32>
      %swap3A_742 = vector.shape_cast %mul3A_737 : vector<16xf32> to vector<1x16xf32>
      tpu.vector_store %arg11[%swap3A_738, %swap3A_739], %swap3A_742 {strides = array<i32>} : memref<80x128xf32, #tpu.memory_space<vmem>>, vector<1x16xf32>,
      %get3A_743 = arith.index_cast %add3A_669 : i32 to index
      %get3A_744 = arith.constant 112 : index
      %get3A_745 = tpu.vector_load %arg11[%get3A_743, %get3A_744] {strides = array<i32>} : memref<80x128xf32, #tpu.memory_space<vmem>>, vector<1x16xf32>,
      %get3A_746 = vector.shape_cast %get3A_745 : vector<1x16xf32> to vector<16xf32>
      %mul3A_747 = arith.mulf %get3A_746, %broadcast_in_dim3A_672 : vector<16xf32>
      %swap3A_748 = arith.index_cast %add3A_669 : i32 to index
      %swap3A_749 = arith.constant 112 : index
      %swap3A_750 = tpu.vector_load %arg11[%swap3A_748, %swap3A_749] {strides = array<i32>} : memref<80x128xf32, #tpu.memory_space<vmem>>, vector<1x16xf32>,
      %swap3A_751 = vector.shape_cast %swap3A_750 : vector<1x16xf32> to vector<16xf32>
      %swap3A_752 = vector.shape_cast %mul3A_747 : vector<16xf32> to vector<1x16xf32>
      tpu.vector_store %arg11[%swap3A_748, %swap3A_749], %swap3A_752 {strides = array<i32>} : memref<80x128xf32, #tpu.memory_space<vmem>>, vector<1x16xf32>,
      %mul3A_753 = arith.constant 16 : i32
      %mul3A_754 = arith.muli %scan3A_53, %mul3A_753 : i32
      %add3A_755 = arith.constant 8 : i32
      %add3A_756 = arith.addi %mul3A_754, %add3A_755 : i32
      %slice3A_757 = vector.extract_strided_slice %get3A_60 {offsets = [8], sizes = [1], strides = [1]} : vector<16xf32> to vector<1xf32>
      %squeeze3A_758 = vector.extract %slice3A_757[0] : f32 from vector<1xf32>
      %broadcast_in_dim3A_759 = vector.broadcast %squeeze3A_758 : f32 to vector<16xf32>
      %get3A_760 = arith.index_cast %add3A_756 : i32 to index
      %get3A_761 = arith.constant 0 : index
      %get3A_762 = tpu.vector_load %arg11[%get3A_760, %get3A_761] {strides = array<i32>} : memref<80x128xf32, #tpu.memory_space<vmem>>, vector<1x16xf32>,
      %get3A_763 = vector.shape_cast %get3A_762 : vector<1x16xf32> to vector<16xf32>
      %mul3A_764 = arith.mulf %get3A_763, %broadcast_in_dim3A_759 : vector<16xf32>
      %swap3A_765 = arith.index_cast %add3A_756 : i32 to index
      %swap3A_766 = arith.constant 0 : index
      %swap3A_767 = tpu.vector_load %arg11[%swap3A_765, %swap3A_766] {strides = array<i32>} : memref<80x128xf32, #tpu.memory_space<vmem>>, vector<1x16xf32>,
      %swap3A_768 = vector.shape_cast %swap3A_767 : vector<1x16xf32> to vector<16xf32>
      %swap3A_769 = vector.shape_cast %mul3A_764 : vector<16xf32> to vector<1x16xf32>
      tpu.vector_store %arg11[%swap3A_765, %swap3A_766], %swap3A_769 {strides = array<i32>} : memref<80x128xf32, #tpu.memory_space<vmem>>, vector<1x16xf32>,
      %get3A_770 = arith.index_cast %add3A_756 : i32 to index
      %get3A_771 = arith.constant 16 : index
      %get3A_772 = tpu.vector_load %arg11[%get3A_770, %get3A_771] {strides = array<i32>} : memref<80x128xf32, #tpu.memory_space<vmem>>, vector<1x16xf32>,
      %get3A_773 = vector.shape_cast %get3A_772 : vector<1x16xf32> to vector<16xf32>
      %mul3A_774 = arith.mulf %get3A_773, %broadcast_in_dim3A_759 : vector<16xf32>
      %swap3A_775 = arith.index_cast %add3A_756 : i32 to index
      %swap3A_776 = arith.constant 16 : index
      %swap3A_777 = tpu.vector_load %arg11[%swap3A_775, %swap3A_776] {strides = array<i32>} : memref<80x128xf32, #tpu.memory_space<vmem>>, vector<1x16xf32>,
      %swap3A_778 = vector.shape_cast %swap3A_777 : vector<1x16xf32> to vector<16xf32>
      %swap3A_779 = vector.shape_cast %mul3A_774 : vector<16xf32> to vector<1x16xf32>
      tpu.vector_store %arg11[%swap3A_775, %swap3A_776], %swap3A_779 {strides = array<i32>} : memref<80x128xf32, #tpu.memory_space<vmem>>, vector<1x16xf32>,
      %get3A_780 = arith.index_cast %add3A_756 : i32 to index
      %get3A_781 = arith.constant 32 : index
      %get3A_782 = tpu.vector_load %arg11[%get3A_780, %get3A_781] {strides = array<i32>} : memref<80x128xf32, #tpu.memory_space<vmem>>, vector<1x16xf32>,
      %get3A_783 = vector.shape_cast %get3A_782 : vector<1x16xf32> to vector<16xf32>
      %mul3A_784 = arith.mulf %get3A_783, %broadcast_in_dim3A_759 : vector<16xf32>
      %swap3A_785 = arith.index_cast %add3A_756 : i32 to index
      %swap3A_786 = arith.constant 32 : index
      %swap3A_787 = tpu.vector_load %arg11[%swap3A_785, %swap3A_786] {strides = array<i32>} : memref<80x128xf32, #tpu.memory_space<vmem>>, vector<1x16xf32>,
      %swap3A_788 = vector.shape_cast %swap3A_787 : vector<1x16xf32> to vector<16xf32>
      %swap3A_789 = vector.shape_cast %mul3A_784 : vector<16xf32> to vector<1x16xf32>
      tpu.vector_store %arg11[%swap3A_785, %swap3A_786], %swap3A_789 {strides = array<i32>} : memref<80x128xf32, #tpu.memory_space<vmem>>, vector<1x16xf32>,
      %get3A_790 = arith.index_cast %add3A_756 : i32 to index
      %get3A_791 = arith.constant 48 : index
      %get3A_792 = tpu.vector_load %arg11[%get3A_790, %get3A_791] {strides = array<i32>} : memref<80x128xf32, #tpu.memory_space<vmem>>, vector<1x16xf32>,
      %get3A_793 = vector.shape_cast %get3A_792 : vector<1x16xf32> to vector<16xf32>
      %mul3A_794 = arith.mulf %get3A_793, %broadcast_in_dim3A_759 : vector<16xf32>
      %swap3A_795 = arith.index_cast %add3A_756 : i32 to index
      %swap3A_796 = arith.constant 48 : index
      %swap3A_797 = tpu.vector_load %arg11[%swap3A_795, %swap3A_796] {strides = array<i32>} : memref<80x128xf32, #tpu.memory_space<vmem>>, vector<1x16xf32>,
      %swap3A_798 = vector.shape_cast %swap3A_797 : vector<1x16xf32> to vector<16xf32>
      %swap3A_799 = vector.shape_cast %mul3A_794 : vector<16xf32> to vector<1x16xf32>
      tpu.vector_store %arg11[%swap3A_795, %swap3A_796], %swap3A_799 {strides = array<i32>} : memref<80x128xf32, #tpu.memory_space<vmem>>, vector<1x16xf32>,
      %get3A_800 = arith.index_cast %add3A_756 : i32 to index
      %get3A_801 = arith.constant 64 : index
      %get3A_802 = tpu.vector_load %arg11[%get3A_800, %get3A_801] {strides = array<i32>} : memref<80x128xf32, #tpu.memory_space<vmem>>, vector<1x16xf32>,
      %get3A_803 = vector.shape_cast %get3A_802 : vector<1x16xf32> to vector<16xf32>
      %mul3A_804 = arith.mulf %get3A_803, %broadcast_in_dim3A_759 : vector<16xf32>
      %swap3A_805 = arith.index_cast %add3A_756 : i32 to index
      %swap3A_806 = arith.constant 64 : index
      %swap3A_807 = tpu.vector_load %arg11[%swap3A_805, %swap3A_806] {strides = array<i32>} : memref<80x128xf32, #tpu.memory_space<vmem>>, vector<1x16xf32>,
      %swap3A_808 = vector.shape_cast %swap3A_807 : vector<1x16xf32> to vector<16xf32>
      %swap3A_809 = vector.shape_cast %mul3A_804 : vector<16xf32> to vector<1x16xf32>
      tpu.vector_store %arg11[%swap3A_805, %swap3A_806], %swap3A_809 {strides = array<i32>} : memref<80x128xf32, #tpu.memory_space<vmem>>, vector<1x16xf32>,
      %get3A_810 = arith.index_cast %add3A_756 : i32 to index
      %get3A_811 = arith.constant 80 : index
      %get3A_812 = tpu.vector_load %arg11[%get3A_810, %get3A_811] {strides = array<i32>} : memref<80x128xf32, #tpu.memory_space<vmem>>, vector<1x16xf32>,
      %get3A_813 = vector.shape_cast %get3A_812 : vector<1x16xf32> to vector<16xf32>
      %mul3A_814 = arith.mulf %get3A_813, %broadcast_in_dim3A_759 : vector<16xf32>
      %swap3A_815 = arith.index_cast %add3A_756 : i32 to index
      %swap3A_816 = arith.constant 80 : index
      %swap3A_817 = tpu.vector_load %arg11[%swap3A_815, %swap3A_816] {strides = array<i32>} : memref<80x128xf32, #tpu.memory_space<vmem>>, vector<1x16xf32>,
      %swap3A_818 = vector.shape_cast %swap3A_817 : vector<1x16xf32> to vector<16xf32>
      %swap3A_819 = vector.shape_cast %mul3A_814 : vector<16xf32> to vector<1x16xf32>
      tpu.vector_store %arg11[%swap3A_815, %swap3A_816], %swap3A_819 {strides = array<i32>} : memref<80x128xf32, #tpu.memory_space<vmem>>, vector<1x16xf32>,
      %get3A_820 = arith.index_cast %add3A_756 : i32 to index
      %get3A_821 = arith.constant 96 : index
      %get3A_822 = tpu.vector_load %arg11[%get3A_820, %get3A_821] {strides = array<i32>} : memref<80x128xf32, #tpu.memory_space<vmem>>, vector<1x16xf32>,
      %get3A_823 = vector.shape_cast %get3A_822 : vector<1x16xf32> to vector<16xf32>
      %mul3A_824 = arith.mulf %get3A_823, %broadcast_in_dim3A_759 : vector<16xf32>
      %swap3A_825 = arith.index_cast %add3A_756 : i32 to index
      %swap3A_826 = arith.constant 96 : index
      %swap3A_827 = tpu.vector_load %arg11[%swap3A_825, %swap3A_826] {strides = array<i32>} : memref<80x128xf32, #tpu.memory_space<vmem>>, vector<1x16xf32>,
      %swap3A_828 = vector.shape_cast %swap3A_827 : vector<1x16xf32> to vector<16xf32>
      %swap3A_829 = vector.shape_cast %mul3A_824 : vector<16xf32> to vector<1x16xf32>
      tpu.vector_store %arg11[%swap3A_825, %swap3A_826], %swap3A_829 {strides = array<i32>} : memref<80x128xf32, #tpu.memory_space<vmem>>, vector<1x16xf32>,
      %get3A_830 = arith.index_cast %add3A_756 : i32 to index
      %get3A_831 = arith.constant 112 : index
      %get3A_832 = tpu.vector_load %arg11[%get3A_830, %get3A_831] {strides = array<i32>} : memref<80x128xf32, #tpu.memory_space<vmem>>, vector<1x16xf32>,
      %get3A_833 = vector.shape_cast %get3A_832 : vector<1x16xf32> to vector<16xf32>
      %mul3A_834 = arith.mulf %get3A_833, %broadcast_in_dim3A_759 : vector<16xf32>
      %swap3A_835 = arith.index_cast %add3A_756 : i32 to index
      %swap3A_836 = arith.constant 112 : index
      %swap3A_837 = tpu.vector_load %arg11[%swap3A_835, %swap3A_836] {strides = array<i32>} : memref<80x128xf32, #tpu.memory_space<vmem>>, vector<1x16xf32>,
      %swap3A_838 = vector.shape_cast %swap3A_837 : vector<1x16xf32> to vector<16xf32>
      %swap3A_839 = vector.shape_cast %mul3A_834 : vector<16xf32> to vector<1x16xf32>
      tpu.vector_store %arg11[%swap3A_835, %swap3A_836], %swap3A_839 {strides = array<i32>} : memref<80x128xf32, #tpu.memory_space<vmem>>, vector<1x16xf32>,
      %mul3A_840 = arith.constant 16 : i32
      %mul3A_841 = arith.muli %scan3A_53, %mul3A_840 : i32
      %add3A_842 = arith.constant 9 : i32
      %add3A_843 = arith.addi %mul3A_841, %add3A_842 : i32
      %slice3A_844 = vector.extract_strided_slice %get3A_60 {offsets = [9], sizes = [1], strides = [1]} : vector<16xf32> to vector<1xf32>
      %squeeze3A_845 = vector.extract %slice3A_844[0] : f32 from vector<1xf32>
      %broadcast_in_dim3A_846 = vector.broadcast %squeeze3A_845 : f32 to vector<16xf32>
      %get3A_847 = arith.index_cast %add3A_843 : i32 to index
      %get3A_848 = arith.constant 0 : index
      %get3A_849 = tpu.vector_load %arg11[%get3A_847, %get3A_848] {strides = array<i32>} : memref<80x128xf32, #tpu.memory_space<vmem>>, vector<1x16xf32>,
      %get3A_850 = vector.shape_cast %get3A_849 : vector<1x16xf32> to vector<16xf32>
      %mul3A_851 = arith.mulf %get3A_850, %broadcast_in_dim3A_846 : vector<16xf32>
      %swap3A_852 = arith.index_cast %add3A_843 : i32 to index
      %swap3A_853 = arith.constant 0 : index
      %swap3A_854 = tpu.vector_load %arg11[%swap3A_852, %swap3A_853] {strides = array<i32>} : memref<80x128xf32, #tpu.memory_space<vmem>>, vector<1x16xf32>,
      %swap3A_855 = vector.shape_cast %swap3A_854 : vector<1x16xf32> to vector<16xf32>
      %swap3A_856 = vector.shape_cast %mul3A_851 : vector<16xf32> to vector<1x16xf32>
      tpu.vector_store %arg11[%swap3A_852, %swap3A_853], %swap3A_856 {strides = array<i32>} : memref<80x128xf32, #tpu.memory_space<vmem>>, vector<1x16xf32>,
      %get3A_857 = arith.index_cast %add3A_843 : i32 to index
      %get3A_858 = arith.constant 16 : index
      %get3A_859 = tpu.vector_load %arg11[%get3A_857, %get3A_858] {strides = array<i32>} : memref<80x128xf32, #tpu.memory_space<vmem>>, vector<1x16xf32>,
      %get3A_860 = vector.shape_cast %get3A_859 : vector<1x16xf32> to vector<16xf32>
      %mul3A_861 = arith.mulf %get3A_860, %broadcast_in_dim3A_846 : vector<16xf32>
      %swap3A_862 = arith.index_cast %add3A_843 : i32 to index
      %swap3A_863 = arith.constant 16 : index
      %swap3A_864 = tpu.vector_load %arg11[%swap3A_862, %swap3A_863] {strides = array<i32>} : memref<80x128xf32, #tpu.memory_space<vmem>>, vector<1x16xf32>,
      %swap3A_865 = vector.shape_cast %swap3A_864 : vector<1x16xf32> to vector<16xf32>
      %swap3A_866 = vector.shape_cast %mul3A_861 : vector<16xf32> to vector<1x16xf32>
      tpu.vector_store %arg11[%swap3A_862, %swap3A_863], %swap3A_866 {strides = array<i32>} : memref<80x128xf32, #tpu.memory_space<vmem>>, vector<1x16xf32>,
      %get3A_867 = arith.index_cast %add3A_843 : i32 to index
      %get3A_868 = arith.constant 32 : index
      %get3A_869 = tpu.vector_load %arg11[%get3A_867, %get3A_868] {strides = array<i32>} : memref<80x128xf32, #tpu.memory_space<vmem>>, vector<1x16xf32>,
      %get3A_870 = vector.shape_cast %get3A_869 : vector<1x16xf32> to vector<16xf32>
      %mul3A_871 = arith.mulf %get3A_870, %broadcast_in_dim3A_846 : vector<16xf32>
      %swap3A_872 = arith.index_cast %add3A_843 : i32 to index
      %swap3A_873 = arith.constant 32 : index
      %swap3A_874 = tpu.vector_load %arg11[%swap3A_872, %swap3A_873] {strides = array<i32>} : memref<80x128xf32, #tpu.memory_space<vmem>>, vector<1x16xf32>,
      %swap3A_875 = vector.shape_cast %swap3A_874 : vector<1x16xf32> to vector<16xf32>
      %swap3A_876 = vector.shape_cast %mul3A_871 : vector<16xf32> to vector<1x16xf32>
      tpu.vector_store %arg11[%swap3A_872, %swap3A_873], %swap3A_876 {strides = array<i32>} : memref<80x128xf32, #tpu.memory_space<vmem>>, vector<1x16xf32>,
      %get3A_877 = arith.index_cast %add3A_843 : i32 to index
      %get3A_878 = arith.constant 48 : index
      %get3A_879 = tpu.vector_load %arg11[%get3A_877, %get3A_878] {strides = array<i32>} : memref<80x128xf32, #tpu.memory_space<vmem>>, vector<1x16xf32>,
      %get3A_880 = vector.shape_cast %get3A_879 : vector<1x16xf32> to vector<16xf32>
      %mul3A_881 = arith.mulf %get3A_880, %broadcast_in_dim3A_846 : vector<16xf32>
      %swap3A_882 = arith.index_cast %add3A_843 : i32 to index
      %swap3A_883 = arith.constant 48 : index
      %swap3A_884 = tpu.vector_load %arg11[%swap3A_882, %swap3A_883] {strides = array<i32>} : memref<80x128xf32, #tpu.memory_space<vmem>>, vector<1x16xf32>,
      %swap3A_885 = vector.shape_cast %swap3A_884 : vector<1x16xf32> to vector<16xf32>
      %swap3A_886 = vector.shape_cast %mul3A_881 : vector<16xf32> to vector<1x16xf32>
      tpu.vector_store %arg11[%swap3A_882, %swap3A_883], %swap3A_886 {strides = array<i32>} : memref<80x128xf32, #tpu.memory_space<vmem>>, vector<1x16xf32>,
      %get3A_887 = arith.index_cast %add3A_843 : i32 to index
      %get3A_888 = arith.constant 64 : index
      %get3A_889 = tpu.vector_load %arg11[%get3A_887, %get3A_888] {strides = array<i32>} : memref<80x128xf32, #tpu.memory_space<vmem>>, vector<1x16xf32>,
      %get3A_890 = vector.shape_cast %get3A_889 : vector<1x16xf32> to vector<16xf32>
      %mul3A_891 = arith.mulf %get3A_890, %broadcast_in_dim3A_846 : vector<16xf32>
      %swap3A_892 = arith.index_cast %add3A_843 : i32 to index
      %swap3A_893 = arith.constant 64 : index
      %swap3A_894 = tpu.vector_load %arg11[%swap3A_892, %swap3A_893] {strides = array<i32>} : memref<80x128xf32, #tpu.memory_space<vmem>>, vector<1x16xf32>,
      %swap3A_895 = vector.shape_cast %swap3A_894 : vector<1x16xf32> to vector<16xf32>
      %swap3A_896 = vector.shape_cast %mul3A_891 : vector<16xf32> to vector<1x16xf32>
      tpu.vector_store %arg11[%swap3A_892, %swap3A_893], %swap3A_896 {strides = array<i32>} : memref<80x128xf32, #tpu.memory_space<vmem>>, vector<1x16xf32>,
      %get3A_897 = arith.index_cast %add3A_843 : i32 to index
      %get3A_898 = arith.constant 80 : index
      %get3A_899 = tpu.vector_load %arg11[%get3A_897, %get3A_898] {strides = array<i32>} : memref<80x128xf32, #tpu.memory_space<vmem>>, vector<1x16xf32>,
      %get3A_900 = vector.shape_cast %get3A_899 : vector<1x16xf32> to vector<16xf32>
      %mul3A_901 = arith.mulf %get3A_900, %broadcast_in_dim3A_846 : vector<16xf32>
      %swap3A_902 = arith.index_cast %add3A_843 : i32 to index
      %swap3A_903 = arith.constant 80 : index
      %swap3A_904 = tpu.vector_load %arg11[%swap3A_902, %swap3A_903] {strides = array<i32>} : memref<80x128xf32, #tpu.memory_space<vmem>>, vector<1x16xf32>,
      %swap3A_905 = vector.shape_cast %swap3A_904 : vector<1x16xf32> to vector<16xf32>
      %swap3A_906 = vector.shape_cast %mul3A_901 : vector<16xf32> to vector<1x16xf32>
      tpu.vector_store %arg11[%swap3A_902, %swap3A_903], %swap3A_906 {strides = array<i32>} : memref<80x128xf32, #tpu.memory_space<vmem>>, vector<1x16xf32>,
      %get3A_907 = arith.index_cast %add3A_843 : i32 to index
      %get3A_908 = arith.constant 96 : index
      %get3A_909 = tpu.vector_load %arg11[%get3A_907, %get3A_908] {strides = array<i32>} : memref<80x128xf32, #tpu.memory_space<vmem>>, vector<1x16xf32>,
      %get3A_910 = vector.shape_cast %get3A_909 : vector<1x16xf32> to vector<16xf32>
      %mul3A_911 = arith.mulf %get3A_910, %broadcast_in_dim3A_846 : vector<16xf32>
      %swap3A_912 = arith.index_cast %add3A_843 : i32 to index
      %swap3A_913 = arith.constant 96 : index
      %swap3A_914 = tpu.vector_load %arg11[%swap3A_912, %swap3A_913] {strides = array<i32>} : memref<80x128xf32, #tpu.memory_space<vmem>>, vector<1x16xf32>,
      %swap3A_915 = vector.shape_cast %swap3A_914 : vector<1x16xf32> to vector<16xf32>
      %swap3A_916 = vector.shape_cast %mul3A_911 : vector<16xf32> to vector<1x16xf32>
      tpu.vector_store %arg11[%swap3A_912, %swap3A_913], %swap3A_916 {strides = array<i32>} : memref<80x128xf32, #tpu.memory_space<vmem>>, vector<1x16xf32>,
      %get3A_917 = arith.index_cast %add3A_843 : i32 to index
      %get3A_918 = arith.constant 112 : index
      %get3A_919 = tpu.vector_load %arg11[%get3A_917, %get3A_918] {strides = array<i32>} : memref<80x128xf32, #tpu.memory_space<vmem>>, vector<1x16xf32>,
      %get3A_920 = vector.shape_cast %get3A_919 : vector<1x16xf32> to vector<16xf32>
      %mul3A_921 = arith.mulf %get3A_920, %broadcast_in_dim3A_846 : vector<16xf32>
      %swap3A_922 = arith.index_cast %add3A_843 : i32 to index
      %swap3A_923 = arith.constant 112 : index
      %swap3A_924 = tpu.vector_load %arg11[%swap3A_922, %swap3A_923] {strides = array<i32>} : memref<80x128xf32, #tpu.memory_space<vmem>>, vector<1x16xf32>,
      %swap3A_925 = vector.shape_cast %swap3A_924 : vector<1x16xf32> to vector<16xf32>
      %swap3A_926 = vector.shape_cast %mul3A_921 : vector<16xf32> to vector<1x16xf32>
      tpu.vector_store %arg11[%swap3A_922, %swap3A_923], %swap3A_926 {strides = array<i32>} : memref<80x128xf32, #tpu.memory_space<vmem>>, vector<1x16xf32>,
      %mul3A_927 = arith.constant 16 : i32
      %mul3A_928 = arith.muli %scan3A_53, %mul3A_927 : i32
      %add3A_929 = arith.constant 10 : i32
      %add3A_930 = arith.addi %mul3A_928, %add3A_929 : i32
      %slice3A_931 = vector.extract_strided_slice %get3A_60 {offsets = [10], sizes = [1], strides = [1]} : vector<16xf32> to vector<1xf32>
      %squeeze3A_932 = vector.extract %slice3A_931[0] : f32 from vector<1xf32>
      %broadcast_in_dim3A_933 = vector.broadcast %squeeze3A_932 : f32 to vector<16xf32>
      %get3A_934 = arith.index_cast %add3A_930 : i32 to index
      %get3A_935 = arith.constant 0 : index
      %get3A_936 = tpu.vector_load %arg11[%get3A_934, %get3A_935] {strides = array<i32>} : memref<80x128xf32, #tpu.memory_space<vmem>>, vector<1x16xf32>,
      %get3A_937 = vector.shape_cast %get3A_936 : vector<1x16xf32> to vector<16xf32>
      %mul3A_938 = arith.mulf %get3A_937, %broadcast_in_dim3A_933 : vector<16xf32>
      %swap3A_939 = arith.index_cast %add3A_930 : i32 to index
      %swap3A_940 = arith.constant 0 : index
      %swap3A_941 = tpu.vector_load %arg11[%swap3A_939, %swap3A_940] {strides = array<i32>} : memref<80x128xf32, #tpu.memory_space<vmem>>, vector<1x16xf32>,
      %swap3A_942 = vector.shape_cast %swap3A_941 : vector<1x16xf32> to vector<16xf32>
      %swap3A_943 = vector.shape_cast %mul3A_938 : vector<16xf32> to vector<1x16xf32>
      tpu.vector_store %arg11[%swap3A_939, %swap3A_940], %swap3A_943 {strides = array<i32>} : memref<80x128xf32, #tpu.memory_space<vmem>>, vector<1x16xf32>,
      %get3A_944 = arith.index_cast %add3A_930 : i32 to index
      %get3A_945 = arith.constant 16 : index
      %get3A_946 = tpu.vector_load %arg11[%get3A_944, %get3A_945] {strides = array<i32>} : memref<80x128xf32, #tpu.memory_space<vmem>>, vector<1x16xf32>,
      %get3A_947 = vector.shape_cast %get3A_946 : vector<1x16xf32> to vector<16xf32>
      %mul3A_948 = arith.mulf %get3A_947, %broadcast_in_dim3A_933 : vector<16xf32>
      %swap3A_949 = arith.index_cast %add3A_930 : i32 to index
      %swap3A_950 = arith.constant 16 : index
      %swap3A_951 = tpu.vector_load %arg11[%swap3A_949, %swap3A_950] {strides = array<i32>} : memref<80x128xf32, #tpu.memory_space<vmem>>, vector<1x16xf32>,
      %swap3A_952 = vector.shape_cast %swap3A_951 : vector<1x16xf32> to vector<16xf32>
      %swap3A_953 = vector.shape_cast %mul3A_948 : vector<16xf32> to vector<1x16xf32>
      tpu.vector_store %arg11[%swap3A_949, %swap3A_950], %swap3A_953 {strides = array<i32>} : memref<80x128xf32, #tpu.memory_space<vmem>>, vector<1x16xf32>,
      %get3A_954 = arith.index_cast %add3A_930 : i32 to index
      %get3A_955 = arith.constant 32 : index
      %get3A_956 = tpu.vector_load %arg11[%get3A_954, %get3A_955] {strides = array<i32>} : memref<80x128xf32, #tpu.memory_space<vmem>>, vector<1x16xf32>,
      %get3A_957 = vector.shape_cast %get3A_956 : vector<1x16xf32> to vector<16xf32>
      %mul3A_958 = arith.mulf %get3A_957, %broadcast_in_dim3A_933 : vector<16xf32>
      %swap3A_959 = arith.index_cast %add3A_930 : i32 to index
      %swap3A_960 = arith.constant 32 : index
      %swap3A_961 = tpu.vector_load %arg11[%swap3A_959, %swap3A_960] {strides = array<i32>} : memref<80x128xf32, #tpu.memory_space<vmem>>, vector<1x16xf32>,
      %swap3A_962 = vector.shape_cast %swap3A_961 : vector<1x16xf32> to vector<16xf32>
      %swap3A_963 = vector.shape_cast %mul3A_958 : vector<16xf32> to vector<1x16xf32>
      tpu.vector_store %arg11[%swap3A_959, %swap3A_960], %swap3A_963 {strides = array<i32>} : memref<80x128xf32, #tpu.memory_space<vmem>>, vector<1x16xf32>,
      %get3A_964 = arith.index_cast %add3A_930 : i32 to index
      %get3A_965 = arith.constant 48 : index
      %get3A_966 = tpu.vector_load %arg11[%get3A_964, %get3A_965] {strides = array<i32>} : memref<80x128xf32, #tpu.memory_space<vmem>>, vector<1x16xf32>,
      %get3A_967 = vector.shape_cast %get3A_966 : vector<1x16xf32> to vector<16xf32>
      %mul3A_968 = arith.mulf %get3A_967, %broadcast_in_dim3A_933 : vector<16xf32>
      %swap3A_969 = arith.index_cast %add3A_930 : i32 to index
      %swap3A_970 = arith.constant 48 : index
      %swap3A_971 = tpu.vector_load %arg11[%swap3A_969, %swap3A_970] {strides = array<i32>} : memref<80x128xf32, #tpu.memory_space<vmem>>, vector<1x16xf32>,
      %swap3A_972 = vector.shape_cast %swap3A_971 : vector<1x16xf32> to vector<16xf32>
      %swap3A_973 = vector.shape_cast %mul3A_968 : vector<16xf32> to vector<1x16xf32>
      tpu.vector_store %arg11[%swap3A_969, %swap3A_970], %swap3A_973 {strides = array<i32>} : memref<80x128xf32, #tpu.memory_space<vmem>>, vector<1x16xf32>,
      %get3A_974 = arith.index_cast %add3A_930 : i32 to index
      %get3A_975 = arith.constant 64 : index
      %get3A_976 = tpu.vector_load %arg11[%get3A_974, %get3A_975] {strides = array<i32>} : memref<80x128xf32, #tpu.memory_space<vmem>>, vector<1x16xf32>,
      %get3A_977 = vector.shape_cast %get3A_976 : vector<1x16xf32> to vector<16xf32>
      %mul3A_978 = arith.mulf %get3A_977, %broadcast_in_dim3A_933 : vector<16xf32>
      %swap3A_979 = arith.index_cast %add3A_930 : i32 to index
      %swap3A_980 = arith.constant 64 : index
      %swap3A_981 = tpu.vector_load %arg11[%swap3A_979, %swap3A_980] {strides = array<i32>} : memref<80x128xf32, #tpu.memory_space<vmem>>, vector<1x16xf32>,
      %swap3A_982 = vector.shape_cast %swap3A_981 : vector<1x16xf32> to vector<16xf32>
      %swap3A_983 = vector.shape_cast %mul3A_978 : vector<16xf32> to vector<1x16xf32>
      tpu.vector_store %arg11[%swap3A_979, %swap3A_980], %swap3A_983 {strides = array<i32>} : memref<80x128xf32, #tpu.memory_space<vmem>>, vector<1x16xf32>,
      %get3A_984 = arith.index_cast %add3A_930 : i32 to index
      %get3A_985 = arith.constant 80 : index
      %get3A_986 = tpu.vector_load %arg11[%get3A_984, %get3A_985] {strides = array<i32>} : memref<80x128xf32, #tpu.memory_space<vmem>>, vector<1x16xf32>,
      %get3A_987 = vector.shape_cast %get3A_986 : vector<1x16xf32> to vector<16xf32>
      %mul3A_988 = arith.mulf %get3A_987, %broadcast_in_dim3A_933 : vector<16xf32>
      %swap3A_989 = arith.index_cast %add3A_930 : i32 to index
      %swap3A_990 = arith.constant 80 : index
      %swap3A_991 = tpu.vector_load %arg11[%swap3A_989, %swap3A_990] {strides = array<i32>} : memref<80x128xf32, #tpu.memory_space<vmem>>, vector<1x16xf32>,
      %swap3A_992 = vector.shape_cast %swap3A_991 : vector<1x16xf32> to vector<16xf32>
      %swap3A_993 = vector.shape_cast %mul3A_988 : vector<16xf32> to vector<1x16xf32>
      tpu.vector_store %arg11[%swap3A_989, %swap3A_990], %swap3A_993 {strides = array<i32>} : memref<80x128xf32, #tpu.memory_space<vmem>>, vector<1x16xf32>,
      %get3A_994 = arith.index_cast %add3A_930 : i32 to index
      %get3A_995 = arith.constant 96 : index
      %get3A_996 = tpu.vector_load %arg11[%get3A_994, %get3A_995] {strides = array<i32>} : memref<80x128xf32, #tpu.memory_space<vmem>>, vector<1x16xf32>,
      %get3A_997 = vector.shape_cast %get3A_996 : vector<1x16xf32> to vector<16xf32>
      %mul3A_998 = arith.mulf %get3A_997, %broadcast_in_dim3A_933 : vector<16xf32>
      %swap3A_999 = arith.index_cast %add3A_930 : i32 to index
      %swap3A_1000 = arith.constant 96 : index
      %swap3A_1001 = tpu.vector_load %arg11[%swap3A_999, %swap3A_1000] {strides = array<i32>} : memref<80x128xf32, #tpu.memory_space<vmem>>, vector<1x16xf32>,
      %swap3A_1002 = vector.shape_cast %swap3A_1001 : vector<1x16xf32> to vector<16xf32>
      %swap3A_1003 = vector.shape_cast %mul3A_998 : vector<16xf32> to vector<1x16xf32>
      tpu.vector_store %arg11[%swap3A_999, %swap3A_1000], %swap3A_1003 {strides = array<i32>} : memref<80x128xf32, #tpu.memory_space<vmem>>, vector<1x16xf32>,
      %get3A_1004 = arith.index_cast %add3A_930 : i32 to index
      %get3A_1005 = arith.constant 112 : index
      %get3A_1006 = tpu.vector_load %arg11[%get3A_1004, %get3A_1005] {strides = array<i32>} : memref<80x128xf32, #tpu.memory_space<vmem>>, vector<1x16xf32>,
      %get3A_1007 = vector.shape_cast %get3A_1006 : vector<1x16xf32> to vector<16xf32>
      %mul3A_1008 = arith.mulf %get3A_1007, %broadcast_in_dim3A_933 : vector<16xf32>
      %swap3A_1009 = arith.index_cast %add3A_930 : i32 to index
      %swap3A_1010 = arith.constant 112 : index
      %swap3A_1011 = tpu.vector_load %arg11[%swap3A_1009, %swap3A_1010] {strides = array<i32>} : memref<80x128xf32, #tpu.memory_space<vmem>>, vector<1x16xf32>,
      %swap3A_1012 = vector.shape_cast %swap3A_1011 : vector<1x16xf32> to vector<16xf32>
      %swap3A_1013 = vector.shape_cast %mul3A_1008 : vector<16xf32> to vector<1x16xf32>
      tpu.vector_store %arg11[%swap3A_1009, %swap3A_1010], %swap3A_1013 {strides = array<i32>} : memref<80x128xf32, #tpu.memory_space<vmem>>, vector<1x16xf32>,
      %mul3A_1014 = arith.constant 16 : i32
      %mul3A_1015 = arith.muli %scan3A_53, %mul3A_1014 : i32
      %add3A_1016 = arith.constant 11 : i32
      %add3A_1017 = arith.addi %mul3A_1015, %add3A_1016 : i32
      %slice3A_1018 = vector.extract_strided_slice %get3A_60 {offsets = [11], sizes = [1], strides = [1]} : vector<16xf32> to vector<1xf32>
      %squeeze3A_1019 = vector.extract %slice3A_1018[0] : f32 from vector<1xf32>
      %broadcast_in_dim3A_1020 = vector.broadcast %squeeze3A_1019 : f32 to vector<16xf32>
      %get3A_1021 = arith.index_cast %add3A_1017 : i32 to index
      %get3A_1022 = arith.constant 0 : index
      %get3A_1023 = tpu.vector_load %arg11[%get3A_1021, %get3A_1022] {strides = array<i32>} : memref<80x128xf32, #tpu.memory_space<vmem>>, vector<1x16xf32>,
      %get3A_1024 = vector.shape_cast %get3A_1023 : vector<1x16xf32> to vector<16xf32>
      %mul3A_1025 = arith.mulf %get3A_1024, %broadcast_in_dim3A_1020 : vector<16xf32>
      %swap3A_1026 = arith.index_cast %add3A_1017 : i32 to index
      %swap3A_1027 = arith.constant 0 : index
      %swap3A_1028 = tpu.vector_load %arg11[%swap3A_1026, %swap3A_1027] {strides = array<i32>} : memref<80x128xf32, #tpu.memory_space<vmem>>, vector<1x16xf32>,
      %swap3A_1029 = vector.shape_cast %swap3A_1028 : vector<1x16xf32> to vector<16xf32>
      %swap3A_1030 = vector.shape_cast %mul3A_1025 : vector<16xf32> to vector<1x16xf32>
      tpu.vector_store %arg11[%swap3A_1026, %swap3A_1027], %swap3A_1030 {strides = array<i32>} : memref<80x128xf32, #tpu.memory_space<vmem>>, vector<1x16xf32>,
      %get3A_1031 = arith.index_cast %add3A_1017 : i32 to index
      %get3A_1032 = arith.constant 16 : index
      %get3A_1033 = tpu.vector_load %arg11[%get3A_1031, %get3A_1032] {strides = array<i32>} : memref<80x128xf32, #tpu.memory_space<vmem>>, vector<1x16xf32>,
      %get3A_1034 = vector.shape_cast %get3A_1033 : vector<1x16xf32> to vector<16xf32>
      %mul3A_1035 = arith.mulf %get3A_1034, %broadcast_in_dim3A_1020 : vector<16xf32>
      %swap3A_1036 = arith.index_cast %add3A_1017 : i32 to index
      %swap3A_1037 = arith.constant 16 : index
      %swap3A_1038 = tpu.vector_load %arg11[%swap3A_1036, %swap3A_1037] {strides = array<i32>} : memref<80x128xf32, #tpu.memory_space<vmem>>, vector<1x16xf32>,
      %swap3A_1039 = vector.shape_cast %swap3A_1038 : vector<1x16xf32> to vector<16xf32>
      %swap3A_1040 = vector.shape_cast %mul3A_1035 : vector<16xf32> to vector<1x16xf32>
      tpu.vector_store %arg11[%swap3A_1036, %swap3A_1037], %swap3A_1040 {strides = array<i32>} : memref<80x128xf32, #tpu.memory_space<vmem>>, vector<1x16xf32>,
      %get3A_1041 = arith.index_cast %add3A_1017 : i32 to index
      %get3A_1042 = arith.constant 32 : index
      %get3A_1043 = tpu.vector_load %arg11[%get3A_1041, %get3A_1042] {strides = array<i32>} : memref<80x128xf32, #tpu.memory_space<vmem>>, vector<1x16xf32>,
      %get3A_1044 = vector.shape_cast %get3A_1043 : vector<1x16xf32> to vector<16xf32>
      %mul3A_1045 = arith.mulf %get3A_1044, %broadcast_in_dim3A_1020 : vector<16xf32>
      %swap3A_1046 = arith.index_cast %add3A_1017 : i32 to index
      %swap3A_1047 = arith.constant 32 : index
      %swap3A_1048 = tpu.vector_load %arg11[%swap3A_1046, %swap3A_1047] {strides = array<i32>} : memref<80x128xf32, #tpu.memory_space<vmem>>, vector<1x16xf32>,
      %swap3A_1049 = vector.shape_cast %swap3A_1048 : vector<1x16xf32> to vector<16xf32>
      %swap3A_1050 = vector.shape_cast %mul3A_1045 : vector<16xf32> to vector<1x16xf32>
      tpu.vector_store %arg11[%swap3A_1046, %swap3A_1047], %swap3A_1050 {strides = array<i32>} : memref<80x128xf32, #tpu.memory_space<vmem>>, vector<1x16xf32>,
      %get3A_1051 = arith.index_cast %add3A_1017 : i32 to index
      %get3A_1052 = arith.constant 48 : index
      %get3A_1053 = tpu.vector_load %arg11[%get3A_1051, %get3A_1052] {strides = array<i32>} : memref<80x128xf32, #tpu.memory_space<vmem>>, vector<1x16xf32>,
      %get3A_1054 = vector.shape_cast %get3A_1053 : vector<1x16xf32> to vector<16xf32>
      %mul3A_1055 = arith.mulf %get3A_1054, %broadcast_in_dim3A_1020 : vector<16xf32>
      %swap3A_1056 = arith.index_cast %add3A_1017 : i32 to index
      %swap3A_1057 = arith.constant 48 : index
      %swap3A_1058 = tpu.vector_load %arg11[%swap3A_1056, %swap3A_1057] {strides = array<i32>} : memref<80x128xf32, #tpu.memory_space<vmem>>, vector<1x16xf32>,
      %swap3A_1059 = vector.shape_cast %swap3A_1058 : vector<1x16xf32> to vector<16xf32>
      %swap3A_1060 = vector.shape_cast %mul3A_1055 : vector<16xf32> to vector<1x16xf32>
      tpu.vector_store %arg11[%swap3A_1056, %swap3A_1057], %swap3A_1060 {strides = array<i32>} : memref<80x128xf32, #tpu.memory_space<vmem>>, vector<1x16xf32>,
      %get3A_1061 = arith.index_cast %add3A_1017 : i32 to index
      %get3A_1062 = arith.constant 64 : index
      %get3A_1063 = tpu.vector_load %arg11[%get3A_1061, %get3A_1062] {strides = array<i32>} : memref<80x128xf32, #tpu.memory_space<vmem>>, vector<1x16xf32>,
      %get3A_1064 = vector.shape_cast %get3A_1063 : vector<1x16xf32> to vector<16xf32>
      %mul3A_1065 = arith.mulf %get3A_1064, %broadcast_in_dim3A_1020 : vector<16xf32>
      %swap3A_1066 = arith.index_cast %add3A_1017 : i32 to index
      %swap3A_1067 = arith.constant 64 : index
      %swap3A_1068 = tpu.vector_load %arg11[%swap3A_1066, %swap3A_1067] {strides = array<i32>} : memref<80x128xf32, #tpu.memory_space<vmem>>, vector<1x16xf32>,
      %swap3A_1069 = vector.shape_cast %swap3A_1068 : vector<1x16xf32> to vector<16xf32>
      %swap3A_1070 = vector.shape_cast %mul3A_1065 : vector<16xf32> to vector<1x16xf32>
      tpu.vector_store %arg11[%swap3A_1066, %swap3A_1067], %swap3A_1070 {strides = array<i32>} : memref<80x128xf32, #tpu.memory_space<vmem>>, vector<1x16xf32>,
      %get3A_1071 = arith.index_cast %add3A_1017 : i32 to index
      %get3A_1072 = arith.constant 80 : index
      %get3A_1073 = tpu.vector_load %arg11[%get3A_1071, %get3A_1072] {strides = array<i32>} : memref<80x128xf32, #tpu.memory_space<vmem>>, vector<1x16xf32>,
      %get3A_1074 = vector.shape_cast %get3A_1073 : vector<1x16xf32> to vector<16xf32>
      %mul3A_1075 = arith.mulf %get3A_1074, %broadcast_in_dim3A_1020 : vector<16xf32>
      %swap3A_1076 = arith.index_cast %add3A_1017 : i32 to index
      %swap3A_1077 = arith.constant 80 : index
      %swap3A_1078 = tpu.vector_load %arg11[%swap3A_1076, %swap3A_1077] {strides = array<i32>} : memref<80x128xf32, #tpu.memory_space<vmem>>, vector<1x16xf32>,
      %swap3A_1079 = vector.shape_cast %swap3A_1078 : vector<1x16xf32> to vector<16xf32>
      %swap3A_1080 = vector.shape_cast %mul3A_1075 : vector<16xf32> to vector<1x16xf32>
      tpu.vector_store %arg11[%swap3A_1076, %swap3A_1077], %swap3A_1080 {strides = array<i32>} : memref<80x128xf32, #tpu.memory_space<vmem>>, vector<1x16xf32>,
      %get3A_1081 = arith.index_cast %add3A_1017 : i32 to index
      %get3A_1082 = arith.constant 96 : index
      %get3A_1083 = tpu.vector_load %arg11[%get3A_1081, %get3A_1082] {strides = array<i32>} : memref<80x128xf32, #tpu.memory_space<vmem>>, vector<1x16xf32>,
      %get3A_1084 = vector.shape_cast %get3A_1083 : vector<1x16xf32> to vector<16xf32>
      %mul3A_1085 = arith.mulf %get3A_1084, %broadcast_in_dim3A_1020 : vector<16xf32>
      %swap3A_1086 = arith.index_cast %add3A_1017 : i32 to index
      %swap3A_1087 = arith.constant 96 : index
      %swap3A_1088 = tpu.vector_load %arg11[%swap3A_1086, %swap3A_1087] {strides = array<i32>} : memref<80x128xf32, #tpu.memory_space<vmem>>, vector<1x16xf32>,
      %swap3A_1089 = vector.shape_cast %swap3A_1088 : vector<1x16xf32> to vector<16xf32>
      %swap3A_1090 = vector.shape_cast %mul3A_1085 : vector<16xf32> to vector<1x16xf32>
      tpu.vector_store %arg11[%swap3A_1086, %swap3A_1087], %swap3A_1090 {strides = array<i32>} : memref<80x128xf32, #tpu.memory_space<vmem>>, vector<1x16xf32>,
      %get3A_1091 = arith.index_cast %add3A_1017 : i32 to index
      %get3A_1092 = arith.constant 112 : index
      %get3A_1093 = tpu.vector_load %arg11[%get3A_1091, %get3A_1092] {strides = array<i32>} : memref<80x128xf32, #tpu.memory_space<vmem>>, vector<1x16xf32>,
      %get3A_1094 = vector.shape_cast %get3A_1093 : vector<1x16xf32> to vector<16xf32>
      %mul3A_1095 = arith.mulf %get3A_1094, %broadcast_in_dim3A_1020 : vector<16xf32>
      %swap3A_1096 = arith.index_cast %add3A_1017 : i32 to index
      %swap3A_1097 = arith.constant 112 : index
      %swap3A_1098 = tpu.vector_load %arg11[%swap3A_1096, %swap3A_1097] {strides = array<i32>} : memref<80x128xf32, #tpu.memory_space<vmem>>, vector<1x16xf32>,
      %swap3A_1099 = vector.shape_cast %swap3A_1098 : vector<1x16xf32> to vector<16xf32>
      %swap3A_1100 = vector.shape_cast %mul3A_1095 : vector<16xf32> to vector<1x16xf32>
      tpu.vector_store %arg11[%swap3A_1096, %swap3A_1097], %swap3A_1100 {strides = array<i32>} : memref<80x128xf32, #tpu.memory_space<vmem>>, vector<1x16xf32>,
      %mul3A_1101 = arith.constant 16 : i32
      %mul3A_1102 = arith.muli %scan3A_53, %mul3A_1101 : i32
      %add3A_1103 = arith.constant 12 : i32
      %add3A_1104 = arith.addi %mul3A_1102, %add3A_1103 : i32
      %slice3A_1105 = vector.extract_strided_slice %get3A_60 {offsets = [12], sizes = [1], strides = [1]} : vector<16xf32> to vector<1xf32>
      %squeeze3A_1106 = vector.extract %slice3A_1105[0] : f32 from vector<1xf32>
      %broadcast_in_dim3A_1107 = vector.broadcast %squeeze3A_1106 : f32 to vector<16xf32>
      %get3A_1108 = arith.index_cast %add3A_1104 : i32 to index
      %get3A_1109 = arith.constant 0 : index
      %get3A_1110 = tpu.vector_load %arg11[%get3A_1108, %get3A_1109] {strides = array<i32>} : memref<80x128xf32, #tpu.memory_space<vmem>>, vector<1x16xf32>,
      %get3A_1111 = vector.shape_cast %get3A_1110 : vector<1x16xf32> to vector<16xf32>
      %mul3A_1112 = arith.mulf %get3A_1111, %broadcast_in_dim3A_1107 : vector<16xf32>
      %swap3A_1113 = arith.index_cast %add3A_1104 : i32 to index
      %swap3A_1114 = arith.constant 0 : index
      %swap3A_1115 = tpu.vector_load %arg11[%swap3A_1113, %swap3A_1114] {strides = array<i32>} : memref<80x128xf32, #tpu.memory_space<vmem>>, vector<1x16xf32>,
      %swap3A_1116 = vector.shape_cast %swap3A_1115 : vector<1x16xf32> to vector<16xf32>
      %swap3A_1117 = vector.shape_cast %mul3A_1112 : vector<16xf32> to vector<1x16xf32>
      tpu.vector_store %arg11[%swap3A_1113, %swap3A_1114], %swap3A_1117 {strides = array<i32>} : memref<80x128xf32, #tpu.memory_space<vmem>>, vector<1x16xf32>,
      %get3A_1118 = arith.index_cast %add3A_1104 : i32 to index
      %get3A_1119 = arith.constant 16 : index
      %get3A_1120 = tpu.vector_load %arg11[%get3A_1118, %get3A_1119] {strides = array<i32>} : memref<80x128xf32, #tpu.memory_space<vmem>>, vector<1x16xf32>,
      %get3A_1121 = vector.shape_cast %get3A_1120 : vector<1x16xf32> to vector<16xf32>
      %mul3A_1122 = arith.mulf %get3A_1121, %broadcast_in_dim3A_1107 : vector<16xf32>
      %swap3A_1123 = arith.index_cast %add3A_1104 : i32 to index
      %swap3A_1124 = arith.constant 16 : index
      %swap3A_1125 = tpu.vector_load %arg11[%swap3A_1123, %swap3A_1124] {strides = array<i32>} : memref<80x128xf32, #tpu.memory_space<vmem>>, vector<1x16xf32>,
      %swap3A_1126 = vector.shape_cast %swap3A_1125 : vector<1x16xf32> to vector<16xf32>
      %swap3A_1127 = vector.shape_cast %mul3A_1122 : vector<16xf32> to vector<1x16xf32>
      tpu.vector_store %arg11[%swap3A_1123, %swap3A_1124], %swap3A_1127 {strides = array<i32>} : memref<80x128xf32, #tpu.memory_space<vmem>>, vector<1x16xf32>,
      %get3A_1128 = arith.index_cast %add3A_1104 : i32 to index
      %get3A_1129 = arith.constant 32 : index
      %get3A_1130 = tpu.vector_load %arg11[%get3A_1128, %get3A_1129] {strides = array<i32>} : memref<80x128xf32, #tpu.memory_space<vmem>>, vector<1x16xf32>,
      %get3A_1131 = vector.shape_cast %get3A_1130 : vector<1x16xf32> to vector<16xf32>
      %mul3A_1132 = arith.mulf %get3A_1131, %broadcast_in_dim3A_1107 : vector<16xf32>
      %swap3A_1133 = arith.index_cast %add3A_1104 : i32 to index
      %swap3A_1134 = arith.constant 32 : index
      %swap3A_1135 = tpu.vector_load %arg11[%swap3A_1133, %swap3A_1134] {strides = array<i32>} : memref<80x128xf32, #tpu.memory_space<vmem>>, vector<1x16xf32>,
      %swap3A_1136 = vector.shape_cast %swap3A_1135 : vector<1x16xf32> to vector<16xf32>
      %swap3A_1137 = vector.shape_cast %mul3A_1132 : vector<16xf32> to vector<1x16xf32>
      tpu.vector_store %arg11[%swap3A_1133, %swap3A_1134], %swap3A_1137 {strides = array<i32>} : memref<80x128xf32, #tpu.memory_space<vmem>>, vector<1x16xf32>,
      %get3A_1138 = arith.index_cast %add3A_1104 : i32 to index
      %get3A_1139 = arith.constant 48 : index
      %get3A_1140 = tpu.vector_load %arg11[%get3A_1138, %get3A_1139] {strides = array<i32>} : memref<80x128xf32, #tpu.memory_space<vmem>>, vector<1x16xf32>,
      %get3A_1141 = vector.shape_cast %get3A_1140 : vector<1x16xf32> to vector<16xf32>
      %mul3A_1142 = arith.mulf %get3A_1141, %broadcast_in_dim3A_1107 : vector<16xf32>
      %swap3A_1143 = arith.index_cast %add3A_1104 : i32 to index
      %swap3A_1144 = arith.constant 48 : index
      %swap3A_1145 = tpu.vector_load %arg11[%swap3A_1143, %swap3A_1144] {strides = array<i32>} : memref<80x128xf32, #tpu.memory_space<vmem>>, vector<1x16xf32>,
      %swap3A_1146 = vector.shape_cast %swap3A_1145 : vector<1x16xf32> to vector<16xf32>
      %swap3A_1147 = vector.shape_cast %mul3A_1142 : vector<16xf32> to vector<1x16xf32>
      tpu.vector_store %arg11[%swap3A_1143, %swap3A_1144], %swap3A_1147 {strides = array<i32>} : memref<80x128xf32, #tpu.memory_space<vmem>>, vector<1x16xf32>,
      %get3A_1148 = arith.index_cast %add3A_1104 : i32 to index
      %get3A_1149 = arith.constant 64 : index
      %get3A_1150 = tpu.vector_load %arg11[%get3A_1148, %get3A_1149] {strides = array<i32>} : memref<80x128xf32, #tpu.memory_space<vmem>>, vector<1x16xf32>,
      %get3A_1151 = vector.shape_cast %get3A_1150 : vector<1x16xf32> to vector<16xf32>
      %mul3A_1152 = arith.mulf %get3A_1151, %broadcast_in_dim3A_1107 : vector<16xf32>
      %swap3A_1153 = arith.index_cast %add3A_1104 : i32 to index
      %swap3A_1154 = arith.constant 64 : index
      %swap3A_1155 = tpu.vector_load %arg11[%swap3A_1153, %swap3A_1154] {strides = array<i32>} : memref<80x128xf32, #tpu.memory_space<vmem>>, vector<1x16xf32>,
      %swap3A_1156 = vector.shape_cast %swap3A_1155 : vector<1x16xf32> to vector<16xf32>
      %swap3A_1157 = vector.shape_cast %mul3A_1152 : vector<16xf32> to vector<1x16xf32>
      tpu.vector_store %arg11[%swap3A_1153, %swap3A_1154], %swap3A_1157 {strides = array<i32>} : memref<80x128xf32, #tpu.memory_space<vmem>>, vector<1x16xf32>,
      %get3A_1158 = arith.index_cast %add3A_1104 : i32 to index
      %get3A_1159 = arith.constant 80 : index
      %get3A_1160 = tpu.vector_load %arg11[%get3A_1158, %get3A_1159] {strides = array<i32>} : memref<80x128xf32, #tpu.memory_space<vmem>>, vector<1x16xf32>,
      %get3A_1161 = vector.shape_cast %get3A_1160 : vector<1x16xf32> to vector<16xf32>
      %mul3A_1162 = arith.mulf %get3A_1161, %broadcast_in_dim3A_1107 : vector<16xf32>
      %swap3A_1163 = arith.index_cast %add3A_1104 : i32 to index
      %swap3A_1164 = arith.constant 80 : index
      %swap3A_1165 = tpu.vector_load %arg11[%swap3A_1163, %swap3A_1164] {strides = array<i32>} : memref<80x128xf32, #tpu.memory_space<vmem>>, vector<1x16xf32>,
      %swap3A_1166 = vector.shape_cast %swap3A_1165 : vector<1x16xf32> to vector<16xf32>
      %swap3A_1167 = vector.shape_cast %mul3A_1162 : vector<16xf32> to vector<1x16xf32>
      tpu.vector_store %arg11[%swap3A_1163, %swap3A_1164], %swap3A_1167 {strides = array<i32>} : memref<80x128xf32, #tpu.memory_space<vmem>>, vector<1x16xf32>,
      %get3A_1168 = arith.index_cast %add3A_1104 : i32 to index
      %get3A_1169 = arith.constant 96 : index
      %get3A_1170 = tpu.vector_load %arg11[%get3A_1168, %get3A_1169] {strides = array<i32>} : memref<80x128xf32, #tpu.memory_space<vmem>>, vector<1x16xf32>,
      %get3A_1171 = vector.shape_cast %get3A_1170 : vector<1x16xf32> to vector<16xf32>
      %mul3A_1172 = arith.mulf %get3A_1171, %broadcast_in_dim3A_1107 : vector<16xf32>
      %swap3A_1173 = arith.index_cast %add3A_1104 : i32 to index
      %swap3A_1174 = arith.constant 96 : index
      %swap3A_1175 = tpu.vector_load %arg11[%swap3A_1173, %swap3A_1174] {strides = array<i32>} : memref<80x128xf32, #tpu.memory_space<vmem>>, vector<1x16xf32>,
      %swap3A_1176 = vector.shape_cast %swap3A_1175 : vector<1x16xf32> to vector<16xf32>
      %swap3A_1177 = vector.shape_cast %mul3A_1172 : vector<16xf32> to vector<1x16xf32>
      tpu.vector_store %arg11[%swap3A_1173, %swap3A_1174], %swap3A_1177 {strides = array<i32>} : memref<80x128xf32, #tpu.memory_space<vmem>>, vector<1x16xf32>,
      %get3A_1178 = arith.index_cast %add3A_1104 : i32 to index
      %get3A_1179 = arith.constant 112 : index
      %get3A_1180 = tpu.vector_load %arg11[%get3A_1178, %get3A_1179] {strides = array<i32>} : memref<80x128xf32, #tpu.memory_space<vmem>>, vector<1x16xf32>,
      %get3A_1181 = vector.shape_cast %get3A_1180 : vector<1x16xf32> to vector<16xf32>
      %mul3A_1182 = arith.mulf %get3A_1181, %broadcast_in_dim3A_1107 : vector<16xf32>
      %swap3A_1183 = arith.index_cast %add3A_1104 : i32 to index
      %swap3A_1184 = arith.constant 112 : index
      %swap3A_1185 = tpu.vector_load %arg11[%swap3A_1183, %swap3A_1184] {strides = array<i32>} : memref<80x128xf32, #tpu.memory_space<vmem>>, vector<1x16xf32>,
      %swap3A_1186 = vector.shape_cast %swap3A_1185 : vector<1x16xf32> to vector<16xf32>
      %swap3A_1187 = vector.shape_cast %mul3A_1182 : vector<16xf32> to vector<1x16xf32>
      tpu.vector_store %arg11[%swap3A_1183, %swap3A_1184], %swap3A_1187 {strides = array<i32>} : memref<80x128xf32, #tpu.memory_space<vmem>>, vector<1x16xf32>,
      %mul3A_1188 = arith.constant 16 : i32
      %mul3A_1189 = arith.muli %scan3A_53, %mul3A_1188 : i32
      %add3A_1190 = arith.constant 13 : i32
      %add3A_1191 = arith.addi %mul3A_1189, %add3A_1190 : i32
      %slice3A_1192 = vector.extract_strided_slice %get3A_60 {offsets = [13], sizes = [1], strides = [1]} : vector<16xf32> to vector<1xf32>
      %squeeze3A_1193 = vector.extract %slice3A_1192[0] : f32 from vector<1xf32>
      %broadcast_in_dim3A_1194 = vector.broadcast %squeeze3A_1193 : f32 to vector<16xf32>
      %get3A_1195 = arith.index_cast %add3A_1191 : i32 to index
      %get3A_1196 = arith.constant 0 : index
      %get3A_1197 = tpu.vector_load %arg11[%get3A_1195, %get3A_1196] {strides = array<i32>} : memref<80x128xf32, #tpu.memory_space<vmem>>, vector<1x16xf32>,
      %get3A_1198 = vector.shape_cast %get3A_1197 : vector<1x16xf32> to vector<16xf32>
      %mul3A_1199 = arith.mulf %get3A_1198, %broadcast_in_dim3A_1194 : vector<16xf32>
      %swap3A_1200 = arith.index_cast %add3A_1191 : i32 to index
      %swap3A_1201 = arith.constant 0 : index
      %swap3A_1202 = tpu.vector_load %arg11[%swap3A_1200, %swap3A_1201] {strides = array<i32>} : memref<80x128xf32, #tpu.memory_space<vmem>>, vector<1x16xf32>,
      %swap3A_1203 = vector.shape_cast %swap3A_1202 : vector<1x16xf32> to vector<16xf32>
      %swap3A_1204 = vector.shape_cast %mul3A_1199 : vector<16xf32> to vector<1x16xf32>
      tpu.vector_store %arg11[%swap3A_1200, %swap3A_1201], %swap3A_1204 {strides = array<i32>} : memref<80x128xf32, #tpu.memory_space<vmem>>, vector<1x16xf32>,
      %get3A_1205 = arith.index_cast %add3A_1191 : i32 to index
      %get3A_1206 = arith.constant 16 : index
      %get3A_1207 = tpu.vector_load %arg11[%get3A_1205, %get3A_1206] {strides = array<i32>} : memref<80x128xf32, #tpu.memory_space<vmem>>, vector<1x16xf32>,
      %get3A_1208 = vector.shape_cast %get3A_1207 : vector<1x16xf32> to vector<16xf32>
      %mul3A_1209 = arith.mulf %get3A_1208, %broadcast_in_dim3A_1194 : vector<16xf32>
      %swap3A_1210 = arith.index_cast %add3A_1191 : i32 to index
      %swap3A_1211 = arith.constant 16 : index
      %swap3A_1212 = tpu.vector_load %arg11[%swap3A_1210, %swap3A_1211] {strides = array<i32>} : memref<80x128xf32, #tpu.memory_space<vmem>>, vector<1x16xf32>,
      %swap3A_1213 = vector.shape_cast %swap3A_1212 : vector<1x16xf32> to vector<16xf32>
      %swap3A_1214 = vector.shape_cast %mul3A_1209 : vector<16xf32> to vector<1x16xf32>
      tpu.vector_store %arg11[%swap3A_1210, %swap3A_1211], %swap3A_1214 {strides = array<i32>} : memref<80x128xf32, #tpu.memory_space<vmem>>, vector<1x16xf32>,
      %get3A_1215 = arith.index_cast %add3A_1191 : i32 to index
      %get3A_1216 = arith.constant 32 : index
      %get3A_1217 = tpu.vector_load %arg11[%get3A_1215, %get3A_1216] {strides = array<i32>} : memref<80x128xf32, #tpu.memory_space<vmem>>, vector<1x16xf32>,
      %get3A_1218 = vector.shape_cast %get3A_1217 : vector<1x16xf32> to vector<16xf32>
      %mul3A_1219 = arith.mulf %get3A_1218, %broadcast_in_dim3A_1194 : vector<16xf32>
      %swap3A_1220 = arith.index_cast %add3A_1191 : i32 to index
      %swap3A_1221 = arith.constant 32 : index
      %swap3A_1222 = tpu.vector_load %arg11[%swap3A_1220, %swap3A_1221] {strides = array<i32>} : memref<80x128xf32, #tpu.memory_space<vmem>>, vector<1x16xf32>,
      %swap3A_1223 = vector.shape_cast %swap3A_1222 : vector<1x16xf32> to vector<16xf32>
      %swap3A_1224 = vector.shape_cast %mul3A_1219 : vector<16xf32> to vector<1x16xf32>
      tpu.vector_store %arg11[%swap3A_1220, %swap3A_1221], %swap3A_1224 {strides = array<i32>} : memref<80x128xf32, #tpu.memory_space<vmem>>, vector<1x16xf32>,
      %get3A_1225 = arith.index_cast %add3A_1191 : i32 to index
      %get3A_1226 = arith.constant 48 : index
      %get3A_1227 = tpu.vector_load %arg11[%get3A_1225, %get3A_1226] {strides = array<i32>} : memref<80x128xf32, #tpu.memory_space<vmem>>, vector<1x16xf32>,
      %get3A_1228 = vector.shape_cast %get3A_1227 : vector<1x16xf32> to vector<16xf32>
      %mul3A_1229 = arith.mulf %get3A_1228, %broadcast_in_dim3A_1194 : vector<16xf32>
      %swap3A_1230 = arith.index_cast %add3A_1191 : i32 to index
      %swap3A_1231 = arith.constant 48 : index
      %swap3A_1232 = tpu.vector_load %arg11[%swap3A_1230, %swap3A_1231] {strides = array<i32>} : memref<80x128xf32, #tpu.memory_space<vmem>>, vector<1x16xf32>,
      %swap3A_1233 = vector.shape_cast %swap3A_1232 : vector<1x16xf32> to vector<16xf32>
      %swap3A_1234 = vector.shape_cast %mul3A_1229 : vector<16xf32> to vector<1x16xf32>
      tpu.vector_store %arg11[%swap3A_1230, %swap3A_1231], %swap3A_1234 {strides = array<i32>} : memref<80x128xf32, #tpu.memory_space<vmem>>, vector<1x16xf32>,
      %get3A_1235 = arith.index_cast %add3A_1191 : i32 to index
      %get3A_1236 = arith.constant 64 : index
      %get3A_1237 = tpu.vector_load %arg11[%get3A_1235, %get3A_1236] {strides = array<i32>} : memref<80x128xf32, #tpu.memory_space<vmem>>, vector<1x16xf32>,
      %get3A_1238 = vector.shape_cast %get3A_1237 : vector<1x16xf32> to vector<16xf32>
      %mul3A_1239 = arith.mulf %get3A_1238, %broadcast_in_dim3A_1194 : vector<16xf32>
      %swap3A_1240 = arith.index_cast %add3A_1191 : i32 to index
      %swap3A_1241 = arith.constant 64 : index
      %swap3A_1242 = tpu.vector_load %arg11[%swap3A_1240, %swap3A_1241] {strides = array<i32>} : memref<80x128xf32, #tpu.memory_space<vmem>>, vector<1x16xf32>,
      %swap3A_1243 = vector.shape_cast %swap3A_1242 : vector<1x16xf32> to vector<16xf32>
      %swap3A_1244 = vector.shape_cast %mul3A_1239 : vector<16xf32> to vector<1x16xf32>
      tpu.vector_store %arg11[%swap3A_1240, %swap3A_1241], %swap3A_1244 {strides = array<i32>} : memref<80x128xf32, #tpu.memory_space<vmem>>, vector<1x16xf32>,
      %get3A_1245 = arith.index_cast %add3A_1191 : i32 to index
      %get3A_1246 = arith.constant 80 : index
      %get3A_1247 = tpu.vector_load %arg11[%get3A_1245, %get3A_1246] {strides = array<i32>} : memref<80x128xf32, #tpu.memory_space<vmem>>, vector<1x16xf32>,
      %get3A_1248 = vector.shape_cast %get3A_1247 : vector<1x16xf32> to vector<16xf32>
      %mul3A_1249 = arith.mulf %get3A_1248, %broadcast_in_dim3A_1194 : vector<16xf32>
      %swap3A_1250 = arith.index_cast %add3A_1191 : i32 to index
      %swap3A_1251 = arith.constant 80 : index
      %swap3A_1252 = tpu.vector_load %arg11[%swap3A_1250, %swap3A_1251] {strides = array<i32>} : memref<80x128xf32, #tpu.memory_space<vmem>>, vector<1x16xf32>,
      %swap3A_1253 = vector.shape_cast %swap3A_1252 : vector<1x16xf32> to vector<16xf32>
      %swap3A_1254 = vector.shape_cast %mul3A_1249 : vector<16xf32> to vector<1x16xf32>
      tpu.vector_store %arg11[%swap3A_1250, %swap3A_1251], %swap3A_1254 {strides = array<i32>} : memref<80x128xf32, #tpu.memory_space<vmem>>, vector<1x16xf32>,
      %get3A_1255 = arith.index_cast %add3A_1191 : i32 to index
      %get3A_1256 = arith.constant 96 : index
      %get3A_1257 = tpu.vector_load %arg11[%get3A_1255, %get3A_1256] {strides = array<i32>} : memref<80x128xf32, #tpu.memory_space<vmem>>, vector<1x16xf32>,
      %get3A_1258 = vector.shape_cast %get3A_1257 : vector<1x16xf32> to vector<16xf32>
      %mul3A_1259 = arith.mulf %get3A_1258, %broadcast_in_dim3A_1194 : vector<16xf32>
      %swap3A_1260 = arith.index_cast %add3A_1191 : i32 to index
      %swap3A_1261 = arith.constant 96 : index
      %swap3A_1262 = tpu.vector_load %arg11[%swap3A_1260, %swap3A_1261] {strides = array<i32>} : memref<80x128xf32, #tpu.memory_space<vmem>>, vector<1x16xf32>,
      %swap3A_1263 = vector.shape_cast %swap3A_1262 : vector<1x16xf32> to vector<16xf32>
      %swap3A_1264 = vector.shape_cast %mul3A_1259 : vector<16xf32> to vector<1x16xf32>
      tpu.vector_store %arg11[%swap3A_1260, %swap3A_1261], %swap3A_1264 {strides = array<i32>} : memref<80x128xf32, #tpu.memory_space<vmem>>, vector<1x16xf32>,
      %get3A_1265 = arith.index_cast %add3A_1191 : i32 to index
      %get3A_1266 = arith.constant 112 : index
      %get3A_1267 = tpu.vector_load %arg11[%get3A_1265, %get3A_1266] {strides = array<i32>} : memref<80x128xf32, #tpu.memory_space<vmem>>, vector<1x16xf32>,
      %get3A_1268 = vector.shape_cast %get3A_1267 : vector<1x16xf32> to vector<16xf32>
      %mul3A_1269 = arith.mulf %get3A_1268, %broadcast_in_dim3A_1194 : vector<16xf32>
      %swap3A_1270 = arith.index_cast %add3A_1191 : i32 to index
      %swap3A_1271 = arith.constant 112 : index
      %swap3A_1272 = tpu.vector_load %arg11[%swap3A_1270, %swap3A_1271] {strides = array<i32>} : memref<80x128xf32, #tpu.memory_space<vmem>>, vector<1x16xf32>,
      %swap3A_1273 = vector.shape_cast %swap3A_1272 : vector<1x16xf32> to vector<16xf32>
      %swap3A_1274 = vector.shape_cast %mul3A_1269 : vector<16xf32> to vector<1x16xf32>
      tpu.vector_store %arg11[%swap3A_1270, %swap3A_1271], %swap3A_1274 {strides = array<i32>} : memref<80x128xf32, #tpu.memory_space<vmem>>, vector<1x16xf32>,
      %mul3A_1275 = arith.constant 16 : i32
      %mul3A_1276 = arith.muli %scan3A_53, %mul3A_1275 : i32
      %add3A_1277 = arith.constant 14 : i32
      %add3A_1278 = arith.addi %mul3A_1276, %add3A_1277 : i32
      %slice3A_1279 = vector.extract_strided_slice %get3A_60 {offsets = [14], sizes = [1], strides = [1]} : vector<16xf32> to vector<1xf32>
      %squeeze3A_1280 = vector.extract %slice3A_1279[0] : f32 from vector<1xf32>
      %broadcast_in_dim3A_1281 = vector.broadcast %squeeze3A_1280 : f32 to vector<16xf32>
      %get3A_1282 = arith.index_cast %add3A_1278 : i32 to index
      %get3A_1283 = arith.constant 0 : index
      %get3A_1284 = tpu.vector_load %arg11[%get3A_1282, %get3A_1283] {strides = array<i32>} : memref<80x128xf32, #tpu.memory_space<vmem>>, vector<1x16xf32>,
      %get3A_1285 = vector.shape_cast %get3A_1284 : vector<1x16xf32> to vector<16xf32>
      %mul3A_1286 = arith.mulf %get3A_1285, %broadcast_in_dim3A_1281 : vector<16xf32>
      %swap3A_1287 = arith.index_cast %add3A_1278 : i32 to index
      %swap3A_1288 = arith.constant 0 : index
      %swap3A_1289 = tpu.vector_load %arg11[%swap3A_1287, %swap3A_1288] {strides = array<i32>} : memref<80x128xf32, #tpu.memory_space<vmem>>, vector<1x16xf32>,
      %swap3A_1290 = vector.shape_cast %swap3A_1289 : vector<1x16xf32> to vector<16xf32>
      %swap3A_1291 = vector.shape_cast %mul3A_1286 : vector<16xf32> to vector<1x16xf32>
      tpu.vector_store %arg11[%swap3A_1287, %swap3A_1288], %swap3A_1291 {strides = array<i32>} : memref<80x128xf32, #tpu.memory_space<vmem>>, vector<1x16xf32>,
      %get3A_1292 = arith.index_cast %add3A_1278 : i32 to index
      %get3A_1293 = arith.constant 16 : index
      %get3A_1294 = tpu.vector_load %arg11[%get3A_1292, %get3A_1293] {strides = array<i32>} : memref<80x128xf32, #tpu.memory_space<vmem>>, vector<1x16xf32>,
      %get3A_1295 = vector.shape_cast %get3A_1294 : vector<1x16xf32> to vector<16xf32>
      %mul3A_1296 = arith.mulf %get3A_1295, %broadcast_in_dim3A_1281 : vector<16xf32>
      %swap3A_1297 = arith.index_cast %add3A_1278 : i32 to index
      %swap3A_1298 = arith.constant 16 : index
      %swap3A_1299 = tpu.vector_load %arg11[%swap3A_1297, %swap3A_1298] {strides = array<i32>} : memref<80x128xf32, #tpu.memory_space<vmem>>, vector<1x16xf32>,
      %swap3A_1300 = vector.shape_cast %swap3A_1299 : vector<1x16xf32> to vector<16xf32>
      %swap3A_1301 = vector.shape_cast %mul3A_1296 : vector<16xf32> to vector<1x16xf32>
      tpu.vector_store %arg11[%swap3A_1297, %swap3A_1298], %swap3A_1301 {strides = array<i32>} : memref<80x128xf32, #tpu.memory_space<vmem>>, vector<1x16xf32>,
      %get3A_1302 = arith.index_cast %add3A_1278 : i32 to index
      %get3A_1303 = arith.constant 32 : index
      %get3A_1304 = tpu.vector_load %arg11[%get3A_1302, %get3A_1303] {strides = array<i32>} : memref<80x128xf32, #tpu.memory_space<vmem>>, vector<1x16xf32>,
      %get3A_1305 = vector.shape_cast %get3A_1304 : vector<1x16xf32> to vector<16xf32>
      %mul3A_1306 = arith.mulf %get3A_1305, %broadcast_in_dim3A_1281 : vector<16xf32>
      %swap3A_1307 = arith.index_cast %add3A_1278 : i32 to index
      %swap3A_1308 = arith.constant 32 : index
      %swap3A_1309 = tpu.vector_load %arg11[%swap3A_1307, %swap3A_1308] {strides = array<i32>} : memref<80x128xf32, #tpu.memory_space<vmem>>, vector<1x16xf32>,
      %swap3A_1310 = vector.shape_cast %swap3A_1309 : vector<1x16xf32> to vector<16xf32>
      %swap3A_1311 = vector.shape_cast %mul3A_1306 : vector<16xf32> to vector<1x16xf32>
      tpu.vector_store %arg11[%swap3A_1307, %swap3A_1308], %swap3A_1311 {strides = array<i32>} : memref<80x128xf32, #tpu.memory_space<vmem>>, vector<1x16xf32>,
      %get3A_1312 = arith.index_cast %add3A_1278 : i32 to index
      %get3A_1313 = arith.constant 48 : index
      %get3A_1314 = tpu.vector_load %arg11[%get3A_1312, %get3A_1313] {strides = array<i32>} : memref<80x128xf32, #tpu.memory_space<vmem>>, vector<1x16xf32>,
      %get3A_1315 = vector.shape_cast %get3A_1314 : vector<1x16xf32> to vector<16xf32>
      %mul3A_1316 = arith.mulf %get3A_1315, %broadcast_in_dim3A_1281 : vector<16xf32>
      %swap3A_1317 = arith.index_cast %add3A_1278 : i32 to index
      %swap3A_1318 = arith.constant 48 : index
      %swap3A_1319 = tpu.vector_load %arg11[%swap3A_1317, %swap3A_1318] {strides = array<i32>} : memref<80x128xf32, #tpu.memory_space<vmem>>, vector<1x16xf32>,
      %swap3A_1320 = vector.shape_cast %swap3A_1319 : vector<1x16xf32> to vector<16xf32>
      %swap3A_1321 = vector.shape_cast %mul3A_1316 : vector<16xf32> to vector<1x16xf32>
      tpu.vector_store %arg11[%swap3A_1317, %swap3A_1318], %swap3A_1321 {strides = array<i32>} : memref<80x128xf32, #tpu.memory_space<vmem>>, vector<1x16xf32>,
      %get3A_1322 = arith.index_cast %add3A_1278 : i32 to index
      %get3A_1323 = arith.constant 64 : index
      %get3A_1324 = tpu.vector_load %arg11[%get3A_1322, %get3A_1323] {strides = array<i32>} : memref<80x128xf32, #tpu.memory_space<vmem>>, vector<1x16xf32>,
      %get3A_1325 = vector.shape_cast %get3A_1324 : vector<1x16xf32> to vector<16xf32>
      %mul3A_1326 = arith.mulf %get3A_1325, %broadcast_in_dim3A_1281 : vector<16xf32>
      %swap3A_1327 = arith.index_cast %add3A_1278 : i32 to index
      %swap3A_1328 = arith.constant 64 : index
      %swap3A_1329 = tpu.vector_load %arg11[%swap3A_1327, %swap3A_1328] {strides = array<i32>} : memref<80x128xf32, #tpu.memory_space<vmem>>, vector<1x16xf32>,
      %swap3A_1330 = vector.shape_cast %swap3A_1329 : vector<1x16xf32> to vector<16xf32>
      %swap3A_1331 = vector.shape_cast %mul3A_1326 : vector<16xf32> to vector<1x16xf32>
      tpu.vector_store %arg11[%swap3A_1327, %swap3A_1328], %swap3A_1331 {strides = array<i32>} : memref<80x128xf32, #tpu.memory_space<vmem>>, vector<1x16xf32>,
      %get3A_1332 = arith.index_cast %add3A_1278 : i32 to index
      %get3A_1333 = arith.constant 80 : index
      %get3A_1334 = tpu.vector_load %arg11[%get3A_1332, %get3A_1333] {strides = array<i32>} : memref<80x128xf32, #tpu.memory_space<vmem>>, vector<1x16xf32>,
      %get3A_1335 = vector.shape_cast %get3A_1334 : vector<1x16xf32> to vector<16xf32>
      %mul3A_1336 = arith.mulf %get3A_1335, %broadcast_in_dim3A_1281 : vector<16xf32>
      %swap3A_1337 = arith.index_cast %add3A_1278 : i32 to index
      %swap3A_1338 = arith.constant 80 : index
      %swap3A_1339 = tpu.vector_load %arg11[%swap3A_1337, %swap3A_1338] {strides = array<i32>} : memref<80x128xf32, #tpu.memory_space<vmem>>, vector<1x16xf32>,
      %swap3A_1340 = vector.shape_cast %swap3A_1339 : vector<1x16xf32> to vector<16xf32>
      %swap3A_1341 = vector.shape_cast %mul3A_1336 : vector<16xf32> to vector<1x16xf32>
      tpu.vector_store %arg11[%swap3A_1337, %swap3A_1338], %swap3A_1341 {strides = array<i32>} : memref<80x128xf32, #tpu.memory_space<vmem>>, vector<1x16xf32>,
      %get3A_1342 = arith.index_cast %add3A_1278 : i32 to index
      %get3A_1343 = arith.constant 96 : index
      %get3A_1344 = tpu.vector_load %arg11[%get3A_1342, %get3A_1343] {strides = array<i32>} : memref<80x128xf32, #tpu.memory_space<vmem>>, vector<1x16xf32>,
      %get3A_1345 = vector.shape_cast %get3A_1344 : vector<1x16xf32> to vector<16xf32>
      %mul3A_1346 = arith.mulf %get3A_1345, %broadcast_in_dim3A_1281 : vector<16xf32>
      %swap3A_1347 = arith.index_cast %add3A_1278 : i32 to index
      %swap3A_1348 = arith.constant 96 : index
      %swap3A_1349 = tpu.vector_load %arg11[%swap3A_1347, %swap3A_1348] {strides = array<i32>} : memref<80x128xf32, #tpu.memory_space<vmem>>, vector<1x16xf32>,
      %swap3A_1350 = vector.shape_cast %swap3A_1349 : vector<1x16xf32> to vector<16xf32>
      %swap3A_1351 = vector.shape_cast %mul3A_1346 : vector<16xf32> to vector<1x16xf32>
      tpu.vector_store %arg11[%swap3A_1347, %swap3A_1348], %swap3A_1351 {strides = array<i32>} : memref<80x128xf32, #tpu.memory_space<vmem>>, vector<1x16xf32>,
      %get3A_1352 = arith.index_cast %add3A_1278 : i32 to index
      %get3A_1353 = arith.constant 112 : index
      %get3A_1354 = tpu.vector_load %arg11[%get3A_1352, %get3A_1353] {strides = array<i32>} : memref<80x128xf32, #tpu.memory_space<vmem>>, vector<1x16xf32>,
      %get3A_1355 = vector.shape_cast %get3A_1354 : vector<1x16xf32> to vector<16xf32>
      %mul3A_1356 = arith.mulf %get3A_1355, %broadcast_in_dim3A_1281 : vector<16xf32>
      %swap3A_1357 = arith.index_cast %add3A_1278 : i32 to index
      %swap3A_1358 = arith.constant 112 : index
      %swap3A_1359 = tpu.vector_load %arg11[%swap3A_1357, %swap3A_1358] {strides = array<i32>} : memref<80x128xf32, #tpu.memory_space<vmem>>, vector<1x16xf32>,
      %swap3A_1360 = vector.shape_cast %swap3A_1359 : vector<1x16xf32> to vector<16xf32>
      %swap3A_1361 = vector.shape_cast %mul3A_1356 : vector<16xf32> to vector<1x16xf32>
      tpu.vector_store %arg11[%swap3A_1357, %swap3A_1358], %swap3A_1361 {strides = array<i32>} : memref<80x128xf32, #tpu.memory_space<vmem>>, vector<1x16xf32>,
      %mul3A_1362 = arith.constant 16 : i32
      %mul3A_1363 = arith.muli %scan3A_53, %mul3A_1362 : i32
      %add3A_1364 = arith.constant 15 : i32
      %add3A_1365 = arith.addi %mul3A_1363, %add3A_1364 : i32
      %slice3A_1366 = vector.extract_strided_slice %get3A_60 {offsets = [15], sizes = [1], strides = [1]} : vector<16xf32> to vector<1xf32>
      %squeeze3A_1367 = vector.extract %slice3A_1366[0] : f32 from vector<1xf32>
      %broadcast_in_dim3A_1368 = vector.broadcast %squeeze3A_1367 : f32 to vector<16xf32>
      %get3A_1369 = arith.index_cast %add3A_1365 : i32 to index
      %get3A_1370 = arith.constant 0 : index
      %get3A_1371 = tpu.vector_load %arg11[%get3A_1369, %get3A_1370] {strides = array<i32>} : memref<80x128xf32, #tpu.memory_space<vmem>>, vector<1x16xf32>,
      %get3A_1372 = vector.shape_cast %get3A_1371 : vector<1x16xf32> to vector<16xf32>
      %mul3A_1373 = arith.mulf %get3A_1372, %broadcast_in_dim3A_1368 : vector<16xf32>
      %swap3A_1374 = arith.index_cast %add3A_1365 : i32 to index
      %swap3A_1375 = arith.constant 0 : index
      %swap3A_1376 = tpu.vector_load %arg11[%swap3A_1374, %swap3A_1375] {strides = array<i32>} : memref<80x128xf32, #tpu.memory_space<vmem>>, vector<1x16xf32>,
      %swap3A_1377 = vector.shape_cast %swap3A_1376 : vector<1x16xf32> to vector<16xf32>
      %swap3A_1378 = vector.shape_cast %mul3A_1373 : vector<16xf32> to vector<1x16xf32>
      tpu.vector_store %arg11[%swap3A_1374, %swap3A_1375], %swap3A_1378 {strides = array<i32>} : memref<80x128xf32, #tpu.memory_space<vmem>>, vector<1x16xf32>,
      %get3A_1379 = arith.index_cast %add3A_1365 : i32 to index
      %get3A_1380 = arith.constant 16 : index
      %get3A_1381 = tpu.vector_load %arg11[%get3A_1379, %get3A_1380] {strides = array<i32>} : memref<80x128xf32, #tpu.memory_space<vmem>>, vector<1x16xf32>,
      %get3A_1382 = vector.shape_cast %get3A_1381 : vector<1x16xf32> to vector<16xf32>
      %mul3A_1383 = arith.mulf %get3A_1382, %broadcast_in_dim3A_1368 : vector<16xf32>
      %swap3A_1384 = arith.index_cast %add3A_1365 : i32 to index
      %swap3A_1385 = arith.constant 16 : index
      %swap3A_1386 = tpu.vector_load %arg11[%swap3A_1384, %swap3A_1385] {strides = array<i32>} : memref<80x128xf32, #tpu.memory_space<vmem>>, vector<1x16xf32>,
      %swap3A_1387 = vector.shape_cast %swap3A_1386 : vector<1x16xf32> to vector<16xf32>
      %swap3A_1388 = vector.shape_cast %mul3A_1383 : vector<16xf32> to vector<1x16xf32>
      tpu.vector_store %arg11[%swap3A_1384, %swap3A_1385], %swap3A_1388 {strides = array<i32>} : memref<80x128xf32, #tpu.memory_space<vmem>>, vector<1x16xf32>,
      %get3A_1389 = arith.index_cast %add3A_1365 : i32 to index
      %get3A_1390 = arith.constant 32 : index
      %get3A_1391 = tpu.vector_load %arg11[%get3A_1389, %get3A_1390] {strides = array<i32>} : memref<80x128xf32, #tpu.memory_space<vmem>>, vector<1x16xf32>,
      %get3A_1392 = vector.shape_cast %get3A_1391 : vector<1x16xf32> to vector<16xf32>
      %mul3A_1393 = arith.mulf %get3A_1392, %broadcast_in_dim3A_1368 : vector<16xf32>
      %swap3A_1394 = arith.index_cast %add3A_1365 : i32 to index
      %swap3A_1395 = arith.constant 32 : index
      %swap3A_1396 = tpu.vector_load %arg11[%swap3A_1394, %swap3A_1395] {strides = array<i32>} : memref<80x128xf32, #tpu.memory_space<vmem>>, vector<1x16xf32>,
      %swap3A_1397 = vector.shape_cast %swap3A_1396 : vector<1x16xf32> to vector<16xf32>
      %swap3A_1398 = vector.shape_cast %mul3A_1393 : vector<16xf32> to vector<1x16xf32>
      tpu.vector_store %arg11[%swap3A_1394, %swap3A_1395], %swap3A_1398 {strides = array<i32>} : memref<80x128xf32, #tpu.memory_space<vmem>>, vector<1x16xf32>,
      %get3A_1399 = arith.index_cast %add3A_1365 : i32 to index
      %get3A_1400 = arith.constant 48 : index
      %get3A_1401 = tpu.vector_load %arg11[%get3A_1399, %get3A_1400] {strides = array<i32>} : memref<80x128xf32, #tpu.memory_space<vmem>>, vector<1x16xf32>,
      %get3A_1402 = vector.shape_cast %get3A_1401 : vector<1x16xf32> to vector<16xf32>
      %mul3A_1403 = arith.mulf %get3A_1402, %broadcast_in_dim3A_1368 : vector<16xf32>
      %swap3A_1404 = arith.index_cast %add3A_1365 : i32 to index
      %swap3A_1405 = arith.constant 48 : index
      %swap3A_1406 = tpu.vector_load %arg11[%swap3A_1404, %swap3A_1405] {strides = array<i32>} : memref<80x128xf32, #tpu.memory_space<vmem>>, vector<1x16xf32>,
      %swap3A_1407 = vector.shape_cast %swap3A_1406 : vector<1x16xf32> to vector<16xf32>
      %swap3A_1408 = vector.shape_cast %mul3A_1403 : vector<16xf32> to vector<1x16xf32>
      tpu.vector_store %arg11[%swap3A_1404, %swap3A_1405], %swap3A_1408 {strides = array<i32>} : memref<80x128xf32, #tpu.memory_space<vmem>>, vector<1x16xf32>,
      %get3A_1409 = arith.index_cast %add3A_1365 : i32 to index
      %get3A_1410 = arith.constant 64 : index
      %get3A_1411 = tpu.vector_load %arg11[%get3A_1409, %get3A_1410] {strides = array<i32>} : memref<80x128xf32, #tpu.memory_space<vmem>>, vector<1x16xf32>,
      %get3A_1412 = vector.shape_cast %get3A_1411 : vector<1x16xf32> to vector<16xf32>
      %mul3A_1413 = arith.mulf %get3A_1412, %broadcast_in_dim3A_1368 : vector<16xf32>
      %swap3A_1414 = arith.index_cast %add3A_1365 : i32 to index
      %swap3A_1415 = arith.constant 64 : index
      %swap3A_1416 = tpu.vector_load %arg11[%swap3A_1414, %swap3A_1415] {strides = array<i32>} : memref<80x128xf32, #tpu.memory_space<vmem>>, vector<1x16xf32>,
      %swap3A_1417 = vector.shape_cast %swap3A_1416 : vector<1x16xf32> to vector<16xf32>
      %swap3A_1418 = vector.shape_cast %mul3A_1413 : vector<16xf32> to vector<1x16xf32>
      tpu.vector_store %arg11[%swap3A_1414, %swap3A_1415], %swap3A_1418 {strides = array<i32>} : memref<80x128xf32, #tpu.memory_space<vmem>>, vector<1x16xf32>,
      %get3A_1419 = arith.index_cast %add3A_1365 : i32 to index
      %get3A_1420 = arith.constant 80 : index
      %get3A_1421 = tpu.vector_load %arg11[%get3A_1419, %get3A_1420] {strides = array<i32>} : memref<80x128xf32, #tpu.memory_space<vmem>>, vector<1x16xf32>,
      %get3A_1422 = vector.shape_cast %get3A_1421 : vector<1x16xf32> to vector<16xf32>
      %mul3A_1423 = arith.mulf %get3A_1422, %broadcast_in_dim3A_1368 : vector<16xf32>
      %swap3A_1424 = arith.index_cast %add3A_1365 : i32 to index
      %swap3A_1425 = arith.constant 80 : index
      %swap3A_1426 = tpu.vector_load %arg11[%swap3A_1424, %swap3A_1425] {strides = array<i32>} : memref<80x128xf32, #tpu.memory_space<vmem>>, vector<1x16xf32>,
      %swap3A_1427 = vector.shape_cast %swap3A_1426 : vector<1x16xf32> to vector<16xf32>
      %swap3A_1428 = vector.shape_cast %mul3A_1423 : vector<16xf32> to vector<1x16xf32>
      tpu.vector_store %arg11[%swap3A_1424, %swap3A_1425], %swap3A_1428 {strides = array<i32>} : memref<80x128xf32, #tpu.memory_space<vmem>>, vector<1x16xf32>,
      %get3A_1429 = arith.index_cast %add3A_1365 : i32 to index
      %get3A_1430 = arith.constant 96 : index
      %get3A_1431 = tpu.vector_load %arg11[%get3A_1429, %get3A_1430] {strides = array<i32>} : memref<80x128xf32, #tpu.memory_space<vmem>>, vector<1x16xf32>,
      %get3A_1432 = vector.shape_cast %get3A_1431 : vector<1x16xf32> to vector<16xf32>
      %mul3A_1433 = arith.mulf %get3A_1432, %broadcast_in_dim3A_1368 : vector<16xf32>
      %swap3A_1434 = arith.index_cast %add3A_1365 : i32 to index
      %swap3A_1435 = arith.constant 96 : index
      %swap3A_1436 = tpu.vector_load %arg11[%swap3A_1434, %swap3A_1435] {strides = array<i32>} : memref<80x128xf32, #tpu.memory_space<vmem>>, vector<1x16xf32>,
      %swap3A_1437 = vector.shape_cast %swap3A_1436 : vector<1x16xf32> to vector<16xf32>
      %swap3A_1438 = vector.shape_cast %mul3A_1433 : vector<16xf32> to vector<1x16xf32>
      tpu.vector_store %arg11[%swap3A_1434, %swap3A_1435], %swap3A_1438 {strides = array<i32>} : memref<80x128xf32, #tpu.memory_space<vmem>>, vector<1x16xf32>,
      %get3A_1439 = arith.index_cast %add3A_1365 : i32 to index
      %get3A_1440 = arith.constant 112 : index
      %get3A_1441 = tpu.vector_load %arg11[%get3A_1439, %get3A_1440] {strides = array<i32>} : memref<80x128xf32, #tpu.memory_space<vmem>>, vector<1x16xf32>,
      %get3A_1442 = vector.shape_cast %get3A_1441 : vector<1x16xf32> to vector<16xf32>
      %mul3A_1443 = arith.mulf %get3A_1442, %broadcast_in_dim3A_1368 : vector<16xf32>
      %swap3A_1444 = arith.index_cast %add3A_1365 : i32 to index
      %swap3A_1445 = arith.constant 112 : index
      %swap3A_1446 = tpu.vector_load %arg11[%swap3A_1444, %swap3A_1445] {strides = array<i32>} : memref<80x128xf32, #tpu.memory_space<vmem>>, vector<1x16xf32>,
      %swap3A_1447 = vector.shape_cast %swap3A_1446 : vector<1x16xf32> to vector<16xf32>
      %swap3A_1448 = vector.shape_cast %mul3A_1443 : vector<16xf32> to vector<1x16xf32>
      tpu.vector_store %arg11[%swap3A_1444, %swap3A_1445], %swap3A_1448 {strides = array<i32>} : memref<80x128xf32, #tpu.memory_space<vmem>>, vector<1x16xf32>,
      %scan3A_1449 = arith.constant 0 : i32
      scf.yield %scan3A_1449 : i32
    }
    %scan3A_32 = arith.constant 5 : i32
    %dma_start3A_33 = arith.constant 9920 : i32
    %dma_start3A_34 = tpu.memref_slice %arg9[%dma_start3A_33] : memref<10000xi32, #tpu.memory_space<vmem>> -> memref<80xi32, #tpu.memory_space<vmem>>
    %dma_start3A_35 = arith.constant 0 : i32
    %dma_start3A_36 = arith.constant 0 : i32
    %dma_start3A_37 = tpu.memref_slice %arg13[%dma_start3A_35, %dma_start3A_36] : memref<10000x128xf32, #tpu.memory_space<vmem_shared>> -> memref<10000x128xf32, #tpu.memory_space<vmem_shared>>
    tpu.enqueue_indirect_dma source(%arg11 : memref<80x128xf32, #tpu.memory_space<vmem>>) target(%dma_start3A_37 : memref<10000x128xf32, #tpu.memory_space<vmem_shared>>) offsets(%dma_start3A_34 : memref<80xi32, #tpu.memory_space<vmem>>) semaphore(%arg16 : memref<!tpu.dma_semaphore, #tpu.memory_space<semaphore_mem>>) {add = true}
    %dma_wait3A_38 = arith.constant 9920 : i32
    %dma_wait3A_39 = tpu.memref_slice %arg9[%dma_wait3A_38] : memref<10000xi32, #tpu.memory_space<vmem>> -> memref<80xi32, #tpu.memory_space<vmem>>
    %dma_wait3A_40 = arith.constant 0 : i32
    %dma_wait3A_41 = arith.constant 0 : i32
    %dma_wait3A_42 = tpu.memref_slice %arg13[%dma_wait3A_40, %dma_wait3A_41] : memref<10000x128xf32, #tpu.memory_space<vmem_shared>> -> memref<10000x128xf32, #tpu.memory_space<vmem_shared>>
    tpu.wait_indirect_dma semaphore(%arg16 : memref<!tpu.dma_semaphore, #tpu.memory_space<semaphore_mem>>) src(%arg11 : memref<80x128xf32, #tpu.memory_space<vmem>>) dst(%dma_wait3A_42 : memref<10000x128xf32, #tpu.memory_space<vmem_shared>>)
    %barrier3A_43 = arith.constant 0 : index
    tpu.barrier barrier_id(%barrier3A_43)
    %mul3A_44 = arith.constant 624 : i32
    %mul3A_45 = arith.muli %arg1, %mul3A_44 : i32
    %mul3A_46 = arith.constant 624 : i32
    %mul3A_47 = arith.muli %arg1, %mul3A_46 : i32
    "tpu.region"() ({
      %run_scoped3A = tpu.sem_alloc : memref<!tpu.dma_semaphore, #tpu.memory_space<semaphore_mem>>
      %dma_start3A_53 = arith.constant 0 : i32
      %dma_start3A_54 = tpu.memref_slice %arg7[%arg0, %mul3A_47, %dma_start3A_53] : memref<2x10000x128xf32, #tpu.memory_space<hbm>> -> memref<1x624x128xf32, #tpu.memory_space<hbm>>
      %dma_start3A_55 = tpu.memref_squeeze %dma_start3A_54 : memref<1x624x128xf32, #tpu.memory_space<hbm>> -> memref<624x128xf32, #tpu.memory_space<hbm>>
      %dma_start3A_56 = arith.constant 0 : i32
      %dma_start3A_57 = tpu.memref_slice %arg13[%mul3A_45, %dma_start3A_56] : memref<10000x128xf32, #tpu.memory_space<vmem_shared>> -> memref<624x128xf32, #tpu.memory_space<vmem_shared>>
      tpu.enqueue_dma source(%dma_start3A_57 : memref<624x128xf32, #tpu.memory_space<vmem_shared>>) target(%dma_start3A_55 : memref<624x128xf32, #tpu.memory_space<hbm>>) target_semaphore(%run_scoped3A : memref<!tpu.dma_semaphore, #tpu.memory_space<semaphore_mem>>)
      %dma_wait3A_58 = arith.constant 0 : i32
      %dma_wait3A_59 = tpu.memref_slice %arg7[%arg0, %mul3A_47, %dma_wait3A_58] : memref<2x10000x128xf32, #tpu.memory_space<hbm>> -> memref<1x624x128xf32, #tpu.memory_space<hbm>>
      %dma_wait3A_60 = tpu.memref_squeeze %dma_wait3A_59 : memref<1x624x128xf32, #tpu.memory_space<hbm>> -> memref<624x128xf32, #tpu.memory_space<hbm>>
      %dma_wait3A_61 = arith.constant 0 : i32
      %dma_wait3A_62 = tpu.memref_slice %arg13[%mul3A_45, %dma_wait3A_61] : memref<10000x128xf32, #tpu.memory_space<vmem_shared>> -> memref<624x128xf32, #tpu.memory_space<vmem_shared>>
      tpu.wait_dma2 semaphore(%run_scoped3A : memref<!tpu.dma_semaphore, #tpu.memory_space<semaphore_mem>>) src(%dma_wait3A_62 : memref<624x128xf32, #tpu.memory_space<vmem_shared>>) dst(%dma_wait3A_60 : memref<624x128xf32, #tpu.memory_space<hbm>>)
      tpu.yield
    }) : () -> ()
    %eq3A_48 = arith.constant 15 : i32
    %eq3A_49 = arith.cmpi eq, %arg1, %eq3A_48 : i32
    %convert_element_type3A_50 = arith.extui %eq3A_49 : i1 to i32
    %cond3A_51 = arith.constant 0 : i32
    %cond3A_52 = arith.cmpi ne, %convert_element_type3A_50, %cond3A_51 : i32
    scf.if %cond3A_52 {
      "tpu.region"() ({
        %run_scoped3A = tpu.sem_alloc : memref<!tpu.dma_semaphore, #tpu.memory_space<semaphore_mem>>
        %dma_start3A_53 = arith.constant 9984 : i32
        %dma_start3A_54 = arith.constant 0 : i32
        %dma_start3A_55 = tpu.memref_slice %arg7[%arg0, %dma_start3A_53, %dma_start3A_54] : memref<2x10000x128xf32, #tpu.memory_space<hbm>> -> memref<1x16x128xf32, #tpu.memory_space<hbm>>
        %dma_start3A_56 = tpu.memref_squeeze %dma_start3A_55 : memref<1x16x128xf32, #tpu.memory_space<hbm>> -> memref<16x128xf32, #tpu.memory_space<hbm>>
        %dma_start3A_57 = arith.constant 9984 : i32
        %dma_start3A_58 = arith.constant 0 : i32
        %dma_start3A_59 = tpu.memref_slice %arg13[%dma_start3A_57, %dma_start3A_58] : memref<10000x128xf32, #tpu.memory_space<vmem_shared>> -> memref<16x128xf32, #tpu.memory_space<vmem_shared>>
        tpu.enqueue_dma source(%dma_start3A_59 : memref<16x128xf32, #tpu.memory_space<vmem_shared>>) target(%dma_start3A_56 : memref<16x128xf32, #tpu.memory_space<hbm>>) target_semaphore(%run_scoped3A : memref<!tpu.dma_semaphore, #tpu.memory_space<semaphore_mem>>)
        %dma_wait3A_60 = arith.constant 9984 : i32
        %dma_wait3A_61 = arith.constant 0 : i32
        %dma_wait3A_62 = tpu.memref_slice %arg7[%arg0, %dma_wait3A_60, %dma_wait3A_61] : memref<2x10000x128xf32, #tpu.memory_space<hbm>> -> memref<1x16x128xf32, #tpu.memory_space<hbm>>
        %dma_wait3A_63 = tpu.memref_squeeze %dma_wait3A_62 : memref<1x16x128xf32, #tpu.memory_space<hbm>> -> memref<16x128xf32, #tpu.memory_space<hbm>>
        %dma_wait3A_64 = arith.constant 9984 : i32
        %dma_wait3A_65 = arith.constant 0 : i32
        %dma_wait3A_66 = tpu.memref_slice %arg13[%dma_wait3A_64, %dma_wait3A_65] : memref<10000x128xf32, #tpu.memory_space<vmem_shared>> -> memref<16x128xf32, #tpu.memory_space<vmem_shared>>
        tpu.wait_dma2 semaphore(%run_scoped3A : memref<!tpu.dma_semaphore, #tpu.memory_space<semaphore_mem>>) src(%dma_wait3A_66 : memref<16x128xf32, #tpu.memory_space<vmem_shared>>) dst(%dma_wait3A_63 : memref<16x128xf32, #tpu.memory_space<hbm>>)
        tpu.yield
      }) : () -> ()
    } else {
    }
    return
  }
}

module attributes {stable_mosaic.version = 14 : i64} {
  func.func @_combine(%arg0: i32, %arg1: memref<1000x128xf32, #tpu.memory_space<vmem>>, %arg2: memref<1000x128xf32, #tpu.memory_space<vmem>>, %arg3: memref<1000x128xf32, #tpu.memory_space<vmem>>) attributes {dimension_semantics = [#tpu.dimension_semantics<arbitrary>], iteration_bounds = array<i64: 10>, scalar_prefetch = 0 : i64, scratch_operands = 0 : i64, tpu.core_type = #tpu.core_type<tc>, window_params = [{transform_indices = @transform_0, window_bounds = array<i64: 1000, 128>}, {transform_indices = @transform_1, window_bounds = array<i64: 1000, 128>}, {transform_indices = @transform_2, window_bounds = array<i64: 1000, 128>}]} {
    %get3A = arith.constant 0 : index
    %get3A_0 = arith.constant 0 : index
    %get3A_1 = vector.load %arg1[%get3A, %get3A_0] : memref<1000x128xf32, #tpu.memory_space<vmem>>, vector<1000x128xf32>
    %get3A_2 = arith.constant 0 : index
    %get3A_3 = arith.constant 0 : index
    %get3A_4 = vector.load %arg2[%get3A_2, %get3A_3] : memref<1000x128xf32, #tpu.memory_space<vmem>>, vector<1000x128xf32>
    %add3A = arith.addf %get3A_1, %get3A_4 : vector<1000x128xf32>
    %swap3A = arith.constant 0 : index
    %swap3A_5 = arith.constant 0 : index
    %swap3A_6 = vector.load %arg3[%swap3A, %swap3A_5] : memref<1000x128xf32, #tpu.memory_space<vmem>>, vector<1000x128xf32>
    tpu.vector_store %arg3[%swap3A, %swap3A_5], %add3A {strides = array<i32>} : memref<1000x128xf32, #tpu.memory_space<vmem>>, vector<1000x128xf32>,
    return
  }
  func.func @transform_0(%arg0: i32) -> (i32, i32) {
    %c0_i32 = arith.constant 0 : i32
    %c0_i32_0 = arith.constant 0 : i32
    return %arg0, %c0_i32 : i32, i32
  }
  func.func @transform_1(%arg0: i32) -> (i32, i32) {
    %c0_i32 = arith.constant 0 : i32
    %c0_i32_0 = arith.constant 0 : i32
    return %arg0, %c0_i32 : i32, i32
  }
  func.func @transform_2(%arg0: i32) -> (i32, i32) {
    %c0_i32 = arith.constant 0 : i32
    %c0_i32_0 = arith.constant 0 : i32
    return %arg0, %c0_i32 : i32, i32
  }
}

</mosaic_0001>

<sc_bundles>
// kernel: kernel.4.cloned.1.call-start
scs
__scs_entry_jumppad:
0x0: {  	(pc) =	sbr.rel $0x88, $3  }
0x1: {  	(tag) =	ssettag $0x0;
	lr =	simm.s32 $0x1  }
0x2: {  	[smem:$0x3F9E] =	sst lr;
	_ =	strace $0xD0000000  }
0x3: {  	_ = 	snop  }
0x4: {  	_ = 	snop  }
0x5: {  	_ = 	snop  }
0x6: {  	_ = 	snop  }
0x7: {  	_ = 	snop  }
__scs_overlays_trampoline_lowered:
0x8: {  	[smem:$0x3FAD] =	sst s0  }
0x9: {  	[smem:$0x3FAE] =	sst s1  }
0xa: {  	[smem:$0x3FAF] =	sst s2  }
0xb: {  	[smem:$0x3FB0] =	sst s3  }
0xc: {  	[smem:$0x3FB1] =	sst s4  }
0xd: {  	[smem:$0x3FB2] =	sst s5  }
0xe: {  	[smem:$0x3FB3] =	sst s6  }
0xf: {  	[smem:$0x3FB4] =	sst s7  }
0x10: {  	[smem:$0x3FB5] =	sst s8  }
0x11: {  	[smem:$0x3FB6] =	sst s9;
	s0 =	simm.s32 @!p0 $0x0  }
0x12: {  	s1 =	sld [smem:$0x3F9C];
	s0 =	simm.s32 @p0 $0x1  }
0x13: {  	[smem:$0x3FB7] =	sst s0;
	s0 =	simm.s32 @!p1 $0x0  }
0x14: {  	s2 =	sld [smem:$0x3F9B];
	s0 =	simm.s32 @p1 $0x1  }
0x15: {  	[smem:$0x3FB8] =	sst s0;
	s0 =	simm.s32 @!p2 $0x0  }
0x16: {  	s3 =	sld [smem:$0x3FDB];
	s0 =	simm.s32 @p2 $0x1  }
0x17: {  	s4 =	simm.s32 $0x1BF5;
	[smem:$0x3FBA] =	sst s0  }
0x18: {  	s0 =	sld [smem:$0x3F9D];
	_ =	swait.ge [sflag:s4], $0x0  }
0x19: {  	s7 =	sld [smem:$0x3F9E]  }
0x1a: {  	s8 =	sadd.s32 $0xFFFFE003, lr  }
0x1b: {  	s9 =	sadd.s32 $0xFFFFFEF7, lr;
	s5 =	simm.s32 $0xFFFFFFFF;
	p2 =	slt.u32 s8, $0xFFFFF086  }
0x1c: {  	p1 =	slt.u32 s9, $0xF7A;
	s5 =	simm.s32 @!p2 $0x0  }
0x1d: {  	s5 =	simm.s32 @p1 $0x1;
	p0 =	seq.s32 s7, s2  }
0x1e: {  	s7 =	smul.u32 @!p0 $0xF7A, s2;
	p2 =	seq.s32 @!p0 s5, $0x0  }
0x1f: {  	s9 =	smul.u32 $0xF7A, s1;
	s8 =	simm.s32 @!p0 $0x1BF5;
	p2 =	por !p2, p0  }
0x20: {  	[sflag:s8] =	ssyncset.s32 @!p0 $0xFFFFF086;
	s6 =	sadd.s32 @!p0 s3, s7;
	s7 =	simm.s32 @!p0 $0x108  }
0x21: {  	s3 =	sadd.s32 s3, s9;
	s6 =	sadd.s32 @!p0 $0x88, s6;
	s7 =	simm.s32 @p2 $0x1082  }
0x22: {  	[simem:s7], [sflag:s8] =	dma.local @!p0 [hbm:s6], $0xF7A  }
0x23: {  	s9 =	sor.u32 $0xD0000000, s2;
	s6 =	simm.s32 $0x108;
	_ =	swait.ge @!p0 [sflag:s8], $0x0  }
0x24: {  	s3 =	sadd.s32 $0x88, s3;
	s6 =	simm.s32 @!p1 $0x1082;
	[sflag:s4] =	ssyncset.s32 $0xFFFFF086  }
0x25: {  	[simem:s6], [sflag:s4] =	dma.local [hbm:s3], $0xF7A  }
0x26: {  	[smem:$0x3F9E] =	sst s1;
	(tag) =	ssettag s2;
	_ =	strace s9  }
0x27: {  	s1 =	sld [smem:$0x3FAE]  }
0x28: {  	s2 =	sld [smem:$0x3FAF]  }
0x29: {  	s4 =	sld [smem:$0x3FB1]  }
0x2a: {  	p0 =	seq.s32 s5, $0x0;
	s5 =	sld [smem:$0x3FB2]  }
0x2b: {  	s6 =	sld [smem:$0x3FB3]  }
0x2c: {  	s7 =	sld [smem:$0x3FB4]  }
0x2d: {  	s3 =	simm.s32 $0x108;
	s8 =	sld [smem:$0x3FB5]  }
0x2e: {  	s3 =	simm.s32 @!p0 $0x1082;
	s9 =	sld [smem:$0x3FB6]  }
0x2f: {  	lr =	sadd.s32 s0, s3;
	s0 =	sld [smem:$0x3FAD]  }
0x30: {  	s3 =	sld [smem:$0x3FB0]  }
0x31: {  	[smem:$0x3FB9] =	sst s10  }
0x32: {  	s10 =	sld [smem:$0x3FB7];
	_ =	sdelay $0x3  }
0x33: {  	p0 =	seq.s32 s10, $0x1;
	s10 =	sld [smem:$0x3FB9];
	_ =	sdelay $0x3  }
0x34: {  	[smem:$0x3FB9] =	sst s10  }
0x35: {  	s10 =	sld [smem:$0x3FB8];
	_ =	sdelay $0x3  }
0x36: {  	p1 =	seq.s32 s10, $0x1;
	s10 =	sld [smem:$0x3FB9];
	_ =	sdelay $0x3  }
0x37: {  	[smem:$0x3FB9] =	sst s10  }
0x38: {  	s10 =	sld [smem:$0x3FBA]  }
0x39: {  	_ = 	snop;
	(pc) =	sbr.ind lr, $3  }
0x3a: {  	_ = 	snop  }
0x3b: {  	_ = 	snop  }
0x3c: {  	p2 =	seq.s32 s10, $0x1;
	s10 =	sld [smem:$0x3FB9]  }
0x3d: {  	_ =	shalt  }
0x3e: {  	_ =	shalt  }
0x3f: {  	_ =	shalt  }
0x40: {  	_ =	shalt  }
0x41: {  	_ =	shalt  }
0x42: {  	_ =	shalt  }
0x43: {  	_ =	shalt  }
0x44: {  	_ =	shalt  }
0x45: {  	_ =	shalt  }
0x46: {  	_ =	shalt  }
0x47: {  	_ =	shalt  }
0x48: {  	_ =	shalt  }
0x49: {  	_ =	shalt  }
0x4a: {  	_ =	shalt  }
0x4b: {  	_ =	shalt  }
0x4c: {  	_ =	shalt  }
0x4d: {  	_ =	shalt  }
0x4e: {  	_ =	shalt  }
0x4f: {  	_ =	shalt  }
0x50: {  	_ =	shalt  }
0x51: {  	_ =	shalt  }
0x52: {  	_ =	shalt  }
0x53: {  	_ =	shalt  }
0x54: {  	_ =	shalt  }
0x55: {  	_ =	shalt  }
0x56: {  	_ =	shalt  }
0x57: {  	_ =	shalt  }
0x58: {  	_ =	shalt  }
0x59: {  	_ =	shalt  }
0x5a: {  	_ =	shalt  }
0x5b: {  	_ =	shalt  }
0x5c: {  	_ =	shalt  }
0x5d: {  	_ =	shalt  }
0x5e: {  	_ =	shalt  }
0x5f: {  	_ =	shalt  }
0x60: {  	_ =	shalt  }
0x61: {  	_ =	shalt  }
0x62: {  	_ =	shalt  }
0x63: {  	_ =	shalt  }
0x64: {  	_ =	shalt  }
0x65: {  	_ =	shalt  }
0x66: {  	_ =	shalt  }
0x67: {  	_ =	shalt  }
0x68: {  	_ =	shalt  }
0x69: {  	_ =	shalt  }
0x6a: {  	_ =	shalt  }
0x6b: {  	_ =	shalt  }
0x6c: {  	_ =	shalt  }
0x6d: {  	_ =	shalt  }
0x6e: {  	_ =	shalt  }
0x6f: {  	_ =	shalt  }
0x70: {  	_ =	shalt  }
0x71: {  	_ =	shalt  }
0x72: {  	_ =	shalt  }
0x73: {  	_ =	shalt  }
0x74: {  	_ =	shalt  }
0x75: {  	_ =	shalt  }
0x76: {  	_ =	shalt  }
0x77: {  	_ =	shalt  }
0x78: {  	_ =	shalt  }
0x79: {  	_ =	shalt  }
0x7a: {  	_ =	shalt  }
0x7b: {  	_ =	shalt  }
0x7c: {  	_ =	shalt  }
0x7d: {  	_ =	shalt  }
0x7e: {  	_ =	shalt  }
0x7f: {  	_ =	shalt  }
0x80: {  	_ =	shalt  }
0x81: {  	_ =	shalt  }
0x82: {  	_ =	shalt  }
0x83: {  	_ =	shalt  }
0x84: {  	_ =	shalt  }
0x85: {  	_ =	shalt  }
0x86: {  	_ =	shalt  }
0x87: {  	_ =	shalt  }
.Lfunc_end0:
.L_simem_size_0:
called_computation_lowered:
.L_overlay_start_0:
0x88: {  	s2 =	sld [smem:$0x3FD9]  }
0x89: {  	s3 =	sld [smem:$0x3FFE];
	_ =	sdelay $0x1  }
0x8a: {  	s1 =	srdreg.scid  }
0x8b: {  	s0 =	sand.u32 $0x1, s1  }
0x8c: {  	s17 =	sshll.u32 s0, $0xA;
	s2 =	sadd.s32 s3, s2  }
0x8d: {  	s2 =	sadd.s32 s2, s17  }
0x8e: {  	[smem:$0x3FC5] =	sst s2  }
0x8f: {  	_ = 	snop  }
0x90: {  	s2 =	sld [smem:$0x3FC7]  }
0x91: {  	s18 =	sld [smem:$0x3FD0];
	(tm) =	ssettm $0x1  }
0x92: {  	s4 =	sld [smem:$0x3FFB];
	_ =	sdelay $0x3  }
0x93: {  	_ =	strace s4  }
0x94: {  	s4 =	sld [smem:$0x3FFC];
	_ =	sdelay $0x3  }
0x95: {  	_ =	strace s4  }
0x96: {  	s4 =	sld [smem:$0x3FFD];
	_ =	sdelay $0x3  }
0x97: {  	_ =	strace s4  }
0x98: {  	_ =	strace $0x8FFFFFFF  }
0x99: {  	s19 =	sld [smem:$0x3FDB];
	_ =	sdelay $0x1  }
0x9a: {  	s5 =	simm.s32 $_scs_section_size  }
0x9b: {  	s6 =	simm.s32 $_size__tile_overlayer_lowered;
	s7 =	simm.s32 $_tile_overlayer_lowered  }
0x9c: {  	s22 =	simm.s32 $0x1BFF;
	s21 =	sshll.u32 s7, $0x1;
	s4 =	sadd.s32 s5, s19  }
0x9d: {  	s8 =	simm.s32 $0x0;
	s20 =	sshll.u32 s6, $0x1;
	s6 =	sadd.s32 s21, s4  }
0x9e: {  	[timem:s8], [sflag:s22] =	dma.local [hbm:s6], s20  }
0x9f: {  	_ =	swait.ge [sflag:s22], s20  }
0xa0: {  	s5 =	ssub.s32 $0x0, s20;
	[sflag:s22] =	ssyncset.done $0x0  }
0xa1: {  	[sflag:s22] =	ssyncadd.s32 s5;
	_ =	sdelay $0x1  }
0xa2: {  	s23 =	simm.s32 $0x1B8B  }
0xa3: {  	_ =	swait.ge [sflag:s23], $0x1  }
0xa4: {  	[sflag:s23] =	ssyncset.done $0x0  }
0xa5: {  	s25 =	simm.s32 $0x1B8E;
	s24 =	sld [smem:$0x3FFE];
	[sflag:s23] =	ssyncadd.s32 $0xFFFFFFFF  }
0xa6: {  	s26 =	simm.s32 $execute0_lowered;
	[smem:$0x3FD2] =	sst s25  }
0xa7: {  	s6 =	sshll.u32 s26, $0x1;
	_ =	strace $0x80000046;
	[dreg:$0x1] =	wrdreg $0xFFFFFFFF  }
0xa8: {  	s28 =	simm.s32 $_size_execute0_lowered;
	s4 =	sadd.s32 s4, s6;
	[dreg:$0x0] =	wrdreg $0x0  }
0xa9: {  	s6 =	sshll.u32 s28, $0x1;
	[dreg:$0x2] =	wrdreg s4  }
0xaa: {  	[dreg:$0x3] =	wrdreg s6  }
0xab: {  	[dreg:$0x4] =	wrdreg $0xC0  }
0xac: {  	_ =	task [dreg:s8], $0x5FFFF  }
0xad: {  	[dreg:$0x1] =	wrdreg $0xFFFFFFFF  }
0xae: {  	[dreg:$0x0] =	wrdreg $0x60  }
0xaf: {  	[dreg:$0x2] =	wrdreg s24  }
0xb0: {  	[dreg:$0x3] =	wrdreg s2  }
0xb1: {  	[dreg:$0x4] =	wrdreg s18  }
0xb2: {  	[dreg:$0x5] =	wrdreg $0xC6800  }
0xb3: {  	[dreg:$0x6] =	wrdreg $0x9  }
0xb4: {  	_ =	task.clear_ibuf [dreg:s8], $0x7FFFF;
	_ =	strace $0x90000046  }
0xb5: {  	s29 =	simm.s32 $0x9;
	_ =	strace $0x80000048  }
0xb6: {  	_ =	swait.ge [sflag:s29], $0x1  }
0xb7: {  	[sflag:s29] =	ssyncadd.s32 $0xFFFFFFFF  }
0xb8: {  	_ =	strace $0x90000048  }
0xb9: {  	_ =	sfence  }
0xba: {  	s30 =	sld [smem:$0x0];
	_ =	sdelay $0x2  }
0xbb: {  	s31 =	sshll.u32 s1, $0xD;
	s1 =	sshrl.u32 s1, $0x2  }
0xbc: {  	s3 =	sand.u32 $0x4000, s31;
	s1 =	sadd.s32 s1, s30  }
0xbd: {  	s0 =	sor.u32 s3, s0;
	s1 =	sshll.u32 s1, $0x11  }
0xbe: {  	s0 =	sor.u32 s1, s0  }
0xbf: {  	s0 =	sadd.s32 $0x8F2B, s0  }
0xc0: {  	[sflag:s0] =	ssyncadd.remote.s32 $0x1  }
0xc1: {  	_ =	sfence.sel $0xFFFF  }
0xc2: {  	[dreg:$0x0] =	wrdreg $0xFFFFFFFF;
	(pc) =	sbr.abs _section_cstart, $3  }
0xc3: {  	[dreg:$0x1] =	wrdreg $0xFFFFFFFF  }
0xc4: {  	_ =	task.clear_ibuf [dreg:s8], $0x2FFFF;
	_ =	strace $0x9FFFFFFF  }
0xc5: {  	(tm) =	ssettm $0x7FFFFFFF  }
tec
execute0_lowered:
.L_overlay_start_1:
0x0: {  	(tag) =	ssettag $0x1  }
0x1: {  	s0 =	rddreg [dreg:$0x0]  }
0x2: {  	s1 =	rddreg [dreg:$0x1]  }
0x3: {  	s2 =	srdreg.scid;
	s9 =	rddreg [dreg:$0x2]  }
0x4: {  	s18 =	stileid.u32;
	s3 =	rddreg [dreg:$0x3];
	s13 =	simm.s32 $0x80  }
0x5: {  	s14 =	simm.s32 $0x400;
	s15 =	simm.s32 $0x5;
	s21 =	simm.s32 $0x50  }
0x6: {  	s22 =	simm.s32 $0x7680;
	s23 =	simm.s32 $0x1;
	s28 =	simm.s32 $0x4  }
0x7: {  	s29 =	simm.s32 $0x4E40;
	s30 =	simm.s32 $0x0;
	s2 =	sand.u32 $0x1, s2  }
0x8: {  	s6 =	sshll.u32 s18, $0x7;
	s11 =	sadd.s32 $0x1DA00, s0;
	s8 =	smul.u32 $0x4E000, s18  }
0x9: {  	s25 =	smul.u32 $0x13800, s18;
	s17 =	sadd.s32 $0x138000, s3;
	p0 =	sne.s32 s18, $0xF  }
0xa: {  	s31 =	sshll.u32 s18, $0x6;
	s4 =	sshll.u32 s2, $0x4;
	s6 =	sand.u32 $0x380, s6  }
0xb: {  	s24 =	ssub.s32 $0x2, s2;
	s2 =	smul.u32 $0x138800, s2;
	s20 =	sshrl.u32 @!p0 s17, $0x3  }
0xc: {  	s4 =	sor.u32 s18, s4;
	s7 =	sshrl.u32 s24, $0x1;
	s8 =	sshrl.u32 s8, $0x2  }
0xd: {  	s10 =	sshrl.u32 s25, $0x3;
	s18 =	sor.u32 $0x1C05, s31;
	s5 =	sshrl.u32 s4, $0x3  }
0xe: {  	s4 =	simm.s32 $0x0;
	s12 =	ssub.s32 s24, s7;
	s5 =	smul.u32 $0x13C00, s5  }
0xf: {  	s16 =	sadd.s32 s8, s3;
	s8 =	sadd.s32 s9, s10;
	s9 =	sadd.s32 $0x27000, s9  }
0x10: {  	s24 =	simm.s32 $0x9E80;
	[smem:$0x7FF] =	sst s4;
	s5 =	sor.u32 s6, s5  }
0x11: {  	s12 =	smax.u32 s12, $0x1;
	s19 =	sshrl.u32 s16, $0x3;
	s5 =	sshrl.u32 s5, $0x3  }
0x12: {  	_ =	strace $0x80000047;
	s5 =	sadd.s32 s0, s5;
	s0 =	sadd.s32 s25, s2  }
0x13: {  	s2 =	sshrl.u32 s2, $0x3;
	s25 =	simm.s32 $0x2;
	s6 =	sadd.s32 $0x13C00, s5  }
0x14: {  	s7 =	sadd.s32 $0x9E00, s5;
	s0 =	sshrl.u32 s0, $0x3;
	s26 =	sadd.s32 s11, s2  }
0x15: {  	s10 =	sadd.s32 s11, s0;
	s11 =	sadd.s32 $0x27000, s26;
	s26 =	simm.s32 $0x3  }
.LBB2_1:
0x16: {  	[tilespmem:s4], [sflag:$0x5] =	stream.strided.gather [hbm4b:s6+s13], $0x2780, s14, s13, $0x38;
	[tilespmem:$0x1FF00] =	vst v63  }
0x17: {  	_ =	swait.ge [sflag:s15], $0x2780  }
0x18: {  	[sflag:s15] =	ssyncset.done $0x0  }
0x19: {  	s0 =	simm.s32 $0x2780;
	[sflag:s15] =	ssyncadd.s32 $0xFFFFD880  }
0x1a: {  	[tilespmem:s0], [sflag:$0x5] =	stream.strided.gather [hbm4b:s7+s13], $0x2780, s14, s13, $0x38;
	[tilespmem:$0x1FF00] =	vst v63  }
0x1b: {  	_ =	swait.ge [sflag:s15], $0x2780  }
0x1c: {  	[sflag:s15] =	ssyncset.done $0x0  }
0x1d: {  	s17 =	simm.s32 $0x4F00;
	[sflag:s15] =	ssyncadd.s32 $0xFFFFD880  }
0x1e: {  	[tilespmem:s17], [sflag:$0x5] =	stream.strided.gather [hbm4b:s5+s13], $0x2780, s14, s13, $0x38;
	[tilespmem:$0x1FF00] =	vst v63  }
0x1f: {  	_ =	swait.ge [sflag:s15], $0x2780  }
0x20: {  	[sflag:s15] =	ssyncset.done $0x0  }
0x21: {  	[sflag:s15] =	ssyncadd.s32 $0xFFFFD880  }
0x22: {  	[spmem:s19], [sflag:s18] =	dma.local [hbm:s8], $0x2700  }
0x23: {  	_ =	swait.ge [sflag:s15], $0x2700  }
0x24: {  	[sflag:s15] =	ssyncset.done $0x0  }
0x25: {  	s0 =	simm.s32 @!p0 $0x5;
	[sflag:s15] =	ssyncadd.s32 $0xFFFFD900  }
0x26: {  	[spmem:s20], [sflag:s18] =	dma.local @!p0 [hbm:s9], $0x100  }
0x27: {  	_ =	swait.ge @!p0 [sflag:s0], $0x100  }
0x28: {  	[sflag:s0] =	ssyncset.done @!p0 $0x0  }
0x29: {  	[sflag:s0] =	ssyncadd.s32 @!p0 $0xFFFFFF00  }
0x2a: {  	s31 =	simm.s32 $0x0;
	[bflag:$0x0] =	sbarrier.arrive $0xFFFF  }
0x2b: {  	[tilespmem:s22], [sflag:$0x1] =	stream.indirect.gather [hbm4b:s1+s21], $0x80, s4, s21, $0xb8;
	[tilespmem:$0x1FF00] =	vst v63  }
.LBB2_2:
0x2c: {  	_ =	swait.ge [sflag:s23], $0x2800  }
0x2d: {  	p1 =	seq.s32 s31, $0x0;
	s0 =	smul.u32 $0xA0, s31;
	[sflag:s23] =	ssyncset.done $0x0  }
0x2e: {  	s2 =	simm.s32 @!p1 $0x4;
	[sflag:s23] =	ssyncadd.s32 $0xFFFFD800  }
0x2f: {  	s17 =	sadd.s32 $0x4F00, s0;
	_ =	swait.ge @!p1 [sflag:s2], $0x2800  }
0x30: {  	v0 =	vmov s17;
	[sflag:s2] =	ssyncset.done @!p1 $0x0  }
0x31: {  	s16 =	simm.s32 $0x0;
	[sflag:s2] =	ssyncadd.s32 @!p1 $0xFFFFD800;
	s2 =	sadd.s32 $0x50, s0  }
0x32: {  	[tilespmem:s24], [sflag:$0x2] =	stream.indirect.gather [hbm4b:s1+s21], $0x80, s2, s21, $0xb8;
	[tilespmem:$0x1FF00] =	vst v63  }
.LBB2_3:
0x33: {  	s17 =	sshll.u32 s16, $0x4  }
0x34: {  	s17 =	sand.u32 $0x3FFFFFF0, s17  }
0x35: {  	v1 =	vld.idx.msk [tilespmem:v0+s17+$0x0 ss:$0x1], $0xffff;
	s17 =	sshll.u32 s16, $0xB  }
0x36: {  	s17 =	sand.u32 $0x3FFFF800, s17  }
0x37: {  	v2 =	vld [tilespmem:s17+$0x7680]  }
0x38: {  	v3 =	vld [tilespmem:s17+$0x7690]  }
0x39: {  	v4 =	vld [tilespmem:s17+$0x76A0]  }
0x3a: {  	v6 =	vld [tilespmem:s17+$0x76B0];
	v5 =	vbroadcast v1, $0x0  }
0x3b: {  	v7 =	vld [tilespmem:s17+$0x76C0]  }
0x3c: {  	v8 =	vld [tilespmem:s17+$0x76D0];
	v2 =	vmul.f32 v5, v2  }
0x3d: {  	v9 =	vld [tilespmem:s17+$0x76E0];
	v3 =	vmul.f32 v3, v5  }
0x3e: {  	v34 =	vld [tilespmem:s17+$0x76F0];
	[tilespmem:s17+$0x7680] =	vst v2;
	v2 =	vmul.f32 v4, v5  }
0x3f: {  	v35 =	vld [tilespmem:s17+$0x7700];
	[tilespmem:s17+$0x7690] =	vst v3;
	v3 =	vmul.f32 v6, v5  }
0x40: {  	v36 =	vld [tilespmem:s17+$0x7710];
	[tilespmem:s17+$0x76A0] =	vst v2;
	v2 =	vmul.f32 v7, v5  }
0x41: {  	v37 =	vld [tilespmem:s17+$0x7720];
	[tilespmem:s17+$0x76B0] =	vst v3;
	v3 =	vmul.f32 v8, v5  }
0x42: {  	v10 =	vld [tilespmem:s17+$0x7730];
	v38 =	vbroadcast v1, $0x1;
	[tilespmem:s17+$0x76C0] =	vst v2;
	v2 =	vmul.f32 v9, v5  }
0x43: {  	v39 =	vld [tilespmem:s17+$0x7740];
	[tilespmem:s17+$0x76D0] =	vst v3;
	v3 =	vmul.f32 v34, v5  }
0x44: {  	v40 =	vld [tilespmem:s17+$0x7750];
	[tilespmem:s17+$0x76E0] =	vst v2;
	v2 =	vmul.f32 v35, v38  }
0x45: {  	v41 =	vld [tilespmem:s17+$0x7760];
	[tilespmem:s17+$0x76F0] =	vst v3;
	v3 =	vmul.f32 v36, v38  }
0x46: {  	v42 =	vld [tilespmem:s17+$0x7770];
	[tilespmem:s17+$0x7700] =	vst v2;
	v2 =	vmul.f32 v37, v38  }
0x47: {  	v43 =	vld [tilespmem:s17+$0x7780];
	[tilespmem:s17+$0x7710] =	vst v3;
	v3 =	vmul.f32 v10, v38  }
0x48: {  	v44 =	vld [tilespmem:s17+$0x7790];
	[tilespmem:s17+$0x7720] =	vst v2;
	v2 =	vmul.f32 v39, v38  }
0x49: {  	v45 =	vld [tilespmem:s17+$0x77A0];
	[tilespmem:s17+$0x7730] =	vst v3;
	v3 =	vmul.f32 v40, v38  }
0x4a: {  	v47 =	vld [tilespmem:s17+$0x77B0];
	v46 =	vbroadcast v1, $0x2;
	[tilespmem:s17+$0x7740] =	vst v2;
	v2 =	vmul.f32 v41, v38  }
0x4b: {  	v48 =	vld [tilespmem:s17+$0x77C0];
	[tilespmem:s17+$0x7750] =	vst v3;
	v3 =	vmul.f32 v42, v38  }
0x4c: {  	v49 =	vld [tilespmem:s17+$0x77D0];
	[tilespmem:s17+$0x7760] =	vst v2;
	v2 =	vmul.f32 v43, v46  }
0x4d: {  	v50 =	vld [tilespmem:s17+$0x77E0];
	[tilespmem:s17+$0x7770] =	vst v3;
	v3 =	vmul.f32 v44, v46  }
0x4e: {  	v51 =	vld [tilespmem:s17+$0x77F0];
	[tilespmem:s17+$0x7780] =	vst v2;
	v2 =	vmul.f32 v45, v46  }
0x4f: {  	v52 =	vld [tilespmem:s17+$0x7800];
	[tilespmem:s17+$0x7790] =	vst v3;
	v3 =	vmul.f32 v47, v46  }
0x50: {  	v53 =	vld [tilespmem:s17+$0x7810];
	[tilespmem:s17+$0x77A0] =	vst v2;
	v2 =	vmul.f32 v48, v46  }
0x51: {  	v54 =	vld [tilespmem:s17+$0x7820];
	[tilespmem:s17+$0x77B0] =	vst v3;
	v3 =	vmul.f32 v49, v46  }
0x52: {  	v56 =	vld [tilespmem:s17+$0x7830];
	v55 =	vbroadcast v1, $0x3;
	[tilespmem:s17+$0x77C0] =	vst v2;
	v2 =	vmul.f32 v50, v46  }
0x53: {  	v57 =	vld [tilespmem:s17+$0x7840];
	[tilespmem:s17+$0x77D0] =	vst v3;
	v3 =	vmul.f32 v51, v46  }
0x54: {  	v58 =	vld [tilespmem:s17+$0x7850];
	[tilespmem:s17+$0x77E0] =	vst v2;
	v2 =	vmul.f32 v52, v55  }
0x55: {  	v59 =	vld [tilespmem:s17+$0x7860];
	[tilespmem:s17+$0x77F0] =	vst v3;
	v3 =	vmul.f32 v53, v55  }
0x56: {  	v60 =	vld [tilespmem:s17+$0x7870];
	[tilespmem:s17+$0x7800] =	vst v2;
	v2 =	vmul.f32 v54, v55  }
0x57: {  	v61 =	vld [tilespmem:s17+$0x7880];
	[tilespmem:s17+$0x7810] =	vst v3;
	v3 =	vmul.f32 v56, v55  }
0x58: {  	v62 =	vld [tilespmem:s17+$0x7890];
	[tilespmem:s17+$0x7820] =	vst v2;
	v2 =	vmul.f32 v57, v55  }
0x59: {  	v63 =	vld [tilespmem:s17+$0x78A0];
	[tilespmem:s17+$0x7830] =	vst v3;
	v3 =	vmul.f32 v58, v55  }
0x5a: {  	v13 =	vld [tilespmem:s17+$0x78B0];
	v12 =	vbroadcast v1, $0x4;
	[tilespmem:s17+$0x7840] =	vst v2;
	v2 =	vmul.f32 v59, v55  }
0x5b: {  	v14 =	vld [tilespmem:s17+$0x78C0];
	[tilespmem:s17+$0x7850] =	vst v3;
	v3 =	vmul.f32 v60, v55  }
0x5c: {  	v15 =	vld [tilespmem:s17+$0x78D0];
	[tilespmem:s17+$0x7860] =	vst v2;
	v2 =	vmul.f32 v61, v12  }
0x5d: {  	v16 =	vld [tilespmem:s17+$0x78E0];
	[tilespmem:s17+$0x7870] =	vst v3;
	v3 =	vmul.f32 v62, v12  }
0x5e: {  	v17 =	vld [tilespmem:s17+$0x78F0];
	[tilespmem:s17+$0x7880] =	vst v2;
	v2 =	vmul.f32 v63, v12  }
0x5f: {  	v18 =	vld [tilespmem:s17+$0x7900];
	[tilespmem:s17+$0x7890] =	vst v3;
	v3 =	vmul.f32 v13, v12  }
0x60: {  	v19 =	vld [tilespmem:s17+$0x7910];
	[tilespmem:s17+$0x78A0] =	vst v2;
	v2 =	vmul.f32 v14, v12  }
0x61: {  	v20 =	vld [tilespmem:s17+$0x7920];
	[tilespmem:s17+$0x78B0] =	vst v3;
	v3 =	vmul.f32 v15, v12  }
0x62: {  	v22 =	vld [tilespmem:s17+$0x7930];
	v21 =	vbroadcast v1, $0x5;
	[tilespmem:s17+$0x78C0] =	vst v2;
	v2 =	vmul.f32 v16, v12  }
0x63: {  	v23 =	vld [tilespmem:s17+$0x7940];
	[tilespmem:s17+$0x78D0] =	vst v3;
	v3 =	vmul.f32 v17, v12  }
0x64: {  	v24 =	vld [tilespmem:s17+$0x7950];
	[tilespmem:s17+$0x78E0] =	vst v2;
	v2 =	vmul.f32 v18, v21  }
0x65: {  	v25 =	vld [tilespmem:s17+$0x7960];
	[tilespmem:s17+$0x78F0] =	vst v3;
	v3 =	vmul.f32 v19, v21  }
0x66: {  	v26 =	vld [tilespmem:s17+$0x7970];
	[tilespmem:s17+$0x7900] =	vst v2;
	v2 =	vmul.f32 v20, v21  }
0x67: {  	v27 =	vld [tilespmem:s17+$0x7980];
	[tilespmem:s17+$0x7910] =	vst v3;
	v3 =	vmul.f32 v22, v21  }
0x68: {  	v28 =	vld [tilespmem:s17+$0x7990];
	[tilespmem:s17+$0x7920] =	vst v2;
	v2 =	vmul.f32 v23, v21  }
0x69: {  	v29 =	vld [tilespmem:s17+$0x79A0];
	[tilespmem:s17+$0x7930] =	vst v3;
	v3 =	vmul.f32 v24, v21  }
0x6a: {  	v31 =	vld [tilespmem:s17+$0x79B0];
	v30 =	vbroadcast v1, $0x6;
	[tilespmem:s17+$0x7940] =	vst v2;
	v2 =	vmul.f32 v25, v21  }
0x6b: {  	v32 =	vld [tilespmem:s17+$0x79C0];
	[tilespmem:s17+$0x7950] =	vst v3;
	v3 =	vmul.f32 v26, v21  }
0x6c: {  	v33 =	vld [tilespmem:s17+$0x79D0];
	[tilespmem:s17+$0x7960] =	vst v2;
	v2 =	vmul.f32 v27, v30  }
0x6d: {  	v34 =	vld [tilespmem:s17+$0x79E0];
	[tilespmem:s17+$0x7970] =	vst v3;
	v3 =	vmul.f32 v28, v30  }
0x6e: {  	v35 =	vld [tilespmem:s17+$0x79F0];
	[tilespmem:s17+$0x7980] =	vst v2;
	v2 =	vmul.f32 v29, v30  }
0x6f: {  	v36 =	vld [tilespmem:s17+$0x7A00];
	[tilespmem:s17+$0x7990] =	vst v3;
	v3 =	vmul.f32 v31, v30  }
0x70: {  	v37 =	vld [tilespmem:s17+$0x7A10];
	[tilespmem:s17+$0x79A0] =	vst v2;
	v2 =	vmul.f32 v32, v30  }
0x71: {  	v38 =	vld [tilespmem:s17+$0x7A20];
	[tilespmem:s17+$0x79B0] =	vst v3;
	v3 =	vmul.f32 v33, v30  }
0x72: {  	v39 =	vbroadcast v1, $0x7;
	v40 =	vld [tilespmem:s17+$0x7A30];
	[tilespmem:s17+$0x79C0] =	vst v2;
	v2 =	vmul.f32 v34, v30  }
0x73: {  	v41 =	vld [tilespmem:s17+$0x7A40];
	[tilespmem:s17+$0x79D0] =	vst v3;
	v3 =	vmul.f32 v35, v30  }
0x74: {  	v42 =	vld [tilespmem:s17+$0x7A50];
	[tilespmem:s17+$0x79E0] =	vst v2;
	v2 =	vmul.f32 v36, v39  }
0x75: {  	v43 =	vld [tilespmem:s17+$0x7A60];
	[tilespmem:s17+$0x79F0] =	vst v3;
	v3 =	vmul.f32 v37, v39  }
0x76: {  	v44 =	vld [tilespmem:s17+$0x7A70];
	[tilespmem:s17+$0x7A00] =	vst v2;
	v2 =	vmul.f32 v38, v39  }
0x77: {  	v45 =	vld [tilespmem:s17+$0x7A80];
	[tilespmem:s17+$0x7A10] =	vst v3;
	v3 =	vmul.f32 v40, v39  }
0x78: {  	v46 =	vld [tilespmem:s17+$0x7A90];
	[tilespmem:s17+$0x7A20] =	vst v2;
	v2 =	vmul.f32 v41, v39  }
0x79: {  	v47 =	vld [tilespmem:s17+$0x7AA0];
	[tilespmem:s17+$0x7A30] =	vst v3;
	v3 =	vmul.f32 v42, v39  }
0x7a: {  	v48 =	vbroadcast v1, $0x8;
	v49 =	vld [tilespmem:s17+$0x7AB0];
	[tilespmem:s17+$0x7A40] =	vst v2;
	v2 =	vmul.f32 v43, v39  }
0x7b: {  	v50 =	vld [tilespmem:s17+$0x7AC0];
	[tilespmem:s17+$0x7A50] =	vst v3;
	v3 =	vmul.f32 v44, v39  }
0x7c: {  	v51 =	vld [tilespmem:s17+$0x7AD0];
	[tilespmem:s17+$0x7A60] =	vst v2;
	v2 =	vmul.f32 v45, v48  }
0x7d: {  	v52 =	vld [tilespmem:s17+$0x7AE0];
	[tilespmem:s17+$0x7A70] =	vst v3;
	v3 =	vmul.f32 v46, v48  }
0x7e: {  	v53 =	vld [tilespmem:s17+$0x7AF0];
	[tilespmem:s17+$0x7A80] =	vst v2;
	v2 =	vmul.f32 v47, v48  }
0x7f: {  	v54 =	vld [tilespmem:s17+$0x7B00];
	[tilespmem:s17+$0x7A90] =	vst v3;
	v3 =	vmul.f32 v49, v48  }
0x80: {  	v55 =	vld [tilespmem:s17+$0x7B10];
	[tilespmem:s17+$0x7AA0] =	vst v2;
	v2 =	vmul.f32 v50, v48  }
0x81: {  	v56 =	vld [tilespmem:s17+$0x7B20];
	[tilespmem:s17+$0x7AB0] =	vst v3;
	v3 =	vmul.f32 v51, v48  }
0x82: {  	v57 =	vbroadcast v1, $0x9;
	v58 =	vld [tilespmem:s17+$0x7B30];
	[tilespmem:s17+$0x7AC0] =	vst v2;
	v2 =	vmul.f32 v52, v48  }
0x83: {  	v59 =	vld [tilespmem:s17+$0x7B40];
	[tilespmem:s17+$0x7AD0] =	vst v3;
	v3 =	vmul.f32 v53, v48  }
0x84: {  	v60 =	vld [tilespmem:s17+$0x7B50];
	[tilespmem:s17+$0x7AE0] =	vst v2;
	v2 =	vmul.f32 v54, v57  }
0x85: {  	v61 =	vld [tilespmem:s17+$0x7B60];
	[tilespmem:s17+$0x7AF0] =	vst v3;
	v3 =	vmul.f32 v55, v57  }
0x86: {  	v62 =	vld [tilespmem:s17+$0x7B70];
	[tilespmem:s17+$0x7B00] =	vst v2;
	v2 =	vmul.f32 v56, v57  }
0x87: {  	v63 =	vld [tilespmem:s17+$0x7B80];
	[tilespmem:s17+$0x7B10] =	vst v3;
	v3 =	vmul.f32 v58, v57  }
0x88: {  	v12 =	vld [tilespmem:s17+$0x7B90];
	[tilespmem:s17+$0x7B20] =	vst v2;
	v2 =	vmul.f32 v59, v57  }
0x89: {  	v13 =	vld [tilespmem:s17+$0x7BA0];
	[tilespmem:s17+$0x7B30] =	vst v3;
	v3 =	vmul.f32 v60, v57  }
0x8a: {  	v14 =	vbroadcast v1, $0xA;
	v15 =	vld [tilespmem:s17+$0x7BB0];
	[tilespmem:s17+$0x7B40] =	vst v2;
	v2 =	vmul.f32 v61, v57  }
0x8b: {  	v16 =	vld [tilespmem:s17+$0x7BC0];
	[tilespmem:s17+$0x7B50] =	vst v3;
	v3 =	vmul.f32 v62, v57  }
0x8c: {  	v17 =	vld [tilespmem:s17+$0x7BD0];
	[tilespmem:s17+$0x7B60] =	vst v2;
	v2 =	vmul.f32 v63, v14  }
0x8d: {  	v18 =	vld [tilespmem:s17+$0x7BE0];
	[tilespmem:s17+$0x7B70] =	vst v3;
	v3 =	vmul.f32 v12, v14  }
0x8e: {  	v19 =	vld [tilespmem:s17+$0x7BF0];
	[tilespmem:s17+$0x7B80] =	vst v2;
	v2 =	vmul.f32 v13, v14  }
0x8f: {  	v20 =	vld [tilespmem:s17+$0x7C00];
	[tilespmem:s17+$0x7B90] =	vst v3;
	v3 =	vmul.f32 v15, v14  }
0x90: {  	v21 =	vld [tilespmem:s17+$0x7C10];
	[tilespmem:s17+$0x7BA0] =	vst v2;
	v2 =	vmul.f32 v16, v14  }
0x91: {  	v22 =	vld [tilespmem:s17+$0x7C20];
	[tilespmem:s17+$0x7BB0] =	vst v3;
	v3 =	vmul.f32 v17, v14  }
0x92: {  	v23 =	vbroadcast v1, $0xB;
	v24 =	vld [tilespmem:s17+$0x7C30];
	[tilespmem:s17+$0x7BC0] =	vst v2;
	v2 =	vmul.f32 v18, v14  }
0x93: {  	v25 =	vld [tilespmem:s17+$0x7C40];
	[tilespmem:s17+$0x7BD0] =	vst v3;
	v3 =	vmul.f32 v19, v14  }
0x94: {  	v26 =	vld [tilespmem:s17+$0x7C50];
	[tilespmem:s17+$0x7BE0] =	vst v2;
	v2 =	vmul.f32 v20, v23  }
0x95: {  	v27 =	vld [tilespmem:s17+$0x7C60];
	[tilespmem:s17+$0x7BF0] =	vst v3;
	v3 =	vmul.f32 v21, v23  }
0x96: {  	v28 =	vld [tilespmem:s17+$0x7C70];
	[tilespmem:s17+$0x7C00] =	vst v2;
	v2 =	vmul.f32 v22, v23  }
0x97: {  	v29 =	vld [tilespmem:s17+$0x7C80];
	[tilespmem:s17+$0x7C10] =	vst v3;
	v3 =	vmul.f32 v24, v23  }
0x98: {  	v30 =	vld [tilespmem:s17+$0x7C90];
	[tilespmem:s17+$0x7C20] =	vst v2;
	v2 =	vmul.f32 v25, v23  }
0x99: {  	v31 =	vld [tilespmem:s17+$0x7CA0];
	[tilespmem:s17+$0x7C30] =	vst v3;
	v3 =	vmul.f32 v26, v23  }
0x9a: {  	v32 =	vbroadcast v1, $0xC;
	v33 =	vld [tilespmem:s17+$0x7CB0];
	[tilespmem:s17+$0x7C40] =	vst v2;
	v2 =	vmul.f32 v27, v23  }
0x9b: {  	v34 =	vld [tilespmem:s17+$0x7CC0];
	[tilespmem:s17+$0x7C50] =	vst v3;
	v3 =	vmul.f32 v28, v23  }
0x9c: {  	v35 =	vld [tilespmem:s17+$0x7CD0];
	[tilespmem:s17+$0x7C60] =	vst v2;
	v2 =	vmul.f32 v29, v32  }
0x9d: {  	v36 =	vld [tilespmem:s17+$0x7CE0];
	[tilespmem:s17+$0x7C70] =	vst v3;
	v3 =	vmul.f32 v30, v32  }
0x9e: {  	v37 =	vld [tilespmem:s17+$0x7CF0];
	[tilespmem:s17+$0x7C80] =	vst v2;
	v2 =	vmul.f32 v31, v32  }
0x9f: {  	v38 =	vld [tilespmem:s17+$0x7D00];
	[tilespmem:s17+$0x7C90] =	vst v3;
	v3 =	vmul.f32 v33, v32  }
0xa0: {  	v39 =	vld [tilespmem:s17+$0x7D10];
	[tilespmem:s17+$0x7CA0] =	vst v2;
	v2 =	vmul.f32 v34, v32  }
0xa1: {  	v40 =	vld [tilespmem:s17+$0x7D20];
	[tilespmem:s17+$0x7CB0] =	vst v3;
	v3 =	vmul.f32 v35, v32  }
0xa2: {  	v41 =	vbroadcast v1, $0xD;
	v42 =	vld [tilespmem:s17+$0x7D30];
	[tilespmem:s17+$0x7CC0] =	vst v2;
	v2 =	vmul.f32 v36, v32  }
0xa3: {  	v43 =	vld [tilespmem:s17+$0x7D40];
	[tilespmem:s17+$0x7CD0] =	vst v3;
	v3 =	vmul.f32 v37, v32  }
0xa4: {  	v44 =	vld [tilespmem:s17+$0x7D50];
	[tilespmem:s17+$0x7CE0] =	vst v2;
	v2 =	vmul.f32 v38, v41  }
0xa5: {  	v45 =	vld [tilespmem:s17+$0x7D60];
	[tilespmem:s17+$0x7CF0] =	vst v3;
	v3 =	vmul.f32 v39, v41  }
0xa6: {  	v46 =	vld [tilespmem:s17+$0x7D70];
	[tilespmem:s17+$0x7D00] =	vst v2;
	v2 =	vmul.f32 v40, v41  }
0xa7: {  	v47 =	vld [tilespmem:s17+$0x7D80];
	[tilespmem:s17+$0x7D10] =	vst v3;
	v3 =	vmul.f32 v42, v41  }
0xa8: {  	v48 =	vld [tilespmem:s17+$0x7D90];
	[tilespmem:s17+$0x7D20] =	vst v2;
	v2 =	vmul.f32 v43, v41  }
0xa9: {  	v49 =	vld [tilespmem:s17+$0x7DA0];
	[tilespmem:s17+$0x7D30] =	vst v3;
	v3 =	vmul.f32 v44, v41  }
0xaa: {  	v50 =	vbroadcast v1, $0xE;
	v51 =	vld [tilespmem:s17+$0x7DB0];
	[tilespmem:s17+$0x7D40] =	vst v2;
	v2 =	vmul.f32 v45, v41  }
0xab: {  	v52 =	vld [tilespmem:s17+$0x7DC0];
	[tilespmem:s17+$0x7D50] =	vst v3;
	v3 =	vmul.f32 v46, v41  }
0xac: {  	v53 =	vld [tilespmem:s17+$0x7DD0];
	[tilespmem:s17+$0x7D60] =	vst v2;
	v2 =	vmul.f32 v47, v50  }
0xad: {  	v54 =	vld [tilespmem:s17+$0x7DE0];
	[tilespmem:s17+$0x7D70] =	vst v3;
	v3 =	vmul.f32 v48, v50  }
0xae: {  	v55 =	vld [tilespmem:s17+$0x7DF0];
	[tilespmem:s17+$0x7D80] =	vst v2;
	v2 =	vmul.f32 v49, v50  }
0xaf: {  	v56 =	vld [tilespmem:s17+$0x7E00];
	[tilespmem:s17+$0x7D90] =	vst v3;
	v3 =	vmul.f32 v51, v50  }
0xb0: {  	v57 =	vld [tilespmem:s17+$0x7E10];
	[tilespmem:s17+$0x7DA0] =	vst v2;
	v2 =	vmul.f32 v52, v50  }
0xb1: {  	v58 =	vld [tilespmem:s17+$0x7E20];
	[tilespmem:s17+$0x7DB0] =	vst v3;
	v3 =	vmul.f32 v53, v50  }
0xb2: {  	v1 =	vbroadcast v1, $0xF;
	v59 =	vld [tilespmem:s17+$0x7E30];
	[tilespmem:s17+$0x7DC0] =	vst v2;
	v2 =	vmul.f32 v54, v50  }
0xb3: {  	v60 =	vld [tilespmem:s17+$0x7E40];
	[tilespmem:s17+$0x7DD0] =	vst v3;
	v3 =	vmul.f32 v55, v50  }
0xb4: {  	v61 =	vld [tilespmem:s17+$0x7E50];
	[tilespmem:s17+$0x7DE0] =	vst v2;
	v2 =	vmul.f32 v56, v1  }
0xb5: {  	v62 =	vld [tilespmem:s17+$0x7E60];
	[tilespmem:s17+$0x7DF0] =	vst v3;
	v3 =	vmul.f32 v57, v1  }
0xb6: {  	v63 =	vld [tilespmem:s17+$0x7E70];
	[tilespmem:s17+$0x7E00] =	vst v2;
	v2 =	vmul.f32 v58, v1  }
0xb7: {  	[tilespmem:s17+$0x7E10] =	vst v3;
	v3 =	vmul.f32 v59, v1  }
0xb8: {  	p1 =	sne.s32 s16, $0x4;
	[tilespmem:s17+$0x7E20] =	vst v2;
	v2 =	vmul.f32 v60, v1  }
.Ltmp0:
0xb9: {  	[tilespmem:s17+$0x7E30] =	vst v3;
	v3 =	vmul.f32 v61, v1;
	(pc) =	sbr.rel @p1 .LBB2_3-.Ltmp0, $4  }
0xba: {  	[tilespmem:s17+$0x7E40] =	vst v2;
	v2 =	vmul.f32 v62, v1  }
0xbb: {  	[tilespmem:s17+$0x7E50] =	vst v3;
	v1 =	vmul.f32 v63, v1  }
0xbc: {  	[tilespmem:s17+$0x7E60] =	vst v2  }
0xbd: {  	s16 =	sadd.s32 $0x1, s16;
	[tilespmem:s17+$0x7E70] =	vst v1  }
0xbe: {  	s0 =	sadd.s32 $0x2780, s0  }
0xbf: {  	[spmem:s3] =	stream.indirect.scatter.add.f32 [tilespmem:s22], [sflag:$0x3], $0x80, s0, s21, $0xb8;
	[tilespmem:$0x1FF00] =	vst v63  }
0xc0: {  	_ =	swait.ge [sflag:s25], $0x2800  }
0xc1: {  	[sflag:s25] =	ssyncset.done $0x0  }
0xc2: {  	s17 =	smul.u32 $0x280, s31;
	[sflag:s25] =	ssyncadd.s32 $0xFFFFD800  }
0xc3: {  	_ =	swait.ge [sflag:s26], $0x2800  }
0xc4: {  	s16 =	sadd.s32 $0x4F00, s2;
	s0 =	sshra.s32 s17, $0x2;
	[sflag:s26] =	ssyncset.done $0x0  }
0xc5: {  	v0 =	vmov s16;
	s0 =	sadd.s32 $0xA0, s0;
	[sflag:s26] =	ssyncadd.s32 $0xFFFFD800  }
0xc6: {  	[tilespmem:s22], [sflag:$0x1] =	stream.indirect.gather [hbm4b:s1+s21], $0x80, s0, s21, $0xb8;
	[tilespmem:$0x1FF00] =	vst v63  }
0xc7: {  	s0 =	simm.s32 $0x0  }
.LBB2_5:
0xc8: {  	s16 =	sshll.u32 s0, $0x4  }
0xc9: {  	s16 =	sand.u32 $0x3FFFFFF0, s16  }
0xca: {  	s17 =	sshll.u32 s0, $0xB;
	v1 =	vld.idx.msk [tilespmem:v0+s16+$0x0 ss:$0x1], $0xffff  }
0xcb: {  	s16 =	sand.u32 $0x3FFFF800, s17  }
0xcc: {  	v2 =	vld [tilespmem:s16+$0x9E80]  }
0xcd: {  	v3 =	vld [tilespmem:s16+$0x9E90]  }
0xce: {  	v4 =	vld [tilespmem:s16+$0x9EA0]  }
0xcf: {  	v6 =	vld [tilespmem:s16+$0x9EB0];
	v5 =	vbroadcast v1, $0x0  }
0xd0: {  	v7 =	vld [tilespmem:s16+$0x9EC0]  }
0xd1: {  	v8 =	vld [tilespmem:s16+$0x9ED0];
	v2 =	vmul.f32 v5, v2  }
0xd2: {  	v9 =	vld [tilespmem:s16+$0x9EE0];
	v3 =	vmul.f32 v3, v5  }
0xd3: {  	v34 =	vld [tilespmem:s16+$0x9EF0];
	[tilespmem:s16+$0x9E80] =	vst v2;
	v2 =	vmul.f32 v4, v5  }
0xd4: {  	v35 =	vld [tilespmem:s16+$0x9F00];
	[tilespmem:s16+$0x9E90] =	vst v3;
	v3 =	vmul.f32 v6, v5  }
0xd5: {  	v36 =	vld [tilespmem:s16+$0x9F10];
	[tilespmem:s16+$0x9EA0] =	vst v2;
	v2 =	vmul.f32 v7, v5  }
0xd6: {  	v37 =	vld [tilespmem:s16+$0x9F20];
	[tilespmem:s16+$0x9EB0] =	vst v3;
	v3 =	vmul.f32 v8, v5  }
0xd7: {  	v10 =	vld [tilespmem:s16+$0x9F30];
	v38 =	vbroadcast v1, $0x1;
	[tilespmem:s16+$0x9EC0] =	vst v2;
	v2 =	vmul.f32 v9, v5  }
0xd8: {  	v39 =	vld [tilespmem:s16+$0x9F40];
	[tilespmem:s16+$0x9ED0] =	vst v3;
	v3 =	vmul.f32 v34, v5  }
0xd9: {  	v40 =	vld [tilespmem:s16+$0x9F50];
	[tilespmem:s16+$0x9EE0] =	vst v2;
	v2 =	vmul.f32 v35, v38  }
0xda: {  	v41 =	vld [tilespmem:s16+$0x9F60];
	[tilespmem:s16+$0x9EF0] =	vst v3;
	v3 =	vmul.f32 v36, v38  }
0xdb: {  	v42 =	vld [tilespmem:s16+$0x9F70];
	[tilespmem:s16+$0x9F00] =	vst v2;
	v2 =	vmul.f32 v37, v38  }
0xdc: {  	v43 =	vld [tilespmem:s16+$0x9F80];
	[tilespmem:s16+$0x9F10] =	vst v3;
	v3 =	vmul.f32 v10, v38  }
0xdd: {  	v44 =	vld [tilespmem:s16+$0x9F90];
	[tilespmem:s16+$0x9F20] =	vst v2;
	v2 =	vmul.f32 v39, v38  }
0xde: {  	v45 =	vld [tilespmem:s16+$0x9FA0];
	[tilespmem:s16+$0x9F30] =	vst v3;
	v3 =	vmul.f32 v40, v38  }
0xdf: {  	v47 =	vld [tilespmem:s16+$0x9FB0];
	v46 =	vbroadcast v1, $0x2;
	[tilespmem:s16+$0x9F40] =	vst v2;
	v2 =	vmul.f32 v41, v38  }
0xe0: {  	v48 =	vld [tilespmem:s16+$0x9FC0];
	[tilespmem:s16+$0x9F50] =	vst v3;
	v3 =	vmul.f32 v42, v38  }
0xe1: {  	v49 =	vld [tilespmem:s16+$0x9FD0];
	[tilespmem:s16+$0x9F60] =	vst v2;
	v2 =	vmul.f32 v43, v46  }
0xe2: {  	v50 =	vld [tilespmem:s16+$0x9FE0];
	[tilespmem:s16+$0x9F70] =	vst v3;
	v3 =	vmul.f32 v44, v46  }
0xe3: {  	v51 =	vld [tilespmem:s16+$0x9FF0];
	[tilespmem:s16+$0x9F80] =	vst v2;
	v2 =	vmul.f32 v45, v46  }
0xe4: {  	v52 =	vld [tilespmem:s16+$0xA000];
	[tilespmem:s16+$0x9F90] =	vst v3;
	v3 =	vmul.f32 v47, v46  }
0xe5: {  	v53 =	vld [tilespmem:s16+$0xA010];
	[tilespmem:s16+$0x9FA0] =	vst v2;
	v2 =	vmul.f32 v48, v46  }
0xe6: {  	v54 =	vld [tilespmem:s16+$0xA020];
	[tilespmem:s16+$0x9FB0] =	vst v3;
	v3 =	vmul.f32 v49, v46  }
0xe7: {  	v56 =	vld [tilespmem:s16+$0xA030];
	v55 =	vbroadcast v1, $0x3;
	[tilespmem:s16+$0x9FC0] =	vst v2;
	v2 =	vmul.f32 v50, v46  }
0xe8: {  	v57 =	vld [tilespmem:s16+$0xA040];
	[tilespmem:s16+$0x9FD0] =	vst v3;
	v3 =	vmul.f32 v51, v46  }
0xe9: {  	v58 =	vld [tilespmem:s16+$0xA050];
	[tilespmem:s16+$0x9FE0] =	vst v2;
	v2 =	vmul.f32 v52, v55  }
0xea: {  	v59 =	vld [tilespmem:s16+$0xA060];
	[tilespmem:s16+$0x9FF0] =	vst v3;
	v3 =	vmul.f32 v53, v55  }
0xeb: {  	v60 =	vld [tilespmem:s16+$0xA070];
	[tilespmem:s16+$0xA000] =	vst v2;
	v2 =	vmul.f32 v54, v55  }
0xec: {  	v61 =	vld [tilespmem:s16+$0xA080];
	[tilespmem:s16+$0xA010] =	vst v3;
	v3 =	vmul.f32 v56, v55  }
0xed: {  	v62 =	vld [tilespmem:s16+$0xA090];
	[tilespmem:s16+$0xA020] =	vst v2;
	v2 =	vmul.f32 v57, v55  }
0xee: {  	v63 =	vld [tilespmem:s16+$0xA0A0];
	[tilespmem:s16+$0xA030] =	vst v3;
	v3 =	vmul.f32 v58, v55  }
0xef: {  	v13 =	vld [tilespmem:s16+$0xA0B0];
	v12 =	vbroadcast v1, $0x4;
	[tilespmem:s16+$0xA040] =	vst v2;
	v2 =	vmul.f32 v59, v55  }
0xf0: {  	v14 =	vld [tilespmem:s16+$0xA0C0];
	[tilespmem:s16+$0xA050] =	vst v3;
	v3 =	vmul.f32 v60, v55  }
0xf1: {  	v15 =	vld [tilespmem:s16+$0xA0D0];
	[tilespmem:s16+$0xA060] =	vst v2;
	v2 =	vmul.f32 v61, v12  }
0xf2: {  	v16 =	vld [tilespmem:s16+$0xA0E0];
	[tilespmem:s16+$0xA070] =	vst v3;
	v3 =	vmul.f32 v62, v12  }
0xf3: {  	v17 =	vld [tilespmem:s16+$0xA0F0];
	[tilespmem:s16+$0xA080] =	vst v2;
	v2 =	vmul.f32 v63, v12  }
0xf4: {  	v18 =	vld [tilespmem:s16+$0xA100];
	[tilespmem:s16+$0xA090] =	vst v3;
	v3 =	vmul.f32 v13, v12  }
0xf5: {  	v19 =	vld [tilespmem:s16+$0xA110];
	[tilespmem:s16+$0xA0A0] =	vst v2;
	v2 =	vmul.f32 v14, v12  }
0xf6: {  	v20 =	vld [tilespmem:s16+$0xA120];
	[tilespmem:s16+$0xA0B0] =	vst v3;
	v3 =	vmul.f32 v15, v12  }
0xf7: {  	v22 =	vld [tilespmem:s16+$0xA130];
	v21 =	vbroadcast v1, $0x5;
	[tilespmem:s16+$0xA0C0] =	vst v2;
	v2 =	vmul.f32 v16, v12  }
0xf8: {  	v23 =	vld [tilespmem:s16+$0xA140];
	[tilespmem:s16+$0xA0D0] =	vst v3;
	v3 =	vmul.f32 v17, v12  }
0xf9: {  	v24 =	vld [tilespmem:s16+$0xA150];
	[tilespmem:s16+$0xA0E0] =	vst v2;
	v2 =	vmul.f32 v18, v21  }
0xfa: {  	v25 =	vld [tilespmem:s16+$0xA160];
	[tilespmem:s16+$0xA0F0] =	vst v3;
	v3 =	vmul.f32 v19, v21  }
0xfb: {  	v26 =	vld [tilespmem:s16+$0xA170];
	[tilespmem:s16+$0xA100] =	vst v2;
	v2 =	vmul.f32 v20, v21  }
0xfc: {  	v27 =	vld [tilespmem:s16+$0xA180];
	[tilespmem:s16+$0xA110] =	vst v3;
	v3 =	vmul.f32 v22, v21  }
0xfd: {  	v28 =	vld [tilespmem:s16+$0xA190];
	[tilespmem:s16+$0xA120] =	vst v2;
	v2 =	vmul.f32 v23, v21  }
0xfe: {  	v29 =	vld [tilespmem:s16+$0xA1A0];
	[tilespmem:s16+$0xA130] =	vst v3;
	v3 =	vmul.f32 v24, v21  }
0xff: {  	v31 =	vld [tilespmem:s16+$0xA1B0];
	v30 =	vbroadcast v1, $0x6;
	[tilespmem:s16+$0xA140] =	vst v2;
	v2 =	vmul.f32 v25, v21  }
0x100: {  	v32 =	vld [tilespmem:s16+$0xA1C0];
	[tilespmem:s16+$0xA150] =	vst v3;
	v3 =	vmul.f32 v26, v21  }
0x101: {  	v33 =	vld [tilespmem:s16+$0xA1D0];
	[tilespmem:s16+$0xA160] =	vst v2;
	v2 =	vmul.f32 v27, v30  }
0x102: {  	v34 =	vld [tilespmem:s16+$0xA1E0];
	[tilespmem:s16+$0xA170] =	vst v3;
	v3 =	vmul.f32 v28, v30  }
0x103: {  	v35 =	vld [tilespmem:s16+$0xA1F0];
	[tilespmem:s16+$0xA180] =	vst v2;
	v2 =	vmul.f32 v29, v30  }
0x104: {  	v36 =	vld [tilespmem:s16+$0xA200];
	[tilespmem:s16+$0xA190] =	vst v3;
	v3 =	vmul.f32 v31, v30  }
0x105: {  	v37 =	vld [tilespmem:s16+$0xA210];
	[tilespmem:s16+$0xA1A0] =	vst v2;
	v2 =	vmul.f32 v32, v30  }
0x106: {  	v38 =	vld [tilespmem:s16+$0xA220];
	[tilespmem:s16+$0xA1B0] =	vst v3;
	v3 =	vmul.f32 v33, v30  }
0x107: {  	v39 =	vbroadcast v1, $0x7;
	v40 =	vld [tilespmem:s16+$0xA230];
	[tilespmem:s16+$0xA1C0] =	vst v2;
	v2 =	vmul.f32 v34, v30  }
0x108: {  	v41 =	vld [tilespmem:s16+$0xA240];
	[tilespmem:s16+$0xA1D0] =	vst v3;
	v3 =	vmul.f32 v35, v30  }
0x109: {  	v42 =	vld [tilespmem:s16+$0xA250];
	[tilespmem:s16+$0xA1E0] =	vst v2;
	v2 =	vmul.f32 v36, v39  }
0x10a: {  	v43 =	vld [tilespmem:s16+$0xA260];
	[tilespmem:s16+$0xA1F0] =	vst v3;
	v3 =	vmul.f32 v37, v39  }
0x10b: {  	v44 =	vld [tilespmem:s16+$0xA270];
	[tilespmem:s16+$0xA200] =	vst v2;
	v2 =	vmul.f32 v38, v39  }
0x10c: {  	v45 =	vld [tilespmem:s16+$0xA280];
	[tilespmem:s16+$0xA210] =	vst v3;
	v3 =	vmul.f32 v40, v39  }
0x10d: {  	v46 =	vld [tilespmem:s16+$0xA290];
	[tilespmem:s16+$0xA220] =	vst v2;
	v2 =	vmul.f32 v41, v39  }
0x10e: {  	v47 =	vld [tilespmem:s16+$0xA2A0];
	[tilespmem:s16+$0xA230] =	vst v3;
	v3 =	vmul.f32 v42, v39  }
0x10f: {  	v48 =	vbroadcast v1, $0x8;
	v49 =	vld [tilespmem:s16+$0xA2B0];
	[tilespmem:s16+$0xA240] =	vst v2;
	v2 =	vmul.f32 v43, v39  }
0x110: {  	v50 =	vld [tilespmem:s16+$0xA2C0];
	[tilespmem:s16+$0xA250] =	vst v3;
	v3 =	vmul.f32 v44, v39  }
0x111: {  	v51 =	vld [tilespmem:s16+$0xA2D0];
	[tilespmem:s16+$0xA260] =	vst v2;
	v2 =	vmul.f32 v45, v48  }
0x112: {  	v52 =	vld [tilespmem:s16+$0xA2E0];
	[tilespmem:s16+$0xA270] =	vst v3;
	v3 =	vmul.f32 v46, v48  }
0x113: {  	v53 =	vld [tilespmem:s16+$0xA2F0];
	[tilespmem:s16+$0xA280] =	vst v2;
	v2 =	vmul.f32 v47, v48  }
0x114: {  	v54 =	vld [tilespmem:s16+$0xA300];
	[tilespmem:s16+$0xA290] =	vst v3;
	v3 =	vmul.f32 v49, v48  }
0x115: {  	v55 =	vld [tilespmem:s16+$0xA310];
	[tilespmem:s16+$0xA2A0] =	vst v2;
	v2 =	vmul.f32 v50, v48  }
0x116: {  	v56 =	vld [tilespmem:s16+$0xA320];
	[tilespmem:s16+$0xA2B0] =	vst v3;
	v3 =	vmul.f32 v51, v48  }
0x117: {  	v57 =	vbroadcast v1, $0x9;
	v58 =	vld [tilespmem:s16+$0xA330];
	[tilespmem:s16+$0xA2C0] =	vst v2;
	v2 =	vmul.f32 v52, v48  }
0x118: {  	v59 =	vld [tilespmem:s16+$0xA340];
	[tilespmem:s16+$0xA2D0] =	vst v3;
	v3 =	vmul.f32 v53, v48  }
0x119: {  	v60 =	vld [tilespmem:s16+$0xA350];
	[tilespmem:s16+$0xA2E0] =	vst v2;
	v2 =	vmul.f32 v54, v57  }
0x11a: {  	v61 =	vld [tilespmem:s16+$0xA360];
	[tilespmem:s16+$0xA2F0] =	vst v3;
	v3 =	vmul.f32 v55, v57  }
0x11b: {  	v62 =	vld [tilespmem:s16+$0xA370];
	[tilespmem:s16+$0xA300] =	vst v2;
	v2 =	vmul.f32 v56, v57  }
0x11c: {  	v63 =	vld [tilespmem:s16+$0xA380];
	[tilespmem:s16+$0xA310] =	vst v3;
	v3 =	vmul.f32 v58, v57  }
0x11d: {  	v12 =	vld [tilespmem:s16+$0xA390];
	[tilespmem:s16+$0xA320] =	vst v2;
	v2 =	vmul.f32 v59, v57  }
0x11e: {  	v13 =	vld [tilespmem:s16+$0xA3A0];
	[tilespmem:s16+$0xA330] =	vst v3;
	v3 =	vmul.f32 v60, v57  }
0x11f: {  	v14 =	vbroadcast v1, $0xA;
	v15 =	vld [tilespmem:s16+$0xA3B0];
	[tilespmem:s16+$0xA340] =	vst v2;
	v2 =	vmul.f32 v61, v57  }
0x120: {  	v16 =	vld [tilespmem:s16+$0xA3C0];
	[tilespmem:s16+$0xA350] =	vst v3;
	v3 =	vmul.f32 v62, v57  }
0x121: {  	v17 =	vld [tilespmem:s16+$0xA3D0];
	[tilespmem:s16+$0xA360] =	vst v2;
	v2 =	vmul.f32 v63, v14  }
0x122: {  	v18 =	vld [tilespmem:s16+$0xA3E0];
	[tilespmem:s16+$0xA370] =	vst v3;
	v3 =	vmul.f32 v12, v14  }
0x123: {  	v19 =	vld [tilespmem:s16+$0xA3F0];
	[tilespmem:s16+$0xA380] =	vst v2;
	v2 =	vmul.f32 v13, v14  }
0x124: {  	v20 =	vld [tilespmem:s16+$0xA400];
	[tilespmem:s16+$0xA390] =	vst v3;
	v3 =	vmul.f32 v15, v14  }
0x125: {  	v21 =	vld [tilespmem:s16+$0xA410];
	[tilespmem:s16+$0xA3A0] =	vst v2;
	v2 =	vmul.f32 v16, v14  }
0x126: {  	v22 =	vld [tilespmem:s16+$0xA420];
	[tilespmem:s16+$0xA3B0] =	vst v3;
	v3 =	vmul.f32 v17, v14  }
0x127: {  	v23 =	vbroadcast v1, $0xB;
	v24 =	vld [tilespmem:s16+$0xA430];
	[tilespmem:s16+$0xA3C0] =	vst v2;
	v2 =	vmul.f32 v18, v14  }
0x128: {  	v25 =	vld [tilespmem:s16+$0xA440];
	[tilespmem:s16+$0xA3D0] =	vst v3;
	v3 =	vmul.f32 v19, v14  }
0x129: {  	v26 =	vld [tilespmem:s16+$0xA450];
	[tilespmem:s16+$0xA3E0] =	vst v2;
	v2 =	vmul.f32 v20, v23  }
0x12a: {  	v27 =	vld [tilespmem:s16+$0xA460];
	[tilespmem:s16+$0xA3F0] =	vst v3;
	v3 =	vmul.f32 v21, v23  }
0x12b: {  	v28 =	vld [tilespmem:s16+$0xA470];
	[tilespmem:s16+$0xA400] =	vst v2;
	v2 =	vmul.f32 v22, v23  }
0x12c: {  	v29 =	vld [tilespmem:s16+$0xA480];
	[tilespmem:s16+$0xA410] =	vst v3;
	v3 =	vmul.f32 v24, v23  }
0x12d: {  	v30 =	vld [tilespmem:s16+$0xA490];
	[tilespmem:s16+$0xA420] =	vst v2;
	v2 =	vmul.f32 v25, v23  }
0x12e: {  	v31 =	vld [tilespmem:s16+$0xA4A0];
	[tilespmem:s16+$0xA430] =	vst v3;
	v3 =	vmul.f32 v26, v23  }
0x12f: {  	v32 =	vbroadcast v1, $0xC;
	v33 =	vld [tilespmem:s16+$0xA4B0];
	[tilespmem:s16+$0xA440] =	vst v2;
	v2 =	vmul.f32 v27, v23  }
0x130: {  	v34 =	vld [tilespmem:s16+$0xA4C0];
	[tilespmem:s16+$0xA450] =	vst v3;
	v3 =	vmul.f32 v28, v23  }
0x131: {  	v35 =	vld [tilespmem:s16+$0xA4D0];
	[tilespmem:s16+$0xA460] =	vst v2;
	v2 =	vmul.f32 v29, v32  }
0x132: {  	v36 =	vld [tilespmem:s16+$0xA4E0];
	[tilespmem:s16+$0xA470] =	vst v3;
	v3 =	vmul.f32 v30, v32  }
0x133: {  	v37 =	vld [tilespmem:s16+$0xA4F0];
	[tilespmem:s16+$0xA480] =	vst v2;
	v2 =	vmul.f32 v31, v32  }
0x134: {  	v38 =	vld [tilespmem:s16+$0xA500];
	[tilespmem:s16+$0xA490] =	vst v3;
	v3 =	vmul.f32 v33, v32  }
0x135: {  	v39 =	vld [tilespmem:s16+$0xA510];
	[tilespmem:s16+$0xA4A0] =	vst v2;
	v2 =	vmul.f32 v34, v32  }
0x136: {  	v40 =	vld [tilespmem:s16+$0xA520];
	[tilespmem:s16+$0xA4B0] =	vst v3;
	v3 =	vmul.f32 v35, v32  }
0x137: {  	v41 =	vbroadcast v1, $0xD;
	v42 =	vld [tilespmem:s16+$0xA530];
	[tilespmem:s16+$0xA4C0] =	vst v2;
	v2 =	vmul.f32 v36, v32  }
0x138: {  	v43 =	vld [tilespmem:s16+$0xA540];
	[tilespmem:s16+$0xA4D0] =	vst v3;
	v3 =	vmul.f32 v37, v32  }
0x139: {  	v44 =	vld [tilespmem:s16+$0xA550];
	[tilespmem:s16+$0xA4E0] =	vst v2;
	v2 =	vmul.f32 v38, v41  }
0x13a: {  	v45 =	vld [tilespmem:s16+$0xA560];
	[tilespmem:s16+$0xA4F0] =	vst v3;
	v3 =	vmul.f32 v39, v41  }
0x13b: {  	v46 =	vld [tilespmem:s16+$0xA570];
	[tilespmem:s16+$0xA500] =	vst v2;
	v2 =	vmul.f32 v40, v41  }
0x13c: {  	v47 =	vld [tilespmem:s16+$0xA580];
	[tilespmem:s16+$0xA510] =	vst v3;
	v3 =	vmul.f32 v42, v41  }
0x13d: {  	v48 =	vld [tilespmem:s16+$0xA590];
	[tilespmem:s16+$0xA520] =	vst v2;
	v2 =	vmul.f32 v43, v41  }
0x13e: {  	v49 =	vld [tilespmem:s16+$0xA5A0];
	[tilespmem:s16+$0xA530] =	vst v3;
	v3 =	vmul.f32 v44, v41  }
0x13f: {  	v50 =	vbroadcast v1, $0xE;
	v51 =	vld [tilespmem:s16+$0xA5B0];
	[tilespmem:s16+$0xA540] =	vst v2;
	v2 =	vmul.f32 v45, v41  }
0x140: {  	v52 =	vld [tilespmem:s16+$0xA5C0];
	[tilespmem:s16+$0xA550] =	vst v3;
	v3 =	vmul.f32 v46, v41  }
0x141: {  	v53 =	vld [tilespmem:s16+$0xA5D0];
	[tilespmem:s16+$0xA560] =	vst v2;
	v2 =	vmul.f32 v47, v50  }
0x142: {  	v54 =	vld [tilespmem:s16+$0xA5E0];
	[tilespmem:s16+$0xA570] =	vst v3;
	v3 =	vmul.f32 v48, v50  }
0x143: {  	v55 =	vld [tilespmem:s16+$0xA5F0];
	[tilespmem:s16+$0xA580] =	vst v2;
	v2 =	vmul.f32 v49, v50  }
0x144: {  	v56 =	vld [tilespmem:s16+$0xA600];
	[tilespmem:s16+$0xA590] =	vst v3;
	v3 =	vmul.f32 v51, v50  }
0x145: {  	v57 =	vld [tilespmem:s16+$0xA610];
	[tilespmem:s16+$0xA5A0] =	vst v2;
	v2 =	vmul.f32 v52, v50  }
0x146: {  	v58 =	vld [tilespmem:s16+$0xA620];
	[tilespmem:s16+$0xA5B0] =	vst v3;
	v3 =	vmul.f32 v53, v50  }
0x147: {  	v1 =	vbroadcast v1, $0xF;
	v59 =	vld [tilespmem:s16+$0xA630];
	[tilespmem:s16+$0xA5C0] =	vst v2;
	v2 =	vmul.f32 v54, v50  }
0x148: {  	v60 =	vld [tilespmem:s16+$0xA640];
	[tilespmem:s16+$0xA5D0] =	vst v3;
	v3 =	vmul.f32 v55, v50  }
0x149: {  	v61 =	vld [tilespmem:s16+$0xA650];
	[tilespmem:s16+$0xA5E0] =	vst v2;
	v2 =	vmul.f32 v56, v1  }
0x14a: {  	v62 =	vld [tilespmem:s16+$0xA660];
	[tilespmem:s16+$0xA5F0] =	vst v3;
	v3 =	vmul.f32 v57, v1  }
0x14b: {  	v63 =	vld [tilespmem:s16+$0xA670];
	[tilespmem:s16+$0xA600] =	vst v2;
	v2 =	vmul.f32 v58, v1  }
0x14c: {  	[tilespmem:s16+$0xA610] =	vst v3;
	v3 =	vmul.f32 v59, v1  }
0x14d: {  	p1 =	sne.s32 s0, $0x4;
	[tilespmem:s16+$0xA620] =	vst v2;
	v2 =	vmul.f32 v60, v1  }
.Ltmp1:
0x14e: {  	[tilespmem:s16+$0xA630] =	vst v3;
	v3 =	vmul.f32 v61, v1;
	(pc) =	sbr.rel @p1 .LBB2_5-.Ltmp1, $4  }
0x14f: {  	[tilespmem:s16+$0xA640] =	vst v2;
	v2 =	vmul.f32 v62, v1  }
0x150: {  	[tilespmem:s16+$0xA650] =	vst v3;
	v1 =	vmul.f32 v63, v1  }
0x151: {  	[tilespmem:s16+$0xA660] =	vst v2  }
0x152: {  	s0 =	sadd.s32 $0x1, s0;
	[tilespmem:s16+$0xA670] =	vst v1  }
0x153: {  	s31 =	sadd.s32 $0x1, s31  }
0x154: {  	p1 =	sne.s32 s31, $0x3E  }
.Ltmp2:
0x155: {  	_ = 	snop;
	(pc) =	sbr.rel @p1 .LBB2_2-.Ltmp2, $3  }
0x156: {  	_ =	sdelay $0x1  }
0x157: {  	s0 =	sadd.s32 $0x2780, s2  }
0x158: {  	[spmem:s3] =	stream.indirect.scatter.add.f32 [tilespmem:s24], [sflag:$0x4], $0x80, s0, s21, $0xb8;
	[tilespmem:$0x1FF00] =	vst v63  }
0x159: {  	_ =	swait.ge [sflag:s23], $0x2800  }
0x15a: {  	[sflag:s23] =	ssyncset.done $0x0  }
0x15b: {  	[sflag:s23] =	ssyncadd.s32 $0xFFFFD800  }
0x15c: {  	_ =	swait.ge [sflag:s28], $0x2800  }
0x15d: {  	[sflag:s28] =	ssyncset.done $0x0  }
0x15e: {  	s0 =	simm.s32 $0x0;
	[sflag:s28] =	ssyncadd.s32 $0xFFFFD800  }
.LBB2_8:
0x15f: {  	s2 =	sshll.u32 s0, $0x4  }
0x160: {  	s2 =	sand.u32 $0x3FFFFFF0, s2  }
0x161: {  	s31 =	sshll.u32 s0, $0xB;
	v0 =	vld [tilespmem:s2+$0x75C0]  }
0x162: {  	s2 =	sand.u32 $0x3FFFF800, s31  }
0x163: {  	v1 =	vld [tilespmem:s2+$0x7680]  }
0x164: {  	v2 =	vld [tilespmem:s2+$0x7690]  }
0x165: {  	v3 =	vld [tilespmem:s2+$0x76A0]  }
0x166: {  	v5 =	vld [tilespmem:s2+$0x76B0];
	v4 =	vbroadcast v0, $0x0  }
0x167: {  	v6 =	vld [tilespmem:s2+$0x76C0]  }
0x168: {  	v7 =	vld [tilespmem:s2+$0x76D0];
	v1 =	vmul.f32 v4, v1  }
0x169: {  	v8 =	vld [tilespmem:s2+$0x76E0];
	v2 =	vmul.f32 v2, v4  }
0x16a: {  	v14 =	vld [tilespmem:s2+$0x76F0];
	v13 =	vmul.f32 v3, v4;
	[tilespmem:s2+$0x7680] =	vst v1  }
0x16b: {  	v16 =	vld [tilespmem:s2+$0x7700];
	v15 =	vmul.f32 v5, v4;
	[tilespmem:s2+$0x7690] =	vst v2  }
0x16c: {  	v18 =	vld [tilespmem:s2+$0x7710];
	v17 =	vmul.f32 v6, v4;
	[tilespmem:s2+$0x76A0] =	vst v13  }
0x16d: {  	v20 =	vld [tilespmem:s2+$0x7720];
	v19 =	vmul.f32 v7, v4;
	[tilespmem:s2+$0x76B0] =	vst v15  }
0x16e: {  	v9 =	vld [tilespmem:s2+$0x7730];
	v22 =	vbroadcast v0, $0x1;
	v21 =	vmul.f32 v8, v4;
	[tilespmem:s2+$0x76C0] =	vst v17  }
0x16f: {  	v24 =	vld [tilespmem:s2+$0x7740];
	v23 =	vmul.f32 v14, v4;
	[tilespmem:s2+$0x76D0] =	vst v19  }
0x170: {  	v26 =	vld [tilespmem:s2+$0x7750];
	v25 =	vmul.f32 v16, v22;
	[tilespmem:s2+$0x76E0] =	vst v21  }
0x171: {  	v28 =	vld [tilespmem:s2+$0x7760];
	v27 =	vmul.f32 v18, v22;
	[tilespmem:s2+$0x76F0] =	vst v23  }
0x172: {  	v30 =	vld [tilespmem:s2+$0x7770];
	v29 =	vmul.f32 v20, v22;
	[tilespmem:s2+$0x7700] =	vst v25  }
0x173: {  	v32 =	vld [tilespmem:s2+$0x7780];
	v31 =	vmul.f32 v9, v22;
	[tilespmem:s2+$0x7710] =	vst v27  }
0x174: {  	v34 =	vld [tilespmem:s2+$0x7790];
	v33 =	vmul.f32 v24, v22;
	[tilespmem:s2+$0x7720] =	vst v29  }
0x175: {  	v36 =	vld [tilespmem:s2+$0x77A0];
	v35 =	vmul.f32 v26, v22;
	[tilespmem:s2+$0x7730] =	vst v31  }
0x176: {  	v39 =	vld [tilespmem:s2+$0x77B0];
	v38 =	vbroadcast v0, $0x2;
	v37 =	vmul.f32 v28, v22;
	[tilespmem:s2+$0x7740] =	vst v33  }
0x177: {  	v41 =	vld [tilespmem:s2+$0x77C0];
	v40 =	vmul.f32 v30, v22;
	[tilespmem:s2+$0x7750] =	vst v35  }
0x178: {  	v43 =	vld [tilespmem:s2+$0x77D0];
	v42 =	vmul.f32 v32, v38;
	[tilespmem:s2+$0x7760] =	vst v37  }
0x179: {  	v45 =	vld [tilespmem:s2+$0x77E0];
	v44 =	vmul.f32 v34, v38;
	[tilespmem:s2+$0x7770] =	vst v40  }
0x17a: {  	v47 =	vld [tilespmem:s2+$0x77F0];
	v46 =	vmul.f32 v36, v38;
	[tilespmem:s2+$0x7780] =	vst v42  }
0x17b: {  	v49 =	vld [tilespmem:s2+$0x7800];
	v48 =	vmul.f32 v39, v38;
	[tilespmem:s2+$0x7790] =	vst v44  }
0x17c: {  	v51 =	vld [tilespmem:s2+$0x7810];
	v50 =	vmul.f32 v41, v38;
	[tilespmem:s2+$0x77A0] =	vst v46  }
0x17d: {  	v53 =	vld [tilespmem:s2+$0x7820];
	v52 =	vmul.f32 v43, v38;
	[tilespmem:s2+$0x77B0] =	vst v48  }
0x17e: {  	v12 =	vld [tilespmem:s2+$0x7870];
	v55 =	vbroadcast v0, $0x3;
	v54 =	vmul.f32 v45, v38;
	[tilespmem:s2+$0x77C0] =	vst v50  }
0x17f: {  	v56 =	vld [tilespmem:s2+$0x7830];
	v57 =	vmul.f32 v47, v38;
	[tilespmem:s2+$0x77D0] =	vst v52  }
0x180: {  	v58 =	vld [tilespmem:s2+$0x7840];
	v59 =	vmul.f32 v49, v55;
	[tilespmem:s2+$0x77E0] =	vst v54  }
0x181: {  	v60 =	vld [tilespmem:s2+$0x7850];
	v61 =	vmul.f32 v51, v55;
	[tilespmem:s2+$0x77F0] =	vst v57  }
0x182: {  	v62 =	vld [tilespmem:s2+$0x7860];
	v63 =	vmul.f32 v53, v55;
	[tilespmem:s2+$0x7800] =	vst v59  }
0x183: {  	v14 =	vld [tilespmem:s2+$0x7880];
	v22 =	vmul.f32 v12, v55;
	[tilespmem:s2+$0x7810] =	vst v61  }
0x184: {  	v16 =	vld [tilespmem:s2+$0x7890];
	v13 =	vmul.f32 v56, v55;
	[tilespmem:s2+$0x7820] =	vst v63  }
0x185: {  	v18 =	vld [tilespmem:s2+$0x78A0];
	v15 =	vmul.f32 v58, v55;
	[tilespmem:s2+$0x7870] =	vst v22  }
0x186: {  	v20 =	vbroadcast v0, $0x4;
	v38 =	vld [tilespmem:s2+$0x7930];
	v17 =	vmul.f32 v60, v55;
	[tilespmem:s2+$0x7830] =	vst v13  }
0x187: {  	v19 =	vmul.f32 v62, v55;
	v21 =	vld [tilespmem:s2+$0x78B0];
	[tilespmem:s2+$0x7840] =	vst v15  }
0x188: {  	v23 =	vld [tilespmem:s2+$0x78C0];
	[tilespmem:s2+$0x7850] =	vst v17;
	v24 =	vmul.f32 v14, v20  }
0x189: {  	v25 =	vld [tilespmem:s2+$0x78D0];
	v37 =	vbroadcast v0, $0x5;
	[tilespmem:s2+$0x7860] =	vst v19;
	v26 =	vmul.f32 v16, v20  }
0x18a: {  	v27 =	vld [tilespmem:s2+$0x78E0];
	v28 =	vmul.f32 v18, v20;
	[tilespmem:s2+$0x7880] =	vst v24  }
0x18b: {  	v29 =	vld [tilespmem:s2+$0x78F0];
	v47 =	vmul.f32 v38, v37;
	[tilespmem:s2+$0x7890] =	vst v26  }
0x18c: {  	v31 =	vld [tilespmem:s2+$0x7900];
	v30 =	vmul.f32 v21, v20;
	[tilespmem:s2+$0x78A0] =	vst v28  }
0x18d: {  	v33 =	vld [tilespmem:s2+$0x7910];
	v32 =	vmul.f32 v23, v20;
	[tilespmem:s2+$0x7930] =	vst v47  }
0x18e: {  	v35 =	vld [tilespmem:s2+$0x7920];
	v34 =	vmul.f32 v25, v20;
	[tilespmem:s2+$0x78B0] =	vst v30  }
0x18f: {  	v40 =	vld [tilespmem:s2+$0x7940];
	v36 =	vmul.f32 v27, v20;
	[tilespmem:s2+$0x78C0] =	vst v32  }
0x190: {  	v42 =	vld [tilespmem:s2+$0x7950];
	v39 =	vmul.f32 v29, v20;
	[tilespmem:s2+$0x78D0] =	vst v34  }
0x191: {  	v44 =	vld [tilespmem:s2+$0x7960];
	v41 =	vmul.f32 v31, v37;
	[tilespmem:s2+$0x78E0] =	vst v36  }
0x192: {  	v46 =	vld [tilespmem:s2+$0x7970];
	v43 =	vmul.f32 v33, v37;
	[tilespmem:s2+$0x78F0] =	vst v39  }
0x193: {  	v48 =	vld [tilespmem:s2+$0x7980];
	v45 =	vmul.f32 v35, v37;
	[tilespmem:s2+$0x7900] =	vst v41  }
0x194: {  	v50 =	vld [tilespmem:s2+$0x7990];
	v49 =	vmul.f32 v40, v37;
	[tilespmem:s2+$0x7910] =	vst v43  }
0x195: {  	v52 =	vld [tilespmem:s2+$0x79A0];
	v51 =	vmul.f32 v42, v37;
	[tilespmem:s2+$0x7920] =	vst v45  }
0x196: {  	v54 =	vbroadcast v0, $0x6;
	v55 =	vld [tilespmem:s2+$0x79B0];
	v53 =	vmul.f32 v44, v37;
	[tilespmem:s2+$0x7940] =	vst v49  }
0x197: {  	v57 =	vld [tilespmem:s2+$0x79C0];
	v56 =	vmul.f32 v46, v37;
	[tilespmem:s2+$0x7950] =	vst v51  }
0x198: {  	v59 =	vld [tilespmem:s2+$0x79D0];
	v58 =	vmul.f32 v48, v54;
	[tilespmem:s2+$0x7960] =	vst v53  }
0x199: {  	v61 =	vld [tilespmem:s2+$0x79E0];
	v60 =	vmul.f32 v50, v54;
	[tilespmem:s2+$0x7970] =	vst v56  }
0x19a: {  	v63 =	vld [tilespmem:s2+$0x79F0];
	v62 =	vmul.f32 v52, v54;
	[tilespmem:s2+$0x7980] =	vst v58  }
0x19b: {  	v22 =	vld [tilespmem:s2+$0x7A40];
	v12 =	vmul.f32 v55, v54;
	[tilespmem:s2+$0x7990] =	vst v60  }
0x19c: {  	v13 =	vld [tilespmem:s2+$0x7A00];
	v14 =	vmul.f32 v57, v54;
	[tilespmem:s2+$0x79A0] =	vst v62  }
0x19d: {  	v15 =	vld [tilespmem:s2+$0x7A10];
	v16 =	vmul.f32 v59, v54;
	[tilespmem:s2+$0x79B0] =	vst v12  }
0x19e: {  	v17 =	vld [tilespmem:s2+$0x7A20];
	v19 =	vbroadcast v0, $0x7;
	v18 =	vmul.f32 v61, v54;
	[tilespmem:s2+$0x79C0] =	vst v14  }
0x19f: {  	v20 =	vld [tilespmem:s2+$0x7A30];
	v21 =	vmul.f32 v63, v54;
	[tilespmem:s2+$0x79D0] =	vst v16  }
0x1a0: {  	v24 =	vld [tilespmem:s2+$0x7A50];
	v31 =	vmul.f32 v22, v19;
	[tilespmem:s2+$0x79E0] =	vst v18  }
0x1a1: {  	v26 =	vld [tilespmem:s2+$0x7A60];
	v23 =	vmul.f32 v13, v19;
	[tilespmem:s2+$0x79F0] =	vst v21  }
0x1a2: {  	v28 =	vld [tilespmem:s2+$0x7A70];
	v25 =	vmul.f32 v15, v19;
	[tilespmem:s2+$0x7A40] =	vst v31  }
0x1a3: {  	v37 =	vld [tilespmem:s2+$0x7AB0];
	v27 =	vmul.f32 v17, v19;
	[tilespmem:s2+$0x7A00] =	vst v23  }
0x1a4: {  	v47 =	vld [tilespmem:s2+$0x7B00];
	[tilespmem:s2+$0x7A10] =	vst v25;
	v29 =	vmul.f32 v20, v19  }
0x1a5: {  	v54 =	vld [tilespmem:s2+$0x7B30];
	[tilespmem:s2+$0x7A20] =	vst v27;
	v33 =	vmul.f32 v24, v19  }
0x1a6: {  	v30 =	vld [tilespmem:s2+$0x7A80];
	v36 =	vbroadcast v0, $0x8;
	v35 =	vmul.f32 v26, v19;
	[tilespmem:s2+$0x7A30] =	vst v29  }
0x1a7: {  	v32 =	vld [tilespmem:s2+$0x7A90];
	v53 =	vbroadcast v0, $0x9;
	v38 =	vmul.f32 v28, v19;
	[tilespmem:s2+$0x7A50] =	vst v33  }
0x1a8: {  	v34 =	vld [tilespmem:s2+$0x7AA0];
	v46 =	vmul.f32 v37, v36;
	[tilespmem:s2+$0x7A60] =	vst v35  }
0x1a9: {  	v39 =	vld [tilespmem:s2+$0x7AC0];
	v57 =	vmul.f32 v47, v53;
	[tilespmem:s2+$0x7A70] =	vst v38  }
0x1aa: {  	v41 =	vld [tilespmem:s2+$0x7AD0];
	v63 =	vmul.f32 v54, v53;
	[tilespmem:s2+$0x7AB0] =	vst v46  }
0x1ab: {  	v43 =	vld [tilespmem:s2+$0x7AE0];
	v40 =	vmul.f32 v30, v36;
	[tilespmem:s2+$0x7B00] =	vst v57  }
0x1ac: {  	v45 =	vld [tilespmem:s2+$0x7AF0];
	v42 =	vmul.f32 v32, v36;
	[tilespmem:s2+$0x7B30] =	vst v63  }
0x1ad: {  	v49 =	vld [tilespmem:s2+$0x7B10];
	v44 =	vmul.f32 v34, v36;
	[tilespmem:s2+$0x7A80] =	vst v40  }
0x1ae: {  	v51 =	vld [tilespmem:s2+$0x7B20];
	v48 =	vmul.f32 v39, v36;
	[tilespmem:s2+$0x7A90] =	vst v42  }
0x1af: {  	v56 =	vld [tilespmem:s2+$0x7B40];
	v50 =	vmul.f32 v41, v36;
	[tilespmem:s2+$0x7AA0] =	vst v44  }
0x1b0: {  	v58 =	vld [tilespmem:s2+$0x7B50];
	v52 =	vmul.f32 v43, v36;
	[tilespmem:s2+$0x7AC0] =	vst v48  }
0x1b1: {  	v60 =	vld [tilespmem:s2+$0x7B60];
	v55 =	vmul.f32 v45, v36;
	[tilespmem:s2+$0x7AD0] =	vst v50  }
0x1b2: {  	v62 =	vld [tilespmem:s2+$0x7B70];
	v59 =	vmul.f32 v49, v53;
	[tilespmem:s2+$0x7AE0] =	vst v52  }
0x1b3: {  	v12 =	vld [tilespmem:s2+$0x7B80];
	v61 =	vmul.f32 v51, v53;
	[tilespmem:s2+$0x7AF0] =	vst v55  }
0x1b4: {  	v14 =	vld [tilespmem:s2+$0x7B90];
	v13 =	vmul.f32 v56, v53;
	[tilespmem:s2+$0x7B10] =	vst v59  }
0x1b5: {  	v16 =	vld [tilespmem:s2+$0x7BA0];
	v15 =	vmul.f32 v58, v53;
	[tilespmem:s2+$0x7B20] =	vst v61  }
0x1b6: {  	v18 =	vbroadcast v0, $0xA;
	v21 =	vld [tilespmem:s2+$0x7BC0];
	v17 =	vmul.f32 v60, v53;
	[tilespmem:s2+$0x7B40] =	vst v13  }
0x1b7: {  	v23 =	vld [tilespmem:s2+$0x7BD0];
	v20 =	vmul.f32 v62, v53;
	[tilespmem:s2+$0x7B50] =	vst v15  }
0x1b8: {  	v25 =	vld [tilespmem:s2+$0x7BE0];
	v22 =	vmul.f32 v12, v18;
	[tilespmem:s2+$0x7B60] =	vst v17  }
0x1b9: {  	v27 =	vld [tilespmem:s2+$0x7BF0];
	v24 =	vmul.f32 v14, v18;
	[tilespmem:s2+$0x7B70] =	vst v20  }
0x1ba: {  	v31 =	vld [tilespmem:s2+$0x7C10];
	v26 =	vmul.f32 v16, v18;
	[tilespmem:s2+$0x7B80] =	vst v22  }
0x1bb: {  	v19 =	vld [tilespmem:s2+$0x7BB0];
	v30 =	vmul.f32 v21, v18;
	[tilespmem:s2+$0x7B90] =	vst v24  }
0x1bc: {  	v29 =	vld [tilespmem:s2+$0x7C00];
	[tilespmem:s2+$0x7BA0] =	vst v26;
	v32 =	vmul.f32 v23, v18  }
0x1bd: {  	v33 =	vld [tilespmem:s2+$0x7C20];
	v35 =	vbroadcast v0, $0xB;
	[tilespmem:s2+$0x7BC0] =	vst v30;
	v34 =	vmul.f32 v25, v18  }
0x1be: {  	v36 =	vld [tilespmem:s2+$0x7C30];
	v37 =	vmul.f32 v27, v18;
	[tilespmem:s2+$0x7BD0] =	vst v32  }
0x1bf: {  	v38 =	vld [tilespmem:s2+$0x7C40];
	v41 =	vmul.f32 v31, v35;
	[tilespmem:s2+$0x7BE0] =	vst v34  }
0x1c0: {  	v46 =	vld [tilespmem:s2+$0x7C80];
	v28 =	vmul.f32 v19, v18;
	[tilespmem:s2+$0x7BF0] =	vst v37  }
0x1c1: {  	v53 =	vld [tilespmem:s2+$0x7CB0];
	[tilespmem:s2+$0x7C10] =	vst v41;
	v39 =	vmul.f32 v29, v35  }
0x1c2: {  	v57 =	vld [tilespmem:s2+$0x7CD0];
	[tilespmem:s2+$0x7BB0] =	vst v28;
	v43 =	vmul.f32 v33, v35  }
0x1c3: {  	v63 =	vld [tilespmem:s2+$0x7D00];
	v52 =	vbroadcast v0, $0xC;
	v45 =	vmul.f32 v36, v35;
	[tilespmem:s2+$0x7C00] =	vst v39  }
0x1c4: {  	v40 =	vld [tilespmem:s2+$0x7C50];
	v47 =	vmul.f32 v38, v35;
	[tilespmem:s2+$0x7C20] =	vst v43  }
0x1c5: {  	v42 =	vld [tilespmem:s2+$0x7C60];
	v56 =	vmul.f32 v46, v52;
	[tilespmem:s2+$0x7C30] =	vst v45  }
0x1c6: {  	v44 =	vld [tilespmem:s2+$0x7C70];
	v17 =	vbroadcast v0, $0xD;
	v62 =	vmul.f32 v53, v52;
	[tilespmem:s2+$0x7C40] =	vst v47  }
0x1c7: {  	v48 =	vld [tilespmem:s2+$0x7C90];
	v14 =	vmul.f32 v57, v52;
	[tilespmem:s2+$0x7C80] =	vst v56  }
0x1c8: {  	v50 =	vld [tilespmem:s2+$0x7CA0];
	v21 =	vmul.f32 v63, v17;
	[tilespmem:s2+$0x7CB0] =	vst v62  }
0x1c9: {  	v55 =	vld [tilespmem:s2+$0x7CC0];
	v49 =	vmul.f32 v40, v35;
	[tilespmem:s2+$0x7CD0] =	vst v14  }
0x1ca: {  	v59 =	vld [tilespmem:s2+$0x7CE0];
	v51 =	vmul.f32 v42, v35;
	[tilespmem:s2+$0x7D00] =	vst v21  }
0x1cb: {  	v61 =	vld [tilespmem:s2+$0x7CF0];
	v54 =	vmul.f32 v44, v35;
	[tilespmem:s2+$0x7C50] =	vst v49  }
0x1cc: {  	v13 =	vld [tilespmem:s2+$0x7D10];
	v58 =	vmul.f32 v48, v52;
	[tilespmem:s2+$0x7C60] =	vst v51  }
0x1cd: {  	v15 =	vld [tilespmem:s2+$0x7D20];
	v60 =	vmul.f32 v50, v52;
	[tilespmem:s2+$0x7C70] =	vst v54  }
0x1ce: {  	v20 =	vld [tilespmem:s2+$0x7D40];
	v12 =	vmul.f32 v55, v52;
	[tilespmem:s2+$0x7C90] =	vst v58  }
0x1cf: {  	v22 =	vld [tilespmem:s2+$0x7D50];
	v16 =	vmul.f32 v59, v52;
	[tilespmem:s2+$0x7CA0] =	vst v60  }
0x1d0: {  	v24 =	vld [tilespmem:s2+$0x7D60];
	v19 =	vmul.f32 v61, v52;
	[tilespmem:s2+$0x7CC0] =	vst v12  }
0x1d1: {  	v26 =	vld [tilespmem:s2+$0x7D70];
	v23 =	vmul.f32 v13, v17;
	[tilespmem:s2+$0x7CE0] =	vst v16  }
0x1d2: {  	v30 =	vld [tilespmem:s2+$0x7D90];
	v25 =	vmul.f32 v15, v17;
	[tilespmem:s2+$0x7CF0] =	vst v19  }
0x1d3: {  	v18 =	vld [tilespmem:s2+$0x7D30];
	v29 =	vmul.f32 v20, v17;
	[tilespmem:s2+$0x7D10] =	vst v23  }
0x1d4: {  	v32 =	vld [tilespmem:s2+$0x7DA0];
	v31 =	vmul.f32 v22, v17;
	[tilespmem:s2+$0x7D20] =	vst v25  }
0x1d5: {  	v34 =	vbroadcast v0, $0xE;
	v37 =	vld [tilespmem:s2+$0x7DC0];
	v33 =	vmul.f32 v24, v17;
	[tilespmem:s2+$0x7D40] =	vst v29  }
0x1d6: {  	v41 =	vld [tilespmem:s2+$0x7DE0];
	v36 =	vmul.f32 v26, v17;
	[tilespmem:s2+$0x7D50] =	vst v31  }
0x1d7: {  	v28 =	vld [tilespmem:s2+$0x7D80];
	v40 =	vmul.f32 v30, v34;
	[tilespmem:s2+$0x7D60] =	vst v33  }
0x1d8: {  	v53 =	vld [tilespmem:s2+$0x7E40];
	v27 =	vmul.f32 v18, v17;
	[tilespmem:s2+$0x7D70] =	vst v36  }
0x1d9: {  	v57 =	vld [tilespmem:s2+$0x7E60];
	v42 =	vmul.f32 v32, v34;
	[tilespmem:s2+$0x7D90] =	vst v40  }
0x1da: {  	v35 =	vld [tilespmem:s2+$0x7DB0];
	v46 =	vmul.f32 v37, v34;
	[tilespmem:s2+$0x7D30] =	vst v27  }
0x1db: {  	v0 =	vbroadcast v0, $0xF;
	v39 =	vld [tilespmem:s2+$0x7DD0];
	v50 =	vmul.f32 v41, v34;
	[tilespmem:s2+$0x7DA0] =	vst v42  }
0x1dc: {  	v43 =	vld [tilespmem:s2+$0x7DF0];
	v38 =	vmul.f32 v28, v34;
	[tilespmem:s2+$0x7DC0] =	vst v46  }
0x1dd: {  	v45 =	vld [tilespmem:s2+$0x7E00];
	v61 =	vmul.f32 v53, v0;
	[tilespmem:s2+$0x7DE0] =	vst v50  }
0x1de: {  	v47 =	vld [tilespmem:s2+$0x7E10];
	v63 =	vmul.f32 v57, v0;
	[tilespmem:s2+$0x7D80] =	vst v38  }
0x1df: {  	v55 =	vld [tilespmem:s2+$0x7E50];
	v44 =	vmul.f32 v35, v34;
	[tilespmem:s2+$0x7E40] =	vst v61  }
0x1e0: {  	v49 =	vld [tilespmem:s2+$0x7E20];
	v48 =	vmul.f32 v39, v34;
	[tilespmem:s2+$0x7E60] =	vst v63  }
0x1e1: {  	v51 =	vld [tilespmem:s2+$0x7E30];
	v52 =	vmul.f32 v43, v34;
	[tilespmem:s2+$0x7DB0] =	vst v44  }
0x1e2: {  	v59 =	vld [tilespmem:s2+$0x7E70];
	v54 =	vmul.f32 v45, v0;
	[tilespmem:s2+$0x7DD0] =	vst v48  }
0x1e3: {  	v56 =	vmul.f32 v47, v0;
	[tilespmem:s2+$0x7DF0] =	vst v52  }
0x1e4: {  	p1 =	sne.s32 s0, $0x4;
	v62 =	vmul.f32 v55, v0;
	[tilespmem:s2+$0x7E00] =	vst v54  }
.Ltmp3:
0x1e5: {  	v58 =	vmul.f32 v49, v0;
	[tilespmem:s2+$0x7E10] =	vst v56;
	(pc) =	sbr.rel @p1 .LBB2_8-.Ltmp3, $4  }
0x1e6: {  	v60 =	vmul.f32 v51, v0;
	[tilespmem:s2+$0x7E50] =	vst v62  }
0x1e7: {  	v0 =	vmul.f32 v59, v0;
	[tilespmem:s2+$0x7E20] =	vst v58  }
0x1e8: {  	[tilespmem:s2+$0x7E30] =	vst v60  }
0x1e9: {  	s0 =	sadd.s32 $0x1, s0;
	[tilespmem:s2+$0x7E70] =	vst v0  }
0x1ea: {  	[spmem:s3] =	stream.indirect.scatter.add.f32 [tilespmem:s22], [sflag:$0x3], $0x80, s29, s21, $0xb8;
	[tilespmem:$0x1FF00] =	vst v63  }
0x1eb: {  	_ =	swait.ge [sflag:s26], $0x2800  }
0x1ec: {  	[sflag:s26] =	ssyncset.done $0x0  }
0x1ed: {  	[sflag:s26] =	ssyncadd.s32 $0xFFFFD800  }
0x1ee: {  	[bflag:$0x0] =	sbarrier.arrive $0xFFFF  }
0x1ef: {  	[hbm:s10], [sflag:s18] =	dma.local [spmem:s19], $0x2700  }
0x1f0: {  	s30 =	sadd.s32 $0x1, s30;
	_ =	swait.ge [sflag:s15], $0x2700  }
0x1f1: {  	p1 =	sne.s32 s30, s12;
	[sflag:s15] =	ssyncset.done $0x0  }
.Ltmp4:
0x1f2: {  	s0 =	simm.s32 @!p0 $0x5;
	[sflag:s15] =	ssyncadd.s32 $0xFFFFD900;
	(pc) =	sbr.rel @p1 .LBB2_1-.Ltmp4, $4  }
0x1f3: {  	[hbm:s11], [sflag:s18] =	dma.local @!p0 [spmem:s20], $0x100  }
0x1f4: {  	_ =	swait.ge @!p0 [sflag:s0], $0x100  }
0x1f5: {  	[sflag:s0] =	ssyncset.done @!p0 $0x0  }
0x1f6: {  	[sflag:s0] =	ssyncadd.s32 @!p0 $0xFFFFFF00  }
0x1f7: {  	_ =	sfence.sel $0x180000  }
0x1f8: {  	[bflag:$0x0] =	sbarrier.arrive $0xFFFF  }
0x1f9: {  	_ =	strace $0x90000047  }
0x1fa: {  	s0 =	stileid.u32;
	[bflag:$0x2] =	sbarrier.arrive $0xFFFF  }
0x1fb: {  	p0 =	sne.s32 s0, $0x0;
	s0 =	rddreg [dreg:$0x4]  }
0x1fc: {  	s0 =	sadd.s32 @!p0 $0x100000, s0  }
0x1fd: {  	[sflag:s0] =	ssyncadd.tile.s32 @!p0 $0x1;
	_ =	shalt  }
.Lfunc_end2:
_tile_overlayer_lowered:
.L_overlay_start_2:
0x1fe: {  	(tag) =	ssettag $0x2  }
0x1ff: {  	s0 =	rddreg [dreg:$0x0];
	s2 =	stileid.u32  }
0x200: {  	s1 =	rddreg [dreg:$0x1];
	p0 =	sne.s32 s2, $0x0  }
0x201: {  	s3 =	rddreg [dreg:$0x2];
	[bflag:$0x3] =	sbarrier.arrive $0xFFFF;
	s2 =	simm.s32 @!p0 $0x1C05  }
0x202: {  	[timem:s3], [sflag:s2] =	dma.local @!p0 [hbm:s0], s1  }
0x203: {  	s0 =	simm.s32 @!p0 $0x5  }
0x204: {  	_ =	swait.ge @!p0 [sflag:s0], s1  }
0x205: {  	s1 =	ssub.s32 @!p0 $0x0, s1;
	[sflag:s0] =	ssyncset.done @!p0 $0x0  }
0x206: {  	[sflag:s0] =	ssyncadd.s32 @!p0 s1  }
0x207: {  	[bflag:$0x3] =	sbarrier.arrive $0xFFFF  }
0x208: {  	_ =	shalt  }

</sc_bundles>
